<compile_context>
chip_gen: v7x
topology: tpu7x:2x2x1
jax: 0.10.2.dev20260603
libtpu: 0.0.44.dev20260713+nightly
codegen_flags: <defaults>
</compile_context>

<pallas_src>
import functools

import jax
import jax.numpy as jnp
from jax import lax
from jax.experimental import pallas as pl
from jax.experimental.pallas import tpu as pltpu
from jax.experimental.pallas import tpu_sc as plsc

ROWS, COLS = 128, 32768
L = 16
NUM_CORES = 2
NUM_WORKERS = 32
RPW = ROWS // NUM_WORKERS
CHUNK = 16384
CPR = COLS // CHUNK
SEGC = CHUNK // L
MAIN = SEGC - 16
SEGMAX = SEGC + 1
NT = RPW * CPR
NBUF = 2

_mesh = plsc.VectorSubcoreMesh(core_axis_name="c", subcore_axis_name="s")


@functools.partial(
    pl.kernel,
    out_type=jax.ShapeDtypeStruct((ROWS, COLS), jnp.float32),
    mesh=_mesh,
    scratch_types=[
        [pltpu.VMEM((CHUNK,), jnp.float32)] * NBUF,
        [pltpu.VMEM((CHUNK,), jnp.float32)] * NBUF,
        [pltpu.SemaphoreType.DMA] * NBUF,
        [pltpu.SemaphoreType.DMA] * NBUF,
    ],
    compiler_params=pltpu.CompilerParams(needs_layout_passes=False),
)
def _scan_rows(x_hbm, out_hbm, inb, outb, sin, sout):
    wid = lax.axis_index("s") * NUM_CORES + lax.axis_index("c")
    iota = lax.iota(jnp.int32, L)
    startv = iota * SEGC + iota
    lenv = jnp.where(iota < L - 1, SEGC + 1, SEGC - (L - 1))

    def hbm_slice(ref, t):
        row = wid * RPW + t // CPR
        return ref.at[row, pl.ds((t % CPR) * CHUNK, CHUNK)]

    loads = [None] * NT
    stores = [None] * NT
    for t0 in range(NBUF - 1):
        loads[t0] = pltpu.async_copy(
            hbm_slice(x_hbm, t0), inb[t0], sin[t0]
        )

    row_carry = jnp.float32(0)
    for t in range(NT):
        s = t % NBUF
        loads[t].wait()
        if t + NBUF - 1 < NT:
            tn = t + NBUF - 1
            loads[tn] = pltpu.async_copy(
                hbm_slice(x_hbm, tn), inb[tn % NBUF],
                sin[tn % NBUF],
            )
        if t % CPR == 0:
            row_carry = jnp.float32(0)

        ib, ob = inb[s], outb[s]
        z = jnp.zeros((L,), jnp.float32)

        @plsc.parallel_loop(0, MAIN, step=4, unroll=4, carry=(z, z, z, z))
        def _pass_a(k, accs):
            a0, a1, a2, a3 = accs
            a0 = a0 + plsc.load_gather(ib, [startv + k])
            a1 = a1 + plsc.load_gather(ib, [startv + (k + 1)])
            a2 = a2 + plsc.load_gather(ib, [startv + (k + 2)])
            a3 = a3 + plsc.load_gather(ib, [startv + (k + 3)])
            return a0, a1, a2, a3

        a0, a1, a2, a3 = _pass_a

        def _tail_a(k, acc):
            m = k < lenv
            v = plsc.load_gather(ib, [startv + k], mask=m)
            return acc + jnp.where(m, v, 0.0)

        at = lax.fori_loop(MAIN, SEGMAX, _tail_a, z)
        seg_sums = ((a0 + a1) + (a2 + a3)) + at
        inc = plsc.cumsum(seg_sums)
        lane_base = (inc - seg_sums) + row_carry
        row_carry = row_carry + jnp.sum(seg_sums)

        if t >= NBUF:
            stores[t - NBUF].wait()

        @plsc.parallel_loop(0, MAIN, step=8, unroll=2, carry=lane_base)
        def _pass_b(k, carry):
            v = [plsc.load_gather(ib, [startv + (k + i)]) for i in range(8)]
            p01 = v[0] + v[1]
            p23 = v[2] + v[3]
            p45 = v[4] + v[5]
            p67 = v[6] + v[7]
            p03 = p01 + p23
            p47 = p45 + p67
            pre = [None, v[0], p01, p01 + v[2], p03, p03 + v[4],
                   p03 + p45, p03 + p45 + v[6]]
            plsc.store_scatter(ob, [startv + k], carry)
            for i in range(1, 8):
                plsc.store_scatter(ob, [startv + (k + i)], carry + pre[i])
            return carry + (p03 + p47)

        def _tail_b(k, carry):
            m = k < lenv
            v = plsc.load_gather(ib, [startv + k], mask=m)
            plsc.store_scatter(ob, [startv + k], carry, mask=m)
            return carry + jnp.where(m, v, 0.0)

        lax.fori_loop(MAIN, SEGMAX, _tail_b, _pass_b)
        stores[t] = pltpu.async_copy(
            ob, hbm_slice(out_hbm, t), sout[s]
        )

    for t in range(max(NT - NBUF, 0), NT):
        stores[t].wait()


def kernel(x):
    return _scan_rows(x)

# --- scband reference (transcript-rebuilt; emitter-appended) ---
"""Pipeline reference for scband-model-new-23656679867021 (READ-ONLY COPY).

The authoritative reference and input builder live on the scoring server;
editing this copy changes nothing except your own understanding.
"""

import jax, jax.numpy as jnp
import numpy as np

def setup_inputs(seed: int = 0) -> dict:
    key = jax.random.key(seed)
    x = jax.random.normal(key, (128, 32768), dtype=jnp.float32)
    return {"x": x}

def reference(x):
    # The CUDA kernel implements a Blelloch scan whose downsweep produces an
    # EXCLUSIVE prefix sum along dim=1 (last element is overwritten with 0 before
    # downsweep), so out[:, i] = sum_{j < i} x[:, j].
    inc = jnp.cumsum(x, axis=1)
    exc = inc - x
    return exc

if __name__ == "__main__":
    import jax
    _d = setup_inputs()
    print(jax.jit(kernel)(*tuple(_d.values())))

</pallas_src>

<mosaic_0001>
#map = affine_map<(d0, d1) -> (0, 0)>
module attributes {stable_mosaic.version = 14 : i64} {
  func.func @_scan_rows(%arg0: i32, %arg1: i32, %arg2: memref<128x32768xf32, #tpu.memory_space<hbm>>, %arg3: memref<128x32768xf32, #tpu.memory_space<hbm>>, %arg4: memref<16384xf32, #tpu.memory_space<vmem>>, %arg5: memref<16384xf32, #tpu.memory_space<vmem>>, %arg6: memref<16384xf32, #tpu.memory_space<vmem>>, %arg7: memref<16384xf32, #tpu.memory_space<vmem>>, %arg8: memref<!tpu.dma_semaphore, #tpu.memory_space<semaphore_mem>>, %arg9: memref<!tpu.dma_semaphore, #tpu.memory_space<semaphore_mem>>, %arg10: memref<!tpu.dma_semaphore, #tpu.memory_space<semaphore_mem>>, %arg11: memref<!tpu.dma_semaphore, #tpu.memory_space<semaphore_mem>>) attributes {dimension_semantics = [#tpu.dimension_semantics<core_parallel>, #tpu.dimension_semantics<subcore_parallel>], iteration_bounds = array<i64: 2, 16>, scalar_prefetch = 0 : i64, scratch_operands = 8 : i64, tpu.core_type = #tpu.core_type<sc_vector_subcore>, window_params = [{transform_indices = #map}, {transform_indices = #map}]} {
    %mul3A = arith.constant 2 : i32
    %mul3A_0 = arith.muli %arg1, %mul3A : i32
    %add3A = arith.addi %mul3A_0, %arg0 : i32
    %iota3A = tpu.iota {dimensions = array<i32: 0>} : vector<16xi32>
    %mul3A_1 = arith.constant 1024 : i32
    %mul3A_2 = vector.broadcast %mul3A_1 : i32 to vector<16xi32>
    %mul3A_3 = arith.muli %iota3A, %mul3A_2 : vector<16xi32>
    %add3A_4 = arith.addi %mul3A_3, %iota3A : vector<16xi32>
    %lt3A = arith.constant 15 : i32
    %lt3A_5 = vector.broadcast %lt3A : i32 to vector<16xi32>
    %lt3A_6 = arith.cmpi slt, %iota3A, %lt3A_5 : vector<16xi32>
    %jit3A = arith.constant 1025 : i32
    %jit3A_7 = arith.constant 1009 : i32
    %broadcast_in_dim3A = vector.broadcast %jit3A : i32 to vector<16xi32>
    %broadcast_in_dim3A_8 = vector.broadcast %jit3A_7 : i32 to vector<16xi32>
    %select_n3A = arith.select %lt3A_6, %broadcast_in_dim3A, %broadcast_in_dim3A_8 : vector<16xi1>, vector<16xi32>
    %mul3A_9 = arith.constant 4 : i32
    %mul3A_10 = arith.muli %add3A, %mul3A_9 : i32
    %add3A_11 = arith.constant 0 : i32
    %add3A_12 = arith.addi %mul3A_10, %add3A_11 : i32
    %dma_start3A = arith.constant 0 : i32
    %dma_start3A_13 = tpu.memref_slice %arg2[%add3A_12, %dma_start3A] : memref<128x32768xf32, #tpu.memory_space<hbm>> -> memref<1x16384xf32, #tpu.memory_space<hbm>>
    %dma_start3A_14 = tpu.memref_squeeze %dma_start3A_13 : memref<1x16384xf32, #tpu.memory_space<hbm>> -> memref<16384xf32, #tpu.memory_space<hbm>>
    %dma_start3A_15 = arith.constant 0 : i32
    %dma_start3A_16 = tpu.memref_slice %arg2[%add3A_12, %dma_start3A_15] : memref<128x32768xf32, #tpu.memory_space<hbm>> -> memref<1x16384xf32, #tpu.memory_space<hbm>>
    %dma_start3A_17 = tpu.memref_squeeze %dma_start3A_16 : memref<1x16384xf32, #tpu.memory_space<hbm>> -> memref<16384xf32, #tpu.memory_space<hbm>>
    tpu.enqueue_dma source(%dma_start3A_17 : memref<16384xf32, #tpu.memory_space<hbm>>) target(%arg4 : memref<16384xf32, #tpu.memory_space<vmem>>) target_semaphore(%arg8 : memref<!tpu.dma_semaphore, #tpu.memory_space<semaphore_mem>>)
    %dma_wait3A = arith.constant 0 : i32
    %dma_wait3A_18 = tpu.memref_slice %arg2[%add3A_12, %dma_wait3A] : memref<128x32768xf32, #tpu.memory_space<hbm>> -> memref<1x16384xf32, #tpu.memory_space<hbm>>
    %dma_wait3A_19 = tpu.memref_squeeze %dma_wait3A_18 : memref<1x16384xf32, #tpu.memory_space<hbm>> -> memref<16384xf32, #tpu.memory_space<hbm>>
    %dma_wait3A_20 = arith.constant 0 : i32
    %dma_wait3A_21 = tpu.memref_slice %arg2[%add3A_12, %dma_wait3A_20] : memref<128x32768xf32, #tpu.memory_space<hbm>> -> memref<1x16384xf32, #tpu.memory_space<hbm>>
    %dma_wait3A_22 = tpu.memref_squeeze %dma_wait3A_21 : memref<1x16384xf32, #tpu.memory_space<hbm>> -> memref<16384xf32, #tpu.memory_space<hbm>>
    tpu.wait_dma2 semaphore(%arg8 : memref<!tpu.dma_semaphore, #tpu.memory_space<semaphore_mem>>) src(%dma_wait3A_22 : memref<16384xf32, #tpu.memory_space<hbm>>) dst(%arg4 : memref<16384xf32, #tpu.memory_space<vmem>>)
    %mul3A_23 = arith.constant 4 : i32
    %mul3A_24 = arith.muli %add3A, %mul3A_23 : i32
    %add3A_25 = arith.constant 0 : i32
    %add3A_26 = arith.addi %mul3A_24, %add3A_25 : i32
    %dma_start3A_27 = arith.constant 16384 : i32
    %dma_start3A_28 = tpu.memref_slice %arg2[%add3A_26, %dma_start3A_27] : memref<128x32768xf32, #tpu.memory_space<hbm>> -> memref<1x16384xf32, #tpu.memory_space<hbm>>
    %dma_start3A_29 = tpu.memref_squeeze %dma_start3A_28 : memref<1x16384xf32, #tpu.memory_space<hbm>> -> memref<16384xf32, #tpu.memory_space<hbm>>
    %dma_start3A_30 = arith.constant 16384 : i32
    %dma_start3A_31 = tpu.memref_slice %arg2[%add3A_26, %dma_start3A_30] : memref<128x32768xf32, #tpu.memory_space<hbm>> -> memref<1x16384xf32, #tpu.memory_space<hbm>>
    %dma_start3A_32 = tpu.memref_squeeze %dma_start3A_31 : memref<1x16384xf32, #tpu.memory_space<hbm>> -> memref<16384xf32, #tpu.memory_space<hbm>>
    tpu.enqueue_dma source(%dma_start3A_32 : memref<16384xf32, #tpu.memory_space<hbm>>) target(%arg5 : memref<16384xf32, #tpu.memory_space<vmem>>) target_semaphore(%arg9 : memref<!tpu.dma_semaphore, #tpu.memory_space<semaphore_mem>>)
    %broadcast_in_dim3A_33 = arith.constant 0.000000e+00 : f32
    %broadcast_in_dim3A_34 = vector.broadcast %broadcast_in_dim3A_33 : f32 to vector<16xf32>
    %parallel_loop3A = arith.constant 0 : i32
    %parallel_loop3A_35 = arith.constant 1008 : i32
    %parallel_loop3A_36 = arith.constant 4 : i32
    %parallel_loop3A_37:4 = scf.for %parallel_loop3A_562 = %parallel_loop3A to %parallel_loop3A_35 step %parallel_loop3A_36 iter_args(%parallel_loop3A_563 = %broadcast_in_dim3A_34, %parallel_loop3A_564 = %broadcast_in_dim3A_34, %parallel_loop3A_565 = %broadcast_in_dim3A_34, %parallel_loop3A_566 = %broadcast_in_dim3A_34) -> (vector<16xf32>, vector<16xf32>, vector<16xf32>, vector<16xf32>)  : i32 {
      %parallel_loop3A_567 = vector.broadcast %parallel_loop3A_562 : i32 to vector<16xi32>
      %parallel_loop3A_568 = arith.addi %add3A_4, %parallel_loop3A_567 : vector<16xi32>
      %parallel_loop3A_569 = tpu.vector_load_idx %arg4[%parallel_loop3A_568] : memref<16384xf32, #tpu.memory_space<vmem>>[vector<16xi32>], vector<16xf32>,
      %parallel_loop3A_570 = arith.addf %parallel_loop3A_563, %parallel_loop3A_569 : vector<16xf32>
      %parallel_loop3A_571 = arith.constant 1 : i32
      %parallel_loop3A_572 = arith.addi %parallel_loop3A_562, %parallel_loop3A_571 : i32
      %parallel_loop3A_573 = vector.broadcast %parallel_loop3A_572 : i32 to vector<16xi32>
      %parallel_loop3A_574 = arith.addi %add3A_4, %parallel_loop3A_573 : vector<16xi32>
      %parallel_loop3A_575 = tpu.vector_load_idx %arg4[%parallel_loop3A_574] : memref<16384xf32, #tpu.memory_space<vmem>>[vector<16xi32>], vector<16xf32>,
      %parallel_loop3A_576 = arith.addf %parallel_loop3A_564, %parallel_loop3A_575 : vector<16xf32>
      %parallel_loop3A_577 = arith.constant 2 : i32
      %parallel_loop3A_578 = arith.addi %parallel_loop3A_562, %parallel_loop3A_577 : i32
      %parallel_loop3A_579 = vector.broadcast %parallel_loop3A_578 : i32 to vector<16xi32>
      %parallel_loop3A_580 = arith.addi %add3A_4, %parallel_loop3A_579 : vector<16xi32>
      %parallel_loop3A_581 = tpu.vector_load_idx %arg4[%parallel_loop3A_580] : memref<16384xf32, #tpu.memory_space<vmem>>[vector<16xi32>], vector<16xf32>,
      %parallel_loop3A_582 = arith.addf %parallel_loop3A_565, %parallel_loop3A_581 : vector<16xf32>
      %parallel_loop3A_583 = arith.constant 3 : i32
      %parallel_loop3A_584 = arith.addi %parallel_loop3A_562, %parallel_loop3A_583 : i32
      %parallel_loop3A_585 = vector.broadcast %parallel_loop3A_584 : i32 to vector<16xi32>
      %parallel_loop3A_586 = arith.addi %add3A_4, %parallel_loop3A_585 : vector<16xi32>
      %parallel_loop3A_587 = tpu.vector_load_idx %arg4[%parallel_loop3A_586] : memref<16384xf32, #tpu.memory_space<vmem>>[vector<16xi32>], vector<16xf32>,
      %parallel_loop3A_588 = arith.addf %parallel_loop3A_566, %parallel_loop3A_587 : vector<16xf32>
      scf.yield %parallel_loop3A_570, %parallel_loop3A_576, %parallel_loop3A_582, %parallel_loop3A_588 : vector<16xf32>, vector<16xf32>, vector<16xf32>, vector<16xf32>
    } {sc.loop_unroll_factor = 4 : i64, sc.parallel_access}
    %scan3A = arith.constant 1008 : i32
    %scan3A_38 = arith.constant 17 : i32
    %scan3A_39 = arith.addi %scan3A, %scan3A_38 : i32
    %scan3A_40 = arith.constant 1 : i32
    %scan3A_41 = scf.for %scan3A_562 = %scan3A to %scan3A_39 step %scan3A_40 iter_args(%scan3A_563 = %broadcast_in_dim3A_34) -> (vector<16xf32>)  : i32 {
      %lt3A_564 = vector.broadcast %scan3A_562 : i32 to vector<16xi32>
      %lt3A_565 = arith.cmpi slt, %lt3A_564, %select_n3A : vector<16xi32>
      %add3A_566 = vector.broadcast %scan3A_562 : i32 to vector<16xi32>
      %add3A_567 = arith.addi %add3A_4, %add3A_566 : vector<16xi32>
      %gather3A = tpu.vector_load_idx %arg4[%add3A_567] masked %lt3A_565 : memref<16384xf32, #tpu.memory_space<vmem>>[vector<16xi32>], vector<16xf32>, vector<16xi1>
      %jit3A_568 = arith.constant 0.000000e+00 : f32
      %broadcast_in_dim3A_569 = vector.broadcast %jit3A_568 : f32 to vector<16xf32>
      %select_n3A_570 = arith.select %lt3A_565, %gather3A, %broadcast_in_dim3A_569 : vector<16xi1>, vector<16xf32>
      %add3A_571 = arith.addf %scan3A_563, %select_n3A_570 : vector<16xf32>
      scf.yield %add3A_571 : vector<16xf32>
    }
    %scan3A_42 = arith.constant 17 : i32
    %add3A_43 = arith.addf %parallel_loop3A_37#0, %parallel_loop3A_37#1 : vector<16xf32>
    %add3A_44 = arith.addf %parallel_loop3A_37#2, %parallel_loop3A_37#3 : vector<16xf32>
    %add3A_45 = arith.addf %add3A_43, %add3A_44 : vector<16xf32>
    %add3A_46 = arith.addf %add3A_45, %scan3A_41 : vector<16xf32>
    %broadcast_in_dim3A_47 = arith.constant true
    %broadcast_in_dim3A_48 = vector.broadcast %broadcast_in_dim3A_47 : i1 to vector<16xi1>
    %masked_cumsum3A = tpu.scan <sum>, %add3A_46 masked %broadcast_in_dim3A_48 : vector<16xf32>, vector<16xi1> -> vector<16xf32>
    %sub3A = arith.subf %masked_cumsum3A, %add3A_46 : vector<16xf32>
    %add3A_49 = arith.constant 0.000000e+00 : f32
    %add3A_50 = vector.broadcast %add3A_49 : f32 to vector<16xf32>
    %add3A_51 = arith.addf %sub3A, %add3A_50 : vector<16xf32>
    %reduce_sum3A = arith.constant true
    %reduce_sum3A_52 = vector.broadcast %reduce_sum3A : i1 to vector<16xi1>
    %reduce_sum3A_53 = tpu.scan <sum>, %add3A_46 masked %reduce_sum3A_52 : vector<16xf32>, vector<16xi1> -> vector<16xf32>
    %reduce_sum3A_54 = vector.extract %reduce_sum3A_53[15] : f32 from vector<16xf32>
    %add3A_55 = arith.constant 0.000000e+00 : f32
    %add3A_56 = arith.addf %add3A_55, %reduce_sum3A_54 : f32
    %parallel_loop3A_57 = arith.constant 0 : i32
    %parallel_loop3A_58 = arith.constant 1008 : i32
    %parallel_loop3A_59 = arith.constant 8 : i32
    %parallel_loop3A_60 = scf.for %parallel_loop3A_562 = %parallel_loop3A_57 to %parallel_loop3A_58 step %parallel_loop3A_59 iter_args(%parallel_loop3A_563 = %add3A_51) -> (vector<16xf32>)  : i32 {
      %parallel_loop3A_564 = arith.constant 0 : i32
      %parallel_loop3A_565 = arith.addi %parallel_loop3A_562, %parallel_loop3A_564 : i32
      %parallel_loop3A_566 = vector.broadcast %parallel_loop3A_565 : i32 to vector<16xi32>
      %parallel_loop3A_567 = arith.addi %add3A_4, %parallel_loop3A_566 : vector<16xi32>
      %parallel_loop3A_568 = tpu.vector_load_idx %arg4[%parallel_loop3A_567] : memref<16384xf32, #tpu.memory_space<vmem>>[vector<16xi32>], vector<16xf32>,
      %parallel_loop3A_569 = arith.constant 1 : i32
      %parallel_loop3A_570 = arith.addi %parallel_loop3A_562, %parallel_loop3A_569 : i32
      %parallel_loop3A_571 = vector.broadcast %parallel_loop3A_570 : i32 to vector<16xi32>
      %parallel_loop3A_572 = arith.addi %add3A_4, %parallel_loop3A_571 : vector<16xi32>
      %parallel_loop3A_573 = tpu.vector_load_idx %arg4[%parallel_loop3A_572] : memref<16384xf32, #tpu.memory_space<vmem>>[vector<16xi32>], vector<16xf32>,
      %parallel_loop3A_574 = arith.constant 2 : i32
      %parallel_loop3A_575 = arith.addi %parallel_loop3A_562, %parallel_loop3A_574 : i32
      %parallel_loop3A_576 = vector.broadcast %parallel_loop3A_575 : i32 to vector<16xi32>
      %parallel_loop3A_577 = arith.addi %add3A_4, %parallel_loop3A_576 : vector<16xi32>
      %parallel_loop3A_578 = tpu.vector_load_idx %arg4[%parallel_loop3A_577] : memref<16384xf32, #tpu.memory_space<vmem>>[vector<16xi32>], vector<16xf32>,
      %parallel_loop3A_579 = arith.constant 3 : i32
      %parallel_loop3A_580 = arith.addi %parallel_loop3A_562, %parallel_loop3A_579 : i32
      %parallel_loop3A_581 = vector.broadcast %parallel_loop3A_580 : i32 to vector<16xi32>
      %parallel_loop3A_582 = arith.addi %add3A_4, %parallel_loop3A_581 : vector<16xi32>
      %parallel_loop3A_583 = tpu.vector_load_idx %arg4[%parallel_loop3A_582] : memref<16384xf32, #tpu.memory_space<vmem>>[vector<16xi32>], vector<16xf32>,
      %parallel_loop3A_584 = arith.constant 4 : i32
      %parallel_loop3A_585 = arith.addi %parallel_loop3A_562, %parallel_loop3A_584 : i32
      %parallel_loop3A_586 = vector.broadcast %parallel_loop3A_585 : i32 to vector<16xi32>
      %parallel_loop3A_587 = arith.addi %add3A_4, %parallel_loop3A_586 : vector<16xi32>
      %parallel_loop3A_588 = tpu.vector_load_idx %arg4[%parallel_loop3A_587] : memref<16384xf32, #tpu.memory_space<vmem>>[vector<16xi32>], vector<16xf32>,
      %parallel_loop3A_589 = arith.constant 5 : i32
      %parallel_loop3A_590 = arith.addi %parallel_loop3A_562, %parallel_loop3A_589 : i32
      %parallel_loop3A_591 = vector.broadcast %parallel_loop3A_590 : i32 to vector<16xi32>
      %parallel_loop3A_592 = arith.addi %add3A_4, %parallel_loop3A_591 : vector<16xi32>
      %parallel_loop3A_593 = tpu.vector_load_idx %arg4[%parallel_loop3A_592] : memref<16384xf32, #tpu.memory_space<vmem>>[vector<16xi32>], vector<16xf32>,
      %parallel_loop3A_594 = arith.constant 6 : i32
      %parallel_loop3A_595 = arith.addi %parallel_loop3A_562, %parallel_loop3A_594 : i32
      %parallel_loop3A_596 = vector.broadcast %parallel_loop3A_595 : i32 to vector<16xi32>
      %parallel_loop3A_597 = arith.addi %add3A_4, %parallel_loop3A_596 : vector<16xi32>
      %parallel_loop3A_598 = tpu.vector_load_idx %arg4[%parallel_loop3A_597] : memref<16384xf32, #tpu.memory_space<vmem>>[vector<16xi32>], vector<16xf32>,
      %parallel_loop3A_599 = arith.constant 7 : i32
      %parallel_loop3A_600 = arith.addi %parallel_loop3A_562, %parallel_loop3A_599 : i32
      %parallel_loop3A_601 = vector.broadcast %parallel_loop3A_600 : i32 to vector<16xi32>
      %parallel_loop3A_602 = arith.addi %add3A_4, %parallel_loop3A_601 : vector<16xi32>
      %parallel_loop3A_603 = tpu.vector_load_idx %arg4[%parallel_loop3A_602] : memref<16384xf32, #tpu.memory_space<vmem>>[vector<16xi32>], vector<16xf32>,
      %parallel_loop3A_604 = arith.addf %parallel_loop3A_568, %parallel_loop3A_573 : vector<16xf32>
      %parallel_loop3A_605 = arith.addf %parallel_loop3A_578, %parallel_loop3A_583 : vector<16xf32>
      %parallel_loop3A_606 = arith.addf %parallel_loop3A_588, %parallel_loop3A_593 : vector<16xf32>
      %parallel_loop3A_607 = arith.addf %parallel_loop3A_598, %parallel_loop3A_603 : vector<16xf32>
      %parallel_loop3A_608 = arith.addf %parallel_loop3A_604, %parallel_loop3A_605 : vector<16xf32>
      %parallel_loop3A_609 = arith.addf %parallel_loop3A_606, %parallel_loop3A_607 : vector<16xf32>
      %parallel_loop3A_610 = arith.addf %parallel_loop3A_604, %parallel_loop3A_578 : vector<16xf32>
      %parallel_loop3A_611 = arith.addf %parallel_loop3A_608, %parallel_loop3A_588 : vector<16xf32>
      %parallel_loop3A_612 = arith.addf %parallel_loop3A_608, %parallel_loop3A_606 : vector<16xf32>
      %parallel_loop3A_613 = arith.addf %parallel_loop3A_608, %parallel_loop3A_606 : vector<16xf32>
      %parallel_loop3A_614 = arith.addf %parallel_loop3A_613, %parallel_loop3A_598 : vector<16xf32>
      %parallel_loop3A_615 = vector.broadcast %parallel_loop3A_562 : i32 to vector<16xi32>
      %parallel_loop3A_616 = arith.addi %add3A_4, %parallel_loop3A_615 : vector<16xi32>
      tpu.vector_store_idx %arg6[%parallel_loop3A_616], %parallel_loop3A_563 : memref<16384xf32, #tpu.memory_space<vmem>>[vector<16xi32>], vector<16xf32>,
      %parallel_loop3A_617 = arith.constant 1 : i32
      %parallel_loop3A_618 = arith.addi %parallel_loop3A_562, %parallel_loop3A_617 : i32
      %parallel_loop3A_619 = vector.broadcast %parallel_loop3A_618 : i32 to vector<16xi32>
      %parallel_loop3A_620 = arith.addi %add3A_4, %parallel_loop3A_619 : vector<16xi32>
      %parallel_loop3A_621 = arith.addf %parallel_loop3A_563, %parallel_loop3A_568 : vector<16xf32>
      tpu.vector_store_idx %arg6[%parallel_loop3A_620], %parallel_loop3A_621 : memref<16384xf32, #tpu.memory_space<vmem>>[vector<16xi32>], vector<16xf32>,
      %parallel_loop3A_622 = arith.constant 2 : i32
      %parallel_loop3A_623 = arith.addi %parallel_loop3A_562, %parallel_loop3A_622 : i32
      %parallel_loop3A_624 = vector.broadcast %parallel_loop3A_623 : i32 to vector<16xi32>
      %parallel_loop3A_625 = arith.addi %add3A_4, %parallel_loop3A_624 : vector<16xi32>
      %parallel_loop3A_626 = arith.addf %parallel_loop3A_563, %parallel_loop3A_604 : vector<16xf32>
      tpu.vector_store_idx %arg6[%parallel_loop3A_625], %parallel_loop3A_626 : memref<16384xf32, #tpu.memory_space<vmem>>[vector<16xi32>], vector<16xf32>,
      %parallel_loop3A_627 = arith.constant 3 : i32
      %parallel_loop3A_628 = arith.addi %parallel_loop3A_562, %parallel_loop3A_627 : i32
      %parallel_loop3A_629 = vector.broadcast %parallel_loop3A_628 : i32 to vector<16xi32>
      %parallel_loop3A_630 = arith.addi %add3A_4, %parallel_loop3A_629 : vector<16xi32>
      %parallel_loop3A_631 = arith.addf %parallel_loop3A_563, %parallel_loop3A_610 : vector<16xf32>
      tpu.vector_store_idx %arg6[%parallel_loop3A_630], %parallel_loop3A_631 : memref<16384xf32, #tpu.memory_space<vmem>>[vector<16xi32>], vector<16xf32>,
      %parallel_loop3A_632 = arith.constant 4 : i32
      %parallel_loop3A_633 = arith.addi %parallel_loop3A_562, %parallel_loop3A_632 : i32
      %parallel_loop3A_634 = vector.broadcast %parallel_loop3A_633 : i32 to vector<16xi32>
      %parallel_loop3A_635 = arith.addi %add3A_4, %parallel_loop3A_634 : vector<16xi32>
      %parallel_loop3A_636 = arith.addf %parallel_loop3A_563, %parallel_loop3A_608 : vector<16xf32>
      tpu.vector_store_idx %arg6[%parallel_loop3A_635], %parallel_loop3A_636 : memref<16384xf32, #tpu.memory_space<vmem>>[vector<16xi32>], vector<16xf32>,
      %parallel_loop3A_637 = arith.constant 5 : i32
      %parallel_loop3A_638 = arith.addi %parallel_loop3A_562, %parallel_loop3A_637 : i32
      %parallel_loop3A_639 = vector.broadcast %parallel_loop3A_638 : i32 to vector<16xi32>
      %parallel_loop3A_640 = arith.addi %add3A_4, %parallel_loop3A_639 : vector<16xi32>
      %parallel_loop3A_641 = arith.addf %parallel_loop3A_563, %parallel_loop3A_611 : vector<16xf32>
      tpu.vector_store_idx %arg6[%parallel_loop3A_640], %parallel_loop3A_641 : memref<16384xf32, #tpu.memory_space<vmem>>[vector<16xi32>], vector<16xf32>,
      %parallel_loop3A_642 = arith.constant 6 : i32
      %parallel_loop3A_643 = arith.addi %parallel_loop3A_562, %parallel_loop3A_642 : i32
      %parallel_loop3A_644 = vector.broadcast %parallel_loop3A_643 : i32 to vector<16xi32>
      %parallel_loop3A_645 = arith.addi %add3A_4, %parallel_loop3A_644 : vector<16xi32>
      %parallel_loop3A_646 = arith.addf %parallel_loop3A_563, %parallel_loop3A_612 : vector<16xf32>
      tpu.vector_store_idx %arg6[%parallel_loop3A_645], %parallel_loop3A_646 : memref<16384xf32, #tpu.memory_space<vmem>>[vector<16xi32>], vector<16xf32>,
      %parallel_loop3A_647 = arith.constant 7 : i32
      %parallel_loop3A_648 = arith.addi %parallel_loop3A_562, %parallel_loop3A_647 : i32
      %parallel_loop3A_649 = vector.broadcast %parallel_loop3A_648 : i32 to vector<16xi32>
      %parallel_loop3A_650 = arith.addi %add3A_4, %parallel_loop3A_649 : vector<16xi32>
      %parallel_loop3A_651 = arith.addf %parallel_loop3A_563, %parallel_loop3A_614 : vector<16xf32>
      tpu.vector_store_idx %arg6[%parallel_loop3A_650], %parallel_loop3A_651 : memref<16384xf32, #tpu.memory_space<vmem>>[vector<16xi32>], vector<16xf32>,
      %parallel_loop3A_652 = arith.addf %parallel_loop3A_608, %parallel_loop3A_609 : vector<16xf32>
      %parallel_loop3A_653 = arith.addf %parallel_loop3A_563, %parallel_loop3A_652 : vector<16xf32>
      scf.yield %parallel_loop3A_653 : vector<16xf32>
    } {sc.loop_unroll_factor = 2 : i64, sc.parallel_access}
    %scan3A_61 = arith.constant 1008 : i32
    %scan3A_62 = arith.constant 17 : i32
    %scan3A_63 = arith.addi %scan3A_61, %scan3A_62 : i32
    %scan3A_64 = arith.constant 1 : i32
    %scan3A_65 = scf.for %scan3A_562 = %scan3A_61 to %scan3A_63 step %scan3A_64 iter_args(%scan3A_563 = %parallel_loop3A_60) -> (vector<16xf32>)  : i32 {
      %lt3A_564 = vector.broadcast %scan3A_562 : i32 to vector<16xi32>
      %lt3A_565 = arith.cmpi slt, %lt3A_564, %select_n3A : vector<16xi32>
      %add3A_566 = vector.broadcast %scan3A_562 : i32 to vector<16xi32>
      %add3A_567 = arith.addi %add3A_4, %add3A_566 : vector<16xi32>
      %gather3A = tpu.vector_load_idx %arg4[%add3A_567] masked %lt3A_565 : memref<16384xf32, #tpu.memory_space<vmem>>[vector<16xi32>], vector<16xf32>, vector<16xi1>
      %add3A_568 = vector.broadcast %scan3A_562 : i32 to vector<16xi32>
      %add3A_569 = arith.addi %add3A_4, %add3A_568 : vector<16xi32>
      tpu.vector_store_idx %arg6[%add3A_569], %scan3A_563 masked %lt3A_565 : memref<16384xf32, #tpu.memory_space<vmem>>[vector<16xi32>], vector<16xf32>, vector<16xi1>
      %jit3A_570 = arith.constant 0.000000e+00 : f32
      %broadcast_in_dim3A_571 = vector.broadcast %jit3A_570 : f32 to vector<16xf32>
      %select_n3A_572 = arith.select %lt3A_565, %gather3A, %broadcast_in_dim3A_571 : vector<16xi1>, vector<16xf32>
      %add3A_573 = arith.addf %scan3A_563, %select_n3A_572 : vector<16xf32>
      scf.yield %add3A_573 : vector<16xf32>
    }
    %scan3A_66 = arith.constant 17 : i32
    %mul3A_67 = arith.constant 4 : i32
    %mul3A_68 = arith.muli %add3A, %mul3A_67 : i32
    %add3A_69 = arith.constant 0 : i32
    %add3A_70 = arith.addi %mul3A_68, %add3A_69 : i32
    %dma_start3A_71 = arith.constant 0 : i32
    %dma_start3A_72 = tpu.memref_slice %arg3[%add3A_70, %dma_start3A_71] : memref<128x32768xf32, #tpu.memory_space<hbm>> -> memref<1x16384xf32, #tpu.memory_space<hbm>>
    %dma_start3A_73 = tpu.memref_squeeze %dma_start3A_72 : memref<1x16384xf32, #tpu.memory_space<hbm>> -> memref<16384xf32, #tpu.memory_space<hbm>>
    %dma_start3A_74 = arith.constant 0 : i32
    %dma_start3A_75 = tpu.memref_slice %arg3[%add3A_70, %dma_start3A_74] : memref<128x32768xf32, #tpu.memory_space<hbm>> -> memref<1x16384xf32, #tpu.memory_space<hbm>>
    %dma_start3A_76 = tpu.memref_squeeze %dma_start3A_75 : memref<1x16384xf32, #tpu.memory_space<hbm>> -> memref<16384xf32, #tpu.memory_space<hbm>>
    tpu.enqueue_dma source(%arg6 : memref<16384xf32, #tpu.memory_space<vmem>>) target(%dma_start3A_76 : memref<16384xf32, #tpu.memory_space<hbm>>) target_semaphore(%arg10 : memref<!tpu.dma_semaphore, #tpu.memory_space<semaphore_mem>>)
    %dma_wait3A_77 = arith.constant 16384 : i32
    %dma_wait3A_78 = tpu.memref_slice %arg2[%add3A_26, %dma_wait3A_77] : memref<128x32768xf32, #tpu.memory_space<hbm>> -> memref<1x16384xf32, #tpu.memory_space<hbm>>
    %dma_wait3A_79 = tpu.memref_squeeze %dma_wait3A_78 : memref<1x16384xf32, #tpu.memory_space<hbm>> -> memref<16384xf32, #tpu.memory_space<hbm>>
    %dma_wait3A_80 = arith.constant 16384 : i32
    %dma_wait3A_81 = tpu.memref_slice %arg2[%add3A_26, %dma_wait3A_80] : memref<128x32768xf32, #tpu.memory_space<hbm>> -> memref<1x16384xf32, #tpu.memory_space<hbm>>
    %dma_wait3A_82 = tpu.memref_squeeze %dma_wait3A_81 : memref<1x16384xf32, #tpu.memory_space<hbm>> -> memref<16384xf32, #tpu.memory_space<hbm>>
    tpu.wait_dma2 semaphore(%arg9 : memref<!tpu.dma_semaphore, #tpu.memory_space<semaphore_mem>>) src(%dma_wait3A_82 : memref<16384xf32, #tpu.memory_space<hbm>>) dst(%arg5 : memref<16384xf32, #tpu.memory_space<vmem>>)
    %mul3A_83 = arith.constant 4 : i32
    %mul3A_84 = arith.muli %add3A, %mul3A_83 : i32
    %add3A_85 = arith.constant 1 : i32
    %add3A_86 = arith.addi %mul3A_84, %add3A_85 : i32
    %dma_start3A_87 = arith.constant 0 : i32
    %dma_start3A_88 = tpu.memref_slice %arg2[%add3A_86, %dma_start3A_87] : memref<128x32768xf32, #tpu.memory_space<hbm>> -> memref<1x16384xf32, #tpu.memory_space<hbm>>
    %dma_start3A_89 = tpu.memref_squeeze %dma_start3A_88 : memref<1x16384xf32, #tpu.memory_space<hbm>> -> memref<16384xf32, #tpu.memory_space<hbm>>
    %dma_start3A_90 = arith.constant 0 : i32
    %dma_start3A_91 = tpu.memref_slice %arg2[%add3A_86, %dma_start3A_90] : memref<128x32768xf32, #tpu.memory_space<hbm>> -> memref<1x16384xf32, #tpu.memory_space<hbm>>
    %dma_start3A_92 = tpu.memref_squeeze %dma_start3A_91 : memref<1x16384xf32, #tpu.memory_space<hbm>> -> memref<16384xf32, #tpu.memory_space<hbm>>
    tpu.enqueue_dma source(%dma_start3A_92 : memref<16384xf32, #tpu.memory_space<hbm>>) target(%arg4 : memref<16384xf32, #tpu.memory_space<vmem>>) target_semaphore(%arg8 : memref<!tpu.dma_semaphore, #tpu.memory_space<semaphore_mem>>)
    %broadcast_in_dim3A_93 = arith.constant 0.000000e+00 : f32
    %broadcast_in_dim3A_94 = vector.broadcast %broadcast_in_dim3A_93 : f32 to vector<16xf32>
    %parallel_loop3A_95 = arith.constant 0 : i32
    %parallel_loop3A_96 = arith.constant 1008 : i32
    %parallel_loop3A_97 = arith.constant 4 : i32
    %parallel_loop3A_98:4 = scf.for %parallel_loop3A_562 = %parallel_loop3A_95 to %parallel_loop3A_96 step %parallel_loop3A_97 iter_args(%parallel_loop3A_563 = %broadcast_in_dim3A_94, %parallel_loop3A_564 = %broadcast_in_dim3A_94, %parallel_loop3A_565 = %broadcast_in_dim3A_94, %parallel_loop3A_566 = %broadcast_in_dim3A_94) -> (vector<16xf32>, vector<16xf32>, vector<16xf32>, vector<16xf32>)  : i32 {
      %parallel_loop3A_567 = vector.broadcast %parallel_loop3A_562 : i32 to vector<16xi32>
      %parallel_loop3A_568 = arith.addi %add3A_4, %parallel_loop3A_567 : vector<16xi32>
      %parallel_loop3A_569 = tpu.vector_load_idx %arg5[%parallel_loop3A_568] : memref<16384xf32, #tpu.memory_space<vmem>>[vector<16xi32>], vector<16xf32>,
      %parallel_loop3A_570 = arith.addf %parallel_loop3A_563, %parallel_loop3A_569 : vector<16xf32>
      %parallel_loop3A_571 = arith.constant 1 : i32
      %parallel_loop3A_572 = arith.addi %parallel_loop3A_562, %parallel_loop3A_571 : i32
      %parallel_loop3A_573 = vector.broadcast %parallel_loop3A_572 : i32 to vector<16xi32>
      %parallel_loop3A_574 = arith.addi %add3A_4, %parallel_loop3A_573 : vector<16xi32>
      %parallel_loop3A_575 = tpu.vector_load_idx %arg5[%parallel_loop3A_574] : memref<16384xf32, #tpu.memory_space<vmem>>[vector<16xi32>], vector<16xf32>,
      %parallel_loop3A_576 = arith.addf %parallel_loop3A_564, %parallel_loop3A_575 : vector<16xf32>
      %parallel_loop3A_577 = arith.constant 2 : i32
      %parallel_loop3A_578 = arith.addi %parallel_loop3A_562, %parallel_loop3A_577 : i32
      %parallel_loop3A_579 = vector.broadcast %parallel_loop3A_578 : i32 to vector<16xi32>
      %parallel_loop3A_580 = arith.addi %add3A_4, %parallel_loop3A_579 : vector<16xi32>
      %parallel_loop3A_581 = tpu.vector_load_idx %arg5[%parallel_loop3A_580] : memref<16384xf32, #tpu.memory_space<vmem>>[vector<16xi32>], vector<16xf32>,
      %parallel_loop3A_582 = arith.addf %parallel_loop3A_565, %parallel_loop3A_581 : vector<16xf32>
      %parallel_loop3A_583 = arith.constant 3 : i32
      %parallel_loop3A_584 = arith.addi %parallel_loop3A_562, %parallel_loop3A_583 : i32
      %parallel_loop3A_585 = vector.broadcast %parallel_loop3A_584 : i32 to vector<16xi32>
      %parallel_loop3A_586 = arith.addi %add3A_4, %parallel_loop3A_585 : vector<16xi32>
      %parallel_loop3A_587 = tpu.vector_load_idx %arg5[%parallel_loop3A_586] : memref<16384xf32, #tpu.memory_space<vmem>>[vector<16xi32>], vector<16xf32>,
      %parallel_loop3A_588 = arith.addf %parallel_loop3A_566, %parallel_loop3A_587 : vector<16xf32>
      scf.yield %parallel_loop3A_570, %parallel_loop3A_576, %parallel_loop3A_582, %parallel_loop3A_588 : vector<16xf32>, vector<16xf32>, vector<16xf32>, vector<16xf32>
    } {sc.loop_unroll_factor = 4 : i64, sc.parallel_access}
    %scan3A_99 = arith.constant 1008 : i32
    %scan3A_100 = arith.constant 17 : i32
    %scan3A_101 = arith.addi %scan3A_99, %scan3A_100 : i32
    %scan3A_102 = arith.constant 1 : i32
    %scan3A_103 = scf.for %scan3A_562 = %scan3A_99 to %scan3A_101 step %scan3A_102 iter_args(%scan3A_563 = %broadcast_in_dim3A_94) -> (vector<16xf32>)  : i32 {
      %lt3A_564 = vector.broadcast %scan3A_562 : i32 to vector<16xi32>
      %lt3A_565 = arith.cmpi slt, %lt3A_564, %select_n3A : vector<16xi32>
      %add3A_566 = vector.broadcast %scan3A_562 : i32 to vector<16xi32>
      %add3A_567 = arith.addi %add3A_4, %add3A_566 : vector<16xi32>
      %gather3A = tpu.vector_load_idx %arg5[%add3A_567] masked %lt3A_565 : memref<16384xf32, #tpu.memory_space<vmem>>[vector<16xi32>], vector<16xf32>, vector<16xi1>
      %jit3A_568 = arith.constant 0.000000e+00 : f32
      %broadcast_in_dim3A_569 = vector.broadcast %jit3A_568 : f32 to vector<16xf32>
      %select_n3A_570 = arith.select %lt3A_565, %gather3A, %broadcast_in_dim3A_569 : vector<16xi1>, vector<16xf32>
      %add3A_571 = arith.addf %scan3A_563, %select_n3A_570 : vector<16xf32>
      scf.yield %add3A_571 : vector<16xf32>
    }
    %scan3A_104 = arith.constant 17 : i32
    %add3A_105 = arith.addf %parallel_loop3A_98#0, %parallel_loop3A_98#1 : vector<16xf32>
    %add3A_106 = arith.addf %parallel_loop3A_98#2, %parallel_loop3A_98#3 : vector<16xf32>
    %add3A_107 = arith.addf %add3A_105, %add3A_106 : vector<16xf32>
    %add3A_108 = arith.addf %add3A_107, %scan3A_103 : vector<16xf32>
    %broadcast_in_dim3A_109 = arith.constant true
    %broadcast_in_dim3A_110 = vector.broadcast %broadcast_in_dim3A_109 : i1 to vector<16xi1>
    %masked_cumsum3A_111 = tpu.scan <sum>, %add3A_108 masked %broadcast_in_dim3A_110 : vector<16xf32>, vector<16xi1> -> vector<16xf32>
    %sub3A_112 = arith.subf %masked_cumsum3A_111, %add3A_108 : vector<16xf32>
    %add3A_113 = vector.broadcast %add3A_56 : f32 to vector<16xf32>
    %add3A_114 = arith.addf %sub3A_112, %add3A_113 : vector<16xf32>
    %reduce_sum3A_115 = arith.constant true
    %reduce_sum3A_116 = vector.broadcast %reduce_sum3A_115 : i1 to vector<16xi1>
    %reduce_sum3A_117 = tpu.scan <sum>, %add3A_108 masked %reduce_sum3A_116 : vector<16xf32>, vector<16xi1> -> vector<16xf32>
    %reduce_sum3A_118 = vector.extract %reduce_sum3A_117[15] : f32 from vector<16xf32>
    %add3A_119 = arith.addf %add3A_56, %reduce_sum3A_118 : f32
    %parallel_loop3A_120 = arith.constant 0 : i32
    %parallel_loop3A_121 = arith.constant 1008 : i32
    %parallel_loop3A_122 = arith.constant 8 : i32
    %parallel_loop3A_123 = scf.for %parallel_loop3A_562 = %parallel_loop3A_120 to %parallel_loop3A_121 step %parallel_loop3A_122 iter_args(%parallel_loop3A_563 = %add3A_114) -> (vector<16xf32>)  : i32 {
      %parallel_loop3A_564 = arith.constant 0 : i32
      %parallel_loop3A_565 = arith.addi %parallel_loop3A_562, %parallel_loop3A_564 : i32
      %parallel_loop3A_566 = vector.broadcast %parallel_loop3A_565 : i32 to vector<16xi32>
      %parallel_loop3A_567 = arith.addi %add3A_4, %parallel_loop3A_566 : vector<16xi32>
      %parallel_loop3A_568 = tpu.vector_load_idx %arg5[%parallel_loop3A_567] : memref<16384xf32, #tpu.memory_space<vmem>>[vector<16xi32>], vector<16xf32>,
      %parallel_loop3A_569 = arith.constant 1 : i32
      %parallel_loop3A_570 = arith.addi %parallel_loop3A_562, %parallel_loop3A_569 : i32
      %parallel_loop3A_571 = vector.broadcast %parallel_loop3A_570 : i32 to vector<16xi32>
      %parallel_loop3A_572 = arith.addi %add3A_4, %parallel_loop3A_571 : vector<16xi32>
      %parallel_loop3A_573 = tpu.vector_load_idx %arg5[%parallel_loop3A_572] : memref<16384xf32, #tpu.memory_space<vmem>>[vector<16xi32>], vector<16xf32>,
      %parallel_loop3A_574 = arith.constant 2 : i32
      %parallel_loop3A_575 = arith.addi %parallel_loop3A_562, %parallel_loop3A_574 : i32
      %parallel_loop3A_576 = vector.broadcast %parallel_loop3A_575 : i32 to vector<16xi32>
      %parallel_loop3A_577 = arith.addi %add3A_4, %parallel_loop3A_576 : vector<16xi32>
      %parallel_loop3A_578 = tpu.vector_load_idx %arg5[%parallel_loop3A_577] : memref<16384xf32, #tpu.memory_space<vmem>>[vector<16xi32>], vector<16xf32>,
      %parallel_loop3A_579 = arith.constant 3 : i32
      %parallel_loop3A_580 = arith.addi %parallel_loop3A_562, %parallel_loop3A_579 : i32
      %parallel_loop3A_581 = vector.broadcast %parallel_loop3A_580 : i32 to vector<16xi32>
      %parallel_loop3A_582 = arith.addi %add3A_4, %parallel_loop3A_581 : vector<16xi32>
      %parallel_loop3A_583 = tpu.vector_load_idx %arg5[%parallel_loop3A_582] : memref<16384xf32, #tpu.memory_space<vmem>>[vector<16xi32>], vector<16xf32>,
      %parallel_loop3A_584 = arith.constant 4 : i32
      %parallel_loop3A_585 = arith.addi %parallel_loop3A_562, %parallel_loop3A_584 : i32
      %parallel_loop3A_586 = vector.broadcast %parallel_loop3A_585 : i32 to vector<16xi32>
      %parallel_loop3A_587 = arith.addi %add3A_4, %parallel_loop3A_586 : vector<16xi32>
      %parallel_loop3A_588 = tpu.vector_load_idx %arg5[%parallel_loop3A_587] : memref<16384xf32, #tpu.memory_space<vmem>>[vector<16xi32>], vector<16xf32>,
      %parallel_loop3A_589 = arith.constant 5 : i32
      %parallel_loop3A_590 = arith.addi %parallel_loop3A_562, %parallel_loop3A_589 : i32
      %parallel_loop3A_591 = vector.broadcast %parallel_loop3A_590 : i32 to vector<16xi32>
      %parallel_loop3A_592 = arith.addi %add3A_4, %parallel_loop3A_591 : vector<16xi32>
      %parallel_loop3A_593 = tpu.vector_load_idx %arg5[%parallel_loop3A_592] : memref<16384xf32, #tpu.memory_space<vmem>>[vector<16xi32>], vector<16xf32>,
      %parallel_loop3A_594 = arith.constant 6 : i32
      %parallel_loop3A_595 = arith.addi %parallel_loop3A_562, %parallel_loop3A_594 : i32
      %parallel_loop3A_596 = vector.broadcast %parallel_loop3A_595 : i32 to vector<16xi32>
      %parallel_loop3A_597 = arith.addi %add3A_4, %parallel_loop3A_596 : vector<16xi32>
      %parallel_loop3A_598 = tpu.vector_load_idx %arg5[%parallel_loop3A_597] : memref<16384xf32, #tpu.memory_space<vmem>>[vector<16xi32>], vector<16xf32>,
      %parallel_loop3A_599 = arith.constant 7 : i32
      %parallel_loop3A_600 = arith.addi %parallel_loop3A_562, %parallel_loop3A_599 : i32
      %parallel_loop3A_601 = vector.broadcast %parallel_loop3A_600 : i32 to vector<16xi32>
      %parallel_loop3A_602 = arith.addi %add3A_4, %parallel_loop3A_601 : vector<16xi32>
      %parallel_loop3A_603 = tpu.vector_load_idx %arg5[%parallel_loop3A_602] : memref<16384xf32, #tpu.memory_space<vmem>>[vector<16xi32>], vector<16xf32>,
      %parallel_loop3A_604 = arith.addf %parallel_loop3A_568, %parallel_loop3A_573 : vector<16xf32>
      %parallel_loop3A_605 = arith.addf %parallel_loop3A_578, %parallel_loop3A_583 : vector<16xf32>
      %parallel_loop3A_606 = arith.addf %parallel_loop3A_588, %parallel_loop3A_593 : vector<16xf32>
      %parallel_loop3A_607 = arith.addf %parallel_loop3A_598, %parallel_loop3A_603 : vector<16xf32>
      %parallel_loop3A_608 = arith.addf %parallel_loop3A_604, %parallel_loop3A_605 : vector<16xf32>
      %parallel_loop3A_609 = arith.addf %parallel_loop3A_606, %parallel_loop3A_607 : vector<16xf32>
      %parallel_loop3A_610 = arith.addf %parallel_loop3A_604, %parallel_loop3A_578 : vector<16xf32>
      %parallel_loop3A_611 = arith.addf %parallel_loop3A_608, %parallel_loop3A_588 : vector<16xf32>
      %parallel_loop3A_612 = arith.addf %parallel_loop3A_608, %parallel_loop3A_606 : vector<16xf32>
      %parallel_loop3A_613 = arith.addf %parallel_loop3A_608, %parallel_loop3A_606 : vector<16xf32>
      %parallel_loop3A_614 = arith.addf %parallel_loop3A_613, %parallel_loop3A_598 : vector<16xf32>
      %parallel_loop3A_615 = vector.broadcast %parallel_loop3A_562 : i32 to vector<16xi32>
      %parallel_loop3A_616 = arith.addi %add3A_4, %parallel_loop3A_615 : vector<16xi32>
      tpu.vector_store_idx %arg7[%parallel_loop3A_616], %parallel_loop3A_563 : memref<16384xf32, #tpu.memory_space<vmem>>[vector<16xi32>], vector<16xf32>,
      %parallel_loop3A_617 = arith.constant 1 : i32
      %parallel_loop3A_618 = arith.addi %parallel_loop3A_562, %parallel_loop3A_617 : i32
      %parallel_loop3A_619 = vector.broadcast %parallel_loop3A_618 : i32 to vector<16xi32>
      %parallel_loop3A_620 = arith.addi %add3A_4, %parallel_loop3A_619 : vector<16xi32>
      %parallel_loop3A_621 = arith.addf %parallel_loop3A_563, %parallel_loop3A_568 : vector<16xf32>
      tpu.vector_store_idx %arg7[%parallel_loop3A_620], %parallel_loop3A_621 : memref<16384xf32, #tpu.memory_space<vmem>>[vector<16xi32>], vector<16xf32>,
      %parallel_loop3A_622 = arith.constant 2 : i32
      %parallel_loop3A_623 = arith.addi %parallel_loop3A_562, %parallel_loop3A_622 : i32
      %parallel_loop3A_624 = vector.broadcast %parallel_loop3A_623 : i32 to vector<16xi32>
      %parallel_loop3A_625 = arith.addi %add3A_4, %parallel_loop3A_624 : vector<16xi32>
      %parallel_loop3A_626 = arith.addf %parallel_loop3A_563, %parallel_loop3A_604 : vector<16xf32>
      tpu.vector_store_idx %arg7[%parallel_loop3A_625], %parallel_loop3A_626 : memref<16384xf32, #tpu.memory_space<vmem>>[vector<16xi32>], vector<16xf32>,
      %parallel_loop3A_627 = arith.constant 3 : i32
      %parallel_loop3A_628 = arith.addi %parallel_loop3A_562, %parallel_loop3A_627 : i32
      %parallel_loop3A_629 = vector.broadcast %parallel_loop3A_628 : i32 to vector<16xi32>
      %parallel_loop3A_630 = arith.addi %add3A_4, %parallel_loop3A_629 : vector<16xi32>
      %parallel_loop3A_631 = arith.addf %parallel_loop3A_563, %parallel_loop3A_610 : vector<16xf32>
      tpu.vector_store_idx %arg7[%parallel_loop3A_630], %parallel_loop3A_631 : memref<16384xf32, #tpu.memory_space<vmem>>[vector<16xi32>], vector<16xf32>,
      %parallel_loop3A_632 = arith.constant 4 : i32
      %parallel_loop3A_633 = arith.addi %parallel_loop3A_562, %parallel_loop3A_632 : i32
      %parallel_loop3A_634 = vector.broadcast %parallel_loop3A_633 : i32 to vector<16xi32>
      %parallel_loop3A_635 = arith.addi %add3A_4, %parallel_loop3A_634 : vector<16xi32>
      %parallel_loop3A_636 = arith.addf %parallel_loop3A_563, %parallel_loop3A_608 : vector<16xf32>
      tpu.vector_store_idx %arg7[%parallel_loop3A_635], %parallel_loop3A_636 : memref<16384xf32, #tpu.memory_space<vmem>>[vector<16xi32>], vector<16xf32>,
      %parallel_loop3A_637 = arith.constant 5 : i32
      %parallel_loop3A_638 = arith.addi %parallel_loop3A_562, %parallel_loop3A_637 : i32
      %parallel_loop3A_639 = vector.broadcast %parallel_loop3A_638 : i32 to vector<16xi32>
      %parallel_loop3A_640 = arith.addi %add3A_4, %parallel_loop3A_639 : vector<16xi32>
      %parallel_loop3A_641 = arith.addf %parallel_loop3A_563, %parallel_loop3A_611 : vector<16xf32>
      tpu.vector_store_idx %arg7[%parallel_loop3A_640], %parallel_loop3A_641 : memref<16384xf32, #tpu.memory_space<vmem>>[vector<16xi32>], vector<16xf32>,
      %parallel_loop3A_642 = arith.constant 6 : i32
      %parallel_loop3A_643 = arith.addi %parallel_loop3A_562, %parallel_loop3A_642 : i32
      %parallel_loop3A_644 = vector.broadcast %parallel_loop3A_643 : i32 to vector<16xi32>
      %parallel_loop3A_645 = arith.addi %add3A_4, %parallel_loop3A_644 : vector<16xi32>
      %parallel_loop3A_646 = arith.addf %parallel_loop3A_563, %parallel_loop3A_612 : vector<16xf32>
      tpu.vector_store_idx %arg7[%parallel_loop3A_645], %parallel_loop3A_646 : memref<16384xf32, #tpu.memory_space<vmem>>[vector<16xi32>], vector<16xf32>,
      %parallel_loop3A_647 = arith.constant 7 : i32
      %parallel_loop3A_648 = arith.addi %parallel_loop3A_562, %parallel_loop3A_647 : i32
      %parallel_loop3A_649 = vector.broadcast %parallel_loop3A_648 : i32 to vector<16xi32>
      %parallel_loop3A_650 = arith.addi %add3A_4, %parallel_loop3A_649 : vector<16xi32>
      %parallel_loop3A_651 = arith.addf %parallel_loop3A_563, %parallel_loop3A_614 : vector<16xf32>
      tpu.vector_store_idx %arg7[%parallel_loop3A_650], %parallel_loop3A_651 : memref<16384xf32, #tpu.memory_space<vmem>>[vector<16xi32>], vector<16xf32>,
      %parallel_loop3A_652 = arith.addf %parallel_loop3A_608, %parallel_loop3A_609 : vector<16xf32>
      %parallel_loop3A_653 = arith.addf %parallel_loop3A_563, %parallel_loop3A_652 : vector<16xf32>
      scf.yield %parallel_loop3A_653 : vector<16xf32>
    } {sc.loop_unroll_factor = 2 : i64, sc.parallel_access}
    %scan3A_124 = arith.constant 1008 : i32
    %scan3A_125 = arith.constant 17 : i32
    %scan3A_126 = arith.addi %scan3A_124, %scan3A_125 : i32
    %scan3A_127 = arith.constant 1 : i32
    %scan3A_128 = scf.for %scan3A_562 = %scan3A_124 to %scan3A_126 step %scan3A_127 iter_args(%scan3A_563 = %parallel_loop3A_123) -> (vector<16xf32>)  : i32 {
      %lt3A_564 = vector.broadcast %scan3A_562 : i32 to vector<16xi32>
      %lt3A_565 = arith.cmpi slt, %lt3A_564, %select_n3A : vector<16xi32>
      %add3A_566 = vector.broadcast %scan3A_562 : i32 to vector<16xi32>
      %add3A_567 = arith.addi %add3A_4, %add3A_566 : vector<16xi32>
      %gather3A = tpu.vector_load_idx %arg5[%add3A_567] masked %lt3A_565 : memref<16384xf32, #tpu.memory_space<vmem>>[vector<16xi32>], vector<16xf32>, vector<16xi1>
      %add3A_568 = vector.broadcast %scan3A_562 : i32 to vector<16xi32>
      %add3A_569 = arith.addi %add3A_4, %add3A_568 : vector<16xi32>
      tpu.vector_store_idx %arg7[%add3A_569], %scan3A_563 masked %lt3A_565 : memref<16384xf32, #tpu.memory_space<vmem>>[vector<16xi32>], vector<16xf32>, vector<16xi1>
      %jit3A_570 = arith.constant 0.000000e+00 : f32
      %broadcast_in_dim3A_571 = vector.broadcast %jit3A_570 : f32 to vector<16xf32>
      %select_n3A_572 = arith.select %lt3A_565, %gather3A, %broadcast_in_dim3A_571 : vector<16xi1>, vector<16xf32>
      %add3A_573 = arith.addf %scan3A_563, %select_n3A_572 : vector<16xf32>
      scf.yield %add3A_573 : vector<16xf32>
    }
    %scan3A_129 = arith.constant 17 : i32
    %mul3A_130 = arith.constant 4 : i32
    %mul3A_131 = arith.muli %add3A, %mul3A_130 : i32
    %add3A_132 = arith.constant 0 : i32
    %add3A_133 = arith.addi %mul3A_131, %add3A_132 : i32
    %dma_start3A_134 = arith.constant 16384 : i32
    %dma_start3A_135 = tpu.memref_slice %arg3[%add3A_133, %dma_start3A_134] : memref<128x32768xf32, #tpu.memory_space<hbm>> -> memref<1x16384xf32, #tpu.memory_space<hbm>>
    %dma_start3A_136 = tpu.memref_squeeze %dma_start3A_135 : memref<1x16384xf32, #tpu.memory_space<hbm>> -> memref<16384xf32, #tpu.memory_space<hbm>>
    %dma_start3A_137 = arith.constant 16384 : i32
    %dma_start3A_138 = tpu.memref_slice %arg3[%add3A_133, %dma_start3A_137] : memref<128x32768xf32, #tpu.memory_space<hbm>> -> memref<1x16384xf32, #tpu.memory_space<hbm>>
    %dma_start3A_139 = tpu.memref_squeeze %dma_start3A_138 : memref<1x16384xf32, #tpu.memory_space<hbm>> -> memref<16384xf32, #tpu.memory_space<hbm>>
    tpu.enqueue_dma source(%arg7 : memref<16384xf32, #tpu.memory_space<vmem>>) target(%dma_start3A_139 : memref<16384xf32, #tpu.memory_space<hbm>>) target_semaphore(%arg11 : memref<!tpu.dma_semaphore, #tpu.memory_space<semaphore_mem>>)
    %dma_wait3A_140 = arith.constant 0 : i32
    %dma_wait3A_141 = tpu.memref_slice %arg2[%add3A_86, %dma_wait3A_140] : memref<128x32768xf32, #tpu.memory_space<hbm>> -> memref<1x16384xf32, #tpu.memory_space<hbm>>
    %dma_wait3A_142 = tpu.memref_squeeze %dma_wait3A_141 : memref<1x16384xf32, #tpu.memory_space<hbm>> -> memref<16384xf32, #tpu.memory_space<hbm>>
    %dma_wait3A_143 = arith.constant 0 : i32
    %dma_wait3A_144 = tpu.memref_slice %arg2[%add3A_86, %dma_wait3A_143] : memref<128x32768xf32, #tpu.memory_space<hbm>> -> memref<1x16384xf32, #tpu.memory_space<hbm>>
    %dma_wait3A_145 = tpu.memref_squeeze %dma_wait3A_144 : memref<1x16384xf32, #tpu.memory_space<hbm>> -> memref<16384xf32, #tpu.memory_space<hbm>>
    tpu.wait_dma2 semaphore(%arg8 : memref<!tpu.dma_semaphore, #tpu.memory_space<semaphore_mem>>) src(%dma_wait3A_145 : memref<16384xf32, #tpu.memory_space<hbm>>) dst(%arg4 : memref<16384xf32, #tpu.memory_space<vmem>>)
    %mul3A_146 = arith.constant 4 : i32
    %mul3A_147 = arith.muli %add3A, %mul3A_146 : i32
    %add3A_148 = arith.constant 1 : i32
    %add3A_149 = arith.addi %mul3A_147, %add3A_148 : i32
    %dma_start3A_150 = arith.constant 16384 : i32
    %dma_start3A_151 = tpu.memref_slice %arg2[%add3A_149, %dma_start3A_150] : memref<128x32768xf32, #tpu.memory_space<hbm>> -> memref<1x16384xf32, #tpu.memory_space<hbm>>
    %dma_start3A_152 = tpu.memref_squeeze %dma_start3A_151 : memref<1x16384xf32, #tpu.memory_space<hbm>> -> memref<16384xf32, #tpu.memory_space<hbm>>
    %dma_start3A_153 = arith.constant 16384 : i32
    %dma_start3A_154 = tpu.memref_slice %arg2[%add3A_149, %dma_start3A_153] : memref<128x32768xf32, #tpu.memory_space<hbm>> -> memref<1x16384xf32, #tpu.memory_space<hbm>>
    %dma_start3A_155 = tpu.memref_squeeze %dma_start3A_154 : memref<1x16384xf32, #tpu.memory_space<hbm>> -> memref<16384xf32, #tpu.memory_space<hbm>>
    tpu.enqueue_dma source(%dma_start3A_155 : memref<16384xf32, #tpu.memory_space<hbm>>) target(%arg5 : memref<16384xf32, #tpu.memory_space<vmem>>) target_semaphore(%arg9 : memref<!tpu.dma_semaphore, #tpu.memory_space<semaphore_mem>>)
    %broadcast_in_dim3A_156 = arith.constant 0.000000e+00 : f32
    %broadcast_in_dim3A_157 = vector.broadcast %broadcast_in_dim3A_156 : f32 to vector<16xf32>
    %parallel_loop3A_158 = arith.constant 0 : i32
    %parallel_loop3A_159 = arith.constant 1008 : i32
    %parallel_loop3A_160 = arith.constant 4 : i32
    %parallel_loop3A_161:4 = scf.for %parallel_loop3A_562 = %parallel_loop3A_158 to %parallel_loop3A_159 step %parallel_loop3A_160 iter_args(%parallel_loop3A_563 = %broadcast_in_dim3A_157, %parallel_loop3A_564 = %broadcast_in_dim3A_157, %parallel_loop3A_565 = %broadcast_in_dim3A_157, %parallel_loop3A_566 = %broadcast_in_dim3A_157) -> (vector<16xf32>, vector<16xf32>, vector<16xf32>, vector<16xf32>)  : i32 {
      %parallel_loop3A_567 = vector.broadcast %parallel_loop3A_562 : i32 to vector<16xi32>
      %parallel_loop3A_568 = arith.addi %add3A_4, %parallel_loop3A_567 : vector<16xi32>
      %parallel_loop3A_569 = tpu.vector_load_idx %arg4[%parallel_loop3A_568] : memref<16384xf32, #tpu.memory_space<vmem>>[vector<16xi32>], vector<16xf32>,
      %parallel_loop3A_570 = arith.addf %parallel_loop3A_563, %parallel_loop3A_569 : vector<16xf32>
      %parallel_loop3A_571 = arith.constant 1 : i32
      %parallel_loop3A_572 = arith.addi %parallel_loop3A_562, %parallel_loop3A_571 : i32
      %parallel_loop3A_573 = vector.broadcast %parallel_loop3A_572 : i32 to vector<16xi32>
      %parallel_loop3A_574 = arith.addi %add3A_4, %parallel_loop3A_573 : vector<16xi32>
      %parallel_loop3A_575 = tpu.vector_load_idx %arg4[%parallel_loop3A_574] : memref<16384xf32, #tpu.memory_space<vmem>>[vector<16xi32>], vector<16xf32>,
      %parallel_loop3A_576 = arith.addf %parallel_loop3A_564, %parallel_loop3A_575 : vector<16xf32>
      %parallel_loop3A_577 = arith.constant 2 : i32
      %parallel_loop3A_578 = arith.addi %parallel_loop3A_562, %parallel_loop3A_577 : i32
      %parallel_loop3A_579 = vector.broadcast %parallel_loop3A_578 : i32 to vector<16xi32>
      %parallel_loop3A_580 = arith.addi %add3A_4, %parallel_loop3A_579 : vector<16xi32>
      %parallel_loop3A_581 = tpu.vector_load_idx %arg4[%parallel_loop3A_580] : memref<16384xf32, #tpu.memory_space<vmem>>[vector<16xi32>], vector<16xf32>,
      %parallel_loop3A_582 = arith.addf %parallel_loop3A_565, %parallel_loop3A_581 : vector<16xf32>
      %parallel_loop3A_583 = arith.constant 3 : i32
      %parallel_loop3A_584 = arith.addi %parallel_loop3A_562, %parallel_loop3A_583 : i32
      %parallel_loop3A_585 = vector.broadcast %parallel_loop3A_584 : i32 to vector<16xi32>
      %parallel_loop3A_586 = arith.addi %add3A_4, %parallel_loop3A_585 : vector<16xi32>
      %parallel_loop3A_587 = tpu.vector_load_idx %arg4[%parallel_loop3A_586] : memref<16384xf32, #tpu.memory_space<vmem>>[vector<16xi32>], vector<16xf32>,
      %parallel_loop3A_588 = arith.addf %parallel_loop3A_566, %parallel_loop3A_587 : vector<16xf32>
      scf.yield %parallel_loop3A_570, %parallel_loop3A_576, %parallel_loop3A_582, %parallel_loop3A_588 : vector<16xf32>, vector<16xf32>, vector<16xf32>, vector<16xf32>
    } {sc.loop_unroll_factor = 4 : i64, sc.parallel_access}
    %scan3A_162 = arith.constant 1008 : i32
    %scan3A_163 = arith.constant 17 : i32
    %scan3A_164 = arith.addi %scan3A_162, %scan3A_163 : i32
    %scan3A_165 = arith.constant 1 : i32
    %scan3A_166 = scf.for %scan3A_562 = %scan3A_162 to %scan3A_164 step %scan3A_165 iter_args(%scan3A_563 = %broadcast_in_dim3A_157) -> (vector<16xf32>)  : i32 {
      %lt3A_564 = vector.broadcast %scan3A_562 : i32 to vector<16xi32>
      %lt3A_565 = arith.cmpi slt, %lt3A_564, %select_n3A : vector<16xi32>
      %add3A_566 = vector.broadcast %scan3A_562 : i32 to vector<16xi32>
      %add3A_567 = arith.addi %add3A_4, %add3A_566 : vector<16xi32>
      %gather3A = tpu.vector_load_idx %arg4[%add3A_567] masked %lt3A_565 : memref<16384xf32, #tpu.memory_space<vmem>>[vector<16xi32>], vector<16xf32>, vector<16xi1>
      %jit3A_568 = arith.constant 0.000000e+00 : f32
      %broadcast_in_dim3A_569 = vector.broadcast %jit3A_568 : f32 to vector<16xf32>
      %select_n3A_570 = arith.select %lt3A_565, %gather3A, %broadcast_in_dim3A_569 : vector<16xi1>, vector<16xf32>
      %add3A_571 = arith.addf %scan3A_563, %select_n3A_570 : vector<16xf32>
      scf.yield %add3A_571 : vector<16xf32>
    }
    %scan3A_167 = arith.constant 17 : i32
    %add3A_168 = arith.addf %parallel_loop3A_161#0, %parallel_loop3A_161#1 : vector<16xf32>
    %add3A_169 = arith.addf %parallel_loop3A_161#2, %parallel_loop3A_161#3 : vector<16xf32>
    %add3A_170 = arith.addf %add3A_168, %add3A_169 : vector<16xf32>
    %add3A_171 = arith.addf %add3A_170, %scan3A_166 : vector<16xf32>
    %broadcast_in_dim3A_172 = arith.constant true
    %broadcast_in_dim3A_173 = vector.broadcast %broadcast_in_dim3A_172 : i1 to vector<16xi1>
    %masked_cumsum3A_174 = tpu.scan <sum>, %add3A_171 masked %broadcast_in_dim3A_173 : vector<16xf32>, vector<16xi1> -> vector<16xf32>
    %sub3A_175 = arith.subf %masked_cumsum3A_174, %add3A_171 : vector<16xf32>
    %add3A_176 = arith.constant 0.000000e+00 : f32
    %add3A_177 = vector.broadcast %add3A_176 : f32 to vector<16xf32>
    %add3A_178 = arith.addf %sub3A_175, %add3A_177 : vector<16xf32>
    %reduce_sum3A_179 = arith.constant true
    %reduce_sum3A_180 = vector.broadcast %reduce_sum3A_179 : i1 to vector<16xi1>
    %reduce_sum3A_181 = tpu.scan <sum>, %add3A_171 masked %reduce_sum3A_180 : vector<16xf32>, vector<16xi1> -> vector<16xf32>
    %reduce_sum3A_182 = vector.extract %reduce_sum3A_181[15] : f32 from vector<16xf32>
    %add3A_183 = arith.constant 0.000000e+00 : f32
    %add3A_184 = arith.addf %add3A_183, %reduce_sum3A_182 : f32
    %dma_wait3A_185 = arith.constant 0 : i32
    %dma_wait3A_186 = tpu.memref_slice %arg3[%add3A_70, %dma_wait3A_185] : memref<128x32768xf32, #tpu.memory_space<hbm>> -> memref<1x16384xf32, #tpu.memory_space<hbm>>
    %dma_wait3A_187 = tpu.memref_squeeze %dma_wait3A_186 : memref<1x16384xf32, #tpu.memory_space<hbm>> -> memref<16384xf32, #tpu.memory_space<hbm>>
    %dma_wait3A_188 = arith.constant 0 : i32
    %dma_wait3A_189 = tpu.memref_slice %arg3[%add3A_70, %dma_wait3A_188] : memref<128x32768xf32, #tpu.memory_space<hbm>> -> memref<1x16384xf32, #tpu.memory_space<hbm>>
    %dma_wait3A_190 = tpu.memref_squeeze %dma_wait3A_189 : memref<1x16384xf32, #tpu.memory_space<hbm>> -> memref<16384xf32, #tpu.memory_space<hbm>>
    tpu.wait_dma2 semaphore(%arg10 : memref<!tpu.dma_semaphore, #tpu.memory_space<semaphore_mem>>) src(%arg6 : memref<16384xf32, #tpu.memory_space<vmem>>) dst(%dma_wait3A_190 : memref<16384xf32, #tpu.memory_space<hbm>>)
    %parallel_loop3A_191 = arith.constant 0 : i32
    %parallel_loop3A_192 = arith.constant 1008 : i32
    %parallel_loop3A_193 = arith.constant 8 : i32
    %parallel_loop3A_194 = scf.for %parallel_loop3A_562 = %parallel_loop3A_191 to %parallel_loop3A_192 step %parallel_loop3A_193 iter_args(%parallel_loop3A_563 = %add3A_178) -> (vector<16xf32>)  : i32 {
      %parallel_loop3A_564 = arith.constant 0 : i32
      %parallel_loop3A_565 = arith.addi %parallel_loop3A_562, %parallel_loop3A_564 : i32
      %parallel_loop3A_566 = vector.broadcast %parallel_loop3A_565 : i32 to vector<16xi32>
      %parallel_loop3A_567 = arith.addi %add3A_4, %parallel_loop3A_566 : vector<16xi32>
      %parallel_loop3A_568 = tpu.vector_load_idx %arg4[%parallel_loop3A_567] : memref<16384xf32, #tpu.memory_space<vmem>>[vector<16xi32>], vector<16xf32>,
      %parallel_loop3A_569 = arith.constant 1 : i32
      %parallel_loop3A_570 = arith.addi %parallel_loop3A_562, %parallel_loop3A_569 : i32
      %parallel_loop3A_571 = vector.broadcast %parallel_loop3A_570 : i32 to vector<16xi32>
      %parallel_loop3A_572 = arith.addi %add3A_4, %parallel_loop3A_571 : vector<16xi32>
      %parallel_loop3A_573 = tpu.vector_load_idx %arg4[%parallel_loop3A_572] : memref<16384xf32, #tpu.memory_space<vmem>>[vector<16xi32>], vector<16xf32>,
      %parallel_loop3A_574 = arith.constant 2 : i32
      %parallel_loop3A_575 = arith.addi %parallel_loop3A_562, %parallel_loop3A_574 : i32
      %parallel_loop3A_576 = vector.broadcast %parallel_loop3A_575 : i32 to vector<16xi32>
      %parallel_loop3A_577 = arith.addi %add3A_4, %parallel_loop3A_576 : vector<16xi32>
      %parallel_loop3A_578 = tpu.vector_load_idx %arg4[%parallel_loop3A_577] : memref<16384xf32, #tpu.memory_space<vmem>>[vector<16xi32>], vector<16xf32>,
      %parallel_loop3A_579 = arith.constant 3 : i32
      %parallel_loop3A_580 = arith.addi %parallel_loop3A_562, %parallel_loop3A_579 : i32
      %parallel_loop3A_581 = vector.broadcast %parallel_loop3A_580 : i32 to vector<16xi32>
      %parallel_loop3A_582 = arith.addi %add3A_4, %parallel_loop3A_581 : vector<16xi32>
      %parallel_loop3A_583 = tpu.vector_load_idx %arg4[%parallel_loop3A_582] : memref<16384xf32, #tpu.memory_space<vmem>>[vector<16xi32>], vector<16xf32>,
      %parallel_loop3A_584 = arith.constant 4 : i32
      %parallel_loop3A_585 = arith.addi %parallel_loop3A_562, %parallel_loop3A_584 : i32
      %parallel_loop3A_586 = vector.broadcast %parallel_loop3A_585 : i32 to vector<16xi32>
      %parallel_loop3A_587 = arith.addi %add3A_4, %parallel_loop3A_586 : vector<16xi32>
      %parallel_loop3A_588 = tpu.vector_load_idx %arg4[%parallel_loop3A_587] : memref<16384xf32, #tpu.memory_space<vmem>>[vector<16xi32>], vector<16xf32>,
      %parallel_loop3A_589 = arith.constant 5 : i32
      %parallel_loop3A_590 = arith.addi %parallel_loop3A_562, %parallel_loop3A_589 : i32
      %parallel_loop3A_591 = vector.broadcast %parallel_loop3A_590 : i32 to vector<16xi32>
      %parallel_loop3A_592 = arith.addi %add3A_4, %parallel_loop3A_591 : vector<16xi32>
      %parallel_loop3A_593 = tpu.vector_load_idx %arg4[%parallel_loop3A_592] : memref<16384xf32, #tpu.memory_space<vmem>>[vector<16xi32>], vector<16xf32>,
      %parallel_loop3A_594 = arith.constant 6 : i32
      %parallel_loop3A_595 = arith.addi %parallel_loop3A_562, %parallel_loop3A_594 : i32
      %parallel_loop3A_596 = vector.broadcast %parallel_loop3A_595 : i32 to vector<16xi32>
      %parallel_loop3A_597 = arith.addi %add3A_4, %parallel_loop3A_596 : vector<16xi32>
      %parallel_loop3A_598 = tpu.vector_load_idx %arg4[%parallel_loop3A_597] : memref<16384xf32, #tpu.memory_space<vmem>>[vector<16xi32>], vector<16xf32>,
      %parallel_loop3A_599 = arith.constant 7 : i32
      %parallel_loop3A_600 = arith.addi %parallel_loop3A_562, %parallel_loop3A_599 : i32
      %parallel_loop3A_601 = vector.broadcast %parallel_loop3A_600 : i32 to vector<16xi32>
      %parallel_loop3A_602 = arith.addi %add3A_4, %parallel_loop3A_601 : vector<16xi32>
      %parallel_loop3A_603 = tpu.vector_load_idx %arg4[%parallel_loop3A_602] : memref<16384xf32, #tpu.memory_space<vmem>>[vector<16xi32>], vector<16xf32>,
      %parallel_loop3A_604 = arith.addf %parallel_loop3A_568, %parallel_loop3A_573 : vector<16xf32>
      %parallel_loop3A_605 = arith.addf %parallel_loop3A_578, %parallel_loop3A_583 : vector<16xf32>
      %parallel_loop3A_606 = arith.addf %parallel_loop3A_588, %parallel_loop3A_593 : vector<16xf32>
      %parallel_loop3A_607 = arith.addf %parallel_loop3A_598, %parallel_loop3A_603 : vector<16xf32>
      %parallel_loop3A_608 = arith.addf %parallel_loop3A_604, %parallel_loop3A_605 : vector<16xf32>
      %parallel_loop3A_609 = arith.addf %parallel_loop3A_606, %parallel_loop3A_607 : vector<16xf32>
      %parallel_loop3A_610 = arith.addf %parallel_loop3A_604, %parallel_loop3A_578 : vector<16xf32>
      %parallel_loop3A_611 = arith.addf %parallel_loop3A_608, %parallel_loop3A_588 : vector<16xf32>
      %parallel_loop3A_612 = arith.addf %parallel_loop3A_608, %parallel_loop3A_606 : vector<16xf32>
      %parallel_loop3A_613 = arith.addf %parallel_loop3A_608, %parallel_loop3A_606 : vector<16xf32>
      %parallel_loop3A_614 = arith.addf %parallel_loop3A_613, %parallel_loop3A_598 : vector<16xf32>
      %parallel_loop3A_615 = vector.broadcast %parallel_loop3A_562 : i32 to vector<16xi32>
      %parallel_loop3A_616 = arith.addi %add3A_4, %parallel_loop3A_615 : vector<16xi32>
      tpu.vector_store_idx %arg6[%parallel_loop3A_616], %parallel_loop3A_563 : memref<16384xf32, #tpu.memory_space<vmem>>[vector<16xi32>], vector<16xf32>,
      %parallel_loop3A_617 = arith.constant 1 : i32
      %parallel_loop3A_618 = arith.addi %parallel_loop3A_562, %parallel_loop3A_617 : i32
      %parallel_loop3A_619 = vector.broadcast %parallel_loop3A_618 : i32 to vector<16xi32>
      %parallel_loop3A_620 = arith.addi %add3A_4, %parallel_loop3A_619 : vector<16xi32>
      %parallel_loop3A_621 = arith.addf %parallel_loop3A_563, %parallel_loop3A_568 : vector<16xf32>
      tpu.vector_store_idx %arg6[%parallel_loop3A_620], %parallel_loop3A_621 : memref<16384xf32, #tpu.memory_space<vmem>>[vector<16xi32>], vector<16xf32>,
      %parallel_loop3A_622 = arith.constant 2 : i32
      %parallel_loop3A_623 = arith.addi %parallel_loop3A_562, %parallel_loop3A_622 : i32
      %parallel_loop3A_624 = vector.broadcast %parallel_loop3A_623 : i32 to vector<16xi32>
      %parallel_loop3A_625 = arith.addi %add3A_4, %parallel_loop3A_624 : vector<16xi32>
      %parallel_loop3A_626 = arith.addf %parallel_loop3A_563, %parallel_loop3A_604 : vector<16xf32>
      tpu.vector_store_idx %arg6[%parallel_loop3A_625], %parallel_loop3A_626 : memref<16384xf32, #tpu.memory_space<vmem>>[vector<16xi32>], vector<16xf32>,
      %parallel_loop3A_627 = arith.constant 3 : i32
      %parallel_loop3A_628 = arith.addi %parallel_loop3A_562, %parallel_loop3A_627 : i32
      %parallel_loop3A_629 = vector.broadcast %parallel_loop3A_628 : i32 to vector<16xi32>
      %parallel_loop3A_630 = arith.addi %add3A_4, %parallel_loop3A_629 : vector<16xi32>
      %parallel_loop3A_631 = arith.addf %parallel_loop3A_563, %parallel_loop3A_610 : vector<16xf32>
      tpu.vector_store_idx %arg6[%parallel_loop3A_630], %parallel_loop3A_631 : memref<16384xf32, #tpu.memory_space<vmem>>[vector<16xi32>], vector<16xf32>,
      %parallel_loop3A_632 = arith.constant 4 : i32
      %parallel_loop3A_633 = arith.addi %parallel_loop3A_562, %parallel_loop3A_632 : i32
      %parallel_loop3A_634 = vector.broadcast %parallel_loop3A_633 : i32 to vector<16xi32>
      %parallel_loop3A_635 = arith.addi %add3A_4, %parallel_loop3A_634 : vector<16xi32>
      %parallel_loop3A_636 = arith.addf %parallel_loop3A_563, %parallel_loop3A_608 : vector<16xf32>
      tpu.vector_store_idx %arg6[%parallel_loop3A_635], %parallel_loop3A_636 : memref<16384xf32, #tpu.memory_space<vmem>>[vector<16xi32>], vector<16xf32>,
      %parallel_loop3A_637 = arith.constant 5 : i32
      %parallel_loop3A_638 = arith.addi %parallel_loop3A_562, %parallel_loop3A_637 : i32
      %parallel_loop3A_639 = vector.broadcast %parallel_loop3A_638 : i32 to vector<16xi32>
      %parallel_loop3A_640 = arith.addi %add3A_4, %parallel_loop3A_639 : vector<16xi32>
      %parallel_loop3A_641 = arith.addf %parallel_loop3A_563, %parallel_loop3A_611 : vector<16xf32>
      tpu.vector_store_idx %arg6[%parallel_loop3A_640], %parallel_loop3A_641 : memref<16384xf32, #tpu.memory_space<vmem>>[vector<16xi32>], vector<16xf32>,
      %parallel_loop3A_642 = arith.constant 6 : i32
      %parallel_loop3A_643 = arith.addi %parallel_loop3A_562, %parallel_loop3A_642 : i32
      %parallel_loop3A_644 = vector.broadcast %parallel_loop3A_643 : i32 to vector<16xi32>
      %parallel_loop3A_645 = arith.addi %add3A_4, %parallel_loop3A_644 : vector<16xi32>
      %parallel_loop3A_646 = arith.addf %parallel_loop3A_563, %parallel_loop3A_612 : vector<16xf32>
      tpu.vector_store_idx %arg6[%parallel_loop3A_645], %parallel_loop3A_646 : memref<16384xf32, #tpu.memory_space<vmem>>[vector<16xi32>], vector<16xf32>,
      %parallel_loop3A_647 = arith.constant 7 : i32
      %parallel_loop3A_648 = arith.addi %parallel_loop3A_562, %parallel_loop3A_647 : i32
      %parallel_loop3A_649 = vector.broadcast %parallel_loop3A_648 : i32 to vector<16xi32>
      %parallel_loop3A_650 = arith.addi %add3A_4, %parallel_loop3A_649 : vector<16xi32>
      %parallel_loop3A_651 = arith.addf %parallel_loop3A_563, %parallel_loop3A_614 : vector<16xf32>
      tpu.vector_store_idx %arg6[%parallel_loop3A_650], %parallel_loop3A_651 : memref<16384xf32, #tpu.memory_space<vmem>>[vector<16xi32>], vector<16xf32>,
      %parallel_loop3A_652 = arith.addf %parallel_loop3A_608, %parallel_loop3A_609 : vector<16xf32>
      %parallel_loop3A_653 = arith.addf %parallel_loop3A_563, %parallel_loop3A_652 : vector<16xf32>
      scf.yield %parallel_loop3A_653 : vector<16xf32>
    } {sc.loop_unroll_factor = 2 : i64, sc.parallel_access}
    %scan3A_195 = arith.constant 1008 : i32
    %scan3A_196 = arith.constant 17 : i32
    %scan3A_197 = arith.addi %scan3A_195, %scan3A_196 : i32
    %scan3A_198 = arith.constant 1 : i32
    %scan3A_199 = scf.for %scan3A_562 = %scan3A_195 to %scan3A_197 step %scan3A_198 iter_args(%scan3A_563 = %parallel_loop3A_194) -> (vector<16xf32>)  : i32 {
      %lt3A_564 = vector.broadcast %scan3A_562 : i32 to vector<16xi32>
      %lt3A_565 = arith.cmpi slt, %lt3A_564, %select_n3A : vector<16xi32>
      %add3A_566 = vector.broadcast %scan3A_562 : i32 to vector<16xi32>
      %add3A_567 = arith.addi %add3A_4, %add3A_566 : vector<16xi32>
      %gather3A = tpu.vector_load_idx %arg4[%add3A_567] masked %lt3A_565 : memref<16384xf32, #tpu.memory_space<vmem>>[vector<16xi32>], vector<16xf32>, vector<16xi1>
      %add3A_568 = vector.broadcast %scan3A_562 : i32 to vector<16xi32>
      %add3A_569 = arith.addi %add3A_4, %add3A_568 : vector<16xi32>
      tpu.vector_store_idx %arg6[%add3A_569], %scan3A_563 masked %lt3A_565 : memref<16384xf32, #tpu.memory_space<vmem>>[vector<16xi32>], vector<16xf32>, vector<16xi1>
      %jit3A_570 = arith.constant 0.000000e+00 : f32
      %broadcast_in_dim3A_571 = vector.broadcast %jit3A_570 : f32 to vector<16xf32>
      %select_n3A_572 = arith.select %lt3A_565, %gather3A, %broadcast_in_dim3A_571 : vector<16xi1>, vector<16xf32>
      %add3A_573 = arith.addf %scan3A_563, %select_n3A_572 : vector<16xf32>
      scf.yield %add3A_573 : vector<16xf32>
    }
    %scan3A_200 = arith.constant 17 : i32
    %mul3A_201 = arith.constant 4 : i32
    %mul3A_202 = arith.muli %add3A, %mul3A_201 : i32
    %add3A_203 = arith.constant 1 : i32
    %add3A_204 = arith.addi %mul3A_202, %add3A_203 : i32
    %dma_start3A_205 = arith.constant 0 : i32
    %dma_start3A_206 = tpu.memref_slice %arg3[%add3A_204, %dma_start3A_205] : memref<128x32768xf32, #tpu.memory_space<hbm>> -> memref<1x16384xf32, #tpu.memory_space<hbm>>
    %dma_start3A_207 = tpu.memref_squeeze %dma_start3A_206 : memref<1x16384xf32, #tpu.memory_space<hbm>> -> memref<16384xf32, #tpu.memory_space<hbm>>
    %dma_start3A_208 = arith.constant 0 : i32
    %dma_start3A_209 = tpu.memref_slice %arg3[%add3A_204, %dma_start3A_208] : memref<128x32768xf32, #tpu.memory_space<hbm>> -> memref<1x16384xf32, #tpu.memory_space<hbm>>
    %dma_start3A_210 = tpu.memref_squeeze %dma_start3A_209 : memref<1x16384xf32, #tpu.memory_space<hbm>> -> memref<16384xf32, #tpu.memory_space<hbm>>
    tpu.enqueue_dma source(%arg6 : memref<16384xf32, #tpu.memory_space<vmem>>) target(%dma_start3A_210 : memref<16384xf32, #tpu.memory_space<hbm>>) target_semaphore(%arg10 : memref<!tpu.dma_semaphore, #tpu.memory_space<semaphore_mem>>)
    %dma_wait3A_211 = arith.constant 16384 : i32
    %dma_wait3A_212 = tpu.memref_slice %arg2[%add3A_149, %dma_wait3A_211] : memref<128x32768xf32, #tpu.memory_space<hbm>> -> memref<1x16384xf32, #tpu.memory_space<hbm>>
    %dma_wait3A_213 = tpu.memref_squeeze %dma_wait3A_212 : memref<1x16384xf32, #tpu.memory_space<hbm>> -> memref<16384xf32, #tpu.memory_space<hbm>>
    %dma_wait3A_214 = arith.constant 16384 : i32
    %dma_wait3A_215 = tpu.memref_slice %arg2[%add3A_149, %dma_wait3A_214] : memref<128x32768xf32, #tpu.memory_space<hbm>> -> memref<1x16384xf32, #tpu.memory_space<hbm>>
    %dma_wait3A_216 = tpu.memref_squeeze %dma_wait3A_215 : memref<1x16384xf32, #tpu.memory_space<hbm>> -> memref<16384xf32, #tpu.memory_space<hbm>>
    tpu.wait_dma2 semaphore(%arg9 : memref<!tpu.dma_semaphore, #tpu.memory_space<semaphore_mem>>) src(%dma_wait3A_216 : memref<16384xf32, #tpu.memory_space<hbm>>) dst(%arg5 : memref<16384xf32, #tpu.memory_space<vmem>>)
    %mul3A_217 = arith.constant 4 : i32
    %mul3A_218 = arith.muli %add3A, %mul3A_217 : i32
    %add3A_219 = arith.constant 2 : i32
    %add3A_220 = arith.addi %mul3A_218, %add3A_219 : i32
    %dma_start3A_221 = arith.constant 0 : i32
    %dma_start3A_222 = tpu.memref_slice %arg2[%add3A_220, %dma_start3A_221] : memref<128x32768xf32, #tpu.memory_space<hbm>> -> memref<1x16384xf32, #tpu.memory_space<hbm>>
    %dma_start3A_223 = tpu.memref_squeeze %dma_start3A_222 : memref<1x16384xf32, #tpu.memory_space<hbm>> -> memref<16384xf32, #tpu.memory_space<hbm>>
    %dma_start3A_224 = arith.constant 0 : i32
    %dma_start3A_225 = tpu.memref_slice %arg2[%add3A_220, %dma_start3A_224] : memref<128x32768xf32, #tpu.memory_space<hbm>> -> memref<1x16384xf32, #tpu.memory_space<hbm>>
    %dma_start3A_226 = tpu.memref_squeeze %dma_start3A_225 : memref<1x16384xf32, #tpu.memory_space<hbm>> -> memref<16384xf32, #tpu.memory_space<hbm>>
    tpu.enqueue_dma source(%dma_start3A_226 : memref<16384xf32, #tpu.memory_space<hbm>>) target(%arg4 : memref<16384xf32, #tpu.memory_space<vmem>>) target_semaphore(%arg8 : memref<!tpu.dma_semaphore, #tpu.memory_space<semaphore_mem>>)
    %broadcast_in_dim3A_227 = arith.constant 0.000000e+00 : f32
    %broadcast_in_dim3A_228 = vector.broadcast %broadcast_in_dim3A_227 : f32 to vector<16xf32>
    %parallel_loop3A_229 = arith.constant 0 : i32
    %parallel_loop3A_230 = arith.constant 1008 : i32
    %parallel_loop3A_231 = arith.constant 4 : i32
    %parallel_loop3A_232:4 = scf.for %parallel_loop3A_562 = %parallel_loop3A_229 to %parallel_loop3A_230 step %parallel_loop3A_231 iter_args(%parallel_loop3A_563 = %broadcast_in_dim3A_228, %parallel_loop3A_564 = %broadcast_in_dim3A_228, %parallel_loop3A_565 = %broadcast_in_dim3A_228, %parallel_loop3A_566 = %broadcast_in_dim3A_228) -> (vector<16xf32>, vector<16xf32>, vector<16xf32>, vector<16xf32>)  : i32 {
      %parallel_loop3A_567 = vector.broadcast %parallel_loop3A_562 : i32 to vector<16xi32>
      %parallel_loop3A_568 = arith.addi %add3A_4, %parallel_loop3A_567 : vector<16xi32>
      %parallel_loop3A_569 = tpu.vector_load_idx %arg5[%parallel_loop3A_568] : memref<16384xf32, #tpu.memory_space<vmem>>[vector<16xi32>], vector<16xf32>,
      %parallel_loop3A_570 = arith.addf %parallel_loop3A_563, %parallel_loop3A_569 : vector<16xf32>
      %parallel_loop3A_571 = arith.constant 1 : i32
      %parallel_loop3A_572 = arith.addi %parallel_loop3A_562, %parallel_loop3A_571 : i32
      %parallel_loop3A_573 = vector.broadcast %parallel_loop3A_572 : i32 to vector<16xi32>
      %parallel_loop3A_574 = arith.addi %add3A_4, %parallel_loop3A_573 : vector<16xi32>
      %parallel_loop3A_575 = tpu.vector_load_idx %arg5[%parallel_loop3A_574] : memref<16384xf32, #tpu.memory_space<vmem>>[vector<16xi32>], vector<16xf32>,
      %parallel_loop3A_576 = arith.addf %parallel_loop3A_564, %parallel_loop3A_575 : vector<16xf32>
      %parallel_loop3A_577 = arith.constant 2 : i32
      %parallel_loop3A_578 = arith.addi %parallel_loop3A_562, %parallel_loop3A_577 : i32
      %parallel_loop3A_579 = vector.broadcast %parallel_loop3A_578 : i32 to vector<16xi32>
      %parallel_loop3A_580 = arith.addi %add3A_4, %parallel_loop3A_579 : vector<16xi32>
      %parallel_loop3A_581 = tpu.vector_load_idx %arg5[%parallel_loop3A_580] : memref<16384xf32, #tpu.memory_space<vmem>>[vector<16xi32>], vector<16xf32>,
      %parallel_loop3A_582 = arith.addf %parallel_loop3A_565, %parallel_loop3A_581 : vector<16xf32>
      %parallel_loop3A_583 = arith.constant 3 : i32
      %parallel_loop3A_584 = arith.addi %parallel_loop3A_562, %parallel_loop3A_583 : i32
      %parallel_loop3A_585 = vector.broadcast %parallel_loop3A_584 : i32 to vector<16xi32>
      %parallel_loop3A_586 = arith.addi %add3A_4, %parallel_loop3A_585 : vector<16xi32>
      %parallel_loop3A_587 = tpu.vector_load_idx %arg5[%parallel_loop3A_586] : memref<16384xf32, #tpu.memory_space<vmem>>[vector<16xi32>], vector<16xf32>,
      %parallel_loop3A_588 = arith.addf %parallel_loop3A_566, %parallel_loop3A_587 : vector<16xf32>
      scf.yield %parallel_loop3A_570, %parallel_loop3A_576, %parallel_loop3A_582, %parallel_loop3A_588 : vector<16xf32>, vector<16xf32>, vector<16xf32>, vector<16xf32>
    } {sc.loop_unroll_factor = 4 : i64, sc.parallel_access}
    %scan3A_233 = arith.constant 1008 : i32
    %scan3A_234 = arith.constant 17 : i32
    %scan3A_235 = arith.addi %scan3A_233, %scan3A_234 : i32
    %scan3A_236 = arith.constant 1 : i32
    %scan3A_237 = scf.for %scan3A_562 = %scan3A_233 to %scan3A_235 step %scan3A_236 iter_args(%scan3A_563 = %broadcast_in_dim3A_228) -> (vector<16xf32>)  : i32 {
      %lt3A_564 = vector.broadcast %scan3A_562 : i32 to vector<16xi32>
      %lt3A_565 = arith.cmpi slt, %lt3A_564, %select_n3A : vector<16xi32>
      %add3A_566 = vector.broadcast %scan3A_562 : i32 to vector<16xi32>
      %add3A_567 = arith.addi %add3A_4, %add3A_566 : vector<16xi32>
      %gather3A = tpu.vector_load_idx %arg5[%add3A_567] masked %lt3A_565 : memref<16384xf32, #tpu.memory_space<vmem>>[vector<16xi32>], vector<16xf32>, vector<16xi1>
      %jit3A_568 = arith.constant 0.000000e+00 : f32
      %broadcast_in_dim3A_569 = vector.broadcast %jit3A_568 : f32 to vector<16xf32>
      %select_n3A_570 = arith.select %lt3A_565, %gather3A, %broadcast_in_dim3A_569 : vector<16xi1>, vector<16xf32>
      %add3A_571 = arith.addf %scan3A_563, %select_n3A_570 : vector<16xf32>
      scf.yield %add3A_571 : vector<16xf32>
    }
    %scan3A_238 = arith.constant 17 : i32
    %add3A_239 = arith.addf %parallel_loop3A_232#0, %parallel_loop3A_232#1 : vector<16xf32>
    %add3A_240 = arith.addf %parallel_loop3A_232#2, %parallel_loop3A_232#3 : vector<16xf32>
    %add3A_241 = arith.addf %add3A_239, %add3A_240 : vector<16xf32>
    %add3A_242 = arith.addf %add3A_241, %scan3A_237 : vector<16xf32>
    %broadcast_in_dim3A_243 = arith.constant true
    %broadcast_in_dim3A_244 = vector.broadcast %broadcast_in_dim3A_243 : i1 to vector<16xi1>
    %masked_cumsum3A_245 = tpu.scan <sum>, %add3A_242 masked %broadcast_in_dim3A_244 : vector<16xf32>, vector<16xi1> -> vector<16xf32>
    %sub3A_246 = arith.subf %masked_cumsum3A_245, %add3A_242 : vector<16xf32>
    %add3A_247 = vector.broadcast %add3A_184 : f32 to vector<16xf32>
    %add3A_248 = arith.addf %sub3A_246, %add3A_247 : vector<16xf32>
    %reduce_sum3A_249 = arith.constant true
    %reduce_sum3A_250 = vector.broadcast %reduce_sum3A_249 : i1 to vector<16xi1>
    %reduce_sum3A_251 = tpu.scan <sum>, %add3A_242 masked %reduce_sum3A_250 : vector<16xf32>, vector<16xi1> -> vector<16xf32>
    %reduce_sum3A_252 = vector.extract %reduce_sum3A_251[15] : f32 from vector<16xf32>
    %add3A_253 = arith.addf %add3A_184, %reduce_sum3A_252 : f32
    %dma_wait3A_254 = arith.constant 16384 : i32
    %dma_wait3A_255 = tpu.memref_slice %arg3[%add3A_133, %dma_wait3A_254] : memref<128x32768xf32, #tpu.memory_space<hbm>> -> memref<1x16384xf32, #tpu.memory_space<hbm>>
    %dma_wait3A_256 = tpu.memref_squeeze %dma_wait3A_255 : memref<1x16384xf32, #tpu.memory_space<hbm>> -> memref<16384xf32, #tpu.memory_space<hbm>>
    %dma_wait3A_257 = arith.constant 16384 : i32
    %dma_wait3A_258 = tpu.memref_slice %arg3[%add3A_133, %dma_wait3A_257] : memref<128x32768xf32, #tpu.memory_space<hbm>> -> memref<1x16384xf32, #tpu.memory_space<hbm>>
    %dma_wait3A_259 = tpu.memref_squeeze %dma_wait3A_258 : memref<1x16384xf32, #tpu.memory_space<hbm>> -> memref<16384xf32, #tpu.memory_space<hbm>>
    tpu.wait_dma2 semaphore(%arg11 : memref<!tpu.dma_semaphore, #tpu.memory_space<semaphore_mem>>) src(%arg7 : memref<16384xf32, #tpu.memory_space<vmem>>) dst(%dma_wait3A_259 : memref<16384xf32, #tpu.memory_space<hbm>>)
    %parallel_loop3A_260 = arith.constant 0 : i32
    %parallel_loop3A_261 = arith.constant 1008 : i32
    %parallel_loop3A_262 = arith.constant 8 : i32
    %parallel_loop3A_263 = scf.for %parallel_loop3A_562 = %parallel_loop3A_260 to %parallel_loop3A_261 step %parallel_loop3A_262 iter_args(%parallel_loop3A_563 = %add3A_248) -> (vector<16xf32>)  : i32 {
      %parallel_loop3A_564 = arith.constant 0 : i32
      %parallel_loop3A_565 = arith.addi %parallel_loop3A_562, %parallel_loop3A_564 : i32
      %parallel_loop3A_566 = vector.broadcast %parallel_loop3A_565 : i32 to vector<16xi32>
      %parallel_loop3A_567 = arith.addi %add3A_4, %parallel_loop3A_566 : vector<16xi32>
      %parallel_loop3A_568 = tpu.vector_load_idx %arg5[%parallel_loop3A_567] : memref<16384xf32, #tpu.memory_space<vmem>>[vector<16xi32>], vector<16xf32>,
      %parallel_loop3A_569 = arith.constant 1 : i32
      %parallel_loop3A_570 = arith.addi %parallel_loop3A_562, %parallel_loop3A_569 : i32
      %parallel_loop3A_571 = vector.broadcast %parallel_loop3A_570 : i32 to vector<16xi32>
      %parallel_loop3A_572 = arith.addi %add3A_4, %parallel_loop3A_571 : vector<16xi32>
      %parallel_loop3A_573 = tpu.vector_load_idx %arg5[%parallel_loop3A_572] : memref<16384xf32, #tpu.memory_space<vmem>>[vector<16xi32>], vector<16xf32>,
      %parallel_loop3A_574 = arith.constant 2 : i32
      %parallel_loop3A_575 = arith.addi %parallel_loop3A_562, %parallel_loop3A_574 : i32
      %parallel_loop3A_576 = vector.broadcast %parallel_loop3A_575 : i32 to vector<16xi32>
      %parallel_loop3A_577 = arith.addi %add3A_4, %parallel_loop3A_576 : vector<16xi32>
      %parallel_loop3A_578 = tpu.vector_load_idx %arg5[%parallel_loop3A_577] : memref<16384xf32, #tpu.memory_space<vmem>>[vector<16xi32>], vector<16xf32>,
      %parallel_loop3A_579 = arith.constant 3 : i32
      %parallel_loop3A_580 = arith.addi %parallel_loop3A_562, %parallel_loop3A_579 : i32
      %parallel_loop3A_581 = vector.broadcast %parallel_loop3A_580 : i32 to vector<16xi32>
      %parallel_loop3A_582 = arith.addi %add3A_4, %parallel_loop3A_581 : vector<16xi32>
      %parallel_loop3A_583 = tpu.vector_load_idx %arg5[%parallel_loop3A_582] : memref<16384xf32, #tpu.memory_space<vmem>>[vector<16xi32>], vector<16xf32>,
      %parallel_loop3A_584 = arith.constant 4 : i32
      %parallel_loop3A_585 = arith.addi %parallel_loop3A_562, %parallel_loop3A_584 : i32
      %parallel_loop3A_586 = vector.broadcast %parallel_loop3A_585 : i32 to vector<16xi32>
      %parallel_loop3A_587 = arith.addi %add3A_4, %parallel_loop3A_586 : vector<16xi32>
      %parallel_loop3A_588 = tpu.vector_load_idx %arg5[%parallel_loop3A_587] : memref<16384xf32, #tpu.memory_space<vmem>>[vector<16xi32>], vector<16xf32>,
      %parallel_loop3A_589 = arith.constant 5 : i32
      %parallel_loop3A_590 = arith.addi %parallel_loop3A_562, %parallel_loop3A_589 : i32
      %parallel_loop3A_591 = vector.broadcast %parallel_loop3A_590 : i32 to vector<16xi32>
      %parallel_loop3A_592 = arith.addi %add3A_4, %parallel_loop3A_591 : vector<16xi32>
      %parallel_loop3A_593 = tpu.vector_load_idx %arg5[%parallel_loop3A_592] : memref<16384xf32, #tpu.memory_space<vmem>>[vector<16xi32>], vector<16xf32>,
      %parallel_loop3A_594 = arith.constant 6 : i32
      %parallel_loop3A_595 = arith.addi %parallel_loop3A_562, %parallel_loop3A_594 : i32
      %parallel_loop3A_596 = vector.broadcast %parallel_loop3A_595 : i32 to vector<16xi32>
      %parallel_loop3A_597 = arith.addi %add3A_4, %parallel_loop3A_596 : vector<16xi32>
      %parallel_loop3A_598 = tpu.vector_load_idx %arg5[%parallel_loop3A_597] : memref<16384xf32, #tpu.memory_space<vmem>>[vector<16xi32>], vector<16xf32>,
      %parallel_loop3A_599 = arith.constant 7 : i32
      %parallel_loop3A_600 = arith.addi %parallel_loop3A_562, %parallel_loop3A_599 : i32
      %parallel_loop3A_601 = vector.broadcast %parallel_loop3A_600 : i32 to vector<16xi32>
      %parallel_loop3A_602 = arith.addi %add3A_4, %parallel_loop3A_601 : vector<16xi32>
      %parallel_loop3A_603 = tpu.vector_load_idx %arg5[%parallel_loop3A_602] : memref<16384xf32, #tpu.memory_space<vmem>>[vector<16xi32>], vector<16xf32>,
      %parallel_loop3A_604 = arith.addf %parallel_loop3A_568, %parallel_loop3A_573 : vector<16xf32>
      %parallel_loop3A_605 = arith.addf %parallel_loop3A_578, %parallel_loop3A_583 : vector<16xf32>
      %parallel_loop3A_606 = arith.addf %parallel_loop3A_588, %parallel_loop3A_593 : vector<16xf32>
      %parallel_loop3A_607 = arith.addf %parallel_loop3A_598, %parallel_loop3A_603 : vector<16xf32>
      %parallel_loop3A_608 = arith.addf %parallel_loop3A_604, %parallel_loop3A_605 : vector<16xf32>
      %parallel_loop3A_609 = arith.addf %parallel_loop3A_606, %parallel_loop3A_607 : vector<16xf32>
      %parallel_loop3A_610 = arith.addf %parallel_loop3A_604, %parallel_loop3A_578 : vector<16xf32>
      %parallel_loop3A_611 = arith.addf %parallel_loop3A_608, %parallel_loop3A_588 : vector<16xf32>
      %parallel_loop3A_612 = arith.addf %parallel_loop3A_608, %parallel_loop3A_606 : vector<16xf32>
      %parallel_loop3A_613 = arith.addf %parallel_loop3A_608, %parallel_loop3A_606 : vector<16xf32>
      %parallel_loop3A_614 = arith.addf %parallel_loop3A_613, %parallel_loop3A_598 : vector<16xf32>
      %parallel_loop3A_615 = vector.broadcast %parallel_loop3A_562 : i32 to vector<16xi32>
      %parallel_loop3A_616 = arith.addi %add3A_4, %parallel_loop3A_615 : vector<16xi32>
      tpu.vector_store_idx %arg7[%parallel_loop3A_616], %parallel_loop3A_563 : memref<16384xf32, #tpu.memory_space<vmem>>[vector<16xi32>], vector<16xf32>,
      %parallel_loop3A_617 = arith.constant 1 : i32
      %parallel_loop3A_618 = arith.addi %parallel_loop3A_562, %parallel_loop3A_617 : i32
      %parallel_loop3A_619 = vector.broadcast %parallel_loop3A_618 : i32 to vector<16xi32>
      %parallel_loop3A_620 = arith.addi %add3A_4, %parallel_loop3A_619 : vector<16xi32>
      %parallel_loop3A_621 = arith.addf %parallel_loop3A_563, %parallel_loop3A_568 : vector<16xf32>
      tpu.vector_store_idx %arg7[%parallel_loop3A_620], %parallel_loop3A_621 : memref<16384xf32, #tpu.memory_space<vmem>>[vector<16xi32>], vector<16xf32>,
      %parallel_loop3A_622 = arith.constant 2 : i32
      %parallel_loop3A_623 = arith.addi %parallel_loop3A_562, %parallel_loop3A_622 : i32
      %parallel_loop3A_624 = vector.broadcast %parallel_loop3A_623 : i32 to vector<16xi32>
      %parallel_loop3A_625 = arith.addi %add3A_4, %parallel_loop3A_624 : vector<16xi32>
      %parallel_loop3A_626 = arith.addf %parallel_loop3A_563, %parallel_loop3A_604 : vector<16xf32>
      tpu.vector_store_idx %arg7[%parallel_loop3A_625], %parallel_loop3A_626 : memref<16384xf32, #tpu.memory_space<vmem>>[vector<16xi32>], vector<16xf32>,
      %parallel_loop3A_627 = arith.constant 3 : i32
      %parallel_loop3A_628 = arith.addi %parallel_loop3A_562, %parallel_loop3A_627 : i32
      %parallel_loop3A_629 = vector.broadcast %parallel_loop3A_628 : i32 to vector<16xi32>
      %parallel_loop3A_630 = arith.addi %add3A_4, %parallel_loop3A_629 : vector<16xi32>
      %parallel_loop3A_631 = arith.addf %parallel_loop3A_563, %parallel_loop3A_610 : vector<16xf32>
      tpu.vector_store_idx %arg7[%parallel_loop3A_630], %parallel_loop3A_631 : memref<16384xf32, #tpu.memory_space<vmem>>[vector<16xi32>], vector<16xf32>,
      %parallel_loop3A_632 = arith.constant 4 : i32
      %parallel_loop3A_633 = arith.addi %parallel_loop3A_562, %parallel_loop3A_632 : i32
      %parallel_loop3A_634 = vector.broadcast %parallel_loop3A_633 : i32 to vector<16xi32>
      %parallel_loop3A_635 = arith.addi %add3A_4, %parallel_loop3A_634 : vector<16xi32>
      %parallel_loop3A_636 = arith.addf %parallel_loop3A_563, %parallel_loop3A_608 : vector<16xf32>
      tpu.vector_store_idx %arg7[%parallel_loop3A_635], %parallel_loop3A_636 : memref<16384xf32, #tpu.memory_space<vmem>>[vector<16xi32>], vector<16xf32>,
      %parallel_loop3A_637 = arith.constant 5 : i32
      %parallel_loop3A_638 = arith.addi %parallel_loop3A_562, %parallel_loop3A_637 : i32
      %parallel_loop3A_639 = vector.broadcast %parallel_loop3A_638 : i32 to vector<16xi32>
      %parallel_loop3A_640 = arith.addi %add3A_4, %parallel_loop3A_639 : vector<16xi32>
      %parallel_loop3A_641 = arith.addf %parallel_loop3A_563, %parallel_loop3A_611 : vector<16xf32>
      tpu.vector_store_idx %arg7[%parallel_loop3A_640], %parallel_loop3A_641 : memref<16384xf32, #tpu.memory_space<vmem>>[vector<16xi32>], vector<16xf32>,
      %parallel_loop3A_642 = arith.constant 6 : i32
      %parallel_loop3A_643 = arith.addi %parallel_loop3A_562, %parallel_loop3A_642 : i32
      %parallel_loop3A_644 = vector.broadcast %parallel_loop3A_643 : i32 to vector<16xi32>
      %parallel_loop3A_645 = arith.addi %add3A_4, %parallel_loop3A_644 : vector<16xi32>
      %parallel_loop3A_646 = arith.addf %parallel_loop3A_563, %parallel_loop3A_612 : vector<16xf32>
      tpu.vector_store_idx %arg7[%parallel_loop3A_645], %parallel_loop3A_646 : memref<16384xf32, #tpu.memory_space<vmem>>[vector<16xi32>], vector<16xf32>,
      %parallel_loop3A_647 = arith.constant 7 : i32
      %parallel_loop3A_648 = arith.addi %parallel_loop3A_562, %parallel_loop3A_647 : i32
      %parallel_loop3A_649 = vector.broadcast %parallel_loop3A_648 : i32 to vector<16xi32>
      %parallel_loop3A_650 = arith.addi %add3A_4, %parallel_loop3A_649 : vector<16xi32>
      %parallel_loop3A_651 = arith.addf %parallel_loop3A_563, %parallel_loop3A_614 : vector<16xf32>
      tpu.vector_store_idx %arg7[%parallel_loop3A_650], %parallel_loop3A_651 : memref<16384xf32, #tpu.memory_space<vmem>>[vector<16xi32>], vector<16xf32>,
      %parallel_loop3A_652 = arith.addf %parallel_loop3A_608, %parallel_loop3A_609 : vector<16xf32>
      %parallel_loop3A_653 = arith.addf %parallel_loop3A_563, %parallel_loop3A_652 : vector<16xf32>
      scf.yield %parallel_loop3A_653 : vector<16xf32>
    } {sc.loop_unroll_factor = 2 : i64, sc.parallel_access}
    %scan3A_264 = arith.constant 1008 : i32
    %scan3A_265 = arith.constant 17 : i32
    %scan3A_266 = arith.addi %scan3A_264, %scan3A_265 : i32
    %scan3A_267 = arith.constant 1 : i32
    %scan3A_268 = scf.for %scan3A_562 = %scan3A_264 to %scan3A_266 step %scan3A_267 iter_args(%scan3A_563 = %parallel_loop3A_263) -> (vector<16xf32>)  : i32 {
      %lt3A_564 = vector.broadcast %scan3A_562 : i32 to vector<16xi32>
      %lt3A_565 = arith.cmpi slt, %lt3A_564, %select_n3A : vector<16xi32>
      %add3A_566 = vector.broadcast %scan3A_562 : i32 to vector<16xi32>
      %add3A_567 = arith.addi %add3A_4, %add3A_566 : vector<16xi32>
      %gather3A = tpu.vector_load_idx %arg5[%add3A_567] masked %lt3A_565 : memref<16384xf32, #tpu.memory_space<vmem>>[vector<16xi32>], vector<16xf32>, vector<16xi1>
      %add3A_568 = vector.broadcast %scan3A_562 : i32 to vector<16xi32>
      %add3A_569 = arith.addi %add3A_4, %add3A_568 : vector<16xi32>
      tpu.vector_store_idx %arg7[%add3A_569], %scan3A_563 masked %lt3A_565 : memref<16384xf32, #tpu.memory_space<vmem>>[vector<16xi32>], vector<16xf32>, vector<16xi1>
      %jit3A_570 = arith.constant 0.000000e+00 : f32
      %broadcast_in_dim3A_571 = vector.broadcast %jit3A_570 : f32 to vector<16xf32>
      %select_n3A_572 = arith.select %lt3A_565, %gather3A, %broadcast_in_dim3A_571 : vector<16xi1>, vector<16xf32>
      %add3A_573 = arith.addf %scan3A_563, %select_n3A_572 : vector<16xf32>
      scf.yield %add3A_573 : vector<16xf32>
    }
    %scan3A_269 = arith.constant 17 : i32
    %mul3A_270 = arith.constant 4 : i32
    %mul3A_271 = arith.muli %add3A, %mul3A_270 : i32
    %add3A_272 = arith.constant 1 : i32
    %add3A_273 = arith.addi %mul3A_271, %add3A_272 : i32
    %dma_start3A_274 = arith.constant 16384 : i32
    %dma_start3A_275 = tpu.memref_slice %arg3[%add3A_273, %dma_start3A_274] : memref<128x32768xf32, #tpu.memory_space<hbm>> -> memref<1x16384xf32, #tpu.memory_space<hbm>>
    %dma_start3A_276 = tpu.memref_squeeze %dma_start3A_275 : memref<1x16384xf32, #tpu.memory_space<hbm>> -> memref<16384xf32, #tpu.memory_space<hbm>>
    %dma_start3A_277 = arith.constant 16384 : i32
    %dma_start3A_278 = tpu.memref_slice %arg3[%add3A_273, %dma_start3A_277] : memref<128x32768xf32, #tpu.memory_space<hbm>> -> memref<1x16384xf32, #tpu.memory_space<hbm>>
    %dma_start3A_279 = tpu.memref_squeeze %dma_start3A_278 : memref<1x16384xf32, #tpu.memory_space<hbm>> -> memref<16384xf32, #tpu.memory_space<hbm>>
    tpu.enqueue_dma source(%arg7 : memref<16384xf32, #tpu.memory_space<vmem>>) target(%dma_start3A_279 : memref<16384xf32, #tpu.memory_space<hbm>>) target_semaphore(%arg11 : memref<!tpu.dma_semaphore, #tpu.memory_space<semaphore_mem>>)
    %dma_wait3A_280 = arith.constant 0 : i32
    %dma_wait3A_281 = tpu.memref_slice %arg2[%add3A_220, %dma_wait3A_280] : memref<128x32768xf32, #tpu.memory_space<hbm>> -> memref<1x16384xf32, #tpu.memory_space<hbm>>
    %dma_wait3A_282 = tpu.memref_squeeze %dma_wait3A_281 : memref<1x16384xf32, #tpu.memory_space<hbm>> -> memref<16384xf32, #tpu.memory_space<hbm>>
    %dma_wait3A_283 = arith.constant 0 : i32
    %dma_wait3A_284 = tpu.memref_slice %arg2[%add3A_220, %dma_wait3A_283] : memref<128x32768xf32, #tpu.memory_space<hbm>> -> memref<1x16384xf32, #tpu.memory_space<hbm>>
    %dma_wait3A_285 = tpu.memref_squeeze %dma_wait3A_284 : memref<1x16384xf32, #tpu.memory_space<hbm>> -> memref<16384xf32, #tpu.memory_space<hbm>>
    tpu.wait_dma2 semaphore(%arg8 : memref<!tpu.dma_semaphore, #tpu.memory_space<semaphore_mem>>) src(%dma_wait3A_285 : memref<16384xf32, #tpu.memory_space<hbm>>) dst(%arg4 : memref<16384xf32, #tpu.memory_space<vmem>>)
    %mul3A_286 = arith.constant 4 : i32
    %mul3A_287 = arith.muli %add3A, %mul3A_286 : i32
    %add3A_288 = arith.constant 2 : i32
    %add3A_289 = arith.addi %mul3A_287, %add3A_288 : i32
    %dma_start3A_290 = arith.constant 16384 : i32
    %dma_start3A_291 = tpu.memref_slice %arg2[%add3A_289, %dma_start3A_290] : memref<128x32768xf32, #tpu.memory_space<hbm>> -> memref<1x16384xf32, #tpu.memory_space<hbm>>
    %dma_start3A_292 = tpu.memref_squeeze %dma_start3A_291 : memref<1x16384xf32, #tpu.memory_space<hbm>> -> memref<16384xf32, #tpu.memory_space<hbm>>
    %dma_start3A_293 = arith.constant 16384 : i32
    %dma_start3A_294 = tpu.memref_slice %arg2[%add3A_289, %dma_start3A_293] : memref<128x32768xf32, #tpu.memory_space<hbm>> -> memref<1x16384xf32, #tpu.memory_space<hbm>>
    %dma_start3A_295 = tpu.memref_squeeze %dma_start3A_294 : memref<1x16384xf32, #tpu.memory_space<hbm>> -> memref<16384xf32, #tpu.memory_space<hbm>>
    tpu.enqueue_dma source(%dma_start3A_295 : memref<16384xf32, #tpu.memory_space<hbm>>) target(%arg5 : memref<16384xf32, #tpu.memory_space<vmem>>) target_semaphore(%arg9 : memref<!tpu.dma_semaphore, #tpu.memory_space<semaphore_mem>>)
    %broadcast_in_dim3A_296 = arith.constant 0.000000e+00 : f32
    %broadcast_in_dim3A_297 = vector.broadcast %broadcast_in_dim3A_296 : f32 to vector<16xf32>
    %parallel_loop3A_298 = arith.constant 0 : i32
    %parallel_loop3A_299 = arith.constant 1008 : i32
    %parallel_loop3A_300 = arith.constant 4 : i32
    %parallel_loop3A_301:4 = scf.for %parallel_loop3A_562 = %parallel_loop3A_298 to %parallel_loop3A_299 step %parallel_loop3A_300 iter_args(%parallel_loop3A_563 = %broadcast_in_dim3A_297, %parallel_loop3A_564 = %broadcast_in_dim3A_297, %parallel_loop3A_565 = %broadcast_in_dim3A_297, %parallel_loop3A_566 = %broadcast_in_dim3A_297) -> (vector<16xf32>, vector<16xf32>, vector<16xf32>, vector<16xf32>)  : i32 {
      %parallel_loop3A_567 = vector.broadcast %parallel_loop3A_562 : i32 to vector<16xi32>
      %parallel_loop3A_568 = arith.addi %add3A_4, %parallel_loop3A_567 : vector<16xi32>
      %parallel_loop3A_569 = tpu.vector_load_idx %arg4[%parallel_loop3A_568] : memref<16384xf32, #tpu.memory_space<vmem>>[vector<16xi32>], vector<16xf32>,
      %parallel_loop3A_570 = arith.addf %parallel_loop3A_563, %parallel_loop3A_569 : vector<16xf32>
      %parallel_loop3A_571 = arith.constant 1 : i32
      %parallel_loop3A_572 = arith.addi %parallel_loop3A_562, %parallel_loop3A_571 : i32
      %parallel_loop3A_573 = vector.broadcast %parallel_loop3A_572 : i32 to vector<16xi32>
      %parallel_loop3A_574 = arith.addi %add3A_4, %parallel_loop3A_573 : vector<16xi32>
      %parallel_loop3A_575 = tpu.vector_load_idx %arg4[%parallel_loop3A_574] : memref<16384xf32, #tpu.memory_space<vmem>>[vector<16xi32>], vector<16xf32>,
      %parallel_loop3A_576 = arith.addf %parallel_loop3A_564, %parallel_loop3A_575 : vector<16xf32>
      %parallel_loop3A_577 = arith.constant 2 : i32
      %parallel_loop3A_578 = arith.addi %parallel_loop3A_562, %parallel_loop3A_577 : i32
      %parallel_loop3A_579 = vector.broadcast %parallel_loop3A_578 : i32 to vector<16xi32>
      %parallel_loop3A_580 = arith.addi %add3A_4, %parallel_loop3A_579 : vector<16xi32>
      %parallel_loop3A_581 = tpu.vector_load_idx %arg4[%parallel_loop3A_580] : memref<16384xf32, #tpu.memory_space<vmem>>[vector<16xi32>], vector<16xf32>,
      %parallel_loop3A_582 = arith.addf %parallel_loop3A_565, %parallel_loop3A_581 : vector<16xf32>
      %parallel_loop3A_583 = arith.constant 3 : i32
      %parallel_loop3A_584 = arith.addi %parallel_loop3A_562, %parallel_loop3A_583 : i32
      %parallel_loop3A_585 = vector.broadcast %parallel_loop3A_584 : i32 to vector<16xi32>
      %parallel_loop3A_586 = arith.addi %add3A_4, %parallel_loop3A_585 : vector<16xi32>
      %parallel_loop3A_587 = tpu.vector_load_idx %arg4[%parallel_loop3A_586] : memref<16384xf32, #tpu.memory_space<vmem>>[vector<16xi32>], vector<16xf32>,
      %parallel_loop3A_588 = arith.addf %parallel_loop3A_566, %parallel_loop3A_587 : vector<16xf32>
      scf.yield %parallel_loop3A_570, %parallel_loop3A_576, %parallel_loop3A_582, %parallel_loop3A_588 : vector<16xf32>, vector<16xf32>, vector<16xf32>, vector<16xf32>
    } {sc.loop_unroll_factor = 4 : i64, sc.parallel_access}
    %scan3A_302 = arith.constant 1008 : i32
    %scan3A_303 = arith.constant 17 : i32
    %scan3A_304 = arith.addi %scan3A_302, %scan3A_303 : i32
    %scan3A_305 = arith.constant 1 : i32
    %scan3A_306 = scf.for %scan3A_562 = %scan3A_302 to %scan3A_304 step %scan3A_305 iter_args(%scan3A_563 = %broadcast_in_dim3A_297) -> (vector<16xf32>)  : i32 {
      %lt3A_564 = vector.broadcast %scan3A_562 : i32 to vector<16xi32>
      %lt3A_565 = arith.cmpi slt, %lt3A_564, %select_n3A : vector<16xi32>
      %add3A_566 = vector.broadcast %scan3A_562 : i32 to vector<16xi32>
      %add3A_567 = arith.addi %add3A_4, %add3A_566 : vector<16xi32>
      %gather3A = tpu.vector_load_idx %arg4[%add3A_567] masked %lt3A_565 : memref<16384xf32, #tpu.memory_space<vmem>>[vector<16xi32>], vector<16xf32>, vector<16xi1>
      %jit3A_568 = arith.constant 0.000000e+00 : f32
      %broadcast_in_dim3A_569 = vector.broadcast %jit3A_568 : f32 to vector<16xf32>
      %select_n3A_570 = arith.select %lt3A_565, %gather3A, %broadcast_in_dim3A_569 : vector<16xi1>, vector<16xf32>
      %add3A_571 = arith.addf %scan3A_563, %select_n3A_570 : vector<16xf32>
      scf.yield %add3A_571 : vector<16xf32>
    }
    %scan3A_307 = arith.constant 17 : i32
    %add3A_308 = arith.addf %parallel_loop3A_301#0, %parallel_loop3A_301#1 : vector<16xf32>
    %add3A_309 = arith.addf %parallel_loop3A_301#2, %parallel_loop3A_301#3 : vector<16xf32>
    %add3A_310 = arith.addf %add3A_308, %add3A_309 : vector<16xf32>
    %add3A_311 = arith.addf %add3A_310, %scan3A_306 : vector<16xf32>
    %broadcast_in_dim3A_312 = arith.constant true
    %broadcast_in_dim3A_313 = vector.broadcast %broadcast_in_dim3A_312 : i1 to vector<16xi1>
    %masked_cumsum3A_314 = tpu.scan <sum>, %add3A_311 masked %broadcast_in_dim3A_313 : vector<16xf32>, vector<16xi1> -> vector<16xf32>
    %sub3A_315 = arith.subf %masked_cumsum3A_314, %add3A_311 : vector<16xf32>
    %add3A_316 = arith.constant 0.000000e+00 : f32
    %add3A_317 = vector.broadcast %add3A_316 : f32 to vector<16xf32>
    %add3A_318 = arith.addf %sub3A_315, %add3A_317 : vector<16xf32>
    %reduce_sum3A_319 = arith.constant true
    %reduce_sum3A_320 = vector.broadcast %reduce_sum3A_319 : i1 to vector<16xi1>
    %reduce_sum3A_321 = tpu.scan <sum>, %add3A_311 masked %reduce_sum3A_320 : vector<16xf32>, vector<16xi1> -> vector<16xf32>
    %reduce_sum3A_322 = vector.extract %reduce_sum3A_321[15] : f32 from vector<16xf32>
    %add3A_323 = arith.constant 0.000000e+00 : f32
    %add3A_324 = arith.addf %add3A_323, %reduce_sum3A_322 : f32
    %dma_wait3A_325 = arith.constant 0 : i32
    %dma_wait3A_326 = tpu.memref_slice %arg3[%add3A_204, %dma_wait3A_325] : memref<128x32768xf32, #tpu.memory_space<hbm>> -> memref<1x16384xf32, #tpu.memory_space<hbm>>
    %dma_wait3A_327 = tpu.memref_squeeze %dma_wait3A_326 : memref<1x16384xf32, #tpu.memory_space<hbm>> -> memref<16384xf32, #tpu.memory_space<hbm>>
    %dma_wait3A_328 = arith.constant 0 : i32
    %dma_wait3A_329 = tpu.memref_slice %arg3[%add3A_204, %dma_wait3A_328] : memref<128x32768xf32, #tpu.memory_space<hbm>> -> memref<1x16384xf32, #tpu.memory_space<hbm>>
    %dma_wait3A_330 = tpu.memref_squeeze %dma_wait3A_329 : memref<1x16384xf32, #tpu.memory_space<hbm>> -> memref<16384xf32, #tpu.memory_space<hbm>>
    tpu.wait_dma2 semaphore(%arg10 : memref<!tpu.dma_semaphore, #tpu.memory_space<semaphore_mem>>) src(%arg6 : memref<16384xf32, #tpu.memory_space<vmem>>) dst(%dma_wait3A_330 : memref<16384xf32, #tpu.memory_space<hbm>>)
    %parallel_loop3A_331 = arith.constant 0 : i32
    %parallel_loop3A_332 = arith.constant 1008 : i32
    %parallel_loop3A_333 = arith.constant 8 : i32
    %parallel_loop3A_334 = scf.for %parallel_loop3A_562 = %parallel_loop3A_331 to %parallel_loop3A_332 step %parallel_loop3A_333 iter_args(%parallel_loop3A_563 = %add3A_318) -> (vector<16xf32>)  : i32 {
      %parallel_loop3A_564 = arith.constant 0 : i32
      %parallel_loop3A_565 = arith.addi %parallel_loop3A_562, %parallel_loop3A_564 : i32
      %parallel_loop3A_566 = vector.broadcast %parallel_loop3A_565 : i32 to vector<16xi32>
      %parallel_loop3A_567 = arith.addi %add3A_4, %parallel_loop3A_566 : vector<16xi32>
      %parallel_loop3A_568 = tpu.vector_load_idx %arg4[%parallel_loop3A_567] : memref<16384xf32, #tpu.memory_space<vmem>>[vector<16xi32>], vector<16xf32>,
      %parallel_loop3A_569 = arith.constant 1 : i32
      %parallel_loop3A_570 = arith.addi %parallel_loop3A_562, %parallel_loop3A_569 : i32
      %parallel_loop3A_571 = vector.broadcast %parallel_loop3A_570 : i32 to vector<16xi32>
      %parallel_loop3A_572 = arith.addi %add3A_4, %parallel_loop3A_571 : vector<16xi32>
      %parallel_loop3A_573 = tpu.vector_load_idx %arg4[%parallel_loop3A_572] : memref<16384xf32, #tpu.memory_space<vmem>>[vector<16xi32>], vector<16xf32>,
      %parallel_loop3A_574 = arith.constant 2 : i32
      %parallel_loop3A_575 = arith.addi %parallel_loop3A_562, %parallel_loop3A_574 : i32
      %parallel_loop3A_576 = vector.broadcast %parallel_loop3A_575 : i32 to vector<16xi32>
      %parallel_loop3A_577 = arith.addi %add3A_4, %parallel_loop3A_576 : vector<16xi32>
      %parallel_loop3A_578 = tpu.vector_load_idx %arg4[%parallel_loop3A_577] : memref<16384xf32, #tpu.memory_space<vmem>>[vector<16xi32>], vector<16xf32>,
      %parallel_loop3A_579 = arith.constant 3 : i32
      %parallel_loop3A_580 = arith.addi %parallel_loop3A_562, %parallel_loop3A_579 : i32
      %parallel_loop3A_581 = vector.broadcast %parallel_loop3A_580 : i32 to vector<16xi32>
      %parallel_loop3A_582 = arith.addi %add3A_4, %parallel_loop3A_581 : vector<16xi32>
      %parallel_loop3A_583 = tpu.vector_load_idx %arg4[%parallel_loop3A_582] : memref<16384xf32, #tpu.memory_space<vmem>>[vector<16xi32>], vector<16xf32>,
      %parallel_loop3A_584 = arith.constant 4 : i32
      %parallel_loop3A_585 = arith.addi %parallel_loop3A_562, %parallel_loop3A_584 : i32
      %parallel_loop3A_586 = vector.broadcast %parallel_loop3A_585 : i32 to vector<16xi32>
      %parallel_loop3A_587 = arith.addi %add3A_4, %parallel_loop3A_586 : vector<16xi32>
      %parallel_loop3A_588 = tpu.vector_load_idx %arg4[%parallel_loop3A_587] : memref<16384xf32, #tpu.memory_space<vmem>>[vector<16xi32>], vector<16xf32>,
      %parallel_loop3A_589 = arith.constant 5 : i32
      %parallel_loop3A_590 = arith.addi %parallel_loop3A_562, %parallel_loop3A_589 : i32
      %parallel_loop3A_591 = vector.broadcast %parallel_loop3A_590 : i32 to vector<16xi32>
      %parallel_loop3A_592 = arith.addi %add3A_4, %parallel_loop3A_591 : vector<16xi32>
      %parallel_loop3A_593 = tpu.vector_load_idx %arg4[%parallel_loop3A_592] : memref<16384xf32, #tpu.memory_space<vmem>>[vector<16xi32>], vector<16xf32>,
      %parallel_loop3A_594 = arith.constant 6 : i32
      %parallel_loop3A_595 = arith.addi %parallel_loop3A_562, %parallel_loop3A_594 : i32
      %parallel_loop3A_596 = vector.broadcast %parallel_loop3A_595 : i32 to vector<16xi32>
      %parallel_loop3A_597 = arith.addi %add3A_4, %parallel_loop3A_596 : vector<16xi32>
      %parallel_loop3A_598 = tpu.vector_load_idx %arg4[%parallel_loop3A_597] : memref<16384xf32, #tpu.memory_space<vmem>>[vector<16xi32>], vector<16xf32>,
      %parallel_loop3A_599 = arith.constant 7 : i32
      %parallel_loop3A_600 = arith.addi %parallel_loop3A_562, %parallel_loop3A_599 : i32
      %parallel_loop3A_601 = vector.broadcast %parallel_loop3A_600 : i32 to vector<16xi32>
      %parallel_loop3A_602 = arith.addi %add3A_4, %parallel_loop3A_601 : vector<16xi32>
      %parallel_loop3A_603 = tpu.vector_load_idx %arg4[%parallel_loop3A_602] : memref<16384xf32, #tpu.memory_space<vmem>>[vector<16xi32>], vector<16xf32>,
      %parallel_loop3A_604 = arith.addf %parallel_loop3A_568, %parallel_loop3A_573 : vector<16xf32>
      %parallel_loop3A_605 = arith.addf %parallel_loop3A_578, %parallel_loop3A_583 : vector<16xf32>
      %parallel_loop3A_606 = arith.addf %parallel_loop3A_588, %parallel_loop3A_593 : vector<16xf32>
      %parallel_loop3A_607 = arith.addf %parallel_loop3A_598, %parallel_loop3A_603 : vector<16xf32>
      %parallel_loop3A_608 = arith.addf %parallel_loop3A_604, %parallel_loop3A_605 : vector<16xf32>
      %parallel_loop3A_609 = arith.addf %parallel_loop3A_606, %parallel_loop3A_607 : vector<16xf32>
      %parallel_loop3A_610 = arith.addf %parallel_loop3A_604, %parallel_loop3A_578 : vector<16xf32>
      %parallel_loop3A_611 = arith.addf %parallel_loop3A_608, %parallel_loop3A_588 : vector<16xf32>
      %parallel_loop3A_612 = arith.addf %parallel_loop3A_608, %parallel_loop3A_606 : vector<16xf32>
      %parallel_loop3A_613 = arith.addf %parallel_loop3A_608, %parallel_loop3A_606 : vector<16xf32>
      %parallel_loop3A_614 = arith.addf %parallel_loop3A_613, %parallel_loop3A_598 : vector<16xf32>
      %parallel_loop3A_615 = vector.broadcast %parallel_loop3A_562 : i32 to vector<16xi32>
      %parallel_loop3A_616 = arith.addi %add3A_4, %parallel_loop3A_615 : vector<16xi32>
      tpu.vector_store_idx %arg6[%parallel_loop3A_616], %parallel_loop3A_563 : memref<16384xf32, #tpu.memory_space<vmem>>[vector<16xi32>], vector<16xf32>,
      %parallel_loop3A_617 = arith.constant 1 : i32
      %parallel_loop3A_618 = arith.addi %parallel_loop3A_562, %parallel_loop3A_617 : i32
      %parallel_loop3A_619 = vector.broadcast %parallel_loop3A_618 : i32 to vector<16xi32>
      %parallel_loop3A_620 = arith.addi %add3A_4, %parallel_loop3A_619 : vector<16xi32>
      %parallel_loop3A_621 = arith.addf %parallel_loop3A_563, %parallel_loop3A_568 : vector<16xf32>
      tpu.vector_store_idx %arg6[%parallel_loop3A_620], %parallel_loop3A_621 : memref<16384xf32, #tpu.memory_space<vmem>>[vector<16xi32>], vector<16xf32>,
      %parallel_loop3A_622 = arith.constant 2 : i32
      %parallel_loop3A_623 = arith.addi %parallel_loop3A_562, %parallel_loop3A_622 : i32
      %parallel_loop3A_624 = vector.broadcast %parallel_loop3A_623 : i32 to vector<16xi32>
      %parallel_loop3A_625 = arith.addi %add3A_4, %parallel_loop3A_624 : vector<16xi32>
      %parallel_loop3A_626 = arith.addf %parallel_loop3A_563, %parallel_loop3A_604 : vector<16xf32>
      tpu.vector_store_idx %arg6[%parallel_loop3A_625], %parallel_loop3A_626 : memref<16384xf32, #tpu.memory_space<vmem>>[vector<16xi32>], vector<16xf32>,
      %parallel_loop3A_627 = arith.constant 3 : i32
      %parallel_loop3A_628 = arith.addi %parallel_loop3A_562, %parallel_loop3A_627 : i32
      %parallel_loop3A_629 = vector.broadcast %parallel_loop3A_628 : i32 to vector<16xi32>
      %parallel_loop3A_630 = arith.addi %add3A_4, %parallel_loop3A_629 : vector<16xi32>
      %parallel_loop3A_631 = arith.addf %parallel_loop3A_563, %parallel_loop3A_610 : vector<16xf32>
      tpu.vector_store_idx %arg6[%parallel_loop3A_630], %parallel_loop3A_631 : memref<16384xf32, #tpu.memory_space<vmem>>[vector<16xi32>], vector<16xf32>,
      %parallel_loop3A_632 = arith.constant 4 : i32
      %parallel_loop3A_633 = arith.addi %parallel_loop3A_562, %parallel_loop3A_632 : i32
      %parallel_loop3A_634 = vector.broadcast %parallel_loop3A_633 : i32 to vector<16xi32>
      %parallel_loop3A_635 = arith.addi %add3A_4, %parallel_loop3A_634 : vector<16xi32>
      %parallel_loop3A_636 = arith.addf %parallel_loop3A_563, %parallel_loop3A_608 : vector<16xf32>
      tpu.vector_store_idx %arg6[%parallel_loop3A_635], %parallel_loop3A_636 : memref<16384xf32, #tpu.memory_space<vmem>>[vector<16xi32>], vector<16xf32>,
      %parallel_loop3A_637 = arith.constant 5 : i32
      %parallel_loop3A_638 = arith.addi %parallel_loop3A_562, %parallel_loop3A_637 : i32
      %parallel_loop3A_639 = vector.broadcast %parallel_loop3A_638 : i32 to vector<16xi32>
      %parallel_loop3A_640 = arith.addi %add3A_4, %parallel_loop3A_639 : vector<16xi32>
      %parallel_loop3A_641 = arith.addf %parallel_loop3A_563, %parallel_loop3A_611 : vector<16xf32>
      tpu.vector_store_idx %arg6[%parallel_loop3A_640], %parallel_loop3A_641 : memref<16384xf32, #tpu.memory_space<vmem>>[vector<16xi32>], vector<16xf32>,
      %parallel_loop3A_642 = arith.constant 6 : i32
      %parallel_loop3A_643 = arith.addi %parallel_loop3A_562, %parallel_loop3A_642 : i32
      %parallel_loop3A_644 = vector.broadcast %parallel_loop3A_643 : i32 to vector<16xi32>
      %parallel_loop3A_645 = arith.addi %add3A_4, %parallel_loop3A_644 : vector<16xi32>
      %parallel_loop3A_646 = arith.addf %parallel_loop3A_563, %parallel_loop3A_612 : vector<16xf32>
      tpu.vector_store_idx %arg6[%parallel_loop3A_645], %parallel_loop3A_646 : memref<16384xf32, #tpu.memory_space<vmem>>[vector<16xi32>], vector<16xf32>,
      %parallel_loop3A_647 = arith.constant 7 : i32
      %parallel_loop3A_648 = arith.addi %parallel_loop3A_562, %parallel_loop3A_647 : i32
      %parallel_loop3A_649 = vector.broadcast %parallel_loop3A_648 : i32 to vector<16xi32>
      %parallel_loop3A_650 = arith.addi %add3A_4, %parallel_loop3A_649 : vector<16xi32>
      %parallel_loop3A_651 = arith.addf %parallel_loop3A_563, %parallel_loop3A_614 : vector<16xf32>
      tpu.vector_store_idx %arg6[%parallel_loop3A_650], %parallel_loop3A_651 : memref<16384xf32, #tpu.memory_space<vmem>>[vector<16xi32>], vector<16xf32>,
      %parallel_loop3A_652 = arith.addf %parallel_loop3A_608, %parallel_loop3A_609 : vector<16xf32>
      %parallel_loop3A_653 = arith.addf %parallel_loop3A_563, %parallel_loop3A_652 : vector<16xf32>
      scf.yield %parallel_loop3A_653 : vector<16xf32>
    } {sc.loop_unroll_factor = 2 : i64, sc.parallel_access}
    %scan3A_335 = arith.constant 1008 : i32
    %scan3A_336 = arith.constant 17 : i32
    %scan3A_337 = arith.addi %scan3A_335, %scan3A_336 : i32
    %scan3A_338 = arith.constant 1 : i32
    %scan3A_339 = scf.for %scan3A_562 = %scan3A_335 to %scan3A_337 step %scan3A_338 iter_args(%scan3A_563 = %parallel_loop3A_334) -> (vector<16xf32>)  : i32 {
      %lt3A_564 = vector.broadcast %scan3A_562 : i32 to vector<16xi32>
      %lt3A_565 = arith.cmpi slt, %lt3A_564, %select_n3A : vector<16xi32>
      %add3A_566 = vector.broadcast %scan3A_562 : i32 to vector<16xi32>
      %add3A_567 = arith.addi %add3A_4, %add3A_566 : vector<16xi32>
      %gather3A = tpu.vector_load_idx %arg4[%add3A_567] masked %lt3A_565 : memref<16384xf32, #tpu.memory_space<vmem>>[vector<16xi32>], vector<16xf32>, vector<16xi1>
      %add3A_568 = vector.broadcast %scan3A_562 : i32 to vector<16xi32>
      %add3A_569 = arith.addi %add3A_4, %add3A_568 : vector<16xi32>
      tpu.vector_store_idx %arg6[%add3A_569], %scan3A_563 masked %lt3A_565 : memref<16384xf32, #tpu.memory_space<vmem>>[vector<16xi32>], vector<16xf32>, vector<16xi1>
      %jit3A_570 = arith.constant 0.000000e+00 : f32
      %broadcast_in_dim3A_571 = vector.broadcast %jit3A_570 : f32 to vector<16xf32>
      %select_n3A_572 = arith.select %lt3A_565, %gather3A, %broadcast_in_dim3A_571 : vector<16xi1>, vector<16xf32>
      %add3A_573 = arith.addf %scan3A_563, %select_n3A_572 : vector<16xf32>
      scf.yield %add3A_573 : vector<16xf32>
    }
    %scan3A_340 = arith.constant 17 : i32
    %mul3A_341 = arith.constant 4 : i32
    %mul3A_342 = arith.muli %add3A, %mul3A_341 : i32
    %add3A_343 = arith.constant 2 : i32
    %add3A_344 = arith.addi %mul3A_342, %add3A_343 : i32
    %dma_start3A_345 = arith.constant 0 : i32
    %dma_start3A_346 = tpu.memref_slice %arg3[%add3A_344, %dma_start3A_345] : memref<128x32768xf32, #tpu.memory_space<hbm>> -> memref<1x16384xf32, #tpu.memory_space<hbm>>
    %dma_start3A_347 = tpu.memref_squeeze %dma_start3A_346 : memref<1x16384xf32, #tpu.memory_space<hbm>> -> memref<16384xf32, #tpu.memory_space<hbm>>
    %dma_start3A_348 = arith.constant 0 : i32
    %dma_start3A_349 = tpu.memref_slice %arg3[%add3A_344, %dma_start3A_348] : memref<128x32768xf32, #tpu.memory_space<hbm>> -> memref<1x16384xf32, #tpu.memory_space<hbm>>
    %dma_start3A_350 = tpu.memref_squeeze %dma_start3A_349 : memref<1x16384xf32, #tpu.memory_space<hbm>> -> memref<16384xf32, #tpu.memory_space<hbm>>
    tpu.enqueue_dma source(%arg6 : memref<16384xf32, #tpu.memory_space<vmem>>) target(%dma_start3A_350 : memref<16384xf32, #tpu.memory_space<hbm>>) target_semaphore(%arg10 : memref<!tpu.dma_semaphore, #tpu.memory_space<semaphore_mem>>)
    %dma_wait3A_351 = arith.constant 16384 : i32
    %dma_wait3A_352 = tpu.memref_slice %arg2[%add3A_289, %dma_wait3A_351] : memref<128x32768xf32, #tpu.memory_space<hbm>> -> memref<1x16384xf32, #tpu.memory_space<hbm>>
    %dma_wait3A_353 = tpu.memref_squeeze %dma_wait3A_352 : memref<1x16384xf32, #tpu.memory_space<hbm>> -> memref<16384xf32, #tpu.memory_space<hbm>>
    %dma_wait3A_354 = arith.constant 16384 : i32
    %dma_wait3A_355 = tpu.memref_slice %arg2[%add3A_289, %dma_wait3A_354] : memref<128x32768xf32, #tpu.memory_space<hbm>> -> memref<1x16384xf32, #tpu.memory_space<hbm>>
    %dma_wait3A_356 = tpu.memref_squeeze %dma_wait3A_355 : memref<1x16384xf32, #tpu.memory_space<hbm>> -> memref<16384xf32, #tpu.memory_space<hbm>>
    tpu.wait_dma2 semaphore(%arg9 : memref<!tpu.dma_semaphore, #tpu.memory_space<semaphore_mem>>) src(%dma_wait3A_356 : memref<16384xf32, #tpu.memory_space<hbm>>) dst(%arg5 : memref<16384xf32, #tpu.memory_space<vmem>>)
    %mul3A_357 = arith.constant 4 : i32
    %mul3A_358 = arith.muli %add3A, %mul3A_357 : i32
    %add3A_359 = arith.constant 3 : i32
    %add3A_360 = arith.addi %mul3A_358, %add3A_359 : i32
    %dma_start3A_361 = arith.constant 0 : i32
    %dma_start3A_362 = tpu.memref_slice %arg2[%add3A_360, %dma_start3A_361] : memref<128x32768xf32, #tpu.memory_space<hbm>> -> memref<1x16384xf32, #tpu.memory_space<hbm>>
    %dma_start3A_363 = tpu.memref_squeeze %dma_start3A_362 : memref<1x16384xf32, #tpu.memory_space<hbm>> -> memref<16384xf32, #tpu.memory_space<hbm>>
    %dma_start3A_364 = arith.constant 0 : i32
    %dma_start3A_365 = tpu.memref_slice %arg2[%add3A_360, %dma_start3A_364] : memref<128x32768xf32, #tpu.memory_space<hbm>> -> memref<1x16384xf32, #tpu.memory_space<hbm>>
    %dma_start3A_366 = tpu.memref_squeeze %dma_start3A_365 : memref<1x16384xf32, #tpu.memory_space<hbm>> -> memref<16384xf32, #tpu.memory_space<hbm>>
    tpu.enqueue_dma source(%dma_start3A_366 : memref<16384xf32, #tpu.memory_space<hbm>>) target(%arg4 : memref<16384xf32, #tpu.memory_space<vmem>>) target_semaphore(%arg8 : memref<!tpu.dma_semaphore, #tpu.memory_space<semaphore_mem>>)
    %broadcast_in_dim3A_367 = arith.constant 0.000000e+00 : f32
    %broadcast_in_dim3A_368 = vector.broadcast %broadcast_in_dim3A_367 : f32 to vector<16xf32>
    %parallel_loop3A_369 = arith.constant 0 : i32
    %parallel_loop3A_370 = arith.constant 1008 : i32
    %parallel_loop3A_371 = arith.constant 4 : i32
    %parallel_loop3A_372:4 = scf.for %parallel_loop3A_562 = %parallel_loop3A_369 to %parallel_loop3A_370 step %parallel_loop3A_371 iter_args(%parallel_loop3A_563 = %broadcast_in_dim3A_368, %parallel_loop3A_564 = %broadcast_in_dim3A_368, %parallel_loop3A_565 = %broadcast_in_dim3A_368, %parallel_loop3A_566 = %broadcast_in_dim3A_368) -> (vector<16xf32>, vector<16xf32>, vector<16xf32>, vector<16xf32>)  : i32 {
      %parallel_loop3A_567 = vector.broadcast %parallel_loop3A_562 : i32 to vector<16xi32>
      %parallel_loop3A_568 = arith.addi %add3A_4, %parallel_loop3A_567 : vector<16xi32>
      %parallel_loop3A_569 = tpu.vector_load_idx %arg5[%parallel_loop3A_568] : memref<16384xf32, #tpu.memory_space<vmem>>[vector<16xi32>], vector<16xf32>,
      %parallel_loop3A_570 = arith.addf %parallel_loop3A_563, %parallel_loop3A_569 : vector<16xf32>
      %parallel_loop3A_571 = arith.constant 1 : i32
      %parallel_loop3A_572 = arith.addi %parallel_loop3A_562, %parallel_loop3A_571 : i32
      %parallel_loop3A_573 = vector.broadcast %parallel_loop3A_572 : i32 to vector<16xi32>
      %parallel_loop3A_574 = arith.addi %add3A_4, %parallel_loop3A_573 : vector<16xi32>
      %parallel_loop3A_575 = tpu.vector_load_idx %arg5[%parallel_loop3A_574] : memref<16384xf32, #tpu.memory_space<vmem>>[vector<16xi32>], vector<16xf32>,
      %parallel_loop3A_576 = arith.addf %parallel_loop3A_564, %parallel_loop3A_575 : vector<16xf32>
      %parallel_loop3A_577 = arith.constant 2 : i32
      %parallel_loop3A_578 = arith.addi %parallel_loop3A_562, %parallel_loop3A_577 : i32
      %parallel_loop3A_579 = vector.broadcast %parallel_loop3A_578 : i32 to vector<16xi32>
      %parallel_loop3A_580 = arith.addi %add3A_4, %parallel_loop3A_579 : vector<16xi32>
      %parallel_loop3A_581 = tpu.vector_load_idx %arg5[%parallel_loop3A_580] : memref<16384xf32, #tpu.memory_space<vmem>>[vector<16xi32>], vector<16xf32>,
      %parallel_loop3A_582 = arith.addf %parallel_loop3A_565, %parallel_loop3A_581 : vector<16xf32>
      %parallel_loop3A_583 = arith.constant 3 : i32
      %parallel_loop3A_584 = arith.addi %parallel_loop3A_562, %parallel_loop3A_583 : i32
      %parallel_loop3A_585 = vector.broadcast %parallel_loop3A_584 : i32 to vector<16xi32>
      %parallel_loop3A_586 = arith.addi %add3A_4, %parallel_loop3A_585 : vector<16xi32>
      %parallel_loop3A_587 = tpu.vector_load_idx %arg5[%parallel_loop3A_586] : memref<16384xf32, #tpu.memory_space<vmem>>[vector<16xi32>], vector<16xf32>,
      %parallel_loop3A_588 = arith.addf %parallel_loop3A_566, %parallel_loop3A_587 : vector<16xf32>
      scf.yield %parallel_loop3A_570, %parallel_loop3A_576, %parallel_loop3A_582, %parallel_loop3A_588 : vector<16xf32>, vector<16xf32>, vector<16xf32>, vector<16xf32>
    } {sc.loop_unroll_factor = 4 : i64, sc.parallel_access}
    %scan3A_373 = arith.constant 1008 : i32
    %scan3A_374 = arith.constant 17 : i32
    %scan3A_375 = arith.addi %scan3A_373, %scan3A_374 : i32
    %scan3A_376 = arith.constant 1 : i32
    %scan3A_377 = scf.for %scan3A_562 = %scan3A_373 to %scan3A_375 step %scan3A_376 iter_args(%scan3A_563 = %broadcast_in_dim3A_368) -> (vector<16xf32>)  : i32 {
      %lt3A_564 = vector.broadcast %scan3A_562 : i32 to vector<16xi32>
      %lt3A_565 = arith.cmpi slt, %lt3A_564, %select_n3A : vector<16xi32>
      %add3A_566 = vector.broadcast %scan3A_562 : i32 to vector<16xi32>
      %add3A_567 = arith.addi %add3A_4, %add3A_566 : vector<16xi32>
      %gather3A = tpu.vector_load_idx %arg5[%add3A_567] masked %lt3A_565 : memref<16384xf32, #tpu.memory_space<vmem>>[vector<16xi32>], vector<16xf32>, vector<16xi1>
      %jit3A_568 = arith.constant 0.000000e+00 : f32
      %broadcast_in_dim3A_569 = vector.broadcast %jit3A_568 : f32 to vector<16xf32>
      %select_n3A_570 = arith.select %lt3A_565, %gather3A, %broadcast_in_dim3A_569 : vector<16xi1>, vector<16xf32>
      %add3A_571 = arith.addf %scan3A_563, %select_n3A_570 : vector<16xf32>
      scf.yield %add3A_571 : vector<16xf32>
    }
    %scan3A_378 = arith.constant 17 : i32
    %add3A_379 = arith.addf %parallel_loop3A_372#0, %parallel_loop3A_372#1 : vector<16xf32>
    %add3A_380 = arith.addf %parallel_loop3A_372#2, %parallel_loop3A_372#3 : vector<16xf32>
    %add3A_381 = arith.addf %add3A_379, %add3A_380 : vector<16xf32>
    %add3A_382 = arith.addf %add3A_381, %scan3A_377 : vector<16xf32>
    %broadcast_in_dim3A_383 = arith.constant true
    %broadcast_in_dim3A_384 = vector.broadcast %broadcast_in_dim3A_383 : i1 to vector<16xi1>
    %masked_cumsum3A_385 = tpu.scan <sum>, %add3A_382 masked %broadcast_in_dim3A_384 : vector<16xf32>, vector<16xi1> -> vector<16xf32>
    %sub3A_386 = arith.subf %masked_cumsum3A_385, %add3A_382 : vector<16xf32>
    %add3A_387 = vector.broadcast %add3A_324 : f32 to vector<16xf32>
    %add3A_388 = arith.addf %sub3A_386, %add3A_387 : vector<16xf32>
    %reduce_sum3A_389 = arith.constant true
    %reduce_sum3A_390 = vector.broadcast %reduce_sum3A_389 : i1 to vector<16xi1>
    %reduce_sum3A_391 = tpu.scan <sum>, %add3A_382 masked %reduce_sum3A_390 : vector<16xf32>, vector<16xi1> -> vector<16xf32>
    %reduce_sum3A_392 = vector.extract %reduce_sum3A_391[15] : f32 from vector<16xf32>
    %add3A_393 = arith.addf %add3A_324, %reduce_sum3A_392 : f32
    %dma_wait3A_394 = arith.constant 16384 : i32
    %dma_wait3A_395 = tpu.memref_slice %arg3[%add3A_273, %dma_wait3A_394] : memref<128x32768xf32, #tpu.memory_space<hbm>> -> memref<1x16384xf32, #tpu.memory_space<hbm>>
    %dma_wait3A_396 = tpu.memref_squeeze %dma_wait3A_395 : memref<1x16384xf32, #tpu.memory_space<hbm>> -> memref<16384xf32, #tpu.memory_space<hbm>>
    %dma_wait3A_397 = arith.constant 16384 : i32
    %dma_wait3A_398 = tpu.memref_slice %arg3[%add3A_273, %dma_wait3A_397] : memref<128x32768xf32, #tpu.memory_space<hbm>> -> memref<1x16384xf32, #tpu.memory_space<hbm>>
    %dma_wait3A_399 = tpu.memref_squeeze %dma_wait3A_398 : memref<1x16384xf32, #tpu.memory_space<hbm>> -> memref<16384xf32, #tpu.memory_space<hbm>>
    tpu.wait_dma2 semaphore(%arg11 : memref<!tpu.dma_semaphore, #tpu.memory_space<semaphore_mem>>) src(%arg7 : memref<16384xf32, #tpu.memory_space<vmem>>) dst(%dma_wait3A_399 : memref<16384xf32, #tpu.memory_space<hbm>>)
    %parallel_loop3A_400 = arith.constant 0 : i32
    %parallel_loop3A_401 = arith.constant 1008 : i32
    %parallel_loop3A_402 = arith.constant 8 : i32
    %parallel_loop3A_403 = scf.for %parallel_loop3A_562 = %parallel_loop3A_400 to %parallel_loop3A_401 step %parallel_loop3A_402 iter_args(%parallel_loop3A_563 = %add3A_388) -> (vector<16xf32>)  : i32 {
      %parallel_loop3A_564 = arith.constant 0 : i32
      %parallel_loop3A_565 = arith.addi %parallel_loop3A_562, %parallel_loop3A_564 : i32
      %parallel_loop3A_566 = vector.broadcast %parallel_loop3A_565 : i32 to vector<16xi32>
      %parallel_loop3A_567 = arith.addi %add3A_4, %parallel_loop3A_566 : vector<16xi32>
      %parallel_loop3A_568 = tpu.vector_load_idx %arg5[%parallel_loop3A_567] : memref<16384xf32, #tpu.memory_space<vmem>>[vector<16xi32>], vector<16xf32>,
      %parallel_loop3A_569 = arith.constant 1 : i32
      %parallel_loop3A_570 = arith.addi %parallel_loop3A_562, %parallel_loop3A_569 : i32
      %parallel_loop3A_571 = vector.broadcast %parallel_loop3A_570 : i32 to vector<16xi32>
      %parallel_loop3A_572 = arith.addi %add3A_4, %parallel_loop3A_571 : vector<16xi32>
      %parallel_loop3A_573 = tpu.vector_load_idx %arg5[%parallel_loop3A_572] : memref<16384xf32, #tpu.memory_space<vmem>>[vector<16xi32>], vector<16xf32>,
      %parallel_loop3A_574 = arith.constant 2 : i32
      %parallel_loop3A_575 = arith.addi %parallel_loop3A_562, %parallel_loop3A_574 : i32
      %parallel_loop3A_576 = vector.broadcast %parallel_loop3A_575 : i32 to vector<16xi32>
      %parallel_loop3A_577 = arith.addi %add3A_4, %parallel_loop3A_576 : vector<16xi32>
      %parallel_loop3A_578 = tpu.vector_load_idx %arg5[%parallel_loop3A_577] : memref<16384xf32, #tpu.memory_space<vmem>>[vector<16xi32>], vector<16xf32>,
      %parallel_loop3A_579 = arith.constant 3 : i32
      %parallel_loop3A_580 = arith.addi %parallel_loop3A_562, %parallel_loop3A_579 : i32
      %parallel_loop3A_581 = vector.broadcast %parallel_loop3A_580 : i32 to vector<16xi32>
      %parallel_loop3A_582 = arith.addi %add3A_4, %parallel_loop3A_581 : vector<16xi32>
      %parallel_loop3A_583 = tpu.vector_load_idx %arg5[%parallel_loop3A_582] : memref<16384xf32, #tpu.memory_space<vmem>>[vector<16xi32>], vector<16xf32>,
      %parallel_loop3A_584 = arith.constant 4 : i32
      %parallel_loop3A_585 = arith.addi %parallel_loop3A_562, %parallel_loop3A_584 : i32
      %parallel_loop3A_586 = vector.broadcast %parallel_loop3A_585 : i32 to vector<16xi32>
      %parallel_loop3A_587 = arith.addi %add3A_4, %parallel_loop3A_586 : vector<16xi32>
      %parallel_loop3A_588 = tpu.vector_load_idx %arg5[%parallel_loop3A_587] : memref<16384xf32, #tpu.memory_space<vmem>>[vector<16xi32>], vector<16xf32>,
      %parallel_loop3A_589 = arith.constant 5 : i32
      %parallel_loop3A_590 = arith.addi %parallel_loop3A_562, %parallel_loop3A_589 : i32
      %parallel_loop3A_591 = vector.broadcast %parallel_loop3A_590 : i32 to vector<16xi32>
      %parallel_loop3A_592 = arith.addi %add3A_4, %parallel_loop3A_591 : vector<16xi32>
      %parallel_loop3A_593 = tpu.vector_load_idx %arg5[%parallel_loop3A_592] : memref<16384xf32, #tpu.memory_space<vmem>>[vector<16xi32>], vector<16xf32>,
      %parallel_loop3A_594 = arith.constant 6 : i32
      %parallel_loop3A_595 = arith.addi %parallel_loop3A_562, %parallel_loop3A_594 : i32
      %parallel_loop3A_596 = vector.broadcast %parallel_loop3A_595 : i32 to vector<16xi32>
      %parallel_loop3A_597 = arith.addi %add3A_4, %parallel_loop3A_596 : vector<16xi32>
      %parallel_loop3A_598 = tpu.vector_load_idx %arg5[%parallel_loop3A_597] : memref<16384xf32, #tpu.memory_space<vmem>>[vector<16xi32>], vector<16xf32>,
      %parallel_loop3A_599 = arith.constant 7 : i32
      %parallel_loop3A_600 = arith.addi %parallel_loop3A_562, %parallel_loop3A_599 : i32
      %parallel_loop3A_601 = vector.broadcast %parallel_loop3A_600 : i32 to vector<16xi32>
      %parallel_loop3A_602 = arith.addi %add3A_4, %parallel_loop3A_601 : vector<16xi32>
      %parallel_loop3A_603 = tpu.vector_load_idx %arg5[%parallel_loop3A_602] : memref<16384xf32, #tpu.memory_space<vmem>>[vector<16xi32>], vector<16xf32>,
      %parallel_loop3A_604 = arith.addf %parallel_loop3A_568, %parallel_loop3A_573 : vector<16xf32>
      %parallel_loop3A_605 = arith.addf %parallel_loop3A_578, %parallel_loop3A_583 : vector<16xf32>
      %parallel_loop3A_606 = arith.addf %parallel_loop3A_588, %parallel_loop3A_593 : vector<16xf32>
      %parallel_loop3A_607 = arith.addf %parallel_loop3A_598, %parallel_loop3A_603 : vector<16xf32>
      %parallel_loop3A_608 = arith.addf %parallel_loop3A_604, %parallel_loop3A_605 : vector<16xf32>
      %parallel_loop3A_609 = arith.addf %parallel_loop3A_606, %parallel_loop3A_607 : vector<16xf32>
      %parallel_loop3A_610 = arith.addf %parallel_loop3A_604, %parallel_loop3A_578 : vector<16xf32>
      %parallel_loop3A_611 = arith.addf %parallel_loop3A_608, %parallel_loop3A_588 : vector<16xf32>
      %parallel_loop3A_612 = arith.addf %parallel_loop3A_608, %parallel_loop3A_606 : vector<16xf32>
      %parallel_loop3A_613 = arith.addf %parallel_loop3A_608, %parallel_loop3A_606 : vector<16xf32>
      %parallel_loop3A_614 = arith.addf %parallel_loop3A_613, %parallel_loop3A_598 : vector<16xf32>
      %parallel_loop3A_615 = vector.broadcast %parallel_loop3A_562 : i32 to vector<16xi32>
      %parallel_loop3A_616 = arith.addi %add3A_4, %parallel_loop3A_615 : vector<16xi32>
      tpu.vector_store_idx %arg7[%parallel_loop3A_616], %parallel_loop3A_563 : memref<16384xf32, #tpu.memory_space<vmem>>[vector<16xi32>], vector<16xf32>,
      %parallel_loop3A_617 = arith.constant 1 : i32
      %parallel_loop3A_618 = arith.addi %parallel_loop3A_562, %parallel_loop3A_617 : i32
      %parallel_loop3A_619 = vector.broadcast %parallel_loop3A_618 : i32 to vector<16xi32>
      %parallel_loop3A_620 = arith.addi %add3A_4, %parallel_loop3A_619 : vector<16xi32>
      %parallel_loop3A_621 = arith.addf %parallel_loop3A_563, %parallel_loop3A_568 : vector<16xf32>
      tpu.vector_store_idx %arg7[%parallel_loop3A_620], %parallel_loop3A_621 : memref<16384xf32, #tpu.memory_space<vmem>>[vector<16xi32>], vector<16xf32>,
      %parallel_loop3A_622 = arith.constant 2 : i32
      %parallel_loop3A_623 = arith.addi %parallel_loop3A_562, %parallel_loop3A_622 : i32
      %parallel_loop3A_624 = vector.broadcast %parallel_loop3A_623 : i32 to vector<16xi32>
      %parallel_loop3A_625 = arith.addi %add3A_4, %parallel_loop3A_624 : vector<16xi32>
      %parallel_loop3A_626 = arith.addf %parallel_loop3A_563, %parallel_loop3A_604 : vector<16xf32>
      tpu.vector_store_idx %arg7[%parallel_loop3A_625], %parallel_loop3A_626 : memref<16384xf32, #tpu.memory_space<vmem>>[vector<16xi32>], vector<16xf32>,
      %parallel_loop3A_627 = arith.constant 3 : i32
      %parallel_loop3A_628 = arith.addi %parallel_loop3A_562, %parallel_loop3A_627 : i32
      %parallel_loop3A_629 = vector.broadcast %parallel_loop3A_628 : i32 to vector<16xi32>
      %parallel_loop3A_630 = arith.addi %add3A_4, %parallel_loop3A_629 : vector<16xi32>
      %parallel_loop3A_631 = arith.addf %parallel_loop3A_563, %parallel_loop3A_610 : vector<16xf32>
      tpu.vector_store_idx %arg7[%parallel_loop3A_630], %parallel_loop3A_631 : memref<16384xf32, #tpu.memory_space<vmem>>[vector<16xi32>], vector<16xf32>,
      %parallel_loop3A_632 = arith.constant 4 : i32
      %parallel_loop3A_633 = arith.addi %parallel_loop3A_562, %parallel_loop3A_632 : i32
      %parallel_loop3A_634 = vector.broadcast %parallel_loop3A_633 : i32 to vector<16xi32>
      %parallel_loop3A_635 = arith.addi %add3A_4, %parallel_loop3A_634 : vector<16xi32>
      %parallel_loop3A_636 = arith.addf %parallel_loop3A_563, %parallel_loop3A_608 : vector<16xf32>
      tpu.vector_store_idx %arg7[%parallel_loop3A_635], %parallel_loop3A_636 : memref<16384xf32, #tpu.memory_space<vmem>>[vector<16xi32>], vector<16xf32>,
      %parallel_loop3A_637 = arith.constant 5 : i32
      %parallel_loop3A_638 = arith.addi %parallel_loop3A_562, %parallel_loop3A_637 : i32
      %parallel_loop3A_639 = vector.broadcast %parallel_loop3A_638 : i32 to vector<16xi32>
      %parallel_loop3A_640 = arith.addi %add3A_4, %parallel_loop3A_639 : vector<16xi32>
      %parallel_loop3A_641 = arith.addf %parallel_loop3A_563, %parallel_loop3A_611 : vector<16xf32>
      tpu.vector_store_idx %arg7[%parallel_loop3A_640], %parallel_loop3A_641 : memref<16384xf32, #tpu.memory_space<vmem>>[vector<16xi32>], vector<16xf32>,
      %parallel_loop3A_642 = arith.constant 6 : i32
      %parallel_loop3A_643 = arith.addi %parallel_loop3A_562, %parallel_loop3A_642 : i32
      %parallel_loop3A_644 = vector.broadcast %parallel_loop3A_643 : i32 to vector<16xi32>
      %parallel_loop3A_645 = arith.addi %add3A_4, %parallel_loop3A_644 : vector<16xi32>
      %parallel_loop3A_646 = arith.addf %parallel_loop3A_563, %parallel_loop3A_612 : vector<16xf32>
      tpu.vector_store_idx %arg7[%parallel_loop3A_645], %parallel_loop3A_646 : memref<16384xf32, #tpu.memory_space<vmem>>[vector<16xi32>], vector<16xf32>,
      %parallel_loop3A_647 = arith.constant 7 : i32
      %parallel_loop3A_648 = arith.addi %parallel_loop3A_562, %parallel_loop3A_647 : i32
      %parallel_loop3A_649 = vector.broadcast %parallel_loop3A_648 : i32 to vector<16xi32>
      %parallel_loop3A_650 = arith.addi %add3A_4, %parallel_loop3A_649 : vector<16xi32>
      %parallel_loop3A_651 = arith.addf %parallel_loop3A_563, %parallel_loop3A_614 : vector<16xf32>
      tpu.vector_store_idx %arg7[%parallel_loop3A_650], %parallel_loop3A_651 : memref<16384xf32, #tpu.memory_space<vmem>>[vector<16xi32>], vector<16xf32>,
      %parallel_loop3A_652 = arith.addf %parallel_loop3A_608, %parallel_loop3A_609 : vector<16xf32>
      %parallel_loop3A_653 = arith.addf %parallel_loop3A_563, %parallel_loop3A_652 : vector<16xf32>
      scf.yield %parallel_loop3A_653 : vector<16xf32>
    } {sc.loop_unroll_factor = 2 : i64, sc.parallel_access}
    %scan3A_404 = arith.constant 1008 : i32
    %scan3A_405 = arith.constant 17 : i32
    %scan3A_406 = arith.addi %scan3A_404, %scan3A_405 : i32
    %scan3A_407 = arith.constant 1 : i32
    %scan3A_408 = scf.for %scan3A_562 = %scan3A_404 to %scan3A_406 step %scan3A_407 iter_args(%scan3A_563 = %parallel_loop3A_403) -> (vector<16xf32>)  : i32 {
      %lt3A_564 = vector.broadcast %scan3A_562 : i32 to vector<16xi32>
      %lt3A_565 = arith.cmpi slt, %lt3A_564, %select_n3A : vector<16xi32>
      %add3A_566 = vector.broadcast %scan3A_562 : i32 to vector<16xi32>
      %add3A_567 = arith.addi %add3A_4, %add3A_566 : vector<16xi32>
      %gather3A = tpu.vector_load_idx %arg5[%add3A_567] masked %lt3A_565 : memref<16384xf32, #tpu.memory_space<vmem>>[vector<16xi32>], vector<16xf32>, vector<16xi1>
      %add3A_568 = vector.broadcast %scan3A_562 : i32 to vector<16xi32>
      %add3A_569 = arith.addi %add3A_4, %add3A_568 : vector<16xi32>
      tpu.vector_store_idx %arg7[%add3A_569], %scan3A_563 masked %lt3A_565 : memref<16384xf32, #tpu.memory_space<vmem>>[vector<16xi32>], vector<16xf32>, vector<16xi1>
      %jit3A_570 = arith.constant 0.000000e+00 : f32
      %broadcast_in_dim3A_571 = vector.broadcast %jit3A_570 : f32 to vector<16xf32>
      %select_n3A_572 = arith.select %lt3A_565, %gather3A, %broadcast_in_dim3A_571 : vector<16xi1>, vector<16xf32>
      %add3A_573 = arith.addf %scan3A_563, %select_n3A_572 : vector<16xf32>
      scf.yield %add3A_573 : vector<16xf32>
    }
    %scan3A_409 = arith.constant 17 : i32
    %mul3A_410 = arith.constant 4 : i32
    %mul3A_411 = arith.muli %add3A, %mul3A_410 : i32
    %add3A_412 = arith.constant 2 : i32
    %add3A_413 = arith.addi %mul3A_411, %add3A_412 : i32
    %dma_start3A_414 = arith.constant 16384 : i32
    %dma_start3A_415 = tpu.memref_slice %arg3[%add3A_413, %dma_start3A_414] : memref<128x32768xf32, #tpu.memory_space<hbm>> -> memref<1x16384xf32, #tpu.memory_space<hbm>>
    %dma_start3A_416 = tpu.memref_squeeze %dma_start3A_415 : memref<1x16384xf32, #tpu.memory_space<hbm>> -> memref<16384xf32, #tpu.memory_space<hbm>>
    %dma_start3A_417 = arith.constant 16384 : i32
    %dma_start3A_418 = tpu.memref_slice %arg3[%add3A_413, %dma_start3A_417] : memref<128x32768xf32, #tpu.memory_space<hbm>> -> memref<1x16384xf32, #tpu.memory_space<hbm>>
    %dma_start3A_419 = tpu.memref_squeeze %dma_start3A_418 : memref<1x16384xf32, #tpu.memory_space<hbm>> -> memref<16384xf32, #tpu.memory_space<hbm>>
    tpu.enqueue_dma source(%arg7 : memref<16384xf32, #tpu.memory_space<vmem>>) target(%dma_start3A_419 : memref<16384xf32, #tpu.memory_space<hbm>>) target_semaphore(%arg11 : memref<!tpu.dma_semaphore, #tpu.memory_space<semaphore_mem>>)
    %dma_wait3A_420 = arith.constant 0 : i32
    %dma_wait3A_421 = tpu.memref_slice %arg2[%add3A_360, %dma_wait3A_420] : memref<128x32768xf32, #tpu.memory_space<hbm>> -> memref<1x16384xf32, #tpu.memory_space<hbm>>
    %dma_wait3A_422 = tpu.memref_squeeze %dma_wait3A_421 : memref<1x16384xf32, #tpu.memory_space<hbm>> -> memref<16384xf32, #tpu.memory_space<hbm>>
    %dma_wait3A_423 = arith.constant 0 : i32
    %dma_wait3A_424 = tpu.memref_slice %arg2[%add3A_360, %dma_wait3A_423] : memref<128x32768xf32, #tpu.memory_space<hbm>> -> memref<1x16384xf32, #tpu.memory_space<hbm>>
    %dma_wait3A_425 = tpu.memref_squeeze %dma_wait3A_424 : memref<1x16384xf32, #tpu.memory_space<hbm>> -> memref<16384xf32, #tpu.memory_space<hbm>>
    tpu.wait_dma2 semaphore(%arg8 : memref<!tpu.dma_semaphore, #tpu.memory_space<semaphore_mem>>) src(%dma_wait3A_425 : memref<16384xf32, #tpu.memory_space<hbm>>) dst(%arg4 : memref<16384xf32, #tpu.memory_space<vmem>>)
    %mul3A_426 = arith.constant 4 : i32
    %mul3A_427 = arith.muli %add3A, %mul3A_426 : i32
    %add3A_428 = arith.constant 3 : i32
    %add3A_429 = arith.addi %mul3A_427, %add3A_428 : i32
    %dma_start3A_430 = arith.constant 16384 : i32
    %dma_start3A_431 = tpu.memref_slice %arg2[%add3A_429, %dma_start3A_430] : memref<128x32768xf32, #tpu.memory_space<hbm>> -> memref<1x16384xf32, #tpu.memory_space<hbm>>
    %dma_start3A_432 = tpu.memref_squeeze %dma_start3A_431 : memref<1x16384xf32, #tpu.memory_space<hbm>> -> memref<16384xf32, #tpu.memory_space<hbm>>
    %dma_start3A_433 = arith.constant 16384 : i32
    %dma_start3A_434 = tpu.memref_slice %arg2[%add3A_429, %dma_start3A_433] : memref<128x32768xf32, #tpu.memory_space<hbm>> -> memref<1x16384xf32, #tpu.memory_space<hbm>>
    %dma_start3A_435 = tpu.memref_squeeze %dma_start3A_434 : memref<1x16384xf32, #tpu.memory_space<hbm>> -> memref<16384xf32, #tpu.memory_space<hbm>>
    tpu.enqueue_dma source(%dma_start3A_435 : memref<16384xf32, #tpu.memory_space<hbm>>) target(%arg5 : memref<16384xf32, #tpu.memory_space<vmem>>) target_semaphore(%arg9 : memref<!tpu.dma_semaphore, #tpu.memory_space<semaphore_mem>>)
    %broadcast_in_dim3A_436 = arith.constant 0.000000e+00 : f32
    %broadcast_in_dim3A_437 = vector.broadcast %broadcast_in_dim3A_436 : f32 to vector<16xf32>
    %parallel_loop3A_438 = arith.constant 0 : i32
    %parallel_loop3A_439 = arith.constant 1008 : i32
    %parallel_loop3A_440 = arith.constant 4 : i32
    %parallel_loop3A_441:4 = scf.for %parallel_loop3A_562 = %parallel_loop3A_438 to %parallel_loop3A_439 step %parallel_loop3A_440 iter_args(%parallel_loop3A_563 = %broadcast_in_dim3A_437, %parallel_loop3A_564 = %broadcast_in_dim3A_437, %parallel_loop3A_565 = %broadcast_in_dim3A_437, %parallel_loop3A_566 = %broadcast_in_dim3A_437) -> (vector<16xf32>, vector<16xf32>, vector<16xf32>, vector<16xf32>)  : i32 {
      %parallel_loop3A_567 = vector.broadcast %parallel_loop3A_562 : i32 to vector<16xi32>
      %parallel_loop3A_568 = arith.addi %add3A_4, %parallel_loop3A_567 : vector<16xi32>
      %parallel_loop3A_569 = tpu.vector_load_idx %arg4[%parallel_loop3A_568] : memref<16384xf32, #tpu.memory_space<vmem>>[vector<16xi32>], vector<16xf32>,
      %parallel_loop3A_570 = arith.addf %parallel_loop3A_563, %parallel_loop3A_569 : vector<16xf32>
      %parallel_loop3A_571 = arith.constant 1 : i32
      %parallel_loop3A_572 = arith.addi %parallel_loop3A_562, %parallel_loop3A_571 : i32
      %parallel_loop3A_573 = vector.broadcast %parallel_loop3A_572 : i32 to vector<16xi32>
      %parallel_loop3A_574 = arith.addi %add3A_4, %parallel_loop3A_573 : vector<16xi32>
      %parallel_loop3A_575 = tpu.vector_load_idx %arg4[%parallel_loop3A_574] : memref<16384xf32, #tpu.memory_space<vmem>>[vector<16xi32>], vector<16xf32>,
      %parallel_loop3A_576 = arith.addf %parallel_loop3A_564, %parallel_loop3A_575 : vector<16xf32>
      %parallel_loop3A_577 = arith.constant 2 : i32
      %parallel_loop3A_578 = arith.addi %parallel_loop3A_562, %parallel_loop3A_577 : i32
      %parallel_loop3A_579 = vector.broadcast %parallel_loop3A_578 : i32 to vector<16xi32>
      %parallel_loop3A_580 = arith.addi %add3A_4, %parallel_loop3A_579 : vector<16xi32>
      %parallel_loop3A_581 = tpu.vector_load_idx %arg4[%parallel_loop3A_580] : memref<16384xf32, #tpu.memory_space<vmem>>[vector<16xi32>], vector<16xf32>,
      %parallel_loop3A_582 = arith.addf %parallel_loop3A_565, %parallel_loop3A_581 : vector<16xf32>
      %parallel_loop3A_583 = arith.constant 3 : i32
      %parallel_loop3A_584 = arith.addi %parallel_loop3A_562, %parallel_loop3A_583 : i32
      %parallel_loop3A_585 = vector.broadcast %parallel_loop3A_584 : i32 to vector<16xi32>
      %parallel_loop3A_586 = arith.addi %add3A_4, %parallel_loop3A_585 : vector<16xi32>
      %parallel_loop3A_587 = tpu.vector_load_idx %arg4[%parallel_loop3A_586] : memref<16384xf32, #tpu.memory_space<vmem>>[vector<16xi32>], vector<16xf32>,
      %parallel_loop3A_588 = arith.addf %parallel_loop3A_566, %parallel_loop3A_587 : vector<16xf32>
      scf.yield %parallel_loop3A_570, %parallel_loop3A_576, %parallel_loop3A_582, %parallel_loop3A_588 : vector<16xf32>, vector<16xf32>, vector<16xf32>, vector<16xf32>
    } {sc.loop_unroll_factor = 4 : i64, sc.parallel_access}
    %scan3A_442 = arith.constant 1008 : i32
    %scan3A_443 = arith.constant 17 : i32
    %scan3A_444 = arith.addi %scan3A_442, %scan3A_443 : i32
    %scan3A_445 = arith.constant 1 : i32
    %scan3A_446 = scf.for %scan3A_562 = %scan3A_442 to %scan3A_444 step %scan3A_445 iter_args(%scan3A_563 = %broadcast_in_dim3A_437) -> (vector<16xf32>)  : i32 {
      %lt3A_564 = vector.broadcast %scan3A_562 : i32 to vector<16xi32>
      %lt3A_565 = arith.cmpi slt, %lt3A_564, %select_n3A : vector<16xi32>
      %add3A_566 = vector.broadcast %scan3A_562 : i32 to vector<16xi32>
      %add3A_567 = arith.addi %add3A_4, %add3A_566 : vector<16xi32>
      %gather3A = tpu.vector_load_idx %arg4[%add3A_567] masked %lt3A_565 : memref<16384xf32, #tpu.memory_space<vmem>>[vector<16xi32>], vector<16xf32>, vector<16xi1>
      %jit3A_568 = arith.constant 0.000000e+00 : f32
      %broadcast_in_dim3A_569 = vector.broadcast %jit3A_568 : f32 to vector<16xf32>
      %select_n3A_570 = arith.select %lt3A_565, %gather3A, %broadcast_in_dim3A_569 : vector<16xi1>, vector<16xf32>
      %add3A_571 = arith.addf %scan3A_563, %select_n3A_570 : vector<16xf32>
      scf.yield %add3A_571 : vector<16xf32>
    }
    %scan3A_447 = arith.constant 17 : i32
    %add3A_448 = arith.addf %parallel_loop3A_441#0, %parallel_loop3A_441#1 : vector<16xf32>
    %add3A_449 = arith.addf %parallel_loop3A_441#2, %parallel_loop3A_441#3 : vector<16xf32>
    %add3A_450 = arith.addf %add3A_448, %add3A_449 : vector<16xf32>
    %add3A_451 = arith.addf %add3A_450, %scan3A_446 : vector<16xf32>
    %broadcast_in_dim3A_452 = arith.constant true
    %broadcast_in_dim3A_453 = vector.broadcast %broadcast_in_dim3A_452 : i1 to vector<16xi1>
    %masked_cumsum3A_454 = tpu.scan <sum>, %add3A_451 masked %broadcast_in_dim3A_453 : vector<16xf32>, vector<16xi1> -> vector<16xf32>
    %sub3A_455 = arith.subf %masked_cumsum3A_454, %add3A_451 : vector<16xf32>
    %add3A_456 = arith.constant 0.000000e+00 : f32
    %add3A_457 = vector.broadcast %add3A_456 : f32 to vector<16xf32>
    %add3A_458 = arith.addf %sub3A_455, %add3A_457 : vector<16xf32>
    %reduce_sum3A_459 = arith.constant true
    %reduce_sum3A_460 = vector.broadcast %reduce_sum3A_459 : i1 to vector<16xi1>
    %reduce_sum3A_461 = tpu.scan <sum>, %add3A_451 masked %reduce_sum3A_460 : vector<16xf32>, vector<16xi1> -> vector<16xf32>
    %reduce_sum3A_462 = vector.extract %reduce_sum3A_461[15] : f32 from vector<16xf32>
    %add3A_463 = arith.constant 0.000000e+00 : f32
    %add3A_464 = arith.addf %add3A_463, %reduce_sum3A_462 : f32
    %dma_wait3A_465 = arith.constant 0 : i32
    %dma_wait3A_466 = tpu.memref_slice %arg3[%add3A_344, %dma_wait3A_465] : memref<128x32768xf32, #tpu.memory_space<hbm>> -> memref<1x16384xf32, #tpu.memory_space<hbm>>
    %dma_wait3A_467 = tpu.memref_squeeze %dma_wait3A_466 : memref<1x16384xf32, #tpu.memory_space<hbm>> -> memref<16384xf32, #tpu.memory_space<hbm>>
    %dma_wait3A_468 = arith.constant 0 : i32
    %dma_wait3A_469 = tpu.memref_slice %arg3[%add3A_344, %dma_wait3A_468] : memref<128x32768xf32, #tpu.memory_space<hbm>> -> memref<1x16384xf32, #tpu.memory_space<hbm>>
    %dma_wait3A_470 = tpu.memref_squeeze %dma_wait3A_469 : memref<1x16384xf32, #tpu.memory_space<hbm>> -> memref<16384xf32, #tpu.memory_space<hbm>>
    tpu.wait_dma2 semaphore(%arg10 : memref<!tpu.dma_semaphore, #tpu.memory_space<semaphore_mem>>) src(%arg6 : memref<16384xf32, #tpu.memory_space<vmem>>) dst(%dma_wait3A_470 : memref<16384xf32, #tpu.memory_space<hbm>>)
    %parallel_loop3A_471 = arith.constant 0 : i32
    %parallel_loop3A_472 = arith.constant 1008 : i32
    %parallel_loop3A_473 = arith.constant 8 : i32
    %parallel_loop3A_474 = scf.for %parallel_loop3A_562 = %parallel_loop3A_471 to %parallel_loop3A_472 step %parallel_loop3A_473 iter_args(%parallel_loop3A_563 = %add3A_458) -> (vector<16xf32>)  : i32 {
      %parallel_loop3A_564 = arith.constant 0 : i32
      %parallel_loop3A_565 = arith.addi %parallel_loop3A_562, %parallel_loop3A_564 : i32
      %parallel_loop3A_566 = vector.broadcast %parallel_loop3A_565 : i32 to vector<16xi32>
      %parallel_loop3A_567 = arith.addi %add3A_4, %parallel_loop3A_566 : vector<16xi32>
      %parallel_loop3A_568 = tpu.vector_load_idx %arg4[%parallel_loop3A_567] : memref<16384xf32, #tpu.memory_space<vmem>>[vector<16xi32>], vector<16xf32>,
      %parallel_loop3A_569 = arith.constant 1 : i32
      %parallel_loop3A_570 = arith.addi %parallel_loop3A_562, %parallel_loop3A_569 : i32
      %parallel_loop3A_571 = vector.broadcast %parallel_loop3A_570 : i32 to vector<16xi32>
      %parallel_loop3A_572 = arith.addi %add3A_4, %parallel_loop3A_571 : vector<16xi32>
      %parallel_loop3A_573 = tpu.vector_load_idx %arg4[%parallel_loop3A_572] : memref<16384xf32, #tpu.memory_space<vmem>>[vector<16xi32>], vector<16xf32>,
      %parallel_loop3A_574 = arith.constant 2 : i32
      %parallel_loop3A_575 = arith.addi %parallel_loop3A_562, %parallel_loop3A_574 : i32
      %parallel_loop3A_576 = vector.broadcast %parallel_loop3A_575 : i32 to vector<16xi32>
      %parallel_loop3A_577 = arith.addi %add3A_4, %parallel_loop3A_576 : vector<16xi32>
      %parallel_loop3A_578 = tpu.vector_load_idx %arg4[%parallel_loop3A_577] : memref<16384xf32, #tpu.memory_space<vmem>>[vector<16xi32>], vector<16xf32>,
      %parallel_loop3A_579 = arith.constant 3 : i32
      %parallel_loop3A_580 = arith.addi %parallel_loop3A_562, %parallel_loop3A_579 : i32
      %parallel_loop3A_581 = vector.broadcast %parallel_loop3A_580 : i32 to vector<16xi32>
      %parallel_loop3A_582 = arith.addi %add3A_4, %parallel_loop3A_581 : vector<16xi32>
      %parallel_loop3A_583 = tpu.vector_load_idx %arg4[%parallel_loop3A_582] : memref<16384xf32, #tpu.memory_space<vmem>>[vector<16xi32>], vector<16xf32>,
      %parallel_loop3A_584 = arith.constant 4 : i32
      %parallel_loop3A_585 = arith.addi %parallel_loop3A_562, %parallel_loop3A_584 : i32
      %parallel_loop3A_586 = vector.broadcast %parallel_loop3A_585 : i32 to vector<16xi32>
      %parallel_loop3A_587 = arith.addi %add3A_4, %parallel_loop3A_586 : vector<16xi32>
      %parallel_loop3A_588 = tpu.vector_load_idx %arg4[%parallel_loop3A_587] : memref<16384xf32, #tpu.memory_space<vmem>>[vector<16xi32>], vector<16xf32>,
      %parallel_loop3A_589 = arith.constant 5 : i32
      %parallel_loop3A_590 = arith.addi %parallel_loop3A_562, %parallel_loop3A_589 : i32
      %parallel_loop3A_591 = vector.broadcast %parallel_loop3A_590 : i32 to vector<16xi32>
      %parallel_loop3A_592 = arith.addi %add3A_4, %parallel_loop3A_591 : vector<16xi32>
      %parallel_loop3A_593 = tpu.vector_load_idx %arg4[%parallel_loop3A_592] : memref<16384xf32, #tpu.memory_space<vmem>>[vector<16xi32>], vector<16xf32>,
      %parallel_loop3A_594 = arith.constant 6 : i32
      %parallel_loop3A_595 = arith.addi %parallel_loop3A_562, %parallel_loop3A_594 : i32
      %parallel_loop3A_596 = vector.broadcast %parallel_loop3A_595 : i32 to vector<16xi32>
      %parallel_loop3A_597 = arith.addi %add3A_4, %parallel_loop3A_596 : vector<16xi32>
      %parallel_loop3A_598 = tpu.vector_load_idx %arg4[%parallel_loop3A_597] : memref<16384xf32, #tpu.memory_space<vmem>>[vector<16xi32>], vector<16xf32>,
      %parallel_loop3A_599 = arith.constant 7 : i32
      %parallel_loop3A_600 = arith.addi %parallel_loop3A_562, %parallel_loop3A_599 : i32
      %parallel_loop3A_601 = vector.broadcast %parallel_loop3A_600 : i32 to vector<16xi32>
      %parallel_loop3A_602 = arith.addi %add3A_4, %parallel_loop3A_601 : vector<16xi32>
      %parallel_loop3A_603 = tpu.vector_load_idx %arg4[%parallel_loop3A_602] : memref<16384xf32, #tpu.memory_space<vmem>>[vector<16xi32>], vector<16xf32>,
      %parallel_loop3A_604 = arith.addf %parallel_loop3A_568, %parallel_loop3A_573 : vector<16xf32>
      %parallel_loop3A_605 = arith.addf %parallel_loop3A_578, %parallel_loop3A_583 : vector<16xf32>
      %parallel_loop3A_606 = arith.addf %parallel_loop3A_588, %parallel_loop3A_593 : vector<16xf32>
      %parallel_loop3A_607 = arith.addf %parallel_loop3A_598, %parallel_loop3A_603 : vector<16xf32>
      %parallel_loop3A_608 = arith.addf %parallel_loop3A_604, %parallel_loop3A_605 : vector<16xf32>
      %parallel_loop3A_609 = arith.addf %parallel_loop3A_606, %parallel_loop3A_607 : vector<16xf32>
      %parallel_loop3A_610 = arith.addf %parallel_loop3A_604, %parallel_loop3A_578 : vector<16xf32>
      %parallel_loop3A_611 = arith.addf %parallel_loop3A_608, %parallel_loop3A_588 : vector<16xf32>
      %parallel_loop3A_612 = arith.addf %parallel_loop3A_608, %parallel_loop3A_606 : vector<16xf32>
      %parallel_loop3A_613 = arith.addf %parallel_loop3A_608, %parallel_loop3A_606 : vector<16xf32>
      %parallel_loop3A_614 = arith.addf %parallel_loop3A_613, %parallel_loop3A_598 : vector<16xf32>
      %parallel_loop3A_615 = vector.broadcast %parallel_loop3A_562 : i32 to vector<16xi32>
      %parallel_loop3A_616 = arith.addi %add3A_4, %parallel_loop3A_615 : vector<16xi32>
      tpu.vector_store_idx %arg6[%parallel_loop3A_616], %parallel_loop3A_563 : memref<16384xf32, #tpu.memory_space<vmem>>[vector<16xi32>], vector<16xf32>,
      %parallel_loop3A_617 = arith.constant 1 : i32
      %parallel_loop3A_618 = arith.addi %parallel_loop3A_562, %parallel_loop3A_617 : i32
      %parallel_loop3A_619 = vector.broadcast %parallel_loop3A_618 : i32 to vector<16xi32>
      %parallel_loop3A_620 = arith.addi %add3A_4, %parallel_loop3A_619 : vector<16xi32>
      %parallel_loop3A_621 = arith.addf %parallel_loop3A_563, %parallel_loop3A_568 : vector<16xf32>
      tpu.vector_store_idx %arg6[%parallel_loop3A_620], %parallel_loop3A_621 : memref<16384xf32, #tpu.memory_space<vmem>>[vector<16xi32>], vector<16xf32>,
      %parallel_loop3A_622 = arith.constant 2 : i32
      %parallel_loop3A_623 = arith.addi %parallel_loop3A_562, %parallel_loop3A_622 : i32
      %parallel_loop3A_624 = vector.broadcast %parallel_loop3A_623 : i32 to vector<16xi32>
      %parallel_loop3A_625 = arith.addi %add3A_4, %parallel_loop3A_624 : vector<16xi32>
      %parallel_loop3A_626 = arith.addf %parallel_loop3A_563, %parallel_loop3A_604 : vector<16xf32>
      tpu.vector_store_idx %arg6[%parallel_loop3A_625], %parallel_loop3A_626 : memref<16384xf32, #tpu.memory_space<vmem>>[vector<16xi32>], vector<16xf32>,
      %parallel_loop3A_627 = arith.constant 3 : i32
      %parallel_loop3A_628 = arith.addi %parallel_loop3A_562, %parallel_loop3A_627 : i32
      %parallel_loop3A_629 = vector.broadcast %parallel_loop3A_628 : i32 to vector<16xi32>
      %parallel_loop3A_630 = arith.addi %add3A_4, %parallel_loop3A_629 : vector<16xi32>
      %parallel_loop3A_631 = arith.addf %parallel_loop3A_563, %parallel_loop3A_610 : vector<16xf32>
      tpu.vector_store_idx %arg6[%parallel_loop3A_630], %parallel_loop3A_631 : memref<16384xf32, #tpu.memory_space<vmem>>[vector<16xi32>], vector<16xf32>,
      %parallel_loop3A_632 = arith.constant 4 : i32
      %parallel_loop3A_633 = arith.addi %parallel_loop3A_562, %parallel_loop3A_632 : i32
      %parallel_loop3A_634 = vector.broadcast %parallel_loop3A_633 : i32 to vector<16xi32>
      %parallel_loop3A_635 = arith.addi %add3A_4, %parallel_loop3A_634 : vector<16xi32>
      %parallel_loop3A_636 = arith.addf %parallel_loop3A_563, %parallel_loop3A_608 : vector<16xf32>
      tpu.vector_store_idx %arg6[%parallel_loop3A_635], %parallel_loop3A_636 : memref<16384xf32, #tpu.memory_space<vmem>>[vector<16xi32>], vector<16xf32>,
      %parallel_loop3A_637 = arith.constant 5 : i32
      %parallel_loop3A_638 = arith.addi %parallel_loop3A_562, %parallel_loop3A_637 : i32
      %parallel_loop3A_639 = vector.broadcast %parallel_loop3A_638 : i32 to vector<16xi32>
      %parallel_loop3A_640 = arith.addi %add3A_4, %parallel_loop3A_639 : vector<16xi32>
      %parallel_loop3A_641 = arith.addf %parallel_loop3A_563, %parallel_loop3A_611 : vector<16xf32>
      tpu.vector_store_idx %arg6[%parallel_loop3A_640], %parallel_loop3A_641 : memref<16384xf32, #tpu.memory_space<vmem>>[vector<16xi32>], vector<16xf32>,
      %parallel_loop3A_642 = arith.constant 6 : i32
      %parallel_loop3A_643 = arith.addi %parallel_loop3A_562, %parallel_loop3A_642 : i32
      %parallel_loop3A_644 = vector.broadcast %parallel_loop3A_643 : i32 to vector<16xi32>
      %parallel_loop3A_645 = arith.addi %add3A_4, %parallel_loop3A_644 : vector<16xi32>
      %parallel_loop3A_646 = arith.addf %parallel_loop3A_563, %parallel_loop3A_612 : vector<16xf32>
      tpu.vector_store_idx %arg6[%parallel_loop3A_645], %parallel_loop3A_646 : memref<16384xf32, #tpu.memory_space<vmem>>[vector<16xi32>], vector<16xf32>,
      %parallel_loop3A_647 = arith.constant 7 : i32
      %parallel_loop3A_648 = arith.addi %parallel_loop3A_562, %parallel_loop3A_647 : i32
      %parallel_loop3A_649 = vector.broadcast %parallel_loop3A_648 : i32 to vector<16xi32>
      %parallel_loop3A_650 = arith.addi %add3A_4, %parallel_loop3A_649 : vector<16xi32>
      %parallel_loop3A_651 = arith.addf %parallel_loop3A_563, %parallel_loop3A_614 : vector<16xf32>
      tpu.vector_store_idx %arg6[%parallel_loop3A_650], %parallel_loop3A_651 : memref<16384xf32, #tpu.memory_space<vmem>>[vector<16xi32>], vector<16xf32>,
      %parallel_loop3A_652 = arith.addf %parallel_loop3A_608, %parallel_loop3A_609 : vector<16xf32>
      %parallel_loop3A_653 = arith.addf %parallel_loop3A_563, %parallel_loop3A_652 : vector<16xf32>
      scf.yield %parallel_loop3A_653 : vector<16xf32>
    } {sc.loop_unroll_factor = 2 : i64, sc.parallel_access}
    %scan3A_475 = arith.constant 1008 : i32
    %scan3A_476 = arith.constant 17 : i32
    %scan3A_477 = arith.addi %scan3A_475, %scan3A_476 : i32
    %scan3A_478 = arith.constant 1 : i32
    %scan3A_479 = scf.for %scan3A_562 = %scan3A_475 to %scan3A_477 step %scan3A_478 iter_args(%scan3A_563 = %parallel_loop3A_474) -> (vector<16xf32>)  : i32 {
      %lt3A_564 = vector.broadcast %scan3A_562 : i32 to vector<16xi32>
      %lt3A_565 = arith.cmpi slt, %lt3A_564, %select_n3A : vector<16xi32>
      %add3A_566 = vector.broadcast %scan3A_562 : i32 to vector<16xi32>
      %add3A_567 = arith.addi %add3A_4, %add3A_566 : vector<16xi32>
      %gather3A = tpu.vector_load_idx %arg4[%add3A_567] masked %lt3A_565 : memref<16384xf32, #tpu.memory_space<vmem>>[vector<16xi32>], vector<16xf32>, vector<16xi1>
      %add3A_568 = vector.broadcast %scan3A_562 : i32 to vector<16xi32>
      %add3A_569 = arith.addi %add3A_4, %add3A_568 : vector<16xi32>
      tpu.vector_store_idx %arg6[%add3A_569], %scan3A_563 masked %lt3A_565 : memref<16384xf32, #tpu.memory_space<vmem>>[vector<16xi32>], vector<16xf32>, vector<16xi1>
      %jit3A_570 = arith.constant 0.000000e+00 : f32
      %broadcast_in_dim3A_571 = vector.broadcast %jit3A_570 : f32 to vector<16xf32>
      %select_n3A_572 = arith.select %lt3A_565, %gather3A, %broadcast_in_dim3A_571 : vector<16xi1>, vector<16xf32>
      %add3A_573 = arith.addf %scan3A_563, %select_n3A_572 : vector<16xf32>
      scf.yield %add3A_573 : vector<16xf32>
    }
    %scan3A_480 = arith.constant 17 : i32
    %mul3A_481 = arith.constant 4 : i32
    %mul3A_482 = arith.muli %add3A, %mul3A_481 : i32
    %add3A_483 = arith.constant 3 : i32
    %add3A_484 = arith.addi %mul3A_482, %add3A_483 : i32
    %dma_start3A_485 = arith.constant 0 : i32
    %dma_start3A_486 = tpu.memref_slice %arg3[%add3A_484, %dma_start3A_485] : memref<128x32768xf32, #tpu.memory_space<hbm>> -> memref<1x16384xf32, #tpu.memory_space<hbm>>
    %dma_start3A_487 = tpu.memref_squeeze %dma_start3A_486 : memref<1x16384xf32, #tpu.memory_space<hbm>> -> memref<16384xf32, #tpu.memory_space<hbm>>
    %dma_start3A_488 = arith.constant 0 : i32
    %dma_start3A_489 = tpu.memref_slice %arg3[%add3A_484, %dma_start3A_488] : memref<128x32768xf32, #tpu.memory_space<hbm>> -> memref<1x16384xf32, #tpu.memory_space<hbm>>
    %dma_start3A_490 = tpu.memref_squeeze %dma_start3A_489 : memref<1x16384xf32, #tpu.memory_space<hbm>> -> memref<16384xf32, #tpu.memory_space<hbm>>
    tpu.enqueue_dma source(%arg6 : memref<16384xf32, #tpu.memory_space<vmem>>) target(%dma_start3A_490 : memref<16384xf32, #tpu.memory_space<hbm>>) target_semaphore(%arg10 : memref<!tpu.dma_semaphore, #tpu.memory_space<semaphore_mem>>)
    %dma_wait3A_491 = arith.constant 16384 : i32
    %dma_wait3A_492 = tpu.memref_slice %arg2[%add3A_429, %dma_wait3A_491] : memref<128x32768xf32, #tpu.memory_space<hbm>> -> memref<1x16384xf32, #tpu.memory_space<hbm>>
    %dma_wait3A_493 = tpu.memref_squeeze %dma_wait3A_492 : memref<1x16384xf32, #tpu.memory_space<hbm>> -> memref<16384xf32, #tpu.memory_space<hbm>>
    %dma_wait3A_494 = arith.constant 16384 : i32
    %dma_wait3A_495 = tpu.memref_slice %arg2[%add3A_429, %dma_wait3A_494] : memref<128x32768xf32, #tpu.memory_space<hbm>> -> memref<1x16384xf32, #tpu.memory_space<hbm>>
    %dma_wait3A_496 = tpu.memref_squeeze %dma_wait3A_495 : memref<1x16384xf32, #tpu.memory_space<hbm>> -> memref<16384xf32, #tpu.memory_space<hbm>>
    tpu.wait_dma2 semaphore(%arg9 : memref<!tpu.dma_semaphore, #tpu.memory_space<semaphore_mem>>) src(%dma_wait3A_496 : memref<16384xf32, #tpu.memory_space<hbm>>) dst(%arg5 : memref<16384xf32, #tpu.memory_space<vmem>>)
    %broadcast_in_dim3A_497 = arith.constant 0.000000e+00 : f32
    %broadcast_in_dim3A_498 = vector.broadcast %broadcast_in_dim3A_497 : f32 to vector<16xf32>
    %parallel_loop3A_499 = arith.constant 0 : i32
    %parallel_loop3A_500 = arith.constant 1008 : i32
    %parallel_loop3A_501 = arith.constant 4 : i32
    %parallel_loop3A_502:4 = scf.for %parallel_loop3A_562 = %parallel_loop3A_499 to %parallel_loop3A_500 step %parallel_loop3A_501 iter_args(%parallel_loop3A_563 = %broadcast_in_dim3A_498, %parallel_loop3A_564 = %broadcast_in_dim3A_498, %parallel_loop3A_565 = %broadcast_in_dim3A_498, %parallel_loop3A_566 = %broadcast_in_dim3A_498) -> (vector<16xf32>, vector<16xf32>, vector<16xf32>, vector<16xf32>)  : i32 {
      %parallel_loop3A_567 = vector.broadcast %parallel_loop3A_562 : i32 to vector<16xi32>
      %parallel_loop3A_568 = arith.addi %add3A_4, %parallel_loop3A_567 : vector<16xi32>
      %parallel_loop3A_569 = tpu.vector_load_idx %arg5[%parallel_loop3A_568] : memref<16384xf32, #tpu.memory_space<vmem>>[vector<16xi32>], vector<16xf32>,
      %parallel_loop3A_570 = arith.addf %parallel_loop3A_563, %parallel_loop3A_569 : vector<16xf32>
      %parallel_loop3A_571 = arith.constant 1 : i32
      %parallel_loop3A_572 = arith.addi %parallel_loop3A_562, %parallel_loop3A_571 : i32
      %parallel_loop3A_573 = vector.broadcast %parallel_loop3A_572 : i32 to vector<16xi32>
      %parallel_loop3A_574 = arith.addi %add3A_4, %parallel_loop3A_573 : vector<16xi32>
      %parallel_loop3A_575 = tpu.vector_load_idx %arg5[%parallel_loop3A_574] : memref<16384xf32, #tpu.memory_space<vmem>>[vector<16xi32>], vector<16xf32>,
      %parallel_loop3A_576 = arith.addf %parallel_loop3A_564, %parallel_loop3A_575 : vector<16xf32>
      %parallel_loop3A_577 = arith.constant 2 : i32
      %parallel_loop3A_578 = arith.addi %parallel_loop3A_562, %parallel_loop3A_577 : i32
      %parallel_loop3A_579 = vector.broadcast %parallel_loop3A_578 : i32 to vector<16xi32>
      %parallel_loop3A_580 = arith.addi %add3A_4, %parallel_loop3A_579 : vector<16xi32>
      %parallel_loop3A_581 = tpu.vector_load_idx %arg5[%parallel_loop3A_580] : memref<16384xf32, #tpu.memory_space<vmem>>[vector<16xi32>], vector<16xf32>,
      %parallel_loop3A_582 = arith.addf %parallel_loop3A_565, %parallel_loop3A_581 : vector<16xf32>
      %parallel_loop3A_583 = arith.constant 3 : i32
      %parallel_loop3A_584 = arith.addi %parallel_loop3A_562, %parallel_loop3A_583 : i32
      %parallel_loop3A_585 = vector.broadcast %parallel_loop3A_584 : i32 to vector<16xi32>
      %parallel_loop3A_586 = arith.addi %add3A_4, %parallel_loop3A_585 : vector<16xi32>
      %parallel_loop3A_587 = tpu.vector_load_idx %arg5[%parallel_loop3A_586] : memref<16384xf32, #tpu.memory_space<vmem>>[vector<16xi32>], vector<16xf32>,
      %parallel_loop3A_588 = arith.addf %parallel_loop3A_566, %parallel_loop3A_587 : vector<16xf32>
      scf.yield %parallel_loop3A_570, %parallel_loop3A_576, %parallel_loop3A_582, %parallel_loop3A_588 : vector<16xf32>, vector<16xf32>, vector<16xf32>, vector<16xf32>
    } {sc.loop_unroll_factor = 4 : i64, sc.parallel_access}
    %scan3A_503 = arith.constant 1008 : i32
    %scan3A_504 = arith.constant 17 : i32
    %scan3A_505 = arith.addi %scan3A_503, %scan3A_504 : i32
    %scan3A_506 = arith.constant 1 : i32
    %scan3A_507 = scf.for %scan3A_562 = %scan3A_503 to %scan3A_505 step %scan3A_506 iter_args(%scan3A_563 = %broadcast_in_dim3A_498) -> (vector<16xf32>)  : i32 {
      %lt3A_564 = vector.broadcast %scan3A_562 : i32 to vector<16xi32>
      %lt3A_565 = arith.cmpi slt, %lt3A_564, %select_n3A : vector<16xi32>
      %add3A_566 = vector.broadcast %scan3A_562 : i32 to vector<16xi32>
      %add3A_567 = arith.addi %add3A_4, %add3A_566 : vector<16xi32>
      %gather3A = tpu.vector_load_idx %arg5[%add3A_567] masked %lt3A_565 : memref<16384xf32, #tpu.memory_space<vmem>>[vector<16xi32>], vector<16xf32>, vector<16xi1>
      %jit3A_568 = arith.constant 0.000000e+00 : f32
      %broadcast_in_dim3A_569 = vector.broadcast %jit3A_568 : f32 to vector<16xf32>
      %select_n3A_570 = arith.select %lt3A_565, %gather3A, %broadcast_in_dim3A_569 : vector<16xi1>, vector<16xf32>
      %add3A_571 = arith.addf %scan3A_563, %select_n3A_570 : vector<16xf32>
      scf.yield %add3A_571 : vector<16xf32>
    }
    %scan3A_508 = arith.constant 17 : i32
    %add3A_509 = arith.addf %parallel_loop3A_502#0, %parallel_loop3A_502#1 : vector<16xf32>
    %add3A_510 = arith.addf %parallel_loop3A_502#2, %parallel_loop3A_502#3 : vector<16xf32>
    %add3A_511 = arith.addf %add3A_509, %add3A_510 : vector<16xf32>
    %add3A_512 = arith.addf %add3A_511, %scan3A_507 : vector<16xf32>
    %broadcast_in_dim3A_513 = arith.constant true
    %broadcast_in_dim3A_514 = vector.broadcast %broadcast_in_dim3A_513 : i1 to vector<16xi1>
    %masked_cumsum3A_515 = tpu.scan <sum>, %add3A_512 masked %broadcast_in_dim3A_514 : vector<16xf32>, vector<16xi1> -> vector<16xf32>
    %sub3A_516 = arith.subf %masked_cumsum3A_515, %add3A_512 : vector<16xf32>
    %add3A_517 = vector.broadcast %add3A_464 : f32 to vector<16xf32>
    %add3A_518 = arith.addf %sub3A_516, %add3A_517 : vector<16xf32>
    %reduce_sum3A_519 = arith.constant true
    %reduce_sum3A_520 = vector.broadcast %reduce_sum3A_519 : i1 to vector<16xi1>
    %reduce_sum3A_521 = tpu.scan <sum>, %add3A_512 masked %reduce_sum3A_520 : vector<16xf32>, vector<16xi1> -> vector<16xf32>
    %reduce_sum3A_522 = vector.extract %reduce_sum3A_521[15] : f32 from vector<16xf32>
    %add3A_523 = arith.addf %add3A_464, %reduce_sum3A_522 : f32
    %dma_wait3A_524 = arith.constant 16384 : i32
    %dma_wait3A_525 = tpu.memref_slice %arg3[%add3A_413, %dma_wait3A_524] : memref<128x32768xf32, #tpu.memory_space<hbm>> -> memref<1x16384xf32, #tpu.memory_space<hbm>>
    %dma_wait3A_526 = tpu.memref_squeeze %dma_wait3A_525 : memref<1x16384xf32, #tpu.memory_space<hbm>> -> memref<16384xf32, #tpu.memory_space<hbm>>
    %dma_wait3A_527 = arith.constant 16384 : i32
    %dma_wait3A_528 = tpu.memref_slice %arg3[%add3A_413, %dma_wait3A_527] : memref<128x32768xf32, #tpu.memory_space<hbm>> -> memref<1x16384xf32, #tpu.memory_space<hbm>>
    %dma_wait3A_529 = tpu.memref_squeeze %dma_wait3A_528 : memref<1x16384xf32, #tpu.memory_space<hbm>> -> memref<16384xf32, #tpu.memory_space<hbm>>
    tpu.wait_dma2 semaphore(%arg11 : memref<!tpu.dma_semaphore, #tpu.memory_space<semaphore_mem>>) src(%arg7 : memref<16384xf32, #tpu.memory_space<vmem>>) dst(%dma_wait3A_529 : memref<16384xf32, #tpu.memory_space<hbm>>)
    %parallel_loop3A_530 = arith.constant 0 : i32
    %parallel_loop3A_531 = arith.constant 1008 : i32
    %parallel_loop3A_532 = arith.constant 8 : i32
    %parallel_loop3A_533 = scf.for %parallel_loop3A_562 = %parallel_loop3A_530 to %parallel_loop3A_531 step %parallel_loop3A_532 iter_args(%parallel_loop3A_563 = %add3A_518) -> (vector<16xf32>)  : i32 {
      %parallel_loop3A_564 = arith.constant 0 : i32
      %parallel_loop3A_565 = arith.addi %parallel_loop3A_562, %parallel_loop3A_564 : i32
      %parallel_loop3A_566 = vector.broadcast %parallel_loop3A_565 : i32 to vector<16xi32>
      %parallel_loop3A_567 = arith.addi %add3A_4, %parallel_loop3A_566 : vector<16xi32>
      %parallel_loop3A_568 = tpu.vector_load_idx %arg5[%parallel_loop3A_567] : memref<16384xf32, #tpu.memory_space<vmem>>[vector<16xi32>], vector<16xf32>,
      %parallel_loop3A_569 = arith.constant 1 : i32
      %parallel_loop3A_570 = arith.addi %parallel_loop3A_562, %parallel_loop3A_569 : i32
      %parallel_loop3A_571 = vector.broadcast %parallel_loop3A_570 : i32 to vector<16xi32>
      %parallel_loop3A_572 = arith.addi %add3A_4, %parallel_loop3A_571 : vector<16xi32>
      %parallel_loop3A_573 = tpu.vector_load_idx %arg5[%parallel_loop3A_572] : memref<16384xf32, #tpu.memory_space<vmem>>[vector<16xi32>], vector<16xf32>,
      %parallel_loop3A_574 = arith.constant 2 : i32
      %parallel_loop3A_575 = arith.addi %parallel_loop3A_562, %parallel_loop3A_574 : i32
      %parallel_loop3A_576 = vector.broadcast %parallel_loop3A_575 : i32 to vector<16xi32>
      %parallel_loop3A_577 = arith.addi %add3A_4, %parallel_loop3A_576 : vector<16xi32>
      %parallel_loop3A_578 = tpu.vector_load_idx %arg5[%parallel_loop3A_577] : memref<16384xf32, #tpu.memory_space<vmem>>[vector<16xi32>], vector<16xf32>,
      %parallel_loop3A_579 = arith.constant 3 : i32
      %parallel_loop3A_580 = arith.addi %parallel_loop3A_562, %parallel_loop3A_579 : i32
      %parallel_loop3A_581 = vector.broadcast %parallel_loop3A_580 : i32 to vector<16xi32>
      %parallel_loop3A_582 = arith.addi %add3A_4, %parallel_loop3A_581 : vector<16xi32>
      %parallel_loop3A_583 = tpu.vector_load_idx %arg5[%parallel_loop3A_582] : memref<16384xf32, #tpu.memory_space<vmem>>[vector<16xi32>], vector<16xf32>,
      %parallel_loop3A_584 = arith.constant 4 : i32
      %parallel_loop3A_585 = arith.addi %parallel_loop3A_562, %parallel_loop3A_584 : i32
      %parallel_loop3A_586 = vector.broadcast %parallel_loop3A_585 : i32 to vector<16xi32>
      %parallel_loop3A_587 = arith.addi %add3A_4, %parallel_loop3A_586 : vector<16xi32>
      %parallel_loop3A_588 = tpu.vector_load_idx %arg5[%parallel_loop3A_587] : memref<16384xf32, #tpu.memory_space<vmem>>[vector<16xi32>], vector<16xf32>,
      %parallel_loop3A_589 = arith.constant 5 : i32
      %parallel_loop3A_590 = arith.addi %parallel_loop3A_562, %parallel_loop3A_589 : i32
      %parallel_loop3A_591 = vector.broadcast %parallel_loop3A_590 : i32 to vector<16xi32>
      %parallel_loop3A_592 = arith.addi %add3A_4, %parallel_loop3A_591 : vector<16xi32>
      %parallel_loop3A_593 = tpu.vector_load_idx %arg5[%parallel_loop3A_592] : memref<16384xf32, #tpu.memory_space<vmem>>[vector<16xi32>], vector<16xf32>,
      %parallel_loop3A_594 = arith.constant 6 : i32
      %parallel_loop3A_595 = arith.addi %parallel_loop3A_562, %parallel_loop3A_594 : i32
      %parallel_loop3A_596 = vector.broadcast %parallel_loop3A_595 : i32 to vector<16xi32>
      %parallel_loop3A_597 = arith.addi %add3A_4, %parallel_loop3A_596 : vector<16xi32>
      %parallel_loop3A_598 = tpu.vector_load_idx %arg5[%parallel_loop3A_597] : memref<16384xf32, #tpu.memory_space<vmem>>[vector<16xi32>], vector<16xf32>,
      %parallel_loop3A_599 = arith.constant 7 : i32
      %parallel_loop3A_600 = arith.addi %parallel_loop3A_562, %parallel_loop3A_599 : i32
      %parallel_loop3A_601 = vector.broadcast %parallel_loop3A_600 : i32 to vector<16xi32>
      %parallel_loop3A_602 = arith.addi %add3A_4, %parallel_loop3A_601 : vector<16xi32>
      %parallel_loop3A_603 = tpu.vector_load_idx %arg5[%parallel_loop3A_602] : memref<16384xf32, #tpu.memory_space<vmem>>[vector<16xi32>], vector<16xf32>,
      %parallel_loop3A_604 = arith.addf %parallel_loop3A_568, %parallel_loop3A_573 : vector<16xf32>
      %parallel_loop3A_605 = arith.addf %parallel_loop3A_578, %parallel_loop3A_583 : vector<16xf32>
      %parallel_loop3A_606 = arith.addf %parallel_loop3A_588, %parallel_loop3A_593 : vector<16xf32>
      %parallel_loop3A_607 = arith.addf %parallel_loop3A_598, %parallel_loop3A_603 : vector<16xf32>
      %parallel_loop3A_608 = arith.addf %parallel_loop3A_604, %parallel_loop3A_605 : vector<16xf32>
      %parallel_loop3A_609 = arith.addf %parallel_loop3A_606, %parallel_loop3A_607 : vector<16xf32>
      %parallel_loop3A_610 = arith.addf %parallel_loop3A_604, %parallel_loop3A_578 : vector<16xf32>
      %parallel_loop3A_611 = arith.addf %parallel_loop3A_608, %parallel_loop3A_588 : vector<16xf32>
      %parallel_loop3A_612 = arith.addf %parallel_loop3A_608, %parallel_loop3A_606 : vector<16xf32>
      %parallel_loop3A_613 = arith.addf %parallel_loop3A_608, %parallel_loop3A_606 : vector<16xf32>
      %parallel_loop3A_614 = arith.addf %parallel_loop3A_613, %parallel_loop3A_598 : vector<16xf32>
      %parallel_loop3A_615 = vector.broadcast %parallel_loop3A_562 : i32 to vector<16xi32>
      %parallel_loop3A_616 = arith.addi %add3A_4, %parallel_loop3A_615 : vector<16xi32>
      tpu.vector_store_idx %arg7[%parallel_loop3A_616], %parallel_loop3A_563 : memref<16384xf32, #tpu.memory_space<vmem>>[vector<16xi32>], vector<16xf32>,
      %parallel_loop3A_617 = arith.constant 1 : i32
      %parallel_loop3A_618 = arith.addi %parallel_loop3A_562, %parallel_loop3A_617 : i32
      %parallel_loop3A_619 = vector.broadcast %parallel_loop3A_618 : i32 to vector<16xi32>
      %parallel_loop3A_620 = arith.addi %add3A_4, %parallel_loop3A_619 : vector<16xi32>
      %parallel_loop3A_621 = arith.addf %parallel_loop3A_563, %parallel_loop3A_568 : vector<16xf32>
      tpu.vector_store_idx %arg7[%parallel_loop3A_620], %parallel_loop3A_621 : memref<16384xf32, #tpu.memory_space<vmem>>[vector<16xi32>], vector<16xf32>,
      %parallel_loop3A_622 = arith.constant 2 : i32
      %parallel_loop3A_623 = arith.addi %parallel_loop3A_562, %parallel_loop3A_622 : i32
      %parallel_loop3A_624 = vector.broadcast %parallel_loop3A_623 : i32 to vector<16xi32>
      %parallel_loop3A_625 = arith.addi %add3A_4, %parallel_loop3A_624 : vector<16xi32>
      %parallel_loop3A_626 = arith.addf %parallel_loop3A_563, %parallel_loop3A_604 : vector<16xf32>
      tpu.vector_store_idx %arg7[%parallel_loop3A_625], %parallel_loop3A_626 : memref<16384xf32, #tpu.memory_space<vmem>>[vector<16xi32>], vector<16xf32>,
      %parallel_loop3A_627 = arith.constant 3 : i32
      %parallel_loop3A_628 = arith.addi %parallel_loop3A_562, %parallel_loop3A_627 : i32
      %parallel_loop3A_629 = vector.broadcast %parallel_loop3A_628 : i32 to vector<16xi32>
      %parallel_loop3A_630 = arith.addi %add3A_4, %parallel_loop3A_629 : vector<16xi32>
      %parallel_loop3A_631 = arith.addf %parallel_loop3A_563, %parallel_loop3A_610 : vector<16xf32>
      tpu.vector_store_idx %arg7[%parallel_loop3A_630], %parallel_loop3A_631 : memref<16384xf32, #tpu.memory_space<vmem>>[vector<16xi32>], vector<16xf32>,
      %parallel_loop3A_632 = arith.constant 4 : i32
      %parallel_loop3A_633 = arith.addi %parallel_loop3A_562, %parallel_loop3A_632 : i32
      %parallel_loop3A_634 = vector.broadcast %parallel_loop3A_633 : i32 to vector<16xi32>
      %parallel_loop3A_635 = arith.addi %add3A_4, %parallel_loop3A_634 : vector<16xi32>
      %parallel_loop3A_636 = arith.addf %parallel_loop3A_563, %parallel_loop3A_608 : vector<16xf32>
      tpu.vector_store_idx %arg7[%parallel_loop3A_635], %parallel_loop3A_636 : memref<16384xf32, #tpu.memory_space<vmem>>[vector<16xi32>], vector<16xf32>,
      %parallel_loop3A_637 = arith.constant 5 : i32
      %parallel_loop3A_638 = arith.addi %parallel_loop3A_562, %parallel_loop3A_637 : i32
      %parallel_loop3A_639 = vector.broadcast %parallel_loop3A_638 : i32 to vector<16xi32>
      %parallel_loop3A_640 = arith.addi %add3A_4, %parallel_loop3A_639 : vector<16xi32>
      %parallel_loop3A_641 = arith.addf %parallel_loop3A_563, %parallel_loop3A_611 : vector<16xf32>
      tpu.vector_store_idx %arg7[%parallel_loop3A_640], %parallel_loop3A_641 : memref<16384xf32, #tpu.memory_space<vmem>>[vector<16xi32>], vector<16xf32>,
      %parallel_loop3A_642 = arith.constant 6 : i32
      %parallel_loop3A_643 = arith.addi %parallel_loop3A_562, %parallel_loop3A_642 : i32
      %parallel_loop3A_644 = vector.broadcast %parallel_loop3A_643 : i32 to vector<16xi32>
      %parallel_loop3A_645 = arith.addi %add3A_4, %parallel_loop3A_644 : vector<16xi32>
      %parallel_loop3A_646 = arith.addf %parallel_loop3A_563, %parallel_loop3A_612 : vector<16xf32>
      tpu.vector_store_idx %arg7[%parallel_loop3A_645], %parallel_loop3A_646 : memref<16384xf32, #tpu.memory_space<vmem>>[vector<16xi32>], vector<16xf32>,
      %parallel_loop3A_647 = arith.constant 7 : i32
      %parallel_loop3A_648 = arith.addi %parallel_loop3A_562, %parallel_loop3A_647 : i32
      %parallel_loop3A_649 = vector.broadcast %parallel_loop3A_648 : i32 to vector<16xi32>
      %parallel_loop3A_650 = arith.addi %add3A_4, %parallel_loop3A_649 : vector<16xi32>
      %parallel_loop3A_651 = arith.addf %parallel_loop3A_563, %parallel_loop3A_614 : vector<16xf32>
      tpu.vector_store_idx %arg7[%parallel_loop3A_650], %parallel_loop3A_651 : memref<16384xf32, #tpu.memory_space<vmem>>[vector<16xi32>], vector<16xf32>,
      %parallel_loop3A_652 = arith.addf %parallel_loop3A_608, %parallel_loop3A_609 : vector<16xf32>
      %parallel_loop3A_653 = arith.addf %parallel_loop3A_563, %parallel_loop3A_652 : vector<16xf32>
      scf.yield %parallel_loop3A_653 : vector<16xf32>
    } {sc.loop_unroll_factor = 2 : i64, sc.parallel_access}
    %scan3A_534 = arith.constant 1008 : i32
    %scan3A_535 = arith.constant 17 : i32
    %scan3A_536 = arith.addi %scan3A_534, %scan3A_535 : i32
    %scan3A_537 = arith.constant 1 : i32
    %scan3A_538 = scf.for %scan3A_562 = %scan3A_534 to %scan3A_536 step %scan3A_537 iter_args(%scan3A_563 = %parallel_loop3A_533) -> (vector<16xf32>)  : i32 {
      %lt3A_564 = vector.broadcast %scan3A_562 : i32 to vector<16xi32>
      %lt3A_565 = arith.cmpi slt, %lt3A_564, %select_n3A : vector<16xi32>
      %add3A_566 = vector.broadcast %scan3A_562 : i32 to vector<16xi32>
      %add3A_567 = arith.addi %add3A_4, %add3A_566 : vector<16xi32>
      %gather3A = tpu.vector_load_idx %arg5[%add3A_567] masked %lt3A_565 : memref<16384xf32, #tpu.memory_space<vmem>>[vector<16xi32>], vector<16xf32>, vector<16xi1>
      %add3A_568 = vector.broadcast %scan3A_562 : i32 to vector<16xi32>
      %add3A_569 = arith.addi %add3A_4, %add3A_568 : vector<16xi32>
      tpu.vector_store_idx %arg7[%add3A_569], %scan3A_563 masked %lt3A_565 : memref<16384xf32, #tpu.memory_space<vmem>>[vector<16xi32>], vector<16xf32>, vector<16xi1>
      %jit3A_570 = arith.constant 0.000000e+00 : f32
      %broadcast_in_dim3A_571 = vector.broadcast %jit3A_570 : f32 to vector<16xf32>
      %select_n3A_572 = arith.select %lt3A_565, %gather3A, %broadcast_in_dim3A_571 : vector<16xi1>, vector<16xf32>
      %add3A_573 = arith.addf %scan3A_563, %select_n3A_572 : vector<16xf32>
      scf.yield %add3A_573 : vector<16xf32>
    }
    %scan3A_539 = arith.constant 17 : i32
    %mul3A_540 = arith.constant 4 : i32
    %mul3A_541 = arith.muli %add3A, %mul3A_540 : i32
    %add3A_542 = arith.constant 3 : i32
    %add3A_543 = arith.addi %mul3A_541, %add3A_542 : i32
    %dma_start3A_544 = arith.constant 16384 : i32
    %dma_start3A_545 = tpu.memref_slice %arg3[%add3A_543, %dma_start3A_544] : memref<128x32768xf32, #tpu.memory_space<hbm>> -> memref<1x16384xf32, #tpu.memory_space<hbm>>
    %dma_start3A_546 = tpu.memref_squeeze %dma_start3A_545 : memref<1x16384xf32, #tpu.memory_space<hbm>> -> memref<16384xf32, #tpu.memory_space<hbm>>
    %dma_start3A_547 = arith.constant 16384 : i32
    %dma_start3A_548 = tpu.memref_slice %arg3[%add3A_543, %dma_start3A_547] : memref<128x32768xf32, #tpu.memory_space<hbm>> -> memref<1x16384xf32, #tpu.memory_space<hbm>>
    %dma_start3A_549 = tpu.memref_squeeze %dma_start3A_548 : memref<1x16384xf32, #tpu.memory_space<hbm>> -> memref<16384xf32, #tpu.memory_space<hbm>>
    tpu.enqueue_dma source(%arg7 : memref<16384xf32, #tpu.memory_space<vmem>>) target(%dma_start3A_549 : memref<16384xf32, #tpu.memory_space<hbm>>) target_semaphore(%arg11 : memref<!tpu.dma_semaphore, #tpu.memory_space<semaphore_mem>>)
    %dma_wait3A_550 = arith.constant 0 : i32
    %dma_wait3A_551 = tpu.memref_slice %arg3[%add3A_484, %dma_wait3A_550] : memref<128x32768xf32, #tpu.memory_space<hbm>> -> memref<1x16384xf32, #tpu.memory_space<hbm>>
    %dma_wait3A_552 = tpu.memref_squeeze %dma_wait3A_551 : memref<1x16384xf32, #tpu.memory_space<hbm>> -> memref<16384xf32, #tpu.memory_space<hbm>>
    %dma_wait3A_553 = arith.constant 0 : i32
    %dma_wait3A_554 = tpu.memref_slice %arg3[%add3A_484, %dma_wait3A_553] : memref<128x32768xf32, #tpu.memory_space<hbm>> -> memref<1x16384xf32, #tpu.memory_space<hbm>>
    %dma_wait3A_555 = tpu.memref_squeeze %dma_wait3A_554 : memref<1x16384xf32, #tpu.memory_space<hbm>> -> memref<16384xf32, #tpu.memory_space<hbm>>
    tpu.wait_dma2 semaphore(%arg10 : memref<!tpu.dma_semaphore, #tpu.memory_space<semaphore_mem>>) src(%arg6 : memref<16384xf32, #tpu.memory_space<vmem>>) dst(%dma_wait3A_555 : memref<16384xf32, #tpu.memory_space<hbm>>)
    %dma_wait3A_556 = arith.constant 16384 : i32
    %dma_wait3A_557 = tpu.memref_slice %arg3[%add3A_543, %dma_wait3A_556] : memref<128x32768xf32, #tpu.memory_space<hbm>> -> memref<1x16384xf32, #tpu.memory_space<hbm>>
    %dma_wait3A_558 = tpu.memref_squeeze %dma_wait3A_557 : memref<1x16384xf32, #tpu.memory_space<hbm>> -> memref<16384xf32, #tpu.memory_space<hbm>>
    %dma_wait3A_559 = arith.constant 16384 : i32
    %dma_wait3A_560 = tpu.memref_slice %arg3[%add3A_543, %dma_wait3A_559] : memref<128x32768xf32, #tpu.memory_space<hbm>> -> memref<1x16384xf32, #tpu.memory_space<hbm>>
    %dma_wait3A_561 = tpu.memref_squeeze %dma_wait3A_560 : memref<1x16384xf32, #tpu.memory_space<hbm>> -> memref<16384xf32, #tpu.memory_space<hbm>>
    tpu.wait_dma2 semaphore(%arg11 : memref<!tpu.dma_semaphore, #tpu.memory_space<semaphore_mem>>) src(%arg7 : memref<16384xf32, #tpu.memory_space<vmem>>) dst(%dma_wait3A_561 : memref<16384xf32, #tpu.memory_space<hbm>>)
    return
  }
}

</mosaic_0001>

<sc_bundles>
// kernel: kernel.3.cloned.1.call-start
scs
__scs_entry_jumppad:
0x0: {  	(pc) =	sbr.rel $0x88, $3  }
0x1: {  	(tag) =	ssettag $0x0;
	lr =	simm.s32 $0x1  }
0x2: {  	[smem:$0x3FA0] =	sst lr;
	_ =	strace $0xD0000000  }
0x3: {  	_ = 	snop  }
0x4: {  	_ = 	snop  }
0x5: {  	_ = 	snop  }
0x6: {  	_ = 	snop  }
0x7: {  	_ = 	snop  }
__scs_overlays_trampoline_lowered:
0x8: {  	[smem:$0x3FAF] =	sst s0  }
0x9: {  	[smem:$0x3FB0] =	sst s1  }
0xa: {  	[smem:$0x3FB1] =	sst s2  }
0xb: {  	[smem:$0x3FB2] =	sst s3  }
0xc: {  	[smem:$0x3FB3] =	sst s4  }
0xd: {  	[smem:$0x3FB4] =	sst s5  }
0xe: {  	[smem:$0x3FB5] =	sst s6  }
0xf: {  	[smem:$0x3FB6] =	sst s7  }
0x10: {  	[smem:$0x3FB7] =	sst s8  }
0x11: {  	[smem:$0x3FB8] =	sst s9;
	s0 =	simm.s32 @!p0 $0x0  }
0x12: {  	s1 =	sld [smem:$0x3F9E];
	s0 =	simm.s32 @p0 $0x1  }
0x13: {  	[smem:$0x3FB9] =	sst s0;
	s0 =	simm.s32 @!p1 $0x0  }
0x14: {  	s2 =	sld [smem:$0x3F9D];
	s0 =	simm.s32 @p1 $0x1  }
0x15: {  	[smem:$0x3FBA] =	sst s0;
	s0 =	simm.s32 @!p2 $0x0  }
0x16: {  	s3 =	sld [smem:$0x3FDB];
	s0 =	simm.s32 @p2 $0x1  }
0x17: {  	s4 =	simm.s32 $0x1BF5;
	[smem:$0x3FBC] =	sst s0  }
0x18: {  	s0 =	sld [smem:$0x3F9F];
	_ =	swait.ge [sflag:s4], $0x0  }
0x19: {  	s7 =	sld [smem:$0x3FA0]  }
0x1a: {  	s8 =	sadd.s32 $0xFFFFE003, lr  }
0x1b: {  	s9 =	sadd.s32 $0xFFFFFEF7, lr;
	s5 =	simm.s32 $0xFFFFFFFF;
	p2 =	slt.u32 s8, $0xFFFFF086  }
0x1c: {  	p1 =	slt.u32 s9, $0xF7A;
	s5 =	simm.s32 @!p2 $0x0  }
0x1d: {  	s5 =	simm.s32 @p1 $0x1;
	p0 =	seq.s32 s7, s2  }
0x1e: {  	s7 =	smul.u32 @!p0 $0xF7A, s2;
	p2 =	seq.s32 @!p0 s5, $0x0  }
0x1f: {  	s9 =	smul.u32 $0xF7A, s1;
	s8 =	simm.s32 @!p0 $0x1BF5;
	p2 =	por !p2, p0  }
0x20: {  	[sflag:s8] =	ssyncset.s32 @!p0 $0xFFFFF086;
	s6 =	sadd.s32 @!p0 s3, s7;
	s7 =	simm.s32 @!p0 $0x108  }
0x21: {  	s3 =	sadd.s32 s3, s9;
	s6 =	sadd.s32 @!p0 $0x88, s6;
	s7 =	simm.s32 @p2 $0x1082  }
0x22: {  	[simem:s7], [sflag:s8] =	dma.local @!p0 [hbm:s6], $0xF7A  }
0x23: {  	s9 =	sor.u32 $0xD0000000, s2;
	s6 =	simm.s32 $0x108;
	_ =	swait.ge @!p0 [sflag:s8], $0x0  }
0x24: {  	s3 =	sadd.s32 $0x88, s3;
	s6 =	simm.s32 @!p1 $0x1082;
	[sflag:s4] =	ssyncset.s32 $0xFFFFF086  }
0x25: {  	[simem:s6], [sflag:s4] =	dma.local [hbm:s3], $0xF7A  }
0x26: {  	[smem:$0x3FA0] =	sst s1;
	(tag) =	ssettag s2;
	_ =	strace s9  }
0x27: {  	s1 =	sld [smem:$0x3FB0]  }
0x28: {  	s2 =	sld [smem:$0x3FB1]  }
0x29: {  	s4 =	sld [smem:$0x3FB3]  }
0x2a: {  	p0 =	seq.s32 s5, $0x0;
	s5 =	sld [smem:$0x3FB4]  }
0x2b: {  	s6 =	sld [smem:$0x3FB5]  }
0x2c: {  	s7 =	sld [smem:$0x3FB6]  }
0x2d: {  	s3 =	simm.s32 $0x108;
	s8 =	sld [smem:$0x3FB7]  }
0x2e: {  	s3 =	simm.s32 @!p0 $0x1082;
	s9 =	sld [smem:$0x3FB8]  }
0x2f: {  	lr =	sadd.s32 s0, s3;
	s0 =	sld [smem:$0x3FAF]  }
0x30: {  	s3 =	sld [smem:$0x3FB2]  }
0x31: {  	[smem:$0x3FBB] =	sst s10  }
0x32: {  	s10 =	sld [smem:$0x3FB9];
	_ =	sdelay $0x3  }
0x33: {  	p0 =	seq.s32 s10, $0x1;
	s10 =	sld [smem:$0x3FBB];
	_ =	sdelay $0x3  }
0x34: {  	[smem:$0x3FBB] =	sst s10  }
0x35: {  	s10 =	sld [smem:$0x3FBA];
	_ =	sdelay $0x3  }
0x36: {  	p1 =	seq.s32 s10, $0x1;
	s10 =	sld [smem:$0x3FBB];
	_ =	sdelay $0x3  }
0x37: {  	[smem:$0x3FBB] =	sst s10  }
0x38: {  	s10 =	sld [smem:$0x3FBC]  }
0x39: {  	_ = 	snop;
	(pc) =	sbr.ind lr, $3  }
0x3a: {  	_ = 	snop  }
0x3b: {  	_ = 	snop  }
0x3c: {  	p2 =	seq.s32 s10, $0x1;
	s10 =	sld [smem:$0x3FBB]  }
0x3d: {  	_ =	shalt  }
0x3e: {  	_ =	shalt  }
0x3f: {  	_ =	shalt  }
0x40: {  	_ =	shalt  }
0x41: {  	_ =	shalt  }
0x42: {  	_ =	shalt  }
0x43: {  	_ =	shalt  }
0x44: {  	_ =	shalt  }
0x45: {  	_ =	shalt  }
0x46: {  	_ =	shalt  }
0x47: {  	_ =	shalt  }
0x48: {  	_ =	shalt  }
0x49: {  	_ =	shalt  }
0x4a: {  	_ =	shalt  }
0x4b: {  	_ =	shalt  }
0x4c: {  	_ =	shalt  }
0x4d: {  	_ =	shalt  }
0x4e: {  	_ =	shalt  }
0x4f: {  	_ =	shalt  }
0x50: {  	_ =	shalt  }
0x51: {  	_ =	shalt  }
0x52: {  	_ =	shalt  }
0x53: {  	_ =	shalt  }
0x54: {  	_ =	shalt  }
0x55: {  	_ =	shalt  }
0x56: {  	_ =	shalt  }
0x57: {  	_ =	shalt  }
0x58: {  	_ =	shalt  }
0x59: {  	_ =	shalt  }
0x5a: {  	_ =	shalt  }
0x5b: {  	_ =	shalt  }
0x5c: {  	_ =	shalt  }
0x5d: {  	_ =	shalt  }
0x5e: {  	_ =	shalt  }
0x5f: {  	_ =	shalt  }
0x60: {  	_ =	shalt  }
0x61: {  	_ =	shalt  }
0x62: {  	_ =	shalt  }
0x63: {  	_ =	shalt  }
0x64: {  	_ =	shalt  }
0x65: {  	_ =	shalt  }
0x66: {  	_ =	shalt  }
0x67: {  	_ =	shalt  }
0x68: {  	_ =	shalt  }
0x69: {  	_ =	shalt  }
0x6a: {  	_ =	shalt  }
0x6b: {  	_ =	shalt  }
0x6c: {  	_ =	shalt  }
0x6d: {  	_ =	shalt  }
0x6e: {  	_ =	shalt  }
0x6f: {  	_ =	shalt  }
0x70: {  	_ =	shalt  }
0x71: {  	_ =	shalt  }
0x72: {  	_ =	shalt  }
0x73: {  	_ =	shalt  }
0x74: {  	_ =	shalt  }
0x75: {  	_ =	shalt  }
0x76: {  	_ =	shalt  }
0x77: {  	_ =	shalt  }
0x78: {  	_ =	shalt  }
0x79: {  	_ =	shalt  }
0x7a: {  	_ =	shalt  }
0x7b: {  	_ =	shalt  }
0x7c: {  	_ =	shalt  }
0x7d: {  	_ =	shalt  }
0x7e: {  	_ =	shalt  }
0x7f: {  	_ =	shalt  }
0x80: {  	_ =	shalt  }
0x81: {  	_ =	shalt  }
0x82: {  	_ =	shalt  }
0x83: {  	_ =	shalt  }
0x84: {  	_ =	shalt  }
0x85: {  	_ =	shalt  }
0x86: {  	_ =	shalt  }
0x87: {  	_ =	shalt  }
.Lfunc_end0:
.L_simem_size_0:
called_computation_lowered:
.L_overlay_start_0:
0x88: {  	s2 =	sld [smem:$0x3FD9]  }
0x89: {  	s3 =	sld [smem:$0x3FFE];
	_ =	sdelay $0x1  }
0x8a: {  	s1 =	srdreg.scid  }
0x8b: {  	s0 =	sand.u32 $0x1, s1  }
0x8c: {  	s18 =	sshll.u32 s0, $0xA;
	s2 =	sadd.s32 s3, s2  }
0x8d: {  	s2 =	sadd.s32 s2, s18  }
0x8e: {  	[smem:$0x3FC7] =	sst s2  }
0x8f: {  	_ = 	snop  }
0x90: {  	s2 =	sld [smem:$0x3FC9]  }
0x91: {  	s19 =	sld [smem:$0x3FD0];
	(tm) =	ssettm $0x1  }
0x92: {  	s4 =	sld [smem:$0x3FFB];
	_ =	sdelay $0x3  }
0x93: {  	_ =	strace s4  }
0x94: {  	s4 =	sld [smem:$0x3FFC];
	_ =	sdelay $0x3  }
0x95: {  	_ =	strace s4  }
0x96: {  	s4 =	sld [smem:$0x3FFD];
	_ =	sdelay $0x3  }
0x97: {  	_ =	strace s4  }
0x98: {  	_ =	strace $0x8FFFFFFF  }
0x99: {  	s20 =	sld [smem:$0x3FDB];
	_ =	sdelay $0x1  }
0x9a: {  	s5 =	simm.s32 $_scs_section_size  }
0x9b: {  	s6 =	simm.s32 $_size__tile_overlayer_lowered;
	s7 =	simm.s32 $_tile_overlayer_lowered  }
0x9c: {  	s23 =	simm.s32 $0x1BFF;
	s22 =	sshll.u32 s7, $0x1;
	s4 =	sadd.s32 s5, s20  }
0x9d: {  	s8 =	simm.s32 $0x0;
	s21 =	sshll.u32 s6, $0x1;
	s6 =	sadd.s32 s22, s4  }
0x9e: {  	[timem:s8], [sflag:s23] =	dma.local [hbm:s6], s21  }
0x9f: {  	_ =	swait.ge [sflag:s23], s21  }
0xa0: {  	s5 =	ssub.s32 $0x0, s21;
	[sflag:s23] =	ssyncset.done $0x0  }
0xa1: {  	[sflag:s23] =	ssyncadd.s32 s5;
	_ =	sdelay $0x1  }
0xa2: {  	s24 =	simm.s32 $0x1B8B  }
0xa3: {  	_ =	swait.ge [sflag:s24], $0x1  }
0xa4: {  	[sflag:s24] =	ssyncset.done $0x0  }
0xa5: {  	s25 =	simm.s32 $0x1B8E;
	[sflag:s24] =	ssyncadd.s32 $0xFFFFFFFF  }
0xa6: {  	s26 =	simm.s32 $execute0_lowered;
	[smem:$0x3FD2] =	sst s25  }
0xa7: {  	s5 =	sshll.u32 s26, $0x1;
	_ =	strace $0x80000046;
	[dreg:$0x1] =	wrdreg $0xFFFFFFFF  }
0xa8: {  	s28 =	simm.s32 $_size_execute0_lowered;
	s4 =	sadd.s32 s4, s5;
	[dreg:$0x0] =	wrdreg $0x0  }
0xa9: {  	s5 =	sshll.u32 s28, $0x1;
	[dreg:$0x2] =	wrdreg s4  }
0xaa: {  	[dreg:$0x3] =	wrdreg s5  }
0xab: {  	[dreg:$0x4] =	wrdreg $0xC0  }
0xac: {  	_ =	task [dreg:s8], $0x5FFFF  }
0xad: {  	[dreg:$0x1] =	wrdreg $0xFFFFFFFF  }
0xae: {  	[dreg:$0x0] =	wrdreg $0x60  }
0xaf: {  	[dreg:$0x2] =	wrdreg s2  }
0xb0: {  	[dreg:$0x3] =	wrdreg s19  }
0xb1: {  	[dreg:$0x4] =	wrdreg $0x9  }
0xb2: {  	_ =	task.clear_ibuf [dreg:s8], $0x5FFFF;
	_ =	strace $0x90000046  }
0xb3: {  	s29 =	simm.s32 $0x9;
	_ =	strace $0x80000048  }
0xb4: {  	_ =	swait.ge [sflag:s29], $0x1  }
0xb5: {  	[sflag:s29] =	ssyncadd.s32 $0xFFFFFFFF  }
0xb6: {  	_ =	strace $0x90000048  }
0xb7: {  	_ =	sfence  }
0xb8: {  	s30 =	sld [smem:$0x0];
	_ =	sdelay $0x2  }
0xb9: {  	s31 =	sshll.u32 s1, $0xD;
	s1 =	sshrl.u32 s1, $0x2  }
0xba: {  	s3 =	sand.u32 $0x4000, s31;
	s1 =	sadd.s32 s1, s30  }
0xbb: {  	s0 =	sor.u32 s3, s0;
	s1 =	sshll.u32 s1, $0x11  }
0xbc: {  	s0 =	sor.u32 s1, s0  }
0xbd: {  	s0 =	sadd.s32 $0x8F2B, s0  }
0xbe: {  	[sflag:s0] =	ssyncadd.remote.s32 $0x1  }
0xbf: {  	_ =	sfence.sel $0xFFFF  }
0xc0: {  	[dreg:$0x0] =	wrdreg $0xFFFFFFFF;
	(pc) =	sbr.abs _section_cstart, $3  }
0xc1: {  	[dreg:$0x1] =	wrdreg $0xFFFFFFFF  }
0xc2: {  	_ =	task.clear_ibuf [dreg:s8], $0x2FFFF;
	_ =	strace $0x9FFFFFFF  }
0xc3: {  	(tm) =	ssettm $0x7FFFFFFF  }
tec
execute0_lowered:
.L_overlay_start_1:
0x0: {  	(tag) =	ssettag $0x1  }
0x1: {  	s0 =	rddreg [dreg:$0x0]  }
0x2: {  	s1 =	rddreg [dreg:$0x1]  }
0x3: {  	s3 =	srdreg.scid;
	s2 =	simm.s32 $0x0;
	s5 =	stileid.u32  }
0x4: {  	s20 =	simm.s32 $0x80;
	s21 =	simm.s32 $0x400;
	s22 =	simm.s32 $0x1  }
0x5: {  	s28 =	simm.s32 $0x3;
	s29 =	simm.s32 $0x4;
	s3 =	sand.u32 $0x1, s3  }
0x6: {  	s30 =	simm.s32 $0x0;
	s5 =	sshll.u32 s5, $0xF;
	s4 =	ssub.s32 $0x2, s3  }
0x7: {  	[smem:$0x7FF] =	sst s2;
	s3 =	sshll.u32 s3, $0x6;
	s6 =	sshrl.u32 s4, $0x1  }
0x8: {  	_ =	strace $0x80000047;
	s3 =	sor.u32 s3, s5;
	s19 =	ssub.s32 s4, s6  }
0x9: {  	s7 =	sor.u32 $0x4000, s3;
	s23 =	sadd.s32 s0, s3;
	s9 =	sor.u32 $0x10, s3  }
0xa: {  	s25 =	sadd.s32 s1, s3;
	s11 =	sor.u32 $0x4010, s3;
	s13 =	sor.u32 $0x20, s3  }
0xb: {  	s15 =	sor.u32 $0x4020, s3;
	s17 =	sor.u32 $0x30, s3;
	[dreg:$0x3] =	wrdreg s23  }
0xc: {  	s3 =	sor.u32 $0x4030, s3;
	s24 =	sadd.s32 s0, s7;
	[dreg:$0x5] =	wrdreg s25  }
0xd: {  	s26 =	sadd.s32 s0, s9;
	s31 =	sadd.s32 s1, s7;
	s8 =	sadd.s32 s0, s11  }
0xe: {  	s9 =	sadd.s32 s1, s9;
	s10 =	sadd.s32 s0, s13;
	s11 =	sadd.s32 s1, s11  }
0xf: {  	s12 =	sadd.s32 s0, s15;
	s13 =	sadd.s32 s1, s13;
	s14 =	sadd.s32 s0, s17  }
0x10: {  	s15 =	sadd.s32 s1, s15;
	s16 =	sadd.s32 s0, s3;
	s17 =	sadd.s32 s1, s17  }
0x11: {  	v0 =	vlaneseq.u32;
	s18 =	sadd.s32 s1, s3;
	s19 =	smax.u32 s19, $0x1;
	[dreg:$0x4] =	wrdreg s24  }
0x12: {  	v1 =	vimm.s32 $0x3F1;
	vm0 =	vcmask $0x3B00;
	v0 =	vmul.u32 $0x401, v0;
	s23 =	simm.s32 $0x4000;
	s25 =	simm.s32 $0x2;
	[dreg:$0x6] =	wrdreg s26  }
0x13: {  	v1 =	vsel vm0, $0x401, v1;
	[dreg:$0x7] =	wrdreg s31;
	s24 =	simm.s32 $0x8000;
	s26 =	simm.s32 $0xC000  }
.LBB2_1:
0x14: {  	s0 =	rddreg [dreg:$0x3];
	s7 =	simm.s32 $0xC  }
0x15: {  	v2 =	vor.u32 s2, v0;
	[tilespmem:s2], [sflag:$0x1] =	stream.strided.gather [hbm4b:s0+s20], $0x4000, s21, s20, $0x38;
	[tilespmem:$0x10000] =	vst v63  }
0x16: {  	s1 =	simm.s32 $0x8;
	v3 =	vadd.s32 s7, v0;
	_ =	swait.ge [sflag:s22], $0x4000  }
0x17: {  	s31 =	simm.s32 $0x4;
	s4 =	simm.s32 $0x7;
	v4 =	vadd.s32 s1, v0;
	[sflag:s22] =	ssyncset.done $0x0  }
0x18: {  	v5 =	vadd.s32 s31, v0;
	s1 =	simm.s32 $0xF;
	s6 =	rddreg [dreg:$0x4];
	[sflag:s22] =	ssyncadd.s32 $0xFFFFC000  }
0x19: {  	v8 =	vadd.s32 s4, v0;
	[tilespmem:s23], [sflag:$0x2] =	stream.strided.gather [hbm4b:s6+s20], $0x4000, s21, s20, $0x38;
	[tilespmem:$0x10000] =	vst v63  }
0x1a: {  	s5 =	simm.s32 $0x3;
	v6 =	vadd.s32 s1, v0;
	v7 =	vld.idx.msk [tilespmem:v2+s2+$0x0], $0xffff  }
0x1b: {  	s3 =	simm.s32 $0xB;
	v9 =	vadd.s32 s5, v0;
	v3 =	vld.idx.msk [tilespmem:v3+s2+$0x0], $0xffff  }
0x1c: {  	s7 =	simm.s32 $0x2;
	v2 =	vadd.s32 s3, v0;
	v15 =	vld.idx.msk [tilespmem:v4+s2+$0x0], $0xffff  }
0x1d: {  	v11 =	vadd.s32 s7, v0;
	s6 =	simm.s32 $0x1;
	v5 =	vld.idx.msk [tilespmem:v5+s2+$0x0], $0xffff  }
0x1e: {  	s31 =	simm.s32 $0x5;
	v10 =	vadd.s32 s6, v0;
	v14 =	vld.idx.msk [tilespmem:v8+s2+$0x0], $0xffff  }
0x1f: {  	s4 =	simm.s32 $0xA;
	v4 =	vld.idx.msk [tilespmem:v6+s2+$0x0], $0xffff;
	v6 =	vadd.s32 s31, v0  }
0x20: {  	s1 =	simm.s32 $0x6;
	v12 =	vadd.s32 s4, v0;
	v8 =	vld.idx.msk [tilespmem:v9+s2+$0x0], $0xffff  }
0x21: {  	s3 =	simm.s32 $0x9;
	v19 =	vld.idx.msk [tilespmem:v2+s2+$0x0], $0xffff;
	v2 =	vadd.s32 s1, v0  }
0x22: {  	s5 =	simm.s32 $0xD;
	v9 =	vadd.s32 s3, v0;
	v13 =	vld.idx.msk [tilespmem:v11+s2+$0x0], $0xffff  }
0x23: {  	s6 =	simm.s32 $0xE;
	v11 =	vadd.s32 s5, v0;
	v10 =	vld.idx.msk [tilespmem:v10+s2+$0x0], $0xffff  }
0x24: {  	s0 =	simm.s32 $0x10;
	v16 =	vld.idx.msk [tilespmem:v6+s2+$0x0], $0xffff;
	v6 =	vadd.s32 s6, v0  }
0x25: {  	v17 =	vor.u32 s0, v0;
	s7 =	simm.s32 $0x1C;
	v23 =	vld.idx.msk [tilespmem:v12+s2+$0x0], $0xffff  }
0x26: {  	v20 =	vadd.s32 s7, v0;
	s3 =	simm.s32 $0x18;
	v18 =	vld.idx.msk [tilespmem:v2+s2+$0x0], $0xffff  }
0x27: {  	s31 =	simm.s32 $0x14;
	v22 =	vadd.s32 s3, v0;
	v21 =	vld.idx.msk [tilespmem:v9+s2+$0x0], $0xffff;
	v2 =	vimm.f32 $0.0e+00  }
0x28: {  	s4 =	simm.s32 $0x1F;
	v24 =	vadd.s32 s31, v0;
	v9 =	vld.idx.msk [tilespmem:v11+s2+$0x0], $0xffff;
	v7 =	vadd.f32 v7, v2;
	v25 =	vadd.f32 v10, v2  }
0x29: {  	s5 =	simm.s32 $0x1B;
	v11 =	vadd.s32 s4, v0;
	v26 =	vadd.f32 v13, v2;
	v27 =	vadd.f32 v8, v2;
	v10 =	vld.idx.msk [tilespmem:v6+s2+$0x0], $0xffff  }
0x2a: {  	v12 =	vadd.s32 s5, v0;
	s6 =	simm.s32 $0x17;
	v6 =	vld.idx.msk [tilespmem:v17+s2+$0x0], $0xffff;
	v7 =	vadd.f32 v5, v7;
	v17 =	vadd.f32 v16, v25  }
0x2b: {  	s7 =	simm.s32 $0x13;
	v13 =	vadd.s32 s6, v0;
	v8 =	vld.idx.msk [tilespmem:v20+s2+$0x0], $0xffff;
	v20 =	vadd.f32 v14, v27;
	v18 =	vadd.f32 v18, v26  }
0x2c: {  	s31 =	simm.s32 $0x11;
	v14 =	vadd.s32 s7, v0;
	v5 =	vld.idx.msk [tilespmem:v22+s2+$0x0], $0xffff;
	v16 =	vadd.f32 v15, v7;
	v17 =	vadd.f32 v21, v17  }
0x2d: {  	s3 =	simm.s32 $0x12;
	s1 =	simm.s32 $0x20;
	v15 =	vadd.s32 s31, v0;
	v7 =	vld.idx.msk [tilespmem:v24+s2+$0x0], $0xffff;
	v19 =	vadd.f32 v19, v20;
	v18 =	vadd.f32 v23, v18  }
.LBB2_2:
0x2e: {  	p0 =	slt.u32 s1, $0x3E0;
	v20 =	vadd.s32 s3, v0;
	s3 =	sadd.s32 $0x5, s0;
	v11 =	vld.idx.msk [tilespmem:v11+s2+$0x0], $0xffff;
	v16 =	vadd.f32 v3, v16;
	v9 =	vadd.f32 v9, v17  }
0x2f: {  	s31 =	simm.s32 $0x3F0;
	v17 =	vadd.s32 s3, v0;
	s3 =	sadd.s32 $0x6, s0;
	v21 =	vld.idx.msk [tilespmem:v12+s2+$0x0], $0xffff;
	v10 =	vadd.f32 v10, v18;
	v12 =	vadd.f32 v4, v19  }
0x30: {  	v18 =	vadd.s32 s3, v0;
	v19 =	vld.idx.msk [tilespmem:v13+s2+$0x0], $0xffff;
	s3 =	sadd.s32 $0x9, s0  }
0x31: {  	v3 =	vmov v8;
	v13 =	vld.idx.msk [tilespmem:v14+s2+$0x0], $0xffff;
	v14 =	vadd.s32 s3, v0;
	s3 =	sadd.s32 $0xA, s0  }
0x32: {  	v8 =	vld.idx.msk [tilespmem:v15+s2+$0x0], $0xffff;
	v15 =	vadd.s32 s3, v0;
	s3 =	sadd.s32 $0xD, s0  }
0x33: {  	v20 =	vld.idx.msk [tilespmem:v20+s2+$0x0], $0xffff;
	v22 =	vadd.s32 s3, v0;
	s3 =	sadd.s32 $0xE, s0;
	s0 =	smov.u32 s1  }
0x34: {  	v4 =	vmov v11;
	v17 =	vld.idx.msk [tilespmem:v17+s2+$0x0], $0xffff;
	v23 =	vadd.s32 s3, v0  }
0x35: {  	v24 =	vor.u32 s1, v0;
	s3 =	sadd.s32 $0xC, s1;
	v18 =	vld.idx.msk [tilespmem:v18+s2+$0x0], $0xffff  }
0x36: {  	s4 =	sadd.s32 $0x8, s1;
	v25 =	vadd.s32 s3, v0;
	v26 =	vld.idx.msk [tilespmem:v14+s2+$0x0], $0xffff  }
0x37: {  	v27 =	vadd.s32 s4, v0;
	s3 =	sadd.s32 $0x4, s1;
	v28 =	vld.idx.msk [tilespmem:v15+s2+$0x0], $0xffff  }
0x38: {  	v29 =	vadd.s32 s3, v0;
	s3 =	sadd.s32 $0xF, s1;
	v14 =	vadd.f32 v6, v16;
	v8 =	vadd.f32 v8, v9;
	v9 =	vld.idx.msk [tilespmem:v22+s2+$0x0], $0xffff  }
.Ltmp0:
0x39: {  	s4 =	sadd.s32 $0xB, s1;
	v16 =	vadd.f32 v13, v12;
	v11 =	vadd.s32 s3, v0;
	v15 =	vadd.f32 v20, v10;
	v10 =	vld.idx.msk [tilespmem:v23+s2+$0x0], $0xffff;
	(pc) =	sbr.rel @p0 .LBB2_2-.Ltmp0, $4  }
0x3a: {  	v12 =	vadd.s32 s4, v0;
	s3 =	sadd.s32 $0x7, s1;
	v7 =	vadd.f32 v7, v14;
	v17 =	vadd.f32 v17, v8;
	v6 =	vld.idx.msk [tilespmem:v24+s2+$0x0], $0xffff  }
0x3b: {  	s4 =	sadd.s32 $0x3, s1;
	v13 =	vadd.s32 s3, v0;
	v19 =	vadd.f32 v19, v16;
	v18 =	vadd.f32 v18, v15;
	v8 =	vld.idx.msk [tilespmem:v25+s2+$0x0], $0xffff  }
0x3c: {  	s3 =	sadd.s32 $0x1, s1;
	v14 =	vadd.s32 s4, v0;
	v16 =	vadd.f32 v5, v7;
	v17 =	vadd.f32 v26, v17;
	v5 =	vld.idx.msk [tilespmem:v27+s2+$0x0], $0xffff  }
0x3d: {  	s1 =	sadd.s32 $0x10, s1;
	v15 =	vadd.s32 s3, v0;
	s3 =	sadd.s32 $0x2, s0;
	v19 =	vadd.f32 v21, v19;
	v18 =	vadd.f32 v28, v18;
	v7 =	vld.idx.msk [tilespmem:v29+s2+$0x0], $0xffff  }
0x3e: {  	_ =	sdelay $0x3  }
0x3f: {  	v20 =	vadd.s32 s3, v0;
	s1 =	sadd.s32 $0x5, s0;
	v11 =	vld.idx.msk [tilespmem:v11+s2+$0x0], $0xffff  }
0x40: {  	s3 =	sadd.s32 $0x6, s0;
	v12 =	vld.idx.msk [tilespmem:v12+s2+$0x0], $0xffff;
	v21 =	vadd.s32 s1, v0  }
0x41: {  	v13 =	vld.idx.msk [tilespmem:v13+s2+$0x0], $0xffff;
	s4 =	sadd.s32 $0x9, s0;
	v22 =	vadd.s32 s3, v0  }
0x42: {  	v14 =	vld.idx.msk [tilespmem:v14+s2+$0x0], $0xffff;
	s5 =	sadd.s32 $0xA, s0;
	v23 =	vadd.s32 s4, v0  }
0x43: {  	v15 =	vld.idx.msk [tilespmem:v15+s2+$0x0], $0xffff;
	s6 =	sadd.s32 $0xD, s0;
	v24 =	vadd.s32 s5, v0  }
0x44: {  	s7 =	sadd.s32 $0xE, s0;
	v25 =	vadd.s32 s6, v0;
	v20 =	vld.idx.msk [tilespmem:v20+s2+$0x0], $0xffff  }
0x45: {  	v26 =	vadd.s32 s7, v0;
	v21 =	vld.idx.msk [tilespmem:v21+s2+$0x0], $0xffff  }
0x46: {  	v3 =	vadd.f32 v3, v16;
	v9 =	vadd.f32 v9, v17;
	v59 =	vld.idx.msk [tilespmem:v22+s2+$0x0], $0xffff  }
0x47: {  	v10 =	vadd.f32 v10, v18;
	v4 =	vadd.f32 v4, v19;
	v60 =	vld.idx.msk [tilespmem:v23+s2+$0x0], $0xffff  }
0x48: {  	v3 =	vadd.f32 v6, v3;
	v6 =	vadd.f32 v15, v9;
	v61 =	vld.idx.msk [tilespmem:v24+s2+$0x0], $0xffff  }
0x49: {  	v4 =	vadd.f32 v14, v4;
	v9 =	vld.idx.msk [tilespmem:v25+s2+$0x0], $0xffff;
	v10 =	vadd.f32 v20, v10  }
0x4a: {  	v62 =	vmov s31;
	v3 =	vadd.f32 v7, v3;
	v63 =	vld.idx.msk [tilespmem:v26+s2+$0x0], $0xffff;
	v6 =	vadd.f32 v21, v6  }
0x4b: {  	vm1 =	vlt.u32 v62, v1;
	v4 =	vadd.f32 v13, v4;
	v7 =	vadd.f32 v59, v10  }
0x4c: {  	v3 =	vadd.f32 v5, v3;
	v10 =	vadd.s32 s31, v0;
	v5 =	vadd.f32 v60, v6  }
0x4d: {  	v6 =	vadd.f32 v61, v7;
	v7 =	vadd.f32 v12, v4  }
0x4e: {  	s31 =	simm.s32 $0x3F1;
	v4 =	vadd.f32 v9, v5  }
0x4f: {  	v5 =	vadd.f32 v63, v6;
	v6 =	vadd.f32 v11, v7;
	v7 =	vmov s31  }
0x50: {  	vm0 =	vlt.u32 v7, v1  }
0x51: {  	s0 =	simm.s32 $0x3F2;
	v3 =	vadd.f32 v8, v3;
	v8 =	vadd.s32 s31, v0;
	v7 =	vld.idx.msk [tilespmem:v10+s2+$0x0], vm1;
	vm1 =	vmmov vm1  }
.LBB2_4:
0x52: {  	p0 =	sne.s32 s0, $0x400  }
.Ltmp1:
0x53: {  	_ = 	snop;
	(pc) =	sbr.rel @p0 .LBB2_4-.Ltmp1, $4  }
0x54: {  	_ = 	snop  }
0x55: {  	v9 =	vmov s0;
	s1 =	smov.u32 s0;
	s0 =	sadd.s32 $0x1, s0  }
0x56: {  	v10 =	vnsel vm1, $0x0, v7;
	v7 =	vld.idx.msk [tilespmem:v8+s2+$0x0], vm0;
	vm1 =	vmmov vm0;
	vm0 =	vlt.u32 v9, v1  }
0x57: {  	v8 =	vadd.s32 s1, v0;
	v2 =	vadd.f32 v10, v2  }
0x58: {  	_ =	sdelay $0x4  }
0x59: {  	v8 =	vld.idx.msk [tilespmem:v8+s2+$0x0], vm0;
	_ =	sdelay $0x2  }
0x5a: {  	v3 =	vadd.f32 v4, v3;
	v7 =	vnsel vm1, $0x0, v7  }
0x5b: {  	vm15 =	vmmov vm0;
	v4 =	vadd.f32 v6, v5;
	s0 =	simm.s32 $0x0;
	v2 =	vadd.f32 v7, v2  }
0x5c: {  	s6 =	simm.s32 $0xF;
	v10 =	vor.u32 s0, v0;
	v5 =	vnsel vm15, $0x0, v8  }
0x5d: {  	s7 =	simm.s32 $0x3;
	v11 =	vadd.s32 s6, v0;
	v3 =	vadd.f32 v4, v3;
	v2 =	vadd.f32 v5, v2  }
0x5e: {  	s4 =	simm.s32 $0x2;
	v9 =	vadd.s32 s7, v0  }
0x5f: {  	s5 =	simm.s32 $0x1;
	v25 =	vadd.s32 s4, v0;
	v5 =	vadd.f32 v2, v3  }
0x60: {  	s3 =	simm.s32 $0x6;
	v26 =	vadd.s32 s5, v0  }
0x61: {  	s6 =	simm.s32 $0x5;
	v4 =	vadd.s32 s3, v0;
	v6 =	vld.idx.msk [tilespmem:v10+s2+$0x0], $0xffff;
	(xrf2) =	vadd.scan.msk.f32 $0xffff, v5  }
0x62: {  	s1 =	simm.s32 $0x4;
	v7 =	vadd.s32 s6, v0;
	v15 =	vld.idx.msk [tilespmem:v11+s2+$0x0], $0xffff  }
0x63: {  	v8 =	vadd.s32 s1, v0;
	s1 =	simm.s32 $0x7;
	v12 =	vld.idx.msk [tilespmem:v9+s2+$0x0], $0xffff  }
0x64: {  	s7 =	simm.s32 $0xE;
	v27 =	vld.idx.msk [tilespmem:v25+s2+$0x0], $0xffff;
	v3 =	vadd.s32 s1, v0  }
0x65: {  	v19 =	vadd.s32 s7, v0;
	s3 =	simm.s32 $0x9;
	v17 =	vld.idx.msk [tilespmem:v26+s2+$0x0], $0xffff  }
0x66: {  	v24 =	vadd.s32 s3, v0;
	v30 =	vld.idx.msk [tilespmem:v4+s2+$0x0], $0xffff;
	s1 =	simm.s32 $0x8  }
0x67: {  	v21 =	vld.idx.msk [tilespmem:v7+s2+$0x0], $0xffff;
	v23 =	vadd.s32 s1, v0  }
0x68: {  	s4 =	simm.s32 $0xA;
	v28 =	vld.idx.msk [tilespmem:v8+s2+$0x0], $0xffff  }
0x69: {  	v20 =	vadd.s32 s4, v0;
	v16 =	vld.idx.msk [tilespmem:v3+s2+$0x0], $0xffff  }
0x6a: {  	s5 =	simm.s32 $0xB;
	v14 =	vld.idx.msk [tilespmem:v19+s2+$0x0], $0xffff  }
0x6b: {  	v22 =	vadd.s32 s5, v0;
	s6 =	simm.s32 $0xC;
	v38 =	vld.idx.msk [tilespmem:v24+s2+$0x0], $0xffff;
	v2, _, _ =	vpop (xrf2)  }
0x6c: {  	s31 =	simm.s32 $0x10;
	v18 =	vadd.s32 s6, v0;
	v29 =	vadd.f32 v12, v27;
	v35 =	vld.idx.msk [tilespmem:v23+s2+$0x0], $0xffff;
	v5 =	vsub.f32 v2, v5  }
0x6d: {  	s7 =	simm.s32 $0xD;
	v31 =	vadd.f32 v17, v6;
	v12 =	vor.u32 s31, v0;
	v36 =	vadd.f32 v21, v28  }
0x6e: {  	s3 =	simm.s32 $0x14;
	v39 =	vld.idx.msk [tilespmem:v20+s2+$0x0], $0xffff;
	v13 =	vadd.f32 $0.0e+00, v5;
	v5 =	vadd.f32 v16, v30;
	v16 =	vadd.s32 s7, v0  }
0x6f: {  	s5 =	simm.s32 $0x1F;
	v17 =	vadd.s32 s3, v0;
	v33 =	vadd.f32 v15, v14;
	v40 =	vadd.f32 v29, v31  }
0x70: {  	v41 =	vld.idx.msk [tilespmem:v22+s2+$0x0], $0xffff;
	s1 =	simm.s32 $0x1E;
	v32 =	vadd.f32 v6, v13;
	v29 =	vadd.f32 v5, v36;
	v5 =	vadd.s32 s5, v0  }
0x71: {  	s4 =	simm.s32 $0x15;
	s6 =	simm.s32 $0x11;
	v43 =	vadd.f32 v38, v35;
	v6 =	vadd.s32 s1, v0;
	[tilespmem:v10+s24+$0x0] =	vst.idx.msk $0xffff, v13;
	v42 =	vadd.f32 v31, v13  }
0x72: {  	v37 =	vld.idx.msk [tilespmem:v18+s2+$0x0], $0xffff;
	v15 =	vadd.s32 s6, v0;
	v21 =	vadd.s32 s4, v0;
	v46 =	vadd.f32 v40, v28;
	[tilespmem:v26+s24+$0x0] =	vst.idx.msk $0xffff, v32  }
0x73: {  	v45 =	vadd.f32 v39, v43;
	s5 =	simm.s32 $0x13;
	v63 =	vadd.f32 v29, v40;
	[tilespmem:v25+s24+$0x0] =	vst.idx.msk $0xffff, v42;
	v44 =	vld.idx.msk [tilespmem:v16+s2+$0x0], $0xffff  }
0x74: {  	s7 =	simm.s32 $0x12;
	v42 =	vadd.f32 v27, v31;
	v25 =	vadd.s32 s5, v0;
	v31 =	vld.idx.msk [tilespmem:v12+s2+$0x0], $0xffff;
	v27 =	vadd.f32 v36, v40  }
0x75: {  	s6 =	simm.s32 $0x16;
	v34 =	vadd.f32 v40, v13;
	v10 =	vadd.s32 s7, v0;
	s7 =	simm.s32 $0x17;
	v38 =	vadd.f32 v63, v13;
	v29 =	vld.idx.msk [tilespmem:v5+s2+$0x0], $0xffff  }
0x76: {  	s0 =	simm.s32 $0x20;
	v26 =	vadd.s32 s6, v0;
	v32 =	vadd.s32 s7, v0;
	v28 =	vld.idx.msk [tilespmem:v6+s2+$0x0], $0xffff;
	v40 =	vadd.f32 v27, v30;
	v30 =	vmovc v13  }
.LBB2_6:
0x77: {  	v47 =	vor.u32 s0, v0;
	v46 =	vadd.f32 v46, v13;
	v35 =	vadd.f32 v35, v38;
	v48 =	vmovc v7  }
0x78: {  	p0 =	slt.u32 s0, $0x3E0;
	v36 =	vld.idx.msk [tilespmem:v17+s2+$0x0], $0xffff;
	v7 =	vmovc v21;
	v49 =	vmovc v4;
	v4 =	vmov v26;
	v50 =	vmov v3;
	v3 =	vmov v32;
	s1 =	smov.u32 s0;
	s0 =	sadd.s32 $0x10, s0  }
0x79: {  	v39 =	vadd.f32 v41, v39;
	v51 =	vld.idx.msk [tilespmem:v25+s2+$0x0], $0xffff;
	[tilespmem:v23+s24+$0x0] =	vst.idx.msk $0xffff, v38;
	v23 =	vadd.f32 v43, v38  }
0x7a: {  	v41 =	vadd.f32 v44, v37;
	v32 =	vld.idx.msk [tilespmem:v32+s2+$0x0], $0xffff;
	[tilespmem:v24+s24+$0x0] =	vst.idx.msk $0xffff, v35;
	v24 =	vadd.f32 v45, v38  }
0x7b: {  	s3 =	sadd.s32 $0xB, s31;
	v35 =	vadd.f32 v42, v13;
	v39 =	vadd.f32 v39, v43;
	v21 =	vld.idx.msk [tilespmem:v21+s2+$0x0], $0xffff;
	[tilespmem:v20+s24+$0x0] =	vst.idx.msk $0xffff, v23  }
0x7c: {  	s4 =	sadd.s32 $0x8, s31;
	s5 =	sadd.s32 $0x9, s31;
	s6 =	sadd.s32 $0xA, s31;
	v40 =	vadd.f32 v40, v13;
	v13 =	vadd.f32 v33, v41;
	v45 =	vld.idx.msk [tilespmem:v26+s2+$0x0], $0xffff  }
0x7d: {  	v23 =	vadd.s32 s4, v0;
	v20 =	vadd.s32 s6, v0;
	v26 =	vadd.f32 v41, v39;
	v42 =	vld.idx.msk [tilespmem:v10+s2+$0x0], $0xffff;
	[tilespmem:v22+s24+$0x0] =	vst.idx.msk $0xffff, v24  }
0x7e: {  	v24 =	vadd.s32 s5, v0;
	v22 =	vadd.f32 v39, v37;
	v13 =	vadd.f32 v13, v39;
	v33 =	vld.idx.msk [tilespmem:v15+s2+$0x0], $0xffff  }
0x7f: {  	v37 =	vadd.f32 v26, v14;
	[tilespmem:v9+s24+$0x0] =	vst.idx.msk $0xffff, v35;
	v35 =	vadd.f32 v39, v38;
	v9 =	vmov v25  }
0x80: {  	v25 =	vadd.f32 v22, v38;
	v13 =	vadd.f32 v13, v38;
	[tilespmem:v8+s24+$0x0] =	vst.idx.msk $0xffff, v34;
	v8 =	vmov v17  }
0x81: {  	v14 =	vmov v28;
	v17 =	vadd.f32 v26, v38;
	v26 =	vadd.f32 v37, v38;
	[tilespmem:v18+s24+$0x0] =	vst.idx.msk $0xffff, v35  }
0x82: {  	v22 =	vadd.s32 s3, v0;
	v28 =	vadd.f32 v32, v45;
	v35 =	vld.idx.msk [tilespmem:v23+s2+$0x0], $0xffff;
	[tilespmem:v16+s24+$0x0] =	vst.idx.msk $0xffff, v25  }
0x83: {  	s4 =	sadd.s32 $0xD, s31;
	s3 =	sadd.s32 $0xC, s31;
	s31 =	smov.u32 s1;
	v32 =	vadd.f32 v31, v13;
	v25 =	vadd.f32 v51, v42;
	v38 =	vld.idx.msk [tilespmem:v24+s2+$0x0], $0xffff;
	[tilespmem:v19+s24+$0x0] =	vst.idx.msk $0xffff, v17  }
0x84: {  	v43 =	vadd.f32 v21, v36;
	v18 =	vadd.s32 s3, v0;
	v19 =	vadd.f32 v33, v31;
	[tilespmem:v11+s24+$0x0] =	vst.idx.msk $0xffff, v26  }
0x85: {  	v16 =	vadd.s32 s4, v0;
	v33 =	vadd.f32 v29, v14;
	v11 =	vadd.f32 v27, v30;
	[tilespmem:v48+s24+$0x0] =	vst.idx.msk $0xffff, v46  }
0x86: {  	s1 =	sadd.s32 $0xE, s31;
	s3 =	sadd.s32 $0xF, s31;
	v46 =	vadd.f32 v25, v19;
	v25 =	vadd.f32 v28, v43;
	[tilespmem:v12+s24+$0x0] =	vst.idx.msk $0xffff, v13;
	v39 =	vld.idx.msk [tilespmem:v20+s2+$0x0], $0xffff  }
0x87: {  	s5 =	sadd.s32 $0x5, s31;
	s6 =	sadd.s32 $0x6, s31;
	s4 =	sadd.s32 $0x4, s31;
	v28 =	vadd.s32 s1, v0;
	v48 =	vadd.s32 s3, v0;
	v26 =	vadd.f32 v19, v13;
	[tilespmem:v15+s24+$0x0] =	vst.idx.msk $0xffff, v32;
	v41 =	vld.idx.msk [tilespmem:v22+s2+$0x0], $0xffff  }
0x88: {  	s7 =	sadd.s32 $0x3, s31;
	v21 =	vadd.s32 s5, v0;
	v17 =	vadd.s32 s4, v0;
	s1 =	sadd.s32 $0x1, s31;
	s3 =	sadd.s32 $0x2, s31;
	v12 =	vmovc v47;
	v34 =	vadd.f32 v46, v13;
	[tilespmem:v49+s24+$0x0] =	vst.idx.msk $0xffff, v11  }
.Ltmp2:
0x89: {  	v15 =	vadd.s32 s1, v0;
	v11 =	vadd.f32 v25, v46;
	[tilespmem:v10+s24+$0x0] =	vst.idx.msk $0xffff, v26;
	v10 =	vadd.s32 s3, v0;
	v37 =	vld.idx.msk [tilespmem:v18+s2+$0x0], $0xffff;
	(pc) =	sbr.rel @p0 .LBB2_6-.Ltmp2, $4  }
0x8a: {  	v42 =	vadd.f32 v42, v19;
	s1 =	sadd.s32 $0x7, s31;
	v25 =	vadd.s32 s7, v0;
	v26 =	vadd.s32 s6, v0;
	v44 =	vld.idx.msk [tilespmem:v16+s2+$0x0], $0xffff;
	[tilespmem:v50+s24+$0x0] =	vst.idx.msk $0xffff, v40  }
0x8b: {  	v30 =	vmovc v13;
	v27 =	vadd.f32 v43, v46;
	v32 =	vadd.s32 s1, v0;
	v43 =	vadd.f32 v38, v35;
	v31 =	vld.idx.msk [tilespmem:v47+s2+$0x0], $0xffff  }
0x8c: {  	v19 =	vmovc v6;
	v6 =	vmov v28;
	v46 =	vadd.f32 v46, v36;
	v38 =	vadd.f32 v11, v13;
	v29 =	vld.idx.msk [tilespmem:v48+s2+$0x0], $0xffff  }
0x8d: {  	v40 =	vadd.f32 v27, v45;
	v45 =	vadd.f32 v39, v43;
	v11 =	vmovc v5;
	v5 =	vmov v48;
	v28 =	vld.idx.msk [tilespmem:v28+s2+$0x0], $0xffff  }
0x8e: {  	_ =	sdelay $0x3  }
0x8f: {  	v36 =	vld.idx.msk [tilespmem:v17+s2+$0x0], $0xffff  }
0x90: {  	v47 =	vld.idx.msk [tilespmem:v25+s2+$0x0], $0xffff  }
0x91: {  	v46 =	vadd.f32 v46, v13;
	v50 =	vld.idx.msk [tilespmem:v32+s2+$0x0], $0xffff  }
0x92: {  	v35 =	vadd.f32 v35, v38;
	v39 =	vadd.f32 v41, v39;
	v52 =	vld.idx.msk [tilespmem:v21+s2+$0x0], $0xffff  }
0x93: {  	[tilespmem:v23+s24+$0x0] =	vst.idx.msk $0xffff, v38;
	v49 =	vadd.f32 v43, v38;
	v42 =	vadd.f32 v42, v13;
	v54 =	vld.idx.msk [tilespmem:v10+s2+$0x0], $0xffff  }
0x94: {  	s3 =	sadd.s32 $0xA, s31;
	v55 =	vld.idx.msk [tilespmem:v15+s2+$0x0], $0xffff;
	v44 =	vadd.f32 v44, v37;
	[tilespmem:v24+s24+$0x0] =	vst.idx.msk $0xffff, v35;
	v39 =	vadd.f32 v39, v43  }
0x95: {  	s0 =	sadd.s32 $0x8, s31;
	v51 =	vadd.f32 v45, v38;
	v45 =	vadd.s32 s3, v0;
	v40 =	vadd.f32 v40, v13;
	[tilespmem:v9+s24+$0x0] =	vst.idx.msk $0xffff, v42  }
0x96: {  	v43 =	vadd.s32 s0, v0;
	[tilespmem:v20+s24+$0x0] =	vst.idx.msk $0xffff, v49;
	v53 =	vadd.f32 v33, v44;
	v44 =	vadd.f32 v44, v39  }
0x97: {  	s1 =	sadd.s32 $0x9, s31;
	v20 =	vld.idx.msk [tilespmem:v26+s2+$0x0], $0xffff;
	[tilespmem:v8+s24+$0x0] =	vst.idx.msk $0xffff, v34;
	v56 =	vadd.f32 v39, v37;
	v58 =	vadd.f32 v39, v38  }
0x98: {  	s4 =	sadd.s32 $0xB, s31;
	v24 =	vadd.s32 s1, v0;
	[tilespmem:v7+s24+$0x0] =	vst.idx.msk $0xffff, v46;
	v7 =	vadd.f32 v27, v30;
	v23 =	vadd.f32 v53, v39  }
0x99: {  	s6 =	sadd.s32 $0xD, s31;
	v34 =	vadd.s32 s4, v0;
	v62 =	vadd.f32 v47, v54;
	v63 =	vadd.f32 v55, v31  }
0x9a: {  	s5 =	sadd.s32 $0xC, s31;
	v41 =	vadd.s32 s6, v0;
	[tilespmem:v22+s24+$0x0] =	vst.idx.msk $0xffff, v51;
	v57 =	vadd.f32 v44, v14;
	v8 =	vadd.f32 v56, v38  }
0x9b: {  	[tilespmem:v18+s24+$0x0] =	vst.idx.msk $0xffff, v58;
	v59 =	vadd.f32 v44, v38;
	v18 =	vadd.s32 s5, v0;
	v44 =	vld.idx.msk [tilespmem:v45+s2+$0x0], $0xffff  }
0x9c: {  	v35 =	vadd.f32 v52, v36;
	[tilespmem:v4+s24+$0x0] =	vst.idx.msk $0xffff, v7;
	v61 =	vld.idx.msk [tilespmem:v43+s2+$0x0], $0xffff;
	v60 =	vadd.f32 v50, v20  }
0x9d: {  	v23 =	vadd.f32 v23, v38;
	v47 =	vadd.f32 v62, v63;
	[tilespmem:v16+s24+$0x0] =	vst.idx.msk $0xffff, v8;
	v8 =	vld.idx.msk [tilespmem:v24+s2+$0x0], $0xffff  }
0x9e: {  	[tilespmem:v3+s24+$0x0] =	vst.idx.msk $0xffff, v40;
	v9 =	vadd.f32 v57, v38;
	v49 =	vld.idx.msk [tilespmem:v34+s2+$0x0], $0xffff;
	v48 =	vadd.f32 v60, v35  }
0x9f: {  	v29 =	vadd.f32 v29, v28;
	v52 =	vld.idx.msk [tilespmem:v41+s2+$0x0], $0xffff;
	v4 =	vadd.f32 v54, v63;
	[tilespmem:v19+s24+$0x0] =	vst.idx.msk $0xffff, v59  }
0xa0: {  	v42 =	vadd.f32 v31, v23;
	[tilespmem:v11+s24+$0x0] =	vst.idx.msk $0xffff, v9;
	v50 =	vld.idx.msk [tilespmem:v18+s2+$0x0], $0xffff;
	v11 =	vadd.f32 v48, v47  }
0xa1: {  	[tilespmem:v12+s24+$0x0] =	vst.idx.msk $0xffff, v23;
	v51 =	vadd.f32 v63, v23;
	v4 =	vadd.f32 v4, v23  }
0xa2: {  	[tilespmem:v15+s24+$0x0] =	vst.idx.msk $0xffff, v42;
	v8 =	vadd.f32 v8, v61;
	v7 =	vadd.f32 v11, v23  }
0xa3: {  	v9 =	vadd.f32 v47, v36;
	[tilespmem:v10+s24+$0x0] =	vst.idx.msk $0xffff, v51;
	v56 =	vadd.f32 v49, v44  }
0xa4: {  	[tilespmem:v25+s24+$0x0] =	vst.idx.msk $0xffff, v4;
	v55 =	vadd.f32 v44, v8;
	v3 =	vadd.f32 v61, v7  }
0xa5: {  	[tilespmem:v43+s24+$0x0] =	vst.idx.msk $0xffff, v7;
	v57 =	vadd.f32 v8, v7;
	v58 =	vadd.f32 v52, v50  }
0xa6: {  	v8 =	vadd.f32 v56, v8;
	[tilespmem:v24+s24+$0x0] =	vst.idx.msk $0xffff, v3;
	v3 =	vadd.f32 v55, v7  }
0xa7: {  	v53 =	vadd.f32 v47, v23;
	v9 =	vadd.f32 v9, v23;
	[tilespmem:v45+s24+$0x0] =	vst.idx.msk $0xffff, v57  }
0xa8: {  	v59 =	vadd.f32 v58, v8;
	[tilespmem:v34+s24+$0x0] =	vst.idx.msk $0xffff, v3;
	v3 =	vadd.f32 v8, v50  }
0xa9: {  	s7 =	simm.s32 $0x3F0;
	v54 =	vadd.f32 v35, v47;
	[tilespmem:v17+s24+$0x0] =	vst.idx.msk $0xffff, v53;
	v4 =	vadd.f32 v8, v7  }
0xaa: {  	v62 =	vmov s7;
	[tilespmem:v21+s24+$0x0] =	vst.idx.msk $0xffff, v9;
	v61 =	vadd.f32 v59, v28;
	v3 =	vadd.f32 v3, v7  }
0xab: {  	vm2 =	vlt.u32 v62, v1;
	[tilespmem:v18+s24+$0x0] =	vst.idx.msk $0xffff, v4;
	v4 =	vadd.f32 v59, v7  }
0xac: {  	v63 =	vadd.s32 s7, v0;
	v60 =	vadd.f32 v54, v20;
	v13 =	vadd.f32 v61, v7;
	[tilespmem:v41+s24+$0x0] =	vst.idx.msk $0xffff, v3  }
0xad: {  	v3 =	vadd.f32 v29, v58;
	[tilespmem:v6+s24+$0x0] =	vst.idx.msk $0xffff, v4;
	v4 =	vadd.f32 v54, v23  }
0xae: {  	s31 =	simm.s32 $0x3F1;
	[tilespmem:v5+s24+$0x0] =	vst.idx.msk $0xffff, v13;
	v5 =	vadd.f32 v60, v23  }
0xaf: {  	v3 =	vadd.f32 v3, v8;
	[tilespmem:v26+s24+$0x0] =	vst.idx.msk $0xffff, v4;
	v4 =	vmov s31  }
0xb0: {  	[tilespmem:v32+s24+$0x0] =	vst.idx.msk $0xffff, v5;
	vm1 =	vlt.u32 v4, v1  }
0xb1: {  	v6 =	vadd.s32 s31, v0;
	v3 =	vadd.f32 v3, v7;
	v4 =	vld.idx.msk [tilespmem:v63+s2+$0x0], vm2;
	_ =	sdelay $0x1  }
0xb2: {  	s0 =	simm.s32 $0x3F2;
	vm0 =	vmmov vm2;
	[tilespmem:v63+s24+$0x0] =	vst.idx.msk vm2, v3;
	vm2 =	vmmov vm1;
	v5 =	vmov v6  }
.LBB2_8:
0xb3: {  	p0 =	sne.s32 s0, $0x400  }
.Ltmp3:
0xb4: {  	v7 =	vmov s0;
	s1 =	smov.u32 s0;
	s0 =	sadd.s32 $0x1, s0;
	(pc) =	sbr.rel @p0 .LBB2_8-.Ltmp3, $3  }
0xb5: {  	v8 =	vnsel vm0, $0x0, v4;
	v4 =	vld.idx.msk [tilespmem:v6+s2+$0x0], vm1;
	vm0 =	vmmov vm1;
	vm1 =	vlt.u32 v7, v1  }
0xb6: {  	v6 =	vadd.s32 s1, v0;
	v3 =	vadd.f32 v8, v3;
	_ =	sdelay $0x1  }
0xb7: {  	[tilespmem:v5+s24+$0x0] =	vst.idx.msk vm2, v3;
	v5 =	vmov v6;
	vm2 =	vmmov vm1  }
0xb8: {  	_ =	sdelay $0x1  }
0xb9: {  	v4 =	vnsel vm0, $0x0, v4  }
0xba: {  	v3 =	vadd.f32 v4, v3;
	_ =	sdelay $0x1  }
0xbb: {  	s0 =	rddreg [dreg:$0x5];
	s5 =	simm.s32 $0x0;
	[tilespmem:v5+s24+$0x0] =	vst.idx.msk vm2, v3  }
0xbc: {  	[hbm4b:s0+s20] =	stream.strided.scatter [tilespmem:s24], [sflag:$0x3], $0x4000, s21, s20, $0x38;
	[tilespmem:$0x10000] =	vst v63  }
0xbd: {  	s6 =	simm.s32 $0xC;
	v3 =	vor.u32 s5, v0;
	_ =	swait.ge [sflag:s25], $0x4000  }
0xbe: {  	s7 =	simm.s32 $0x8;
	s31 =	simm.s32 $0x4;
	v4 =	vadd.s32 s6, v0;
	[sflag:s25] =	ssyncset.done $0x0  }
0xbf: {  	s4 =	simm.s32 $0x7;
	v5 =	vadd.s32 s7, v0;
	s1 =	rddreg [dreg:$0x6];
	[sflag:s25] =	ssyncadd.s32 $0xFFFFC000  }
0xc0: {  	v6 =	vadd.s32 s31, v0;
	[tilespmem:s5], [sflag:$0x1] =	stream.strided.gather [hbm4b:s1+s20], $0x4000, s21, s20, $0x38;
	[tilespmem:$0x10000] =	vst v63  }
0xc1: {  	v9 =	vadd.s32 s4, v0;
	s1 =	simm.s32 $0xF  }
0xc2: {  	s6 =	simm.s32 $0x1;
	v7 =	vadd.s32 s1, v0;
	v8 =	vld.idx.msk [tilespmem:v3+s23+$0x0], $0xffff  }
0xc3: {  	s3 =	simm.s32 $0xB;
	v11 =	vadd.s32 s6, v0;
	v4 =	vld.idx.msk [tilespmem:v4+s23+$0x0], $0xffff  }
0xc4: {  	s5 =	simm.s32 $0x3;
	v3 =	vadd.s32 s3, v0;
	v16 =	vld.idx.msk [tilespmem:v5+s23+$0x0], $0xffff  }
0xc5: {  	s7 =	simm.s32 $0x2;
	v10 =	vadd.s32 s5, v0;
	v6 =	vld.idx.msk [tilespmem:v6+s23+$0x0], $0xffff  }
0xc6: {  	s31 =	simm.s32 $0x5;
	v12 =	vadd.s32 s7, v0;
	v15 =	vld.idx.msk [tilespmem:v9+s23+$0x0], $0xffff  }
0xc7: {  	s4 =	simm.s32 $0xA;
	v5 =	vld.idx.msk [tilespmem:v7+s23+$0x0], $0xffff;
	v7 =	vadd.s32 s31, v0  }
0xc8: {  	v13 =	vadd.s32 s4, v0;
	s1 =	simm.s32 $0x6;
	v11 =	vld.idx.msk [tilespmem:v11+s23+$0x0], $0xffff  }
0xc9: {  	s3 =	simm.s32 $0x9;
	v20 =	vld.idx.msk [tilespmem:v3+s23+$0x0], $0xffff;
	v3 =	vadd.s32 s1, v0  }
0xca: {  	s5 =	simm.s32 $0xD;
	v9 =	vld.idx.msk [tilespmem:v10+s23+$0x0], $0xffff;
	v10 =	vadd.s32 s3, v0  }
0xcb: {  	s6 =	simm.s32 $0xE;
	v14 =	vld.idx.msk [tilespmem:v12+s23+$0x0], $0xffff;
	v12 =	vadd.s32 s5, v0  }
0xcc: {  	s0 =	simm.s32 $0x10;
	v17 =	vld.idx.msk [tilespmem:v7+s23+$0x0], $0xffff;
	v7 =	vadd.s32 s6, v0  }
0xcd: {  	s7 =	simm.s32 $0x1C;
	v18 =	vor.u32 s0, v0;
	v24 =	vld.idx.msk [tilespmem:v13+s23+$0x0], $0xffff  }
0xce: {  	v21 =	vadd.s32 s7, v0;
	s3 =	simm.s32 $0x18;
	v19 =	vld.idx.msk [tilespmem:v3+s23+$0x0], $0xffff  }
0xcf: {  	s31 =	simm.s32 $0x14;
	v23 =	vadd.s32 s3, v0;
	v22 =	vld.idx.msk [tilespmem:v10+s23+$0x0], $0xffff;
	v3 =	vimm.f32 $0.0e+00  }
0xd0: {  	s4 =	simm.s32 $0x1F;
	v25 =	vadd.s32 s31, v0;
	v10 =	vld.idx.msk [tilespmem:v12+s23+$0x0], $0xffff;
	v8 =	vadd.f32 v8, v3;
	v26 =	vadd.f32 v11, v3  }
0xd1: {  	s5 =	simm.s32 $0x1B;
	v12 =	vadd.s32 s4, v0;
	v27 =	vadd.f32 v14, v3;
	v28 =	vadd.f32 v9, v3;
	v11 =	vld.idx.msk [tilespmem:v7+s23+$0x0], $0xffff  }
0xd2: {  	v13 =	vadd.s32 s5, v0;
	s6 =	simm.s32 $0x17;
	v8 =	vadd.f32 v6, v8;
	v7 =	vld.idx.msk [tilespmem:v18+s23+$0x0], $0xffff;
	v18 =	vadd.f32 v17, v26  }
0xd3: {  	s7 =	simm.s32 $0x13;
	v14 =	vadd.s32 s6, v0;
	v9 =	vld.idx.msk [tilespmem:v21+s23+$0x0], $0xffff;
	v21 =	vadd.f32 v15, v28;
	v19 =	vadd.f32 v19, v27  }
0xd4: {  	s31 =	simm.s32 $0x11;
	v15 =	vadd.s32 s7, v0;
	v6 =	vld.idx.msk [tilespmem:v23+s23+$0x0], $0xffff;
	v17 =	vadd.f32 v16, v8;
	v18 =	vadd.f32 v22, v18  }
0xd5: {  	s1 =	simm.s32 $0x20;
	s3 =	simm.s32 $0x12;
	v16 =	vadd.s32 s31, v0;
	v8 =	vld.idx.msk [tilespmem:v25+s23+$0x0], $0xffff;
	v20 =	vadd.f32 v20, v21;
	v19 =	vadd.f32 v24, v19  }
.LBB2_10:
0xd6: {  	p0 =	slt.u32 s1, $0x3E0;
	v21 =	vadd.s32 s3, v0;
	s3 =	sadd.s32 $0x5, s0;
	v12 =	vld.idx.msk [tilespmem:v12+s23+$0x0], $0xffff;
	v17 =	vadd.f32 v4, v17;
	v10 =	vadd.f32 v10, v18  }
0xd7: {  	v18 =	vadd.s32 s3, v0;
	s3 =	sadd.s32 $0x6, s0;
	v22 =	vld.idx.msk [tilespmem:v13+s23+$0x0], $0xffff;
	v11 =	vadd.f32 v11, v19;
	v13 =	vadd.f32 v5, v20  }
0xd8: {  	v19 =	vadd.s32 s3, v0;
	v20 =	vld.idx.msk [tilespmem:v14+s23+$0x0], $0xffff;
	s3 =	sadd.s32 $0x9, s0  }
0xd9: {  	v4 =	vmov v9;
	v14 =	vld.idx.msk [tilespmem:v15+s23+$0x0], $0xffff;
	v15 =	vadd.s32 s3, v0;
	s3 =	sadd.s32 $0xA, s0  }
0xda: {  	v9 =	vld.idx.msk [tilespmem:v16+s23+$0x0], $0xffff;
	v16 =	vadd.s32 s3, v0;
	s3 =	sadd.s32 $0xD, s0  }
0xdb: {  	v21 =	vld.idx.msk [tilespmem:v21+s23+$0x0], $0xffff;
	v23 =	vadd.s32 s3, v0;
	s3 =	sadd.s32 $0xE, s0;
	s0 =	smov.u32 s1  }
0xdc: {  	v5 =	vmov v12;
	v18 =	vld.idx.msk [tilespmem:v18+s23+$0x0], $0xffff;
	v24 =	vadd.s32 s3, v0  }
0xdd: {  	v25 =	vor.u32 s1, v0;
	s3 =	sadd.s32 $0xC, s1;
	v19 =	vld.idx.msk [tilespmem:v19+s23+$0x0], $0xffff  }
0xde: {  	s4 =	sadd.s32 $0x8, s1;
	v26 =	vadd.s32 s3, v0;
	v27 =	vld.idx.msk [tilespmem:v15+s23+$0x0], $0xffff  }
0xdf: {  	v28 =	vadd.s32 s4, v0;
	s3 =	sadd.s32 $0x4, s1;
	v29 =	vld.idx.msk [tilespmem:v16+s23+$0x0], $0xffff  }
0xe0: {  	v30 =	vadd.s32 s3, v0;
	s3 =	sadd.s32 $0xF, s1;
	v15 =	vadd.f32 v7, v17;
	v9 =	vadd.f32 v9, v10;
	v10 =	vld.idx.msk [tilespmem:v23+s23+$0x0], $0xffff  }
.Ltmp4:
0xe1: {  	s4 =	sadd.s32 $0xB, s1;
	v17 =	vadd.f32 v14, v13;
	v12 =	vadd.s32 s3, v0;
	v16 =	vadd.f32 v21, v11;
	v11 =	vld.idx.msk [tilespmem:v24+s23+$0x0], $0xffff;
	(pc) =	sbr.rel @p0 .LBB2_10-.Ltmp4, $4  }
0xe2: {  	v13 =	vadd.s32 s4, v0;
	s3 =	sadd.s32 $0x7, s1;
	v8 =	vadd.f32 v8, v15;
	v18 =	vadd.f32 v18, v9;
	v7 =	vld.idx.msk [tilespmem:v25+s23+$0x0], $0xffff  }
0xe3: {  	s4 =	sadd.s32 $0x3, s1;
	v14 =	vadd.s32 s3, v0;
	v20 =	vadd.f32 v20, v17;
	v19 =	vadd.f32 v19, v16;
	v9 =	vld.idx.msk [tilespmem:v26+s23+$0x0], $0xffff  }
0xe4: {  	s3 =	sadd.s32 $0x1, s1;
	v15 =	vadd.s32 s4, v0;
	v17 =	vadd.f32 v6, v8;
	v18 =	vadd.f32 v27, v18;
	v6 =	vld.idx.msk [tilespmem:v28+s23+$0x0], $0xffff  }
0xe5: {  	s1 =	sadd.s32 $0x10, s1;
	v16 =	vadd.s32 s3, v0;
	s3 =	sadd.s32 $0x2, s0;
	v20 =	vadd.f32 v22, v20;
	v19 =	vadd.f32 v29, v19;
	v8 =	vld.idx.msk [tilespmem:v30+s23+$0x0], $0xffff  }
0xe6: {  	_ =	sdelay $0x3  }
0xe7: {  	v21 =	vadd.s32 s3, v0;
	s1 =	sadd.s32 $0x5, s0;
	v12 =	vld.idx.msk [tilespmem:v12+s23+$0x0], $0xffff  }
0xe8: {  	s31 =	sadd.s32 $0x6, s0;
	v13 =	vld.idx.msk [tilespmem:v13+s23+$0x0], $0xffff;
	v22 =	vadd.s32 s1, v0  }
0xe9: {  	v14 =	vld.idx.msk [tilespmem:v14+s23+$0x0], $0xffff;
	s3 =	sadd.s32 $0x9, s0;
	v23 =	vadd.s32 s31, v0  }
0xea: {  	v15 =	vld.idx.msk [tilespmem:v15+s23+$0x0], $0xffff;
	s4 =	sadd.s32 $0xA, s0;
	v24 =	vadd.s32 s3, v0  }
0xeb: {  	v16 =	vld.idx.msk [tilespmem:v16+s23+$0x0], $0xffff;
	s5 =	sadd.s32 $0xD, s0;
	v25 =	vadd.s32 s4, v0  }
0xec: {  	s6 =	sadd.s32 $0xE, s0;
	v26 =	vadd.s32 s5, v0;
	v21 =	vld.idx.msk [tilespmem:v21+s23+$0x0], $0xffff  }
0xed: {  	v27 =	vadd.s32 s6, v0;
	v22 =	vld.idx.msk [tilespmem:v22+s23+$0x0], $0xffff  }
0xee: {  	v4 =	vadd.f32 v4, v17;
	v10 =	vadd.f32 v10, v18;
	v59 =	vld.idx.msk [tilespmem:v23+s23+$0x0], $0xffff  }
0xef: {  	v11 =	vadd.f32 v11, v19;
	v5 =	vadd.f32 v5, v20;
	v60 =	vld.idx.msk [tilespmem:v24+s23+$0x0], $0xffff  }
0xf0: {  	v4 =	vadd.f32 v7, v4;
	v7 =	vadd.f32 v16, v10;
	v61 =	vld.idx.msk [tilespmem:v25+s23+$0x0], $0xffff  }
0xf1: {  	s7 =	simm.s32 $0x3F0;
	v5 =	vadd.f32 v15, v5;
	v10 =	vld.idx.msk [tilespmem:v26+s23+$0x0], $0xffff;
	v11 =	vadd.f32 v21, v11  }
0xf2: {  	v62 =	vmov s7;
	v4 =	vadd.f32 v8, v4;
	v63 =	vld.idx.msk [tilespmem:v27+s23+$0x0], $0xffff;
	v7 =	vadd.f32 v22, v7  }
0xf3: {  	vm1 =	vlt.u32 v62, v1;
	v5 =	vadd.f32 v14, v5;
	v8 =	vadd.f32 v59, v11  }
0xf4: {  	v4 =	vadd.f32 v6, v4;
	v11 =	vadd.s32 s7, v0;
	v6 =	vadd.f32 v60, v7  }
0xf5: {  	v7 =	vadd.f32 v61, v8;
	v8 =	vadd.f32 v13, v5  }
0xf6: {  	s31 =	simm.s32 $0x3F1;
	v5 =	vadd.f32 v10, v6  }
0xf7: {  	v6 =	vadd.f32 v63, v7;
	v7 =	vadd.f32 v12, v8;
	v8 =	vmov s31  }
0xf8: {  	vm0 =	vlt.u32 v8, v1  }
0xf9: {  	s0 =	simm.s32 $0x3F2;
	v4 =	vadd.f32 v9, v4;
	v9 =	vadd.s32 s31, v0;
	v8 =	vld.idx.msk [tilespmem:v11+s23+$0x0], vm1;
	vm1 =	vmmov vm1  }
.LBB2_12:
0xfa: {  	p0 =	sne.s32 s0, $0x400  }
.Ltmp5:
0xfb: {  	_ = 	snop;
	(pc) =	sbr.rel @p0 .LBB2_12-.Ltmp5, $4  }
0xfc: {  	_ = 	snop  }
0xfd: {  	v10 =	vmov s0;
	s1 =	smov.u32 s0;
	s0 =	sadd.s32 $0x1, s0  }
0xfe: {  	v11 =	vnsel vm1, $0x0, v8;
	v8 =	vld.idx.msk [tilespmem:v9+s23+$0x0], vm0;
	vm1 =	vmmov vm0;
	vm0 =	vlt.u32 v10, v1  }
0xff: {  	v9 =	vadd.s32 s1, v0;
	v3 =	vadd.f32 v11, v3  }
0x100: {  	_ =	sdelay $0x4  }
0x101: {  	v9 =	vld.idx.msk [tilespmem:v9+s23+$0x0], vm0;
	_ =	sdelay $0x2  }
0x102: {  	v4 =	vadd.f32 v5, v4;
	v8 =	vnsel vm1, $0x0, v8  }
0x103: {  	vm15 =	vmmov vm0;
	v5 =	vadd.f32 v7, v6;
	s7 =	simm.s32 $0xF;
	v3 =	vadd.f32 v8, v3  }
0x104: {  	(v2sf) =	vpush v2, $0xF;
	s1 =	simm.s32 $0x4;
	v10 =	vadd.s32 s7, v0;
	v6 =	vnsel vm15, $0x0, v9  }
0x105: {  	s6 =	simm.s32 $0x2;
	v7 =	vadd.s32 s1, v0;
	v2 =	vadd.f32 v6, v3;
	v3 =	vadd.f32 v5, v4  }
0x106: {  	s7 =	simm.s32 $0x1;
	v24 =	vadd.s32 s6, v0  }
0x107: {  	s3 =	simm.s32 $0x3;
	v25 =	vadd.s32 s7, v0;
	v4 =	vadd.f32 v2, v3  }
0x108: {  	s0 =	simm.s32 $0x0;
	v8 =	vadd.s32 s3, v0  }
0x109: {  	s3 =	simm.s32 $0x5;
	v9 =	vor.u32 s0, v0;
	v14 =	vld.idx.msk [tilespmem:v10+s23+$0x0], $0xffff;
	(xrf2) =	vadd.scan.msk.f32 $0xffff, v4  }
0x10a: {  	s4 =	simm.s32 $0x7;
	v27 =	vld.idx.msk [tilespmem:v7+s23+$0x0], $0xffff;
	v6 =	vadd.s32 s3, v0  }
0x10b: {  	s5 =	simm.s32 $0x6;
	v26 =	vld.idx.msk [tilespmem:v24+s23+$0x0], $0xffff;
	v2 =	vadd.s32 s4, v0  }
0x10c: {  	v16 =	vld.idx.msk [tilespmem:v25+s23+$0x0], $0xffff;
	v3 =	vadd.s32 s5, v0;
	s4 =	simm.s32 $0xE  }
0x10d: {  	v11 =	vld.idx.msk [tilespmem:v8+s23+$0x0], $0xffff;
	v17 =	vadd.s32 s4, v0  }
0x10e: {  	s3 =	simm.s32 $0x9;
	v5 =	vld.idx.msk [tilespmem:v9+s23+$0x0], $0xffff  }
0x10f: {  	v23 =	vadd.s32 s3, v0;
	s5 =	simm.s32 $0x8;
	v20 =	vld.idx.msk [tilespmem:v6+s23+$0x0], $0xffff  }
0x110: {  	v22 =	vadd.s32 s5, v0;
	v15 =	vld.idx.msk [tilespmem:v2+s23+$0x0], $0xffff  }
0x111: {  	s4 =	simm.s32 $0xA;
	v29 =	vld.idx.msk [tilespmem:v3+s23+$0x0], $0xffff  }
0x112: {  	s5 =	simm.s32 $0xB;
	v19 =	vadd.s32 s4, v0;
	v13 =	vld.idx.msk [tilespmem:v17+s23+$0x0], $0xffff  }
0x113: {  	s31 =	simm.s32 $0x10;
	v21 =	vadd.s32 s5, v0;
	v28 =	vadd.f32 v11, v26;
	s6 =	spop (v2sf);
	v12, _, _ =	vpop (xrf2)  }
0x114: {  	s5 =	simm.s32 $0x14;
	v37 =	vld.idx.msk [tilespmem:v23+s23+$0x0], $0xffff;
	v11 =	vor.u32 s31, v0;
	v30 =	vadd.f32 v16, v5;
	s7 =	sadd.f32 $0.0e+00, s6;
	s6 =	simm.s32 $0xC;
	v4 =	vsub.f32 v12, v4  }
0x115: {  	s4 =	simm.s32 $0x15;
	v34 =	vld.idx.msk [tilespmem:v22+s23+$0x0], $0xffff;
	v16 =	vadd.s32 s5, v0;
	v35 =	vadd.f32 v20, v27;
	v18 =	vadd.s32 s6, v0  }
0x116: {  	v20 =	vadd.s32 s4, v0;
	v12 =	vadd.f32 s7, v4;
	v4 =	vadd.f32 v15, v29;
	s7 =	simm.s32 $0xD  }
0x117: {  	s3 =	simm.s32 $0x1F;
	v38 =	vld.idx.msk [tilespmem:v19+s23+$0x0], $0xffff;
	v39 =	vadd.f32 v28, v30;
	v32 =	vadd.f32 v14, v13;
	v15 =	vadd.s32 s7, v0  }
0x118: {  	s1 =	simm.s32 $0x1E;
	s6 =	simm.s32 $0x11;
	v31 =	vadd.f32 v5, v12;
	v28 =	vadd.f32 v4, v35;
	v4 =	vadd.s32 s3, v0  }
0x119: {  	v40 =	vld.idx.msk [tilespmem:v21+s23+$0x0], $0xffff;
	v14 =	vadd.s32 s6, v0;
	v5 =	vadd.s32 s1, v0;
	[tilespmem:v9+s26+$0x0] =	vst.idx.msk $0xffff, v12;
	v41 =	vadd.f32 v30, v12  }
0x11a: {  	v42 =	vadd.f32 v37, v34;
	v45 =	vadd.f32 v39, v27;
	v36 =	vld.idx.msk [tilespmem:v18+s23+$0x0], $0xffff;
	[tilespmem:v25+s26+$0x0] =	vst.idx.msk $0xffff, v31  }
0x11b: {  	s5 =	simm.s32 $0x13;
	v31 =	vadd.f32 v28, v39;
	[tilespmem:v24+s26+$0x0] =	vst.idx.msk $0xffff, v41;
	v41 =	vadd.f32 v26, v30;
	v30 =	vld.idx.msk [tilespmem:v11+s23+$0x0], $0xffff  }
0x11c: {  	v44 =	vadd.f32 v38, v42;
	s7 =	simm.s32 $0x12;
	v24 =	vadd.s32 s5, v0;
	v26 =	vadd.f32 v35, v39;
	v43 =	vld.idx.msk [tilespmem:v15+s23+$0x0], $0xffff  }
0x11d: {  	s6 =	simm.s32 $0x16;
	v33 =	vadd.f32 v39, v12;
	v9 =	vadd.s32 s7, v0;
	s7 =	simm.s32 $0x17;
	v37 =	vadd.f32 v31, v12;
	v28 =	vld.idx.msk [tilespmem:v4+s23+$0x0], $0xffff  }
0x11e: {  	s0 =	simm.s32 $0x20;
	v25 =	vadd.s32 s6, v0;
	v31 =	vadd.s32 s7, v0;
	v27 =	vld.idx.msk [tilespmem:v5+s23+$0x0], $0xffff;
	v39 =	vadd.f32 v26, v29;
	v29 =	vmovc v12  }
.LBB2_14:
0x11f: {  	v46 =	vor.u32 s0, v0;
	v45 =	vadd.f32 v45, v12;
	v34 =	vadd.f32 v34, v37;
	v47 =	vmovc v6  }
0x120: {  	p0 =	slt.u32 s0, $0x3E0;
	v35 =	vld.idx.msk [tilespmem:v16+s23+$0x0], $0xffff;
	v6 =	vmovc v20;
	v48 =	vmovc v3;
	v3 =	vmov v25;
	v49 =	vmov v2;
	v2 =	vmov v31;
	s1 =	smov.u32 s0;
	s0 =	sadd.s32 $0x10, s0  }
0x121: {  	v38 =	vadd.f32 v40, v38;
	v50 =	vld.idx.msk [tilespmem:v24+s23+$0x0], $0xffff;
	[tilespmem:v22+s26+$0x0] =	vst.idx.msk $0xffff, v37;
	v22 =	vadd.f32 v42, v37  }
0x122: {  	v40 =	vadd.f32 v43, v36;
	v31 =	vld.idx.msk [tilespmem:v31+s23+$0x0], $0xffff;
	[tilespmem:v23+s26+$0x0] =	vst.idx.msk $0xffff, v34;
	v23 =	vadd.f32 v44, v37  }
0x123: {  	s3 =	sadd.s32 $0xB, s31;
	v34 =	vadd.f32 v41, v12;
	v38 =	vadd.f32 v38, v42;
	v20 =	vld.idx.msk [tilespmem:v20+s23+$0x0], $0xffff;
	[tilespmem:v19+s26+$0x0] =	vst.idx.msk $0xffff, v22  }
0x124: {  	s4 =	sadd.s32 $0x8, s31;
	s5 =	sadd.s32 $0x9, s31;
	s6 =	sadd.s32 $0xA, s31;
	v39 =	vadd.f32 v39, v12;
	v12 =	vadd.f32 v32, v40;
	v44 =	vld.idx.msk [tilespmem:v25+s23+$0x0], $0xffff  }
0x125: {  	v22 =	vadd.s32 s4, v0;
	v19 =	vadd.s32 s6, v0;
	v25 =	vadd.f32 v40, v38;
	v41 =	vld.idx.msk [tilespmem:v9+s23+$0x0], $0xffff;
	[tilespmem:v21+s26+$0x0] =	vst.idx.msk $0xffff, v23  }
0x126: {  	v23 =	vadd.s32 s5, v0;
	v21 =	vadd.f32 v38, v36;
	v12 =	vadd.f32 v12, v38;
	v32 =	vld.idx.msk [tilespmem:v14+s23+$0x0], $0xffff  }
0x127: {  	v36 =	vadd.f32 v25, v13;
	[tilespmem:v8+s26+$0x0] =	vst.idx.msk $0xffff, v34;
	v34 =	vadd.f32 v38, v37;
	v8 =	vmov v24  }
0x128: {  	v24 =	vadd.f32 v21, v37;
	v12 =	vadd.f32 v12, v37;
	[tilespmem:v7+s26+$0x0] =	vst.idx.msk $0xffff, v33;
	v7 =	vmov v16  }
0x129: {  	v13 =	vmov v27;
	v16 =	vadd.f32 v25, v37;
	v25 =	vadd.f32 v36, v37;
	[tilespmem:v18+s26+$0x0] =	vst.idx.msk $0xffff, v34  }
0x12a: {  	v21 =	vadd.s32 s3, v0;
	v27 =	vadd.f32 v31, v44;
	v34 =	vld.idx.msk [tilespmem:v22+s23+$0x0], $0xffff;
	[tilespmem:v15+s26+$0x0] =	vst.idx.msk $0xffff, v24  }
0x12b: {  	s4 =	sadd.s32 $0xD, s31;
	s3 =	sadd.s32 $0xC, s31;
	s31 =	smov.u32 s1;
	v31 =	vadd.f32 v30, v12;
	v24 =	vadd.f32 v50, v41;
	v37 =	vld.idx.msk [tilespmem:v23+s23+$0x0], $0xffff;
	[tilespmem:v17+s26+$0x0] =	vst.idx.msk $0xffff, v16  }
0x12c: {  	v42 =	vadd.f32 v20, v35;
	v18 =	vadd.s32 s3, v0;
	v17 =	vadd.f32 v32, v30;
	[tilespmem:v10+s26+$0x0] =	vst.idx.msk $0xffff, v25  }
0x12d: {  	v15 =	vadd.s32 s4, v0;
	v32 =	vadd.f32 v28, v13;
	v10 =	vadd.f32 v26, v29;
	[tilespmem:v47+s26+$0x0] =	vst.idx.msk $0xffff, v45  }
0x12e: {  	s1 =	sadd.s32 $0xE, s31;
	s3 =	sadd.s32 $0xF, s31;
	v45 =	vadd.f32 v24, v17;
	v24 =	vadd.f32 v27, v42;
	[tilespmem:v11+s26+$0x0] =	vst.idx.msk $0xffff, v12;
	v38 =	vld.idx.msk [tilespmem:v19+s23+$0x0], $0xffff  }
0x12f: {  	s5 =	sadd.s32 $0x5, s31;
	s6 =	sadd.s32 $0x6, s31;
	s4 =	sadd.s32 $0x4, s31;
	v27 =	vadd.s32 s1, v0;
	v47 =	vadd.s32 s3, v0;
	v25 =	vadd.f32 v17, v12;
	[tilespmem:v14+s26+$0x0] =	vst.idx.msk $0xffff, v31;
	v40 =	vld.idx.msk [tilespmem:v21+s23+$0x0], $0xffff  }
0x130: {  	s7 =	sadd.s32 $0x3, s31;
	v20 =	vadd.s32 s5, v0;
	v16 =	vadd.s32 s4, v0;
	s1 =	sadd.s32 $0x1, s31;
	s3 =	sadd.s32 $0x2, s31;
	v11 =	vmovc v46;
	v33 =	vadd.f32 v45, v12;
	[tilespmem:v48+s26+$0x0] =	vst.idx.msk $0xffff, v10  }
.Ltmp6:
0x131: {  	v14 =	vadd.s32 s1, v0;
	v10 =	vadd.f32 v24, v45;
	[tilespmem:v9+s26+$0x0] =	vst.idx.msk $0xffff, v25;
	v9 =	vadd.s32 s3, v0;
	v36 =	vld.idx.msk [tilespmem:v18+s23+$0x0], $0xffff;
	(pc) =	sbr.rel @p0 .LBB2_14-.Ltmp6, $4  }
0x132: {  	v41 =	vadd.f32 v41, v17;
	s1 =	sadd.s32 $0x7, s31;
	v24 =	vadd.s32 s7, v0;
	v25 =	vadd.s32 s6, v0;
	v43 =	vld.idx.msk [tilespmem:v15+s23+$0x0], $0xffff;
	[tilespmem:v49+s26+$0x0] =	vst.idx.msk $0xffff, v39  }
0x133: {  	v29 =	vmovc v12;
	v26 =	vadd.f32 v42, v45;
	v31 =	vadd.s32 s1, v0;
	v42 =	vadd.f32 v37, v34;
	v30 =	vld.idx.msk [tilespmem:v46+s23+$0x0], $0xffff  }
0x134: {  	v17 =	vmovc v5;
	v5 =	vmov v27;
	v45 =	vadd.f32 v45, v35;
	v37 =	vadd.f32 v10, v12;
	v28 =	vld.idx.msk [tilespmem:v47+s23+$0x0], $0xffff  }
0x135: {  	v39 =	vadd.f32 v26, v44;
	v44 =	vadd.f32 v38, v42;
	v10 =	vmovc v4;
	v4 =	vmov v47;
	v27 =	vld.idx.msk [tilespmem:v27+s23+$0x0], $0xffff  }
0x136: {  	_ =	sdelay $0x3  }
0x137: {  	v35 =	vld.idx.msk [tilespmem:v16+s23+$0x0], $0xffff  }
0x138: {  	v46 =	vld.idx.msk [tilespmem:v24+s23+$0x0], $0xffff  }
0x139: {  	v45 =	vadd.f32 v45, v12;
	v50 =	vld.idx.msk [tilespmem:v31+s23+$0x0], $0xffff  }
0x13a: {  	v34 =	vadd.f32 v34, v37;
	v38 =	vadd.f32 v40, v38;
	v52 =	vld.idx.msk [tilespmem:v20+s23+$0x0], $0xffff  }
0x13b: {  	[tilespmem:v22+s26+$0x0] =	vst.idx.msk $0xffff, v37;
	v49 =	vadd.f32 v42, v37;
	v41 =	vadd.f32 v41, v12;
	v54 =	vld.idx.msk [tilespmem:v9+s23+$0x0], $0xffff  }
0x13c: {  	s3 =	sadd.s32 $0xA, s31;
	v55 =	vld.idx.msk [tilespmem:v14+s23+$0x0], $0xffff;
	v43 =	vadd.f32 v43, v36;
	[tilespmem:v23+s26+$0x0] =	vst.idx.msk $0xffff, v34;
	v38 =	vadd.f32 v38, v42  }
0x13d: {  	s0 =	sadd.s32 $0x8, s31;
	v51 =	vadd.f32 v44, v37;
	v44 =	vadd.s32 s3, v0;
	[tilespmem:v8+s26+$0x0] =	vst.idx.msk $0xffff, v41;
	v41 =	vadd.f32 v39, v12  }
0x13e: {  	v42 =	vadd.s32 s0, v0;
	[tilespmem:v19+s26+$0x0] =	vst.idx.msk $0xffff, v49;
	v53 =	vadd.f32 v32, v43;
	v43 =	vadd.f32 v43, v38  }
0x13f: {  	s1 =	sadd.s32 $0x9, s31;
	v19 =	vld.idx.msk [tilespmem:v25+s23+$0x0], $0xffff;
	[tilespmem:v7+s26+$0x0] =	vst.idx.msk $0xffff, v33;
	v56 =	vadd.f32 v38, v36;
	v58 =	vadd.f32 v38, v37  }
0x140: {  	s4 =	sadd.s32 $0xB, s31;
	v23 =	vadd.s32 s1, v0;
	[tilespmem:v6+s26+$0x0] =	vst.idx.msk $0xffff, v45;
	v6 =	vadd.f32 v26, v29;
	v22 =	vadd.f32 v53, v38  }
0x141: {  	s6 =	sadd.s32 $0xD, s31;
	v33 =	vadd.s32 s4, v0;
	v62 =	vadd.f32 v46, v54;
	v63 =	vadd.f32 v55, v30  }
0x142: {  	s5 =	sadd.s32 $0xC, s31;
	v40 =	vadd.s32 s6, v0;
	[tilespmem:v21+s26+$0x0] =	vst.idx.msk $0xffff, v51;
	v34 =	vadd.f32 v52, v35;
	v57 =	vadd.f32 v43, v13  }
0x143: {  	v7 =	vadd.f32 v56, v37;
	[tilespmem:v18+s26+$0x0] =	vst.idx.msk $0xffff, v58;
	v18 =	vadd.s32 s5, v0;
	v46 =	vld.idx.msk [tilespmem:v44+s23+$0x0], $0xffff  }
0x144: {  	v59 =	vadd.f32 v43, v37;
	[tilespmem:v3+s26+$0x0] =	vst.idx.msk $0xffff, v6;
	v61 =	vld.idx.msk [tilespmem:v42+s23+$0x0], $0xffff;
	v60 =	vadd.f32 v50, v19  }
0x145: {  	v22 =	vadd.f32 v22, v37;
	v47 =	vadd.f32 v62, v63;
	[tilespmem:v15+s26+$0x0] =	vst.idx.msk $0xffff, v7;
	v7 =	vld.idx.msk [tilespmem:v23+s23+$0x0], $0xffff  }
0x146: {  	[tilespmem:v2+s26+$0x0] =	vst.idx.msk $0xffff, v41;
	v8 =	vadd.f32 v57, v37;
	v49 =	vld.idx.msk [tilespmem:v33+s23+$0x0], $0xffff;
	v48 =	vadd.f32 v60, v34  }
0x147: {  	v28 =	vadd.f32 v28, v27;
	v52 =	vld.idx.msk [tilespmem:v40+s23+$0x0], $0xffff;
	v3 =	vadd.f32 v54, v63;
	[tilespmem:v17+s26+$0x0] =	vst.idx.msk $0xffff, v59  }
0x148: {  	v43 =	vadd.f32 v30, v22;
	[tilespmem:v10+s26+$0x0] =	vst.idx.msk $0xffff, v8;
	v50 =	vld.idx.msk [tilespmem:v18+s23+$0x0], $0xffff;
	v10 =	vadd.f32 v48, v47  }
0x149: {  	[tilespmem:v11+s26+$0x0] =	vst.idx.msk $0xffff, v22;
	v51 =	vadd.f32 v63, v22;
	v3 =	vadd.f32 v3, v22  }
0x14a: {  	[tilespmem:v14+s26+$0x0] =	vst.idx.msk $0xffff, v43;
	v7 =	vadd.f32 v7, v61;
	v6 =	vadd.f32 v10, v22  }
0x14b: {  	v8 =	vadd.f32 v47, v35;
	[tilespmem:v9+s26+$0x0] =	vst.idx.msk $0xffff, v51;
	v56 =	vadd.f32 v49, v46  }
0x14c: {  	[tilespmem:v24+s26+$0x0] =	vst.idx.msk $0xffff, v3;
	v55 =	vadd.f32 v46, v7;
	v2 =	vadd.f32 v61, v6  }
0x14d: {  	[tilespmem:v42+s26+$0x0] =	vst.idx.msk $0xffff, v6;
	v57 =	vadd.f32 v7, v6;
	v58 =	vadd.f32 v52, v50  }
0x14e: {  	v7 =	vadd.f32 v56, v7;
	[tilespmem:v23+s26+$0x0] =	vst.idx.msk $0xffff, v2;
	v2 =	vadd.f32 v55, v6  }
0x14f: {  	v53 =	vadd.f32 v47, v22;
	v8 =	vadd.f32 v8, v22;
	[tilespmem:v44+s26+$0x0] =	vst.idx.msk $0xffff, v57  }
0x150: {  	v59 =	vadd.f32 v58, v7;
	[tilespmem:v33+s26+$0x0] =	vst.idx.msk $0xffff, v2;
	v2 =	vadd.f32 v7, v50  }
0x151: {  	s7 =	simm.s32 $0x3F0;
	v54 =	vadd.f32 v34, v47;
	[tilespmem:v16+s26+$0x0] =	vst.idx.msk $0xffff, v53;
	v3 =	vadd.f32 v7, v6  }
0x152: {  	v62 =	vmov s7;
	[tilespmem:v20+s26+$0x0] =	vst.idx.msk $0xffff, v8;
	v61 =	vadd.f32 v59, v27;
	v2 =	vadd.f32 v2, v6  }
0x153: {  	vm2 =	vlt.u32 v62, v1;
	[tilespmem:v18+s26+$0x0] =	vst.idx.msk $0xffff, v3;
	v3 =	vadd.f32 v59, v6  }
0x154: {  	v63 =	vadd.s32 s7, v0;
	v60 =	vadd.f32 v54, v19;
	v12 =	vadd.f32 v61, v6;
	[tilespmem:v40+s26+$0x0] =	vst.idx.msk $0xffff, v2  }
0x155: {  	v2 =	vadd.f32 v28, v58;
	[tilespmem:v5+s26+$0x0] =	vst.idx.msk $0xffff, v3;
	v3 =	vadd.f32 v54, v22  }
0x156: {  	s31 =	simm.s32 $0x3F1;
	[tilespmem:v4+s26+$0x0] =	vst.idx.msk $0xffff, v12;
	v4 =	vadd.f32 v60, v22  }
0x157: {  	v2 =	vadd.f32 v2, v7;
	[tilespmem:v25+s26+$0x0] =	vst.idx.msk $0xffff, v3;
	v3 =	vmov s31  }
0x158: {  	[tilespmem:v31+s26+$0x0] =	vst.idx.msk $0xffff, v4;
	vm1 =	vlt.u32 v3, v1  }
0x159: {  	v5 =	vadd.s32 s31, v0;
	v2 =	vadd.f32 v2, v6;
	v3 =	vld.idx.msk [tilespmem:v63+s23+$0x0], vm2;
	_ =	sdelay $0x1  }
0x15a: {  	s0 =	simm.s32 $0x3F2;
	vm0 =	vmmov vm2;
	[tilespmem:v63+s26+$0x0] =	vst.idx.msk vm2, v2;
	vm2 =	vmmov vm1;
	v4 =	vmov v5  }
.LBB2_16:
0x15b: {  	p0 =	sne.s32 s0, $0x400  }
.Ltmp7:
0x15c: {  	v6 =	vmov s0;
	s1 =	smov.u32 s0;
	s0 =	sadd.s32 $0x1, s0;
	(pc) =	sbr.rel @p0 .LBB2_16-.Ltmp7, $3  }
0x15d: {  	v7 =	vnsel vm0, $0x0, v3;
	v3 =	vld.idx.msk [tilespmem:v5+s23+$0x0], vm1;
	vm0 =	vmmov vm1;
	vm1 =	vlt.u32 v6, v1  }
0x15e: {  	v5 =	vadd.s32 s1, v0;
	v2 =	vadd.f32 v7, v2;
	_ =	sdelay $0x1  }
0x15f: {  	[tilespmem:v4+s26+$0x0] =	vst.idx.msk vm2, v2;
	v4 =	vmov v5;
	vm2 =	vmmov vm1  }
0x160: {  	_ =	sdelay $0x1  }
0x161: {  	v3 =	vnsel vm0, $0x0, v3  }
0x162: {  	v2 =	vadd.f32 v3, v2;
	_ =	sdelay $0x1  }
0x163: {  	s0 =	rddreg [dreg:$0x7];
	s6 =	simm.s32 $0x0;
	s7 =	simm.s32 $0xC;
	[tilespmem:v4+s26+$0x0] =	vst.idx.msk vm2, v2  }
0x164: {  	v2 =	vor.u32 s6, v0;
	[hbm4b:s0+s20] =	stream.strided.scatter [tilespmem:s26], [sflag:$0x4], $0x4000, s21, s20, $0x38;
	[tilespmem:$0x10000] =	vst v63  }
0x165: {  	s1 =	simm.s32 $0x8;
	v3 =	vadd.s32 s7, v0;
	_ =	swait.ge [sflag:s22], $0x4000  }
0x166: {  	s31 =	simm.s32 $0x4;
	v4 =	vadd.s32 s1, v0;
	[sflag:s22] =	ssyncset.done $0x0  }
0x167: {  	s4 =	simm.s32 $0x7;
	v5 =	vadd.s32 s31, v0;
	s1 =	simm.s32 $0xF;
	[sflag:s22] =	ssyncadd.s32 $0xFFFFC000  }
0x168: {  	v6 =	vadd.s32 s1, v0;
	[tilespmem:s23], [sflag:$0x2] =	stream.strided.gather [hbm4b:s8+s20], $0x4000, s21, s20, $0x38;
	[tilespmem:$0x10000] =	vst v63  }
0x169: {  	s5 =	simm.s32 $0x3;
	v8 =	vadd.s32 s4, v0;
	v7 =	vld.idx.msk [tilespmem:v2+s2+$0x0], $0xffff  }
0x16a: {  	s3 =	simm.s32 $0xB;
	v9 =	vadd.s32 s5, v0;
	v3 =	vld.idx.msk [tilespmem:v3+s2+$0x0], $0xffff  }
0x16b: {  	s6 =	simm.s32 $0x1;
	v2 =	vadd.s32 s3, v0;
	v15 =	vld.idx.msk [tilespmem:v4+s2+$0x0], $0xffff  }
0x16c: {  	s7 =	simm.s32 $0x2;
	v10 =	vadd.s32 s6, v0;
	v5 =	vld.idx.msk [tilespmem:v5+s2+$0x0], $0xffff  }
0x16d: {  	s31 =	simm.s32 $0x5;
	v11 =	vadd.s32 s7, v0;
	v4 =	vld.idx.msk [tilespmem:v6+s2+$0x0], $0xffff  }
0x16e: {  	s4 =	simm.s32 $0xA;
	v6 =	vadd.s32 s31, v0;
	v14 =	vld.idx.msk [tilespmem:v8+s2+$0x0], $0xffff  }
0x16f: {  	v12 =	vadd.s32 s4, v0;
	s1 =	simm.s32 $0x6;
	v8 =	vld.idx.msk [tilespmem:v9+s2+$0x0], $0xffff  }
0x170: {  	s3 =	simm.s32 $0x9;
	v19 =	vld.idx.msk [tilespmem:v2+s2+$0x0], $0xffff;
	v2 =	vadd.s32 s1, v0  }
0x171: {  	s5 =	simm.s32 $0xD;
	v10 =	vld.idx.msk [tilespmem:v10+s2+$0x0], $0xffff;
	v9 =	vadd.s32 s3, v0  }
0x172: {  	s6 =	simm.s32 $0xE;
	v13 =	vld.idx.msk [tilespmem:v11+s2+$0x0], $0xffff;
	v11 =	vadd.s32 s5, v0  }
0x173: {  	s0 =	simm.s32 $0x10;
	v16 =	vld.idx.msk [tilespmem:v6+s2+$0x0], $0xffff;
	v6 =	vadd.s32 s6, v0  }
0x174: {  	s7 =	simm.s32 $0x1C;
	v17 =	vor.u32 s0, v0;
	v23 =	vld.idx.msk [tilespmem:v12+s2+$0x0], $0xffff  }
0x175: {  	v20 =	vadd.s32 s7, v0;
	s3 =	simm.s32 $0x18;
	v18 =	vld.idx.msk [tilespmem:v2+s2+$0x0], $0xffff  }
0x176: {  	s31 =	simm.s32 $0x14;
	v22 =	vadd.s32 s3, v0;
	v21 =	vld.idx.msk [tilespmem:v9+s2+$0x0], $0xffff;
	v2 =	vimm.f32 $0.0e+00  }
0x177: {  	s4 =	simm.s32 $0x1F;
	v24 =	vadd.s32 s31, v0;
	v9 =	vld.idx.msk [tilespmem:v11+s2+$0x0], $0xffff;
	v7 =	vadd.f32 v7, v2;
	v25 =	vadd.f32 v10, v2  }
0x178: {  	s5 =	simm.s32 $0x1B;
	v11 =	vadd.s32 s4, v0;
	v26 =	vadd.f32 v13, v2;
	v27 =	vadd.f32 v8, v2;
	v10 =	vld.idx.msk [tilespmem:v6+s2+$0x0], $0xffff  }
0x179: {  	v12 =	vadd.s32 s5, v0;
	s6 =	simm.s32 $0x17;
	v6 =	vld.idx.msk [tilespmem:v17+s2+$0x0], $0xffff;
	v7 =	vadd.f32 v5, v7;
	v17 =	vadd.f32 v16, v25  }
0x17a: {  	s7 =	simm.s32 $0x13;
	v13 =	vadd.s32 s6, v0;
	v8 =	vld.idx.msk [tilespmem:v20+s2+$0x0], $0xffff;
	v20 =	vadd.f32 v14, v27;
	v18 =	vadd.f32 v18, v26  }
0x17b: {  	s31 =	simm.s32 $0x11;
	v14 =	vadd.s32 s7, v0;
	v5 =	vld.idx.msk [tilespmem:v22+s2+$0x0], $0xffff;
	v16 =	vadd.f32 v15, v7;
	v17 =	vadd.f32 v21, v17  }
0x17c: {  	s3 =	simm.s32 $0x12;
	s1 =	simm.s32 $0x20;
	v15 =	vadd.s32 s31, v0;
	v7 =	vld.idx.msk [tilespmem:v24+s2+$0x0], $0xffff;
	v19 =	vadd.f32 v19, v20;
	v18 =	vadd.f32 v23, v18  }
.LBB2_18:
0x17d: {  	p0 =	slt.u32 s1, $0x3E0;
	v20 =	vadd.s32 s3, v0;
	s3 =	sadd.s32 $0x5, s0;
	v11 =	vld.idx.msk [tilespmem:v11+s2+$0x0], $0xffff;
	v16 =	vadd.f32 v3, v16;
	v9 =	vadd.f32 v9, v17  }
0x17e: {  	v17 =	vadd.s32 s3, v0;
	s3 =	sadd.s32 $0x6, s0;
	v21 =	vld.idx.msk [tilespmem:v12+s2+$0x0], $0xffff;
	v10 =	vadd.f32 v10, v18;
	v12 =	vadd.f32 v4, v19  }
0x17f: {  	v18 =	vadd.s32 s3, v0;
	v19 =	vld.idx.msk [tilespmem:v13+s2+$0x0], $0xffff;
	s3 =	sadd.s32 $0x9, s0  }
0x180: {  	v3 =	vmov v8;
	v13 =	vld.idx.msk [tilespmem:v14+s2+$0x0], $0xffff;
	v14 =	vadd.s32 s3, v0;
	s3 =	sadd.s32 $0xA, s0  }
0x181: {  	v8 =	vld.idx.msk [tilespmem:v15+s2+$0x0], $0xffff;
	v15 =	vadd.s32 s3, v0;
	s3 =	sadd.s32 $0xD, s0  }
0x182: {  	v20 =	vld.idx.msk [tilespmem:v20+s2+$0x0], $0xffff;
	v22 =	vadd.s32 s3, v0;
	s3 =	sadd.s32 $0xE, s0;
	s0 =	smov.u32 s1  }
0x183: {  	v4 =	vmov v11;
	v17 =	vld.idx.msk [tilespmem:v17+s2+$0x0], $0xffff;
	v23 =	vadd.s32 s3, v0  }
0x184: {  	v24 =	vor.u32 s1, v0;
	s3 =	sadd.s32 $0xC, s1;
	v18 =	vld.idx.msk [tilespmem:v18+s2+$0x0], $0xffff  }
0x185: {  	s4 =	sadd.s32 $0x8, s1;
	v25 =	vadd.s32 s3, v0;
	v26 =	vld.idx.msk [tilespmem:v14+s2+$0x0], $0xffff  }
0x186: {  	v27 =	vadd.s32 s4, v0;
	s3 =	sadd.s32 $0x4, s1;
	v28 =	vld.idx.msk [tilespmem:v15+s2+$0x0], $0xffff  }
0x187: {  	v29 =	vadd.s32 s3, v0;
	s3 =	sadd.s32 $0xF, s1;
	v14 =	vadd.f32 v6, v16;
	v8 =	vadd.f32 v8, v9;
	v9 =	vld.idx.msk [tilespmem:v22+s2+$0x0], $0xffff  }
.Ltmp8:
0x188: {  	s4 =	sadd.s32 $0xB, s1;
	v16 =	vadd.f32 v13, v12;
	v11 =	vadd.s32 s3, v0;
	v15 =	vadd.f32 v20, v10;
	v10 =	vld.idx.msk [tilespmem:v23+s2+$0x0], $0xffff;
	(pc) =	sbr.rel @p0 .LBB2_18-.Ltmp8, $4  }
0x189: {  	v12 =	vadd.s32 s4, v0;
	s3 =	sadd.s32 $0x7, s1;
	v7 =	vadd.f32 v7, v14;
	v17 =	vadd.f32 v17, v8;
	v6 =	vld.idx.msk [tilespmem:v24+s2+$0x0], $0xffff  }
0x18a: {  	s4 =	sadd.s32 $0x3, s1;
	v13 =	vadd.s32 s3, v0;
	v19 =	vadd.f32 v19, v16;
	v18 =	vadd.f32 v18, v15;
	v8 =	vld.idx.msk [tilespmem:v25+s2+$0x0], $0xffff  }
0x18b: {  	s3 =	sadd.s32 $0x1, s1;
	v14 =	vadd.s32 s4, v0;
	v16 =	vadd.f32 v5, v7;
	v17 =	vadd.f32 v26, v17;
	v5 =	vld.idx.msk [tilespmem:v27+s2+$0x0], $0xffff  }
0x18c: {  	s1 =	sadd.s32 $0x10, s1;
	v15 =	vadd.s32 s3, v0;
	s3 =	sadd.s32 $0x2, s0;
	v19 =	vadd.f32 v21, v19;
	v18 =	vadd.f32 v28, v18;
	v7 =	vld.idx.msk [tilespmem:v29+s2+$0x0], $0xffff  }
0x18d: {  	_ =	sdelay $0x3  }
0x18e: {  	v20 =	vadd.s32 s3, v0;
	s1 =	sadd.s32 $0x5, s0;
	v11 =	vld.idx.msk [tilespmem:v11+s2+$0x0], $0xffff  }
0x18f: {  	s31 =	sadd.s32 $0x6, s0;
	v12 =	vld.idx.msk [tilespmem:v12+s2+$0x0], $0xffff;
	v21 =	vadd.s32 s1, v0  }
0x190: {  	v13 =	vld.idx.msk [tilespmem:v13+s2+$0x0], $0xffff;
	s3 =	sadd.s32 $0x9, s0;
	v22 =	vadd.s32 s31, v0  }
0x191: {  	v14 =	vld.idx.msk [tilespmem:v14+s2+$0x0], $0xffff;
	s4 =	sadd.s32 $0xA, s0;
	v23 =	vadd.s32 s3, v0  }
0x192: {  	v15 =	vld.idx.msk [tilespmem:v15+s2+$0x0], $0xffff;
	s5 =	sadd.s32 $0xD, s0;
	v24 =	vadd.s32 s4, v0  }
0x193: {  	s6 =	sadd.s32 $0xE, s0;
	v25 =	vadd.s32 s5, v0;
	v20 =	vld.idx.msk [tilespmem:v20+s2+$0x0], $0xffff  }
0x194: {  	v26 =	vadd.s32 s6, v0;
	v21 =	vld.idx.msk [tilespmem:v21+s2+$0x0], $0xffff  }
0x195: {  	v3 =	vadd.f32 v3, v16;
	v9 =	vadd.f32 v9, v17;
	v59 =	vld.idx.msk [tilespmem:v22+s2+$0x0], $0xffff  }
0x196: {  	v10 =	vadd.f32 v10, v18;
	v4 =	vadd.f32 v4, v19;
	v60 =	vld.idx.msk [tilespmem:v23+s2+$0x0], $0xffff  }
0x197: {  	v3 =	vadd.f32 v6, v3;
	v6 =	vadd.f32 v15, v9;
	v61 =	vld.idx.msk [tilespmem:v24+s2+$0x0], $0xffff  }
0x198: {  	s7 =	simm.s32 $0x3F0;
	v4 =	vadd.f32 v14, v4;
	v9 =	vld.idx.msk [tilespmem:v25+s2+$0x0], $0xffff;
	v10 =	vadd.f32 v20, v10  }
0x199: {  	v62 =	vmov s7;
	v3 =	vadd.f32 v7, v3;
	v63 =	vld.idx.msk [tilespmem:v26+s2+$0x0], $0xffff;
	v6 =	vadd.f32 v21, v6  }
0x19a: {  	vm1 =	vlt.u32 v62, v1;
	v4 =	vadd.f32 v13, v4;
	v7 =	vadd.f32 v59, v10  }
0x19b: {  	v3 =	vadd.f32 v5, v3;
	v10 =	vadd.s32 s7, v0;
	v5 =	vadd.f32 v60, v6  }
0x19c: {  	v6 =	vadd.f32 v61, v7;
	v7 =	vadd.f32 v12, v4  }
0x19d: {  	s31 =	simm.s32 $0x3F1;
	v4 =	vadd.f32 v9, v5  }
0x19e: {  	v5 =	vadd.f32 v63, v6;
	v6 =	vadd.f32 v11, v7;
	v7 =	vmov s31  }
0x19f: {  	vm0 =	vlt.u32 v7, v1  }
0x1a0: {  	s0 =	simm.s32 $0x3F2;
	v3 =	vadd.f32 v8, v3;
	v8 =	vadd.s32 s31, v0;
	v7 =	vld.idx.msk [tilespmem:v10+s2+$0x0], vm1;
	vm1 =	vmmov vm1  }
.LBB2_20:
0x1a1: {  	p0 =	sne.s32 s0, $0x400  }
.Ltmp9:
0x1a2: {  	_ = 	snop;
	(pc) =	sbr.rel @p0 .LBB2_20-.Ltmp9, $4  }
0x1a3: {  	_ = 	snop  }
0x1a4: {  	v9 =	vmov s0;
	s1 =	smov.u32 s0;
	s0 =	sadd.s32 $0x1, s0  }
0x1a5: {  	v10 =	vnsel vm1, $0x0, v7;
	v7 =	vld.idx.msk [tilespmem:v8+s2+$0x0], vm0;
	vm1 =	vmmov vm0;
	vm0 =	vlt.u32 v9, v1  }
0x1a6: {  	v8 =	vadd.s32 s1, v0;
	v2 =	vadd.f32 v10, v2  }
0x1a7: {  	_ =	sdelay $0x4  }
0x1a8: {  	v8 =	vld.idx.msk [tilespmem:v8+s2+$0x0], vm0;
	_ =	sdelay $0x2  }
0x1a9: {  	v3 =	vadd.f32 v4, v3;
	v7 =	vnsel vm1, $0x0, v7  }
0x1aa: {  	vm15 =	vmmov vm0;
	v4 =	vadd.f32 v6, v5;
	v2 =	vadd.f32 v7, v2  }
0x1ab: {  	v5 =	vnsel vm15, $0x0, v8  }
0x1ac: {  	v3 =	vadd.f32 v4, v3;
	v2 =	vadd.f32 v5, v2;
	_ =	sdelay $0x1  }
0x1ad: {  	v5 =	vadd.f32 v2, v3;
	_ =	sdelay $0x1  }
0x1ae: {  	(xrf2) =	vadd.scan.msk.f32 $0xffff, v5;
	_ =	sdelay $0x7  }
0x1af: {  	s0 =	simm.s32 $0x0  }
0x1b0: {  	s6 =	simm.s32 $0xF;
	v10 =	vor.u32 s0, v0  }
0x1b1: {  	s1 =	simm.s32 $0x4;
	v11 =	vadd.s32 s6, v0;
	v2, _, _ =	vpop (xrf2)  }
0x1b2: {  	s7 =	simm.s32 $0x3;
	v8 =	vadd.s32 s1, v0;
	_ =	swait.ge [sflag:s28], $0x4000  }
0x1b3: {  	v9 =	vadd.s32 s7, v0;
	s1 =	simm.s32 $0x7;
	[sflag:s28] =	ssyncset.done $0x0  }
0x1b4: {  	s3 =	simm.s32 $0x6;
	v3 =	vadd.s32 s1, v0;
	[sflag:s28] =	ssyncadd.s32 $0xFFFFC000  }
0x1b5: {  	s4 =	simm.s32 $0x2;
	v4 =	vadd.s32 s3, v0;
	v6 =	vld.idx.msk [tilespmem:v10+s2+$0x0], $0xffff  }
0x1b6: {  	s5 =	simm.s32 $0x1;
	v25 =	vadd.s32 s4, v0;
	v15 =	vld.idx.msk [tilespmem:v11+s2+$0x0], $0xffff  }
0x1b7: {  	s6 =	simm.s32 $0x5;
	v26 =	vadd.s32 s5, v0;
	v28 =	vld.idx.msk [tilespmem:v8+s2+$0x0], $0xffff  }
0x1b8: {  	s7 =	simm.s32 $0xE;
	v7 =	vadd.s32 s6, v0;
	v12 =	vld.idx.msk [tilespmem:v9+s2+$0x0], $0xffff  }
0x1b9: {  	v19 =	vadd.s32 s7, v0;
	s1 =	simm.s32 $0x8;
	v16 =	vld.idx.msk [tilespmem:v3+s2+$0x0], $0xffff  }
0x1ba: {  	s3 =	simm.s32 $0x9;
	v23 =	vadd.s32 s1, v0;
	v30 =	vld.idx.msk [tilespmem:v4+s2+$0x0], $0xffff  }
0x1bb: {  	v24 =	vadd.s32 s3, v0;
	v27 =	vld.idx.msk [tilespmem:v25+s2+$0x0], $0xffff  }
0x1bc: {  	v17 =	vld.idx.msk [tilespmem:v26+s2+$0x0], $0xffff  }
0x1bd: {  	s4 =	simm.s32 $0xA;
	v21 =	vld.idx.msk [tilespmem:v7+s2+$0x0], $0xffff  }
0x1be: {  	s5 =	simm.s32 $0xB;
	v20 =	vadd.s32 s4, v0;
	v14 =	vld.idx.msk [tilespmem:v19+s2+$0x0], $0xffff  }
0x1bf: {  	v22 =	vadd.s32 s5, v0;
	s6 =	simm.s32 $0xC;
	v5 =	vsub.f32 v2, v5;
	v35 =	vld.idx.msk [tilespmem:v23+s2+$0x0], $0xffff  }
0x1c0: {  	v18 =	vadd.s32 s6, v0;
	v38 =	vld.idx.msk [tilespmem:v24+s2+$0x0], $0xffff  }
0x1c1: {  	v13 =	vadd.f32 $0.0e+00, v5;
	v5 =	vadd.f32 v16, v30  }
0x1c2: {  	s7 =	simm.s32 $0xD;
	v29 =	vadd.f32 v12, v27;
	v31 =	vadd.f32 v17, v6  }
0x1c3: {  	s31 =	simm.s32 $0x10;
	s1 =	simm.s32 $0x1E;
	v39 =	vld.idx.msk [tilespmem:v20+s2+$0x0], $0xffff;
	v32 =	vadd.f32 v6, v13;
	v36 =	vadd.f32 v21, v28;
	v16 =	vadd.s32 s7, v0  }
0x1c4: {  	s3 =	simm.s32 $0x14;
	v41 =	vld.idx.msk [tilespmem:v22+s2+$0x0], $0xffff;
	v12 =	vor.u32 s31, v0;
	v33 =	vadd.f32 v15, v14;
	v6 =	vadd.s32 s1, v0  }
0x1c5: {  	s5 =	simm.s32 $0x1F;
	v37 =	vld.idx.msk [tilespmem:v18+s2+$0x0], $0xffff;
	v17 =	vadd.s32 s3, v0;
	v43 =	vadd.f32 v38, v35;
	v40 =	vadd.f32 v29, v31  }
0x1c6: {  	s4 =	simm.s32 $0x15;
	s6 =	simm.s32 $0x11;
	[tilespmem:v10+s24+$0x0] =	vst.idx.msk $0xffff, v13;
	s7 =	simm.s32 $0x12;
	v29 =	vadd.f32 v5, v36;
	v5 =	vadd.s32 s5, v0;
	v42 =	vadd.f32 v31, v13  }
0x1c7: {  	v21 =	vadd.s32 s4, v0;
	v15 =	vadd.s32 s6, v0;
	v10 =	vadd.s32 s7, v0;
	[tilespmem:v26+s24+$0x0] =	vst.idx.msk $0xffff, v32  }
0x1c8: {  	s5 =	simm.s32 $0x13;
	v45 =	vadd.f32 v39, v43;
	[tilespmem:v25+s24+$0x0] =	vst.idx.msk $0xffff, v42;
	v63 =	vadd.f32 v29, v40;
	v44 =	vld.idx.msk [tilespmem:v16+s2+$0x0], $0xffff  }
0x1c9: {  	s6 =	simm.s32 $0x16;
	v42 =	vadd.f32 v27, v31;
	v25 =	vadd.s32 s5, v0;
	v27 =	vadd.f32 v36, v40;
	v31 =	vld.idx.msk [tilespmem:v12+s2+$0x0], $0xffff  }
0x1ca: {  	s7 =	simm.s32 $0x17;
	v26 =	vadd.s32 s6, v0;
	v46 =	vadd.f32 v40, v28;
	v28 =	vld.idx.msk [tilespmem:v6+s2+$0x0], $0xffff;
	v38 =	vadd.f32 v63, v13  }
0x1cb: {  	s0 =	simm.s32 $0x20;
	v32 =	vadd.s32 s7, v0;
	v34 =	vadd.f32 v40, v13;
	v40 =	vadd.f32 v27, v30;
	v30 =	vmovc v13;
	v29 =	vld.idx.msk [tilespmem:v5+s2+$0x0], $0xffff  }
.LBB2_22:
0x1cc: {  	v47 =	vor.u32 s0, v0;
	v46 =	vadd.f32 v46, v13;
	v35 =	vadd.f32 v35, v38;
	v48 =	vmovc v7  }
0x1cd: {  	p0 =	slt.u32 s0, $0x3E0;
	v36 =	vld.idx.msk [tilespmem:v17+s2+$0x0], $0xffff;
	v7 =	vmovc v21;
	v49 =	vmovc v4;
	v4 =	vmov v26;
	v50 =	vmov v3;
	v3 =	vmov v32;
	s1 =	smov.u32 s0;
	s0 =	sadd.s32 $0x10, s0  }
0x1ce: {  	v39 =	vadd.f32 v41, v39;
	v51 =	vld.idx.msk [tilespmem:v25+s2+$0x0], $0xffff;
	[tilespmem:v23+s24+$0x0] =	vst.idx.msk $0xffff, v38;
	v23 =	vadd.f32 v43, v38  }
0x1cf: {  	v41 =	vadd.f32 v44, v37;
	v32 =	vld.idx.msk [tilespmem:v32+s2+$0x0], $0xffff;
	[tilespmem:v24+s24+$0x0] =	vst.idx.msk $0xffff, v35;
	v24 =	vadd.f32 v45, v38  }
0x1d0: {  	s3 =	sadd.s32 $0xB, s31;
	v35 =	vadd.f32 v42, v13;
	v39 =	vadd.f32 v39, v43;
	v21 =	vld.idx.msk [tilespmem:v21+s2+$0x0], $0xffff;
	[tilespmem:v20+s24+$0x0] =	vst.idx.msk $0xffff, v23  }
0x1d1: {  	s4 =	sadd.s32 $0x8, s31;
	s5 =	sadd.s32 $0x9, s31;
	s6 =	sadd.s32 $0xA, s31;
	v40 =	vadd.f32 v40, v13;
	v13 =	vadd.f32 v33, v41;
	v45 =	vld.idx.msk [tilespmem:v26+s2+$0x0], $0xffff  }
0x1d2: {  	v23 =	vadd.s32 s4, v0;
	v20 =	vadd.s32 s6, v0;
	v26 =	vadd.f32 v41, v39;
	v42 =	vld.idx.msk [tilespmem:v10+s2+$0x0], $0xffff;
	[tilespmem:v22+s24+$0x0] =	vst.idx.msk $0xffff, v24  }
0x1d3: {  	v24 =	vadd.s32 s5, v0;
	v22 =	vadd.f32 v39, v37;
	v13 =	vadd.f32 v13, v39;
	v33 =	vld.idx.msk [tilespmem:v15+s2+$0x0], $0xffff  }
0x1d4: {  	v37 =	vadd.f32 v26, v14;
	[tilespmem:v9+s24+$0x0] =	vst.idx.msk $0xffff, v35;
	v35 =	vadd.f32 v39, v38;
	v9 =	vmov v25  }
0x1d5: {  	v25 =	vadd.f32 v22, v38;
	v13 =	vadd.f32 v13, v38;
	[tilespmem:v8+s24+$0x0] =	vst.idx.msk $0xffff, v34;
	v8 =	vmov v17  }
0x1d6: {  	v14 =	vmov v28;
	v17 =	vadd.f32 v26, v38;
	v26 =	vadd.f32 v37, v38;
	[tilespmem:v18+s24+$0x0] =	vst.idx.msk $0xffff, v35  }
0x1d7: {  	v22 =	vadd.s32 s3, v0;
	v28 =	vadd.f32 v32, v45;
	v35 =	vld.idx.msk [tilespmem:v23+s2+$0x0], $0xffff;
	[tilespmem:v16+s24+$0x0] =	vst.idx.msk $0xffff, v25  }
0x1d8: {  	s4 =	sadd.s32 $0xD, s31;
	s3 =	sadd.s32 $0xC, s31;
	s31 =	smov.u32 s1;
	v32 =	vadd.f32 v31, v13;
	v25 =	vadd.f32 v51, v42;
	v38 =	vld.idx.msk [tilespmem:v24+s2+$0x0], $0xffff;
	[tilespmem:v19+s24+$0x0] =	vst.idx.msk $0xffff, v17  }
0x1d9: {  	v43 =	vadd.f32 v21, v36;
	v18 =	vadd.s32 s3, v0;
	v19 =	vadd.f32 v33, v31;
	[tilespmem:v11+s24+$0x0] =	vst.idx.msk $0xffff, v26  }
0x1da: {  	v16 =	vadd.s32 s4, v0;
	v33 =	vadd.f32 v29, v14;
	v11 =	vadd.f32 v27, v30;
	[tilespmem:v48+s24+$0x0] =	vst.idx.msk $0xffff, v46  }
0x1db: {  	s1 =	sadd.s32 $0xE, s31;
	s3 =	sadd.s32 $0xF, s31;
	v46 =	vadd.f32 v25, v19;
	v25 =	vadd.f32 v28, v43;
	[tilespmem:v12+s24+$0x0] =	vst.idx.msk $0xffff, v13;
	v39 =	vld.idx.msk [tilespmem:v20+s2+$0x0], $0xffff  }
0x1dc: {  	s5 =	sadd.s32 $0x5, s31;
	s6 =	sadd.s32 $0x6, s31;
	s4 =	sadd.s32 $0x4, s31;
	v28 =	vadd.s32 s1, v0;
	v48 =	vadd.s32 s3, v0;
	v26 =	vadd.f32 v19, v13;
	[tilespmem:v15+s24+$0x0] =	vst.idx.msk $0xffff, v32;
	v41 =	vld.idx.msk [tilespmem:v22+s2+$0x0], $0xffff  }
0x1dd: {  	s7 =	sadd.s32 $0x3, s31;
	v21 =	vadd.s32 s5, v0;
	v17 =	vadd.s32 s4, v0;
	s1 =	sadd.s32 $0x1, s31;
	s3 =	sadd.s32 $0x2, s31;
	v12 =	vmovc v47;
	v34 =	vadd.f32 v46, v13;
	[tilespmem:v49+s24+$0x0] =	vst.idx.msk $0xffff, v11  }
.Ltmp10:
0x1de: {  	v15 =	vadd.s32 s1, v0;
	v11 =	vadd.f32 v25, v46;
	[tilespmem:v10+s24+$0x0] =	vst.idx.msk $0xffff, v26;
	v10 =	vadd.s32 s3, v0;
	v37 =	vld.idx.msk [tilespmem:v18+s2+$0x0], $0xffff;
	(pc) =	sbr.rel @p0 .LBB2_22-.Ltmp10, $4  }
0x1df: {  	v42 =	vadd.f32 v42, v19;
	s1 =	sadd.s32 $0x7, s31;
	v25 =	vadd.s32 s7, v0;
	v26 =	vadd.s32 s6, v0;
	v44 =	vld.idx.msk [tilespmem:v16+s2+$0x0], $0xffff;
	[tilespmem:v50+s24+$0x0] =	vst.idx.msk $0xffff, v40  }
0x1e0: {  	v30 =	vmovc v13;
	v27 =	vadd.f32 v43, v46;
	v32 =	vadd.s32 s1, v0;
	v43 =	vadd.f32 v38, v35;
	v31 =	vld.idx.msk [tilespmem:v47+s2+$0x0], $0xffff  }
0x1e1: {  	v19 =	vmovc v6;
	v6 =	vmov v28;
	v46 =	vadd.f32 v46, v36;
	v38 =	vadd.f32 v11, v13;
	v29 =	vld.idx.msk [tilespmem:v48+s2+$0x0], $0xffff  }
0x1e2: {  	v40 =	vadd.f32 v27, v45;
	v45 =	vadd.f32 v39, v43;
	v11 =	vmovc v5;
	v5 =	vmov v48;
	v28 =	vld.idx.msk [tilespmem:v28+s2+$0x0], $0xffff  }
0x1e3: {  	_ =	sdelay $0x3  }
0x1e4: {  	v36 =	vld.idx.msk [tilespmem:v17+s2+$0x0], $0xffff  }
0x1e5: {  	v47 =	vld.idx.msk [tilespmem:v25+s2+$0x0], $0xffff  }
0x1e6: {  	v46 =	vadd.f32 v46, v13;
	v50 =	vld.idx.msk [tilespmem:v32+s2+$0x0], $0xffff  }
0x1e7: {  	v35 =	vadd.f32 v35, v38;
	v39 =	vadd.f32 v41, v39;
	v52 =	vld.idx.msk [tilespmem:v21+s2+$0x0], $0xffff  }
0x1e8: {  	[tilespmem:v23+s24+$0x0] =	vst.idx.msk $0xffff, v38;
	v49 =	vadd.f32 v43, v38;
	v42 =	vadd.f32 v42, v13;
	v54 =	vld.idx.msk [tilespmem:v10+s2+$0x0], $0xffff  }
0x1e9: {  	s3 =	sadd.s32 $0xA, s31;
	v55 =	vld.idx.msk [tilespmem:v15+s2+$0x0], $0xffff;
	v44 =	vadd.f32 v44, v37;
	[tilespmem:v24+s24+$0x0] =	vst.idx.msk $0xffff, v35;
	v39 =	vadd.f32 v39, v43  }
0x1ea: {  	s0 =	sadd.s32 $0x8, s31;
	v51 =	vadd.f32 v45, v38;
	v45 =	vadd.s32 s3, v0;
	v40 =	vadd.f32 v40, v13;
	[tilespmem:v9+s24+$0x0] =	vst.idx.msk $0xffff, v42  }
0x1eb: {  	v43 =	vadd.s32 s0, v0;
	[tilespmem:v20+s24+$0x0] =	vst.idx.msk $0xffff, v49;
	v53 =	vadd.f32 v33, v44;
	v44 =	vadd.f32 v44, v39  }
0x1ec: {  	s1 =	sadd.s32 $0x9, s31;
	v20 =	vld.idx.msk [tilespmem:v26+s2+$0x0], $0xffff;
	[tilespmem:v8+s24+$0x0] =	vst.idx.msk $0xffff, v34;
	v56 =	vadd.f32 v39, v37;
	v58 =	vadd.f32 v39, v38  }
0x1ed: {  	s4 =	sadd.s32 $0xB, s31;
	v24 =	vadd.s32 s1, v0;
	[tilespmem:v7+s24+$0x0] =	vst.idx.msk $0xffff, v46;
	v7 =	vadd.f32 v27, v30;
	v23 =	vadd.f32 v53, v39  }
0x1ee: {  	s6 =	sadd.s32 $0xD, s31;
	v34 =	vadd.s32 s4, v0;
	v62 =	vadd.f32 v47, v54;
	v63 =	vadd.f32 v55, v31  }
0x1ef: {  	s5 =	sadd.s32 $0xC, s31;
	v41 =	vadd.s32 s6, v0;
	[tilespmem:v22+s24+$0x0] =	vst.idx.msk $0xffff, v51;
	v57 =	vadd.f32 v44, v14;
	v8 =	vadd.f32 v56, v38  }
0x1f0: {  	[tilespmem:v18+s24+$0x0] =	vst.idx.msk $0xffff, v58;
	v59 =	vadd.f32 v44, v38;
	v18 =	vadd.s32 s5, v0;
	v44 =	vld.idx.msk [tilespmem:v45+s2+$0x0], $0xffff  }
0x1f1: {  	v35 =	vadd.f32 v52, v36;
	[tilespmem:v4+s24+$0x0] =	vst.idx.msk $0xffff, v7;
	v61 =	vld.idx.msk [tilespmem:v43+s2+$0x0], $0xffff;
	v60 =	vadd.f32 v50, v20  }
0x1f2: {  	v23 =	vadd.f32 v23, v38;
	v47 =	vadd.f32 v62, v63;
	[tilespmem:v16+s24+$0x0] =	vst.idx.msk $0xffff, v8;
	v8 =	vld.idx.msk [tilespmem:v24+s2+$0x0], $0xffff  }
0x1f3: {  	[tilespmem:v3+s24+$0x0] =	vst.idx.msk $0xffff, v40;
	v9 =	vadd.f32 v57, v38;
	v49 =	vld.idx.msk [tilespmem:v34+s2+$0x0], $0xffff;
	v48 =	vadd.f32 v60, v35  }
0x1f4: {  	v29 =	vadd.f32 v29, v28;
	v52 =	vld.idx.msk [tilespmem:v41+s2+$0x0], $0xffff;
	v4 =	vadd.f32 v54, v63;
	[tilespmem:v19+s24+$0x0] =	vst.idx.msk $0xffff, v59  }
0x1f5: {  	v42 =	vadd.f32 v31, v23;
	[tilespmem:v11+s24+$0x0] =	vst.idx.msk $0xffff, v9;
	v50 =	vld.idx.msk [tilespmem:v18+s2+$0x0], $0xffff;
	v11 =	vadd.f32 v48, v47  }
0x1f6: {  	[tilespmem:v12+s24+$0x0] =	vst.idx.msk $0xffff, v23;
	v51 =	vadd.f32 v63, v23;
	v4 =	vadd.f32 v4, v23  }
0x1f7: {  	[tilespmem:v15+s24+$0x0] =	vst.idx.msk $0xffff, v42;
	v8 =	vadd.f32 v8, v61;
	v7 =	vadd.f32 v11, v23  }
0x1f8: {  	v9 =	vadd.f32 v47, v36;
	[tilespmem:v10+s24+$0x0] =	vst.idx.msk $0xffff, v51;
	v56 =	vadd.f32 v49, v44  }
0x1f9: {  	[tilespmem:v25+s24+$0x0] =	vst.idx.msk $0xffff, v4;
	v55 =	vadd.f32 v44, v8;
	v3 =	vadd.f32 v61, v7  }
0x1fa: {  	[tilespmem:v43+s24+$0x0] =	vst.idx.msk $0xffff, v7;
	v57 =	vadd.f32 v8, v7;
	v58 =	vadd.f32 v52, v50  }
0x1fb: {  	v8 =	vadd.f32 v56, v8;
	[tilespmem:v24+s24+$0x0] =	vst.idx.msk $0xffff, v3;
	v3 =	vadd.f32 v55, v7  }
0x1fc: {  	v53 =	vadd.f32 v47, v23;
	v9 =	vadd.f32 v9, v23;
	[tilespmem:v45+s24+$0x0] =	vst.idx.msk $0xffff, v57  }
0x1fd: {  	v59 =	vadd.f32 v58, v8;
	[tilespmem:v34+s24+$0x0] =	vst.idx.msk $0xffff, v3;
	v3 =	vadd.f32 v8, v50  }
0x1fe: {  	s7 =	simm.s32 $0x3F0;
	v54 =	vadd.f32 v35, v47;
	[tilespmem:v17+s24+$0x0] =	vst.idx.msk $0xffff, v53;
	v4 =	vadd.f32 v8, v7  }
0x1ff: {  	v62 =	vmov s7;
	[tilespmem:v21+s24+$0x0] =	vst.idx.msk $0xffff, v9;
	v61 =	vadd.f32 v59, v28;
	v3 =	vadd.f32 v3, v7  }
0x200: {  	vm2 =	vlt.u32 v62, v1;
	[tilespmem:v18+s24+$0x0] =	vst.idx.msk $0xffff, v4;
	v4 =	vadd.f32 v59, v7  }
0x201: {  	v63 =	vadd.s32 s7, v0;
	v60 =	vadd.f32 v54, v20;
	v13 =	vadd.f32 v61, v7;
	[tilespmem:v41+s24+$0x0] =	vst.idx.msk $0xffff, v3  }
0x202: {  	v3 =	vadd.f32 v29, v58;
	[tilespmem:v6+s24+$0x0] =	vst.idx.msk $0xffff, v4;
	v4 =	vadd.f32 v54, v23  }
0x203: {  	s31 =	simm.s32 $0x3F1;
	[tilespmem:v5+s24+$0x0] =	vst.idx.msk $0xffff, v13;
	v5 =	vadd.f32 v60, v23  }
0x204: {  	v3 =	vadd.f32 v3, v8;
	[tilespmem:v26+s24+$0x0] =	vst.idx.msk $0xffff, v4;
	v4 =	vmov s31  }
0x205: {  	[tilespmem:v32+s24+$0x0] =	vst.idx.msk $0xffff, v5;
	vm1 =	vlt.u32 v4, v1  }
0x206: {  	v6 =	vadd.s32 s31, v0;
	v3 =	vadd.f32 v3, v7;
	v4 =	vld.idx.msk [tilespmem:v63+s2+$0x0], vm2;
	_ =	sdelay $0x1  }
0x207: {  	s0 =	simm.s32 $0x3F2;
	vm0 =	vmmov vm2;
	[tilespmem:v63+s24+$0x0] =	vst.idx.msk vm2, v3;
	vm2 =	vmmov vm1;
	v5 =	vmov v6  }
.LBB2_24:
0x208: {  	p0 =	sne.s32 s0, $0x400  }
.Ltmp11:
0x209: {  	v7 =	vmov s0;
	s1 =	smov.u32 s0;
	s0 =	sadd.s32 $0x1, s0;
	(pc) =	sbr.rel @p0 .LBB2_24-.Ltmp11, $3  }
0x20a: {  	v8 =	vnsel vm0, $0x0, v4;
	v4 =	vld.idx.msk [tilespmem:v6+s2+$0x0], vm1;
	vm0 =	vmmov vm1;
	vm1 =	vlt.u32 v7, v1  }
0x20b: {  	v6 =	vadd.s32 s1, v0;
	v3 =	vadd.f32 v8, v3;
	_ =	sdelay $0x1  }
0x20c: {  	[tilespmem:v5+s24+$0x0] =	vst.idx.msk vm2, v3;
	v5 =	vmov v6;
	vm2 =	vmmov vm1  }
0x20d: {  	_ =	sdelay $0x1  }
0x20e: {  	v4 =	vnsel vm0, $0x0, v4  }
0x20f: {  	v3 =	vadd.f32 v4, v3;
	_ =	sdelay $0x1  }
0x210: {  	s0 =	simm.s32 $0x0;
	s7 =	simm.s32 $0xC;
	[tilespmem:v5+s24+$0x0] =	vst.idx.msk vm2, v3  }
0x211: {  	v3 =	vor.u32 s0, v0;
	[hbm4b:s9+s20] =	stream.strided.scatter [tilespmem:s24], [sflag:$0x3], $0x4000, s21, s20, $0x38;
	[tilespmem:$0x10000] =	vst v63  }
0x212: {  	s1 =	simm.s32 $0x8;
	v4 =	vadd.s32 s7, v0;
	_ =	swait.ge [sflag:s25], $0x4000  }
0x213: {  	s31 =	simm.s32 $0x4;
	v5 =	vadd.s32 s1, v0;
	[sflag:s25] =	ssyncset.done $0x0  }
0x214: {  	s4 =	simm.s32 $0x7;
	v6 =	vadd.s32 s31, v0;
	s1 =	simm.s32 $0xF;
	[sflag:s25] =	ssyncadd.s32 $0xFFFFC000  }
0x215: {  	v7 =	vadd.s32 s1, v0;
	[tilespmem:s0], [sflag:$0x1] =	stream.strided.gather [hbm4b:s10+s20], $0x4000, s21, s20, $0x38;
	[tilespmem:$0x10000] =	vst v63  }
0x216: {  	s5 =	simm.s32 $0x3;
	v9 =	vadd.s32 s4, v0;
	v8 =	vld.idx.msk [tilespmem:v3+s23+$0x0], $0xffff  }
0x217: {  	s3 =	simm.s32 $0xB;
	v10 =	vadd.s32 s5, v0;
	v4 =	vld.idx.msk [tilespmem:v4+s23+$0x0], $0xffff  }
0x218: {  	s6 =	simm.s32 $0x1;
	v3 =	vadd.s32 s3, v0;
	v16 =	vld.idx.msk [tilespmem:v5+s23+$0x0], $0xffff  }
0x219: {  	v11 =	vadd.s32 s6, v0;
	s7 =	simm.s32 $0x2;
	v6 =	vld.idx.msk [tilespmem:v6+s23+$0x0], $0xffff  }
0x21a: {  	s31 =	simm.s32 $0x5;
	v12 =	vadd.s32 s7, v0;
	v5 =	vld.idx.msk [tilespmem:v7+s23+$0x0], $0xffff  }
0x21b: {  	s4 =	simm.s32 $0xA;
	v7 =	vadd.s32 s31, v0;
	v15 =	vld.idx.msk [tilespmem:v9+s23+$0x0], $0xffff  }
0x21c: {  	v13 =	vadd.s32 s4, v0;
	s1 =	simm.s32 $0x6;
	v9 =	vld.idx.msk [tilespmem:v10+s23+$0x0], $0xffff  }
0x21d: {  	s3 =	simm.s32 $0x9;
	v20 =	vld.idx.msk [tilespmem:v3+s23+$0x0], $0xffff;
	v3 =	vadd.s32 s1, v0  }
0x21e: {  	s5 =	simm.s32 $0xD;
	v11 =	vld.idx.msk [tilespmem:v11+s23+$0x0], $0xffff;
	v10 =	vadd.s32 s3, v0  }
0x21f: {  	s6 =	simm.s32 $0xE;
	v14 =	vld.idx.msk [tilespmem:v12+s23+$0x0], $0xffff;
	v12 =	vadd.s32 s5, v0  }
0x220: {  	s0 =	simm.s32 $0x10;
	v17 =	vld.idx.msk [tilespmem:v7+s23+$0x0], $0xffff;
	v7 =	vadd.s32 s6, v0  }
0x221: {  	s7 =	simm.s32 $0x1C;
	v18 =	vor.u32 s0, v0;
	v24 =	vld.idx.msk [tilespmem:v13+s23+$0x0], $0xffff  }
0x222: {  	v21 =	vadd.s32 s7, v0;
	s3 =	simm.s32 $0x18;
	v19 =	vld.idx.msk [tilespmem:v3+s23+$0x0], $0xffff  }
0x223: {  	s31 =	simm.s32 $0x14;
	v23 =	vadd.s32 s3, v0;
	v22 =	vld.idx.msk [tilespmem:v10+s23+$0x0], $0xffff;
	v3 =	vimm.f32 $0.0e+00  }
0x224: {  	s4 =	simm.s32 $0x1F;
	v25 =	vadd.s32 s31, v0;
	v10 =	vld.idx.msk [tilespmem:v12+s23+$0x0], $0xffff;
	v8 =	vadd.f32 v8, v3;
	v26 =	vadd.f32 v11, v3  }
0x225: {  	s5 =	simm.s32 $0x1B;
	v12 =	vadd.s32 s4, v0;
	v27 =	vadd.f32 v14, v3;
	v28 =	vadd.f32 v9, v3;
	v11 =	vld.idx.msk [tilespmem:v7+s23+$0x0], $0xffff  }
0x226: {  	v13 =	vadd.s32 s5, v0;
	s6 =	simm.s32 $0x17;
	v7 =	vld.idx.msk [tilespmem:v18+s23+$0x0], $0xffff;
	v8 =	vadd.f32 v6, v8;
	v18 =	vadd.f32 v17, v26  }
0x227: {  	s7 =	simm.s32 $0x13;
	v14 =	vadd.s32 s6, v0;
	v9 =	vld.idx.msk [tilespmem:v21+s23+$0x0], $0xffff;
	v21 =	vadd.f32 v15, v28;
	v19 =	vadd.f32 v19, v27  }
0x228: {  	s31 =	simm.s32 $0x11;
	v15 =	vadd.s32 s7, v0;
	v6 =	vld.idx.msk [tilespmem:v23+s23+$0x0], $0xffff;
	v17 =	vadd.f32 v16, v8;
	v18 =	vadd.f32 v22, v18  }
0x229: {  	s3 =	simm.s32 $0x12;
	s1 =	simm.s32 $0x20;
	v16 =	vadd.s32 s31, v0;
	v8 =	vld.idx.msk [tilespmem:v25+s23+$0x0], $0xffff;
	v20 =	vadd.f32 v20, v21;
	v19 =	vadd.f32 v24, v19  }
.LBB2_26:
0x22a: {  	p0 =	slt.u32 s1, $0x3E0;
	v21 =	vadd.s32 s3, v0;
	s3 =	sadd.s32 $0x5, s0;
	v12 =	vld.idx.msk [tilespmem:v12+s23+$0x0], $0xffff;
	v17 =	vadd.f32 v4, v17;
	v10 =	vadd.f32 v10, v18  }
0x22b: {  	v18 =	vadd.s32 s3, v0;
	s3 =	sadd.s32 $0x6, s0;
	v22 =	vld.idx.msk [tilespmem:v13+s23+$0x0], $0xffff;
	v11 =	vadd.f32 v11, v19;
	v13 =	vadd.f32 v5, v20  }
0x22c: {  	v19 =	vadd.s32 s3, v0;
	v20 =	vld.idx.msk [tilespmem:v14+s23+$0x0], $0xffff;
	s3 =	sadd.s32 $0x9, s0  }
0x22d: {  	v4 =	vmov v9;
	v14 =	vld.idx.msk [tilespmem:v15+s23+$0x0], $0xffff;
	v15 =	vadd.s32 s3, v0;
	s3 =	sadd.s32 $0xA, s0  }
0x22e: {  	v9 =	vld.idx.msk [tilespmem:v16+s23+$0x0], $0xffff;
	v16 =	vadd.s32 s3, v0;
	s3 =	sadd.s32 $0xD, s0  }
0x22f: {  	v21 =	vld.idx.msk [tilespmem:v21+s23+$0x0], $0xffff;
	v23 =	vadd.s32 s3, v0;
	s3 =	sadd.s32 $0xE, s0;
	s0 =	smov.u32 s1  }
0x230: {  	v5 =	vmov v12;
	v18 =	vld.idx.msk [tilespmem:v18+s23+$0x0], $0xffff;
	v24 =	vadd.s32 s3, v0  }
0x231: {  	v25 =	vor.u32 s1, v0;
	s3 =	sadd.s32 $0xC, s1;
	v19 =	vld.idx.msk [tilespmem:v19+s23+$0x0], $0xffff  }
0x232: {  	s4 =	sadd.s32 $0x8, s1;
	v26 =	vadd.s32 s3, v0;
	v27 =	vld.idx.msk [tilespmem:v15+s23+$0x0], $0xffff  }
0x233: {  	v28 =	vadd.s32 s4, v0;
	s3 =	sadd.s32 $0x4, s1;
	v29 =	vld.idx.msk [tilespmem:v16+s23+$0x0], $0xffff  }
0x234: {  	v30 =	vadd.s32 s3, v0;
	s3 =	sadd.s32 $0xF, s1;
	v15 =	vadd.f32 v7, v17;
	v9 =	vadd.f32 v9, v10;
	v10 =	vld.idx.msk [tilespmem:v23+s23+$0x0], $0xffff  }
.Ltmp12:
0x235: {  	s4 =	sadd.s32 $0xB, s1;
	v17 =	vadd.f32 v14, v13;
	v12 =	vadd.s32 s3, v0;
	v16 =	vadd.f32 v21, v11;
	v11 =	vld.idx.msk [tilespmem:v24+s23+$0x0], $0xffff;
	(pc) =	sbr.rel @p0 .LBB2_26-.Ltmp12, $4  }
0x236: {  	v13 =	vadd.s32 s4, v0;
	s3 =	sadd.s32 $0x7, s1;
	v8 =	vadd.f32 v8, v15;
	v18 =	vadd.f32 v18, v9;
	v7 =	vld.idx.msk [tilespmem:v25+s23+$0x0], $0xffff  }
0x237: {  	s4 =	sadd.s32 $0x3, s1;
	v14 =	vadd.s32 s3, v0;
	v20 =	vadd.f32 v20, v17;
	v19 =	vadd.f32 v19, v16;
	v9 =	vld.idx.msk [tilespmem:v26+s23+$0x0], $0xffff  }
0x238: {  	s3 =	sadd.s32 $0x1, s1;
	v15 =	vadd.s32 s4, v0;
	v17 =	vadd.f32 v6, v8;
	v18 =	vadd.f32 v27, v18;
	v6 =	vld.idx.msk [tilespmem:v28+s23+$0x0], $0xffff  }
0x239: {  	s1 =	sadd.s32 $0x10, s1;
	v16 =	vadd.s32 s3, v0;
	s3 =	sadd.s32 $0x2, s0;
	v20 =	vadd.f32 v22, v20;
	v19 =	vadd.f32 v29, v19;
	v8 =	vld.idx.msk [tilespmem:v30+s23+$0x0], $0xffff  }
0x23a: {  	_ =	sdelay $0x3  }
0x23b: {  	v21 =	vadd.s32 s3, v0;
	s1 =	sadd.s32 $0x5, s0;
	v12 =	vld.idx.msk [tilespmem:v12+s23+$0x0], $0xffff  }
0x23c: {  	s31 =	sadd.s32 $0x6, s0;
	v13 =	vld.idx.msk [tilespmem:v13+s23+$0x0], $0xffff;
	v22 =	vadd.s32 s1, v0  }
0x23d: {  	v14 =	vld.idx.msk [tilespmem:v14+s23+$0x0], $0xffff;
	s3 =	sadd.s32 $0x9, s0;
	v23 =	vadd.s32 s31, v0  }
0x23e: {  	v15 =	vld.idx.msk [tilespmem:v15+s23+$0x0], $0xffff;
	s4 =	sadd.s32 $0xA, s0;
	v24 =	vadd.s32 s3, v0  }
0x23f: {  	v16 =	vld.idx.msk [tilespmem:v16+s23+$0x0], $0xffff;
	s5 =	sadd.s32 $0xD, s0;
	v25 =	vadd.s32 s4, v0  }
0x240: {  	s6 =	sadd.s32 $0xE, s0;
	v26 =	vadd.s32 s5, v0;
	v21 =	vld.idx.msk [tilespmem:v21+s23+$0x0], $0xffff  }
0x241: {  	v27 =	vadd.s32 s6, v0;
	v22 =	vld.idx.msk [tilespmem:v22+s23+$0x0], $0xffff  }
0x242: {  	v4 =	vadd.f32 v4, v17;
	v10 =	vadd.f32 v10, v18;
	v59 =	vld.idx.msk [tilespmem:v23+s23+$0x0], $0xffff  }
0x243: {  	v11 =	vadd.f32 v11, v19;
	v5 =	vadd.f32 v5, v20;
	v60 =	vld.idx.msk [tilespmem:v24+s23+$0x0], $0xffff  }
0x244: {  	v4 =	vadd.f32 v7, v4;
	v7 =	vadd.f32 v16, v10;
	v61 =	vld.idx.msk [tilespmem:v25+s23+$0x0], $0xffff  }
0x245: {  	s7 =	simm.s32 $0x3F0;
	v5 =	vadd.f32 v15, v5;
	v10 =	vld.idx.msk [tilespmem:v26+s23+$0x0], $0xffff;
	v11 =	vadd.f32 v21, v11  }
0x246: {  	v62 =	vmov s7;
	v4 =	vadd.f32 v8, v4;
	v63 =	vld.idx.msk [tilespmem:v27+s23+$0x0], $0xffff;
	v7 =	vadd.f32 v22, v7  }
0x247: {  	vm1 =	vlt.u32 v62, v1;
	v5 =	vadd.f32 v14, v5;
	v8 =	vadd.f32 v59, v11  }
0x248: {  	v4 =	vadd.f32 v6, v4;
	v11 =	vadd.s32 s7, v0;
	v6 =	vadd.f32 v60, v7  }
0x249: {  	v7 =	vadd.f32 v61, v8;
	v8 =	vadd.f32 v13, v5  }
0x24a: {  	s31 =	simm.s32 $0x3F1;
	v5 =	vadd.f32 v10, v6  }
0x24b: {  	v6 =	vadd.f32 v63, v7;
	v7 =	vadd.f32 v12, v8;
	v8 =	vmov s31  }
0x24c: {  	vm0 =	vlt.u32 v8, v1  }
0x24d: {  	s0 =	simm.s32 $0x3F2;
	v4 =	vadd.f32 v9, v4;
	v9 =	vadd.s32 s31, v0;
	v8 =	vld.idx.msk [tilespmem:v11+s23+$0x0], vm1;
	vm1 =	vmmov vm1  }
.LBB2_28:
0x24e: {  	p0 =	sne.s32 s0, $0x400  }
.Ltmp13:
0x24f: {  	_ = 	snop;
	(pc) =	sbr.rel @p0 .LBB2_28-.Ltmp13, $4  }
0x250: {  	_ = 	snop  }
0x251: {  	v10 =	vmov s0;
	s1 =	smov.u32 s0;
	s0 =	sadd.s32 $0x1, s0  }
0x252: {  	v11 =	vnsel vm1, $0x0, v8;
	v8 =	vld.idx.msk [tilespmem:v9+s23+$0x0], vm0;
	vm1 =	vmmov vm0;
	vm0 =	vlt.u32 v10, v1  }
0x253: {  	v9 =	vadd.s32 s1, v0;
	v3 =	vadd.f32 v11, v3  }
0x254: {  	_ =	sdelay $0x4  }
0x255: {  	v9 =	vld.idx.msk [tilespmem:v9+s23+$0x0], vm0;
	_ =	sdelay $0x2  }
0x256: {  	v4 =	vadd.f32 v5, v4;
	v8 =	vnsel vm1, $0x0, v8  }
0x257: {  	vm15 =	vmmov vm0;
	v5 =	vadd.f32 v7, v6;
	v3 =	vadd.f32 v8, v3  }
0x258: {  	(v2sf) =	vpush v2, $0xF;
	v6 =	vnsel vm15, $0x0, v9  }
0x259: {  	v2 =	vadd.f32 v6, v3;
	v3 =	vadd.f32 v5, v4;
	_ =	sdelay $0x1  }
0x25a: {  	v4 =	vadd.f32 v2, v3;
	_ =	sdelay $0x1  }
0x25b: {  	(xrf2) =	vadd.scan.msk.f32 $0xffff, v4;
	_ =	sdelay $0x7  }
0x25c: {  	s0 =	simm.s32 $0x0  }
0x25d: {  	s6 =	simm.s32 $0xF;
	v9 =	vor.u32 s0, v0  }
0x25e: {  	s3 =	simm.s32 $0x4;
	v10 =	vadd.s32 s6, v0;
	s1 =	spop (v2sf);
	v5, _, _ =	vpop (xrf2)  }
0x25f: {  	s7 =	simm.s32 $0x3;
	v7 =	vadd.s32 s3, v0;
	_ =	swait.ge [sflag:s29], $0x4000  }
0x260: {  	s3 =	simm.s32 $0x7;
	v8 =	vadd.s32 s7, v0;
	[sflag:s29] =	ssyncset.done $0x0  }
0x261: {  	s4 =	simm.s32 $0x6;
	v2 =	vadd.s32 s3, v0;
	[sflag:s29] =	ssyncadd.s32 $0xFFFFC000  }
0x262: {  	s5 =	simm.s32 $0x2;
	v3 =	vadd.s32 s4, v0;
	v11 =	vld.idx.msk [tilespmem:v9+s23+$0x0], $0xffff  }
0x263: {  	s6 =	simm.s32 $0x1;
	v24 =	vadd.s32 s5, v0;
	v14 =	vld.idx.msk [tilespmem:v10+s23+$0x0], $0xffff  }
0x264: {  	v25 =	vadd.s32 s6, v0;
	s7 =	simm.s32 $0x5;
	v27 =	vld.idx.msk [tilespmem:v7+s23+$0x0], $0xffff  }
0x265: {  	v6 =	vadd.s32 s7, v0;
	s4 =	simm.s32 $0xE;
	v15 =	vld.idx.msk [tilespmem:v8+s23+$0x0], $0xffff  }
0x266: {  	v18 =	vadd.s32 s4, v0;
	v16 =	vld.idx.msk [tilespmem:v2+s23+$0x0], $0xffff  }
0x267: {  	s5 =	simm.s32 $0x8;
	v29 =	vld.idx.msk [tilespmem:v3+s23+$0x0], $0xffff  }
0x268: {  	s6 =	simm.s32 $0x9;
	v22 =	vadd.s32 s5, v0;
	v26 =	vld.idx.msk [tilespmem:v24+s23+$0x0], $0xffff  }
0x269: {  	v23 =	vadd.s32 s6, v0;
	v17 =	vld.idx.msk [tilespmem:v25+s23+$0x0], $0xffff  }
0x26a: {  	s4 =	simm.s32 $0xA;
	v20 =	vld.idx.msk [tilespmem:v6+s23+$0x0], $0xffff  }
0x26b: {  	s5 =	simm.s32 $0xB;
	v19 =	vadd.s32 s4, v0;
	s7 =	sadd.f32 $0.0e+00, s1;
	v4 =	vsub.f32 v5, v4;
	v13 =	vld.idx.msk [tilespmem:v18+s23+$0x0], $0xffff  }
0x26c: {  	v21 =	vadd.s32 s5, v0  }
0x26d: {  	s6 =	simm.s32 $0xC;
	v12 =	vadd.f32 s7, v4;
	v34 =	vld.idx.msk [tilespmem:v22+s23+$0x0], $0xffff;
	v4 =	vadd.f32 v16, v29  }
0x26e: {  	s7 =	simm.s32 $0xD;
	v35 =	vld.idx.msk [tilespmem:v23+s23+$0x0], $0xffff;
	v5 =	vadd.f32 v15, v26;
	v28 =	vadd.f32 v17, v11;
	v17 =	vadd.s32 s6, v0  }
0x26f: {  	s31 =	simm.s32 $0x10;
	s5 =	simm.s32 $0x14;
	v30 =	vadd.f32 v11, v12;
	v31 =	vadd.f32 v20, v27;
	v15 =	vadd.s32 s7, v0  }
0x270: {  	s3 =	simm.s32 $0x1F;
	s4 =	simm.s32 $0x15;
	v38 =	vld.idx.msk [tilespmem:v19+s23+$0x0], $0xffff;
	v11 =	vor.u32 s31, v0;
	v32 =	vadd.f32 v14, v13;
	v16 =	vadd.s32 s5, v0  }
0x271: {  	s1 =	simm.s32 $0x1E;
	v40 =	vld.idx.msk [tilespmem:v21+s23+$0x0], $0xffff;
	v20 =	vadd.s32 s4, v0;
	v39 =	vadd.f32 v4, v31;
	v4 =	vadd.s32 s3, v0  }
0x272: {  	[tilespmem:v9+s26+$0x0] =	vst.idx.msk $0xffff, v12;
	s6 =	simm.s32 $0x11;
	s7 =	simm.s32 $0x12;
	v37 =	vadd.f32 v5, v28;
	v5 =	vadd.s32 s1, v0;
	v41 =	vadd.f32 v28, v12  }
0x273: {  	v42 =	vadd.f32 v35, v34;
	v14 =	vadd.s32 s6, v0;
	v9 =	vadd.s32 s7, v0;
	[tilespmem:v25+s26+$0x0] =	vst.idx.msk $0xffff, v30;
	v36 =	vld.idx.msk [tilespmem:v17+s23+$0x0], $0xffff  }
0x274: {  	s5 =	simm.s32 $0x13;
	v33 =	vadd.f32 v37, v12;
	[tilespmem:v24+s26+$0x0] =	vst.idx.msk $0xffff, v41;
	v39 =	vadd.f32 v39, v37;
	v43 =	vld.idx.msk [tilespmem:v15+s23+$0x0], $0xffff  }
0x275: {  	s6 =	simm.s32 $0x16;
	v41 =	vadd.f32 v26, v28;
	v24 =	vadd.s32 s5, v0;
	v26 =	vadd.f32 v31, v37;
	v30 =	vld.idx.msk [tilespmem:v11+s23+$0x0], $0xffff  }
0x276: {  	s7 =	simm.s32 $0x17;
	v25 =	vadd.s32 s6, v0;
	v45 =	vadd.f32 v37, v27;
	v37 =	vadd.f32 v39, v12;
	v28 =	vld.idx.msk [tilespmem:v4+s23+$0x0], $0xffff  }
0x277: {  	s0 =	simm.s32 $0x20;
	v44 =	vadd.f32 v38, v42;
	v31 =	vadd.s32 s7, v0;
	v39 =	vadd.f32 v26, v29;
	v29 =	vmovc v12;
	v27 =	vld.idx.msk [tilespmem:v5+s23+$0x0], $0xffff  }
.LBB2_30:
0x278: {  	v46 =	vor.u32 s0, v0;
	v45 =	vadd.f32 v45, v12;
	v34 =	vadd.f32 v34, v37;
	v47 =	vmovc v6  }
0x279: {  	p0 =	slt.u32 s0, $0x3E0;
	v35 =	vld.idx.msk [tilespmem:v16+s23+$0x0], $0xffff;
	v6 =	vmovc v20;
	v48 =	vmovc v3;
	v3 =	vmov v25;
	v49 =	vmov v2;
	v2 =	vmov v31;
	s1 =	smov.u32 s0;
	s0 =	sadd.s32 $0x10, s0  }
0x27a: {  	v38 =	vadd.f32 v40, v38;
	v50 =	vld.idx.msk [tilespmem:v24+s23+$0x0], $0xffff;
	[tilespmem:v22+s26+$0x0] =	vst.idx.msk $0xffff, v37;
	v22 =	vadd.f32 v42, v37  }
0x27b: {  	v40 =	vadd.f32 v43, v36;
	v31 =	vld.idx.msk [tilespmem:v31+s23+$0x0], $0xffff;
	[tilespmem:v23+s26+$0x0] =	vst.idx.msk $0xffff, v34;
	v23 =	vadd.f32 v44, v37  }
0x27c: {  	s3 =	sadd.s32 $0xB, s31;
	v34 =	vadd.f32 v41, v12;
	v38 =	vadd.f32 v38, v42;
	v20 =	vld.idx.msk [tilespmem:v20+s23+$0x0], $0xffff;
	[tilespmem:v19+s26+$0x0] =	vst.idx.msk $0xffff, v22  }
0x27d: {  	s4 =	sadd.s32 $0x8, s31;
	s5 =	sadd.s32 $0x9, s31;
	s6 =	sadd.s32 $0xA, s31;
	v39 =	vadd.f32 v39, v12;
	v12 =	vadd.f32 v32, v40;
	v44 =	vld.idx.msk [tilespmem:v25+s23+$0x0], $0xffff  }
0x27e: {  	v22 =	vadd.s32 s4, v0;
	v19 =	vadd.s32 s6, v0;
	v25 =	vadd.f32 v40, v38;
	v41 =	vld.idx.msk [tilespmem:v9+s23+$0x0], $0xffff;
	[tilespmem:v21+s26+$0x0] =	vst.idx.msk $0xffff, v23  }
0x27f: {  	v23 =	vadd.s32 s5, v0;
	v21 =	vadd.f32 v38, v36;
	v12 =	vadd.f32 v12, v38;
	v32 =	vld.idx.msk [tilespmem:v14+s23+$0x0], $0xffff  }
0x280: {  	v36 =	vadd.f32 v25, v13;
	[tilespmem:v8+s26+$0x0] =	vst.idx.msk $0xffff, v34;
	v34 =	vadd.f32 v38, v37;
	v8 =	vmov v24  }
0x281: {  	v24 =	vadd.f32 v21, v37;
	v12 =	vadd.f32 v12, v37;
	[tilespmem:v7+s26+$0x0] =	vst.idx.msk $0xffff, v33;
	v7 =	vmov v16  }
0x282: {  	v13 =	vmov v27;
	v16 =	vadd.f32 v25, v37;
	v25 =	vadd.f32 v36, v37;
	[tilespmem:v17+s26+$0x0] =	vst.idx.msk $0xffff, v34  }
0x283: {  	v21 =	vadd.s32 s3, v0;
	v27 =	vadd.f32 v31, v44;
	v34 =	vld.idx.msk [tilespmem:v22+s23+$0x0], $0xffff;
	[tilespmem:v15+s26+$0x0] =	vst.idx.msk $0xffff, v24  }
0x284: {  	s4 =	sadd.s32 $0xD, s31;
	s3 =	sadd.s32 $0xC, s31;
	s31 =	smov.u32 s1;
	v31 =	vadd.f32 v30, v12;
	v24 =	vadd.f32 v50, v41;
	v37 =	vld.idx.msk [tilespmem:v23+s23+$0x0], $0xffff;
	[tilespmem:v18+s26+$0x0] =	vst.idx.msk $0xffff, v16  }
0x285: {  	v42 =	vadd.f32 v20, v35;
	v17 =	vadd.s32 s3, v0;
	v18 =	vadd.f32 v32, v30;
	[tilespmem:v10+s26+$0x0] =	vst.idx.msk $0xffff, v25  }
0x286: {  	v15 =	vadd.s32 s4, v0;
	v32 =	vadd.f32 v28, v13;
	v10 =	vadd.f32 v26, v29;
	[tilespmem:v47+s26+$0x0] =	vst.idx.msk $0xffff, v45  }
0x287: {  	s1 =	sadd.s32 $0xE, s31;
	s3 =	sadd.s32 $0xF, s31;
	v45 =	vadd.f32 v24, v18;
	v24 =	vadd.f32 v27, v42;
	[tilespmem:v11+s26+$0x0] =	vst.idx.msk $0xffff, v12;
	v38 =	vld.idx.msk [tilespmem:v19+s23+$0x0], $0xffff  }
0x288: {  	s5 =	sadd.s32 $0x5, s31;
	s6 =	sadd.s32 $0x6, s31;
	s4 =	sadd.s32 $0x4, s31;
	v27 =	vadd.s32 s1, v0;
	v47 =	vadd.s32 s3, v0;
	v25 =	vadd.f32 v18, v12;
	[tilespmem:v14+s26+$0x0] =	vst.idx.msk $0xffff, v31;
	v40 =	vld.idx.msk [tilespmem:v21+s23+$0x0], $0xffff  }
0x289: {  	s7 =	sadd.s32 $0x3, s31;
	v20 =	vadd.s32 s5, v0;
	v16 =	vadd.s32 s4, v0;
	s1 =	sadd.s32 $0x1, s31;
	s3 =	sadd.s32 $0x2, s31;
	v11 =	vmovc v46;
	v33 =	vadd.f32 v45, v12;
	[tilespmem:v48+s26+$0x0] =	vst.idx.msk $0xffff, v10  }
.Ltmp14:
0x28a: {  	v14 =	vadd.s32 s1, v0;
	v10 =	vadd.f32 v24, v45;
	[tilespmem:v9+s26+$0x0] =	vst.idx.msk $0xffff, v25;
	v9 =	vadd.s32 s3, v0;
	v36 =	vld.idx.msk [tilespmem:v17+s23+$0x0], $0xffff;
	(pc) =	sbr.rel @p0 .LBB2_30-.Ltmp14, $4  }
0x28b: {  	v41 =	vadd.f32 v41, v18;
	s1 =	sadd.s32 $0x7, s31;
	v24 =	vadd.s32 s7, v0;
	v25 =	vadd.s32 s6, v0;
	v43 =	vld.idx.msk [tilespmem:v15+s23+$0x0], $0xffff;
	[tilespmem:v49+s26+$0x0] =	vst.idx.msk $0xffff, v39  }
0x28c: {  	v29 =	vmovc v12;
	v26 =	vadd.f32 v42, v45;
	v31 =	vadd.s32 s1, v0;
	v42 =	vadd.f32 v37, v34;
	v30 =	vld.idx.msk [tilespmem:v46+s23+$0x0], $0xffff  }
0x28d: {  	v18 =	vmovc v5;
	v5 =	vmov v27;
	v45 =	vadd.f32 v45, v35;
	v37 =	vadd.f32 v10, v12;
	v28 =	vld.idx.msk [tilespmem:v47+s23+$0x0], $0xffff  }
0x28e: {  	v39 =	vadd.f32 v26, v44;
	v44 =	vadd.f32 v38, v42;
	v10 =	vmovc v4;
	v4 =	vmov v47;
	v27 =	vld.idx.msk [tilespmem:v27+s23+$0x0], $0xffff  }
0x28f: {  	_ =	sdelay $0x3  }
0x290: {  	v35 =	vld.idx.msk [tilespmem:v16+s23+$0x0], $0xffff  }
0x291: {  	v46 =	vld.idx.msk [tilespmem:v24+s23+$0x0], $0xffff  }
0x292: {  	v45 =	vadd.f32 v45, v12;
	v50 =	vld.idx.msk [tilespmem:v31+s23+$0x0], $0xffff  }
0x293: {  	v34 =	vadd.f32 v34, v37;
	v38 =	vadd.f32 v40, v38;
	v52 =	vld.idx.msk [tilespmem:v20+s23+$0x0], $0xffff  }
0x294: {  	[tilespmem:v22+s26+$0x0] =	vst.idx.msk $0xffff, v37;
	v49 =	vadd.f32 v42, v37;
	v41 =	vadd.f32 v41, v12;
	v54 =	vld.idx.msk [tilespmem:v9+s23+$0x0], $0xffff  }
0x295: {  	s3 =	sadd.s32 $0xA, s31;
	v55 =	vld.idx.msk [tilespmem:v14+s23+$0x0], $0xffff;
	v43 =	vadd.f32 v43, v36;
	[tilespmem:v23+s26+$0x0] =	vst.idx.msk $0xffff, v34;
	v38 =	vadd.f32 v38, v42  }
0x296: {  	s0 =	sadd.s32 $0x8, s31;
	v51 =	vadd.f32 v44, v37;
	v44 =	vadd.s32 s3, v0;
	[tilespmem:v8+s26+$0x0] =	vst.idx.msk $0xffff, v41;
	v41 =	vadd.f32 v39, v12  }
0x297: {  	v42 =	vadd.s32 s0, v0;
	[tilespmem:v19+s26+$0x0] =	vst.idx.msk $0xffff, v49;
	v53 =	vadd.f32 v32, v43;
	v43 =	vadd.f32 v43, v38  }
0x298: {  	s1 =	sadd.s32 $0x9, s31;
	v19 =	vld.idx.msk [tilespmem:v25+s23+$0x0], $0xffff;
	[tilespmem:v7+s26+$0x0] =	vst.idx.msk $0xffff, v33;
	v56 =	vadd.f32 v38, v36;
	v58 =	vadd.f32 v38, v37  }
0x299: {  	s4 =	sadd.s32 $0xB, s31;
	v23 =	vadd.s32 s1, v0;
	[tilespmem:v6+s26+$0x0] =	vst.idx.msk $0xffff, v45;
	v6 =	vadd.f32 v26, v29;
	v22 =	vadd.f32 v53, v38  }
0x29a: {  	s6 =	sadd.s32 $0xD, s31;
	v33 =	vadd.s32 s4, v0;
	v62 =	vadd.f32 v46, v54;
	v63 =	vadd.f32 v55, v30  }
0x29b: {  	s5 =	sadd.s32 $0xC, s31;
	v40 =	vadd.s32 s6, v0;
	[tilespmem:v21+s26+$0x0] =	vst.idx.msk $0xffff, v51;
	v34 =	vadd.f32 v52, v35;
	v57 =	vadd.f32 v43, v13  }
0x29c: {  	v7 =	vadd.f32 v56, v37;
	[tilespmem:v17+s26+$0x0] =	vst.idx.msk $0xffff, v58;
	v17 =	vadd.s32 s5, v0;
	v46 =	vld.idx.msk [tilespmem:v44+s23+$0x0], $0xffff  }
0x29d: {  	v59 =	vadd.f32 v43, v37;
	[tilespmem:v3+s26+$0x0] =	vst.idx.msk $0xffff, v6;
	v61 =	vld.idx.msk [tilespmem:v42+s23+$0x0], $0xffff;
	v60 =	vadd.f32 v50, v19  }
0x29e: {  	v22 =	vadd.f32 v22, v37;
	v47 =	vadd.f32 v62, v63;
	[tilespmem:v15+s26+$0x0] =	vst.idx.msk $0xffff, v7;
	v7 =	vld.idx.msk [tilespmem:v23+s23+$0x0], $0xffff  }
0x29f: {  	[tilespmem:v2+s26+$0x0] =	vst.idx.msk $0xffff, v41;
	v8 =	vadd.f32 v57, v37;
	v49 =	vld.idx.msk [tilespmem:v33+s23+$0x0], $0xffff;
	v48 =	vadd.f32 v60, v34  }
0x2a0: {  	v28 =	vadd.f32 v28, v27;
	v52 =	vld.idx.msk [tilespmem:v40+s23+$0x0], $0xffff;
	v3 =	vadd.f32 v54, v63;
	[tilespmem:v18+s26+$0x0] =	vst.idx.msk $0xffff, v59  }
0x2a1: {  	v43 =	vadd.f32 v30, v22;
	[tilespmem:v10+s26+$0x0] =	vst.idx.msk $0xffff, v8;
	v50 =	vld.idx.msk [tilespmem:v17+s23+$0x0], $0xffff;
	v10 =	vadd.f32 v48, v47  }
0x2a2: {  	[tilespmem:v11+s26+$0x0] =	vst.idx.msk $0xffff, v22;
	v51 =	vadd.f32 v63, v22;
	v3 =	vadd.f32 v3, v22  }
0x2a3: {  	[tilespmem:v14+s26+$0x0] =	vst.idx.msk $0xffff, v43;
	v7 =	vadd.f32 v7, v61;
	v6 =	vadd.f32 v10, v22  }
0x2a4: {  	v8 =	vadd.f32 v47, v35;
	[tilespmem:v9+s26+$0x0] =	vst.idx.msk $0xffff, v51;
	v56 =	vadd.f32 v49, v46  }
0x2a5: {  	[tilespmem:v24+s26+$0x0] =	vst.idx.msk $0xffff, v3;
	v55 =	vadd.f32 v46, v7;
	v2 =	vadd.f32 v61, v6  }
0x2a6: {  	[tilespmem:v42+s26+$0x0] =	vst.idx.msk $0xffff, v6;
	v57 =	vadd.f32 v7, v6;
	v58 =	vadd.f32 v52, v50  }
0x2a7: {  	v7 =	vadd.f32 v56, v7;
	[tilespmem:v23+s26+$0x0] =	vst.idx.msk $0xffff, v2;
	v2 =	vadd.f32 v55, v6  }
0x2a8: {  	v53 =	vadd.f32 v47, v22;
	v8 =	vadd.f32 v8, v22;
	[tilespmem:v44+s26+$0x0] =	vst.idx.msk $0xffff, v57  }
0x2a9: {  	v59 =	vadd.f32 v58, v7;
	[tilespmem:v33+s26+$0x0] =	vst.idx.msk $0xffff, v2;
	v2 =	vadd.f32 v7, v50  }
0x2aa: {  	s7 =	simm.s32 $0x3F0;
	v54 =	vadd.f32 v34, v47;
	[tilespmem:v16+s26+$0x0] =	vst.idx.msk $0xffff, v53;
	v3 =	vadd.f32 v7, v6  }
0x2ab: {  	v62 =	vmov s7;
	[tilespmem:v20+s26+$0x0] =	vst.idx.msk $0xffff, v8;
	v61 =	vadd.f32 v59, v27;
	v2 =	vadd.f32 v2, v6  }
0x2ac: {  	vm2 =	vlt.u32 v62, v1;
	[tilespmem:v17+s26+$0x0] =	vst.idx.msk $0xffff, v3;
	v3 =	vadd.f32 v59, v6  }
0x2ad: {  	v63 =	vadd.s32 s7, v0;
	v60 =	vadd.f32 v54, v19;
	v12 =	vadd.f32 v61, v6;
	[tilespmem:v40+s26+$0x0] =	vst.idx.msk $0xffff, v2  }
0x2ae: {  	v2 =	vadd.f32 v28, v58;
	[tilespmem:v5+s26+$0x0] =	vst.idx.msk $0xffff, v3;
	v3 =	vadd.f32 v54, v22  }
0x2af: {  	s31 =	simm.s32 $0x3F1;
	[tilespmem:v4+s26+$0x0] =	vst.idx.msk $0xffff, v12;
	v4 =	vadd.f32 v60, v22  }
0x2b0: {  	v2 =	vadd.f32 v2, v7;
	[tilespmem:v25+s26+$0x0] =	vst.idx.msk $0xffff, v3;
	v3 =	vmov s31  }
0x2b1: {  	[tilespmem:v31+s26+$0x0] =	vst.idx.msk $0xffff, v4;
	vm1 =	vlt.u32 v3, v1  }
0x2b2: {  	v5 =	vadd.s32 s31, v0;
	v2 =	vadd.f32 v2, v6;
	v3 =	vld.idx.msk [tilespmem:v63+s23+$0x0], vm2;
	_ =	sdelay $0x1  }
0x2b3: {  	s0 =	simm.s32 $0x3F2;
	vm0 =	vmmov vm2;
	[tilespmem:v63+s26+$0x0] =	vst.idx.msk vm2, v2;
	vm2 =	vmmov vm1;
	v4 =	vmov v5  }
.LBB2_32:
0x2b4: {  	p0 =	sne.s32 s0, $0x400  }
.Ltmp15:
0x2b5: {  	v6 =	vmov s0;
	s1 =	smov.u32 s0;
	s0 =	sadd.s32 $0x1, s0;
	(pc) =	sbr.rel @p0 .LBB2_32-.Ltmp15, $3  }
0x2b6: {  	v7 =	vnsel vm0, $0x0, v3;
	v3 =	vld.idx.msk [tilespmem:v5+s23+$0x0], vm1;
	vm0 =	vmmov vm1;
	vm1 =	vlt.u32 v6, v1  }
0x2b7: {  	v5 =	vadd.s32 s1, v0;
	v2 =	vadd.f32 v7, v2;
	_ =	sdelay $0x1  }
0x2b8: {  	[tilespmem:v4+s26+$0x0] =	vst.idx.msk vm2, v2;
	v4 =	vmov v5;
	vm2 =	vmmov vm1  }
0x2b9: {  	_ =	sdelay $0x1  }
0x2ba: {  	v3 =	vnsel vm0, $0x0, v3  }
0x2bb: {  	v2 =	vadd.f32 v3, v2;
	_ =	sdelay $0x1  }
0x2bc: {  	s0 =	simm.s32 $0x0;
	s7 =	simm.s32 $0xC;
	[tilespmem:v4+s26+$0x0] =	vst.idx.msk vm2, v2  }
0x2bd: {  	v2 =	vor.u32 s0, v0;
	[hbm4b:s11+s20] =	stream.strided.scatter [tilespmem:s26], [sflag:$0x4], $0x4000, s21, s20, $0x38;
	[tilespmem:$0x10000] =	vst v63  }
0x2be: {  	s1 =	simm.s32 $0x8;
	v3 =	vadd.s32 s7, v0;
	_ =	swait.ge [sflag:s22], $0x4000  }
0x2bf: {  	s31 =	simm.s32 $0x4;
	v4 =	vadd.s32 s1, v0;
	[sflag:s22] =	ssyncset.done $0x0  }
0x2c0: {  	s4 =	simm.s32 $0x7;
	v5 =	vadd.s32 s31, v0;
	s1 =	simm.s32 $0xF;
	[sflag:s22] =	ssyncadd.s32 $0xFFFFC000  }
0x2c1: {  	v6 =	vadd.s32 s1, v0;
	[tilespmem:s23], [sflag:$0x2] =	stream.strided.gather [hbm4b:s12+s20], $0x4000, s21, s20, $0x38;
	[tilespmem:$0x10000] =	vst v63  }
0x2c2: {  	s5 =	simm.s32 $0x3;
	v8 =	vadd.s32 s4, v0;
	v7 =	vld.idx.msk [tilespmem:v2+s2+$0x0], $0xffff  }
0x2c3: {  	s3 =	simm.s32 $0xB;
	v9 =	vadd.s32 s5, v0;
	v3 =	vld.idx.msk [tilespmem:v3+s2+$0x0], $0xffff  }
0x2c4: {  	s6 =	simm.s32 $0x1;
	v2 =	vadd.s32 s3, v0;
	v15 =	vld.idx.msk [tilespmem:v4+s2+$0x0], $0xffff  }
0x2c5: {  	v10 =	vadd.s32 s6, v0;
	s7 =	simm.s32 $0x2;
	v5 =	vld.idx.msk [tilespmem:v5+s2+$0x0], $0xffff  }
0x2c6: {  	s31 =	simm.s32 $0x5;
	v11 =	vadd.s32 s7, v0;
	v4 =	vld.idx.msk [tilespmem:v6+s2+$0x0], $0xffff  }
0x2c7: {  	s4 =	simm.s32 $0xA;
	v6 =	vadd.s32 s31, v0;
	v14 =	vld.idx.msk [tilespmem:v8+s2+$0x0], $0xffff  }
0x2c8: {  	v12 =	vadd.s32 s4, v0;
	s1 =	simm.s32 $0x6;
	v8 =	vld.idx.msk [tilespmem:v9+s2+$0x0], $0xffff  }
0x2c9: {  	s3 =	simm.s32 $0x9;
	v19 =	vld.idx.msk [tilespmem:v2+s2+$0x0], $0xffff;
	v2 =	vadd.s32 s1, v0  }
0x2ca: {  	s5 =	simm.s32 $0xD;
	v10 =	vld.idx.msk [tilespmem:v10+s2+$0x0], $0xffff;
	v9 =	vadd.s32 s3, v0  }
0x2cb: {  	s6 =	simm.s32 $0xE;
	v13 =	vld.idx.msk [tilespmem:v11+s2+$0x0], $0xffff;
	v11 =	vadd.s32 s5, v0  }
0x2cc: {  	s0 =	simm.s32 $0x10;
	v16 =	vld.idx.msk [tilespmem:v6+s2+$0x0], $0xffff;
	v6 =	vadd.s32 s6, v0  }
0x2cd: {  	s7 =	simm.s32 $0x1C;
	v17 =	vor.u32 s0, v0;
	v23 =	vld.idx.msk [tilespmem:v12+s2+$0x0], $0xffff  }
0x2ce: {  	v20 =	vadd.s32 s7, v0;
	s3 =	simm.s32 $0x18;
	v18 =	vld.idx.msk [tilespmem:v2+s2+$0x0], $0xffff  }
0x2cf: {  	s31 =	simm.s32 $0x14;
	v22 =	vadd.s32 s3, v0;
	v21 =	vld.idx.msk [tilespmem:v9+s2+$0x0], $0xffff;
	v2 =	vimm.f32 $0.0e+00  }
0x2d0: {  	s4 =	simm.s32 $0x1F;
	v24 =	vadd.s32 s31, v0;
	v9 =	vld.idx.msk [tilespmem:v11+s2+$0x0], $0xffff;
	v7 =	vadd.f32 v7, v2;
	v25 =	vadd.f32 v10, v2  }
0x2d1: {  	s5 =	simm.s32 $0x1B;
	v11 =	vadd.s32 s4, v0;
	v26 =	vadd.f32 v13, v2;
	v27 =	vadd.f32 v8, v2;
	v10 =	vld.idx.msk [tilespmem:v6+s2+$0x0], $0xffff  }
0x2d2: {  	v12 =	vadd.s32 s5, v0;
	s6 =	simm.s32 $0x17;
	v6 =	vld.idx.msk [tilespmem:v17+s2+$0x0], $0xffff;
	v7 =	vadd.f32 v5, v7;
	v17 =	vadd.f32 v16, v25  }
0x2d3: {  	s7 =	simm.s32 $0x13;
	v13 =	vadd.s32 s6, v0;
	v8 =	vld.idx.msk [tilespmem:v20+s2+$0x0], $0xffff;
	v20 =	vadd.f32 v14, v27;
	v18 =	vadd.f32 v18, v26  }
0x2d4: {  	s31 =	simm.s32 $0x11;
	v14 =	vadd.s32 s7, v0;
	v5 =	vld.idx.msk [tilespmem:v22+s2+$0x0], $0xffff;
	v16 =	vadd.f32 v15, v7;
	v17 =	vadd.f32 v21, v17  }
0x2d5: {  	s3 =	simm.s32 $0x12;
	s1 =	simm.s32 $0x20;
	v15 =	vadd.s32 s31, v0;
	v7 =	vld.idx.msk [tilespmem:v24+s2+$0x0], $0xffff;
	v19 =	vadd.f32 v19, v20;
	v18 =	vadd.f32 v23, v18  }
.LBB2_34:
0x2d6: {  	p0 =	slt.u32 s1, $0x3E0;
	v20 =	vadd.s32 s3, v0;
	s3 =	sadd.s32 $0x5, s0;
	v11 =	vld.idx.msk [tilespmem:v11+s2+$0x0], $0xffff;
	v16 =	vadd.f32 v3, v16;
	v9 =	vadd.f32 v9, v17  }
0x2d7: {  	v17 =	vadd.s32 s3, v0;
	s3 =	sadd.s32 $0x6, s0;
	v21 =	vld.idx.msk [tilespmem:v12+s2+$0x0], $0xffff;
	v10 =	vadd.f32 v10, v18;
	v12 =	vadd.f32 v4, v19  }
0x2d8: {  	v18 =	vadd.s32 s3, v0;
	v19 =	vld.idx.msk [tilespmem:v13+s2+$0x0], $0xffff;
	s3 =	sadd.s32 $0x9, s0  }
0x2d9: {  	v3 =	vmov v8;
	v13 =	vld.idx.msk [tilespmem:v14+s2+$0x0], $0xffff;
	v14 =	vadd.s32 s3, v0;
	s3 =	sadd.s32 $0xA, s0  }
0x2da: {  	v8 =	vld.idx.msk [tilespmem:v15+s2+$0x0], $0xffff;
	v15 =	vadd.s32 s3, v0;
	s3 =	sadd.s32 $0xD, s0  }
0x2db: {  	v20 =	vld.idx.msk [tilespmem:v20+s2+$0x0], $0xffff;
	v22 =	vadd.s32 s3, v0;
	s3 =	sadd.s32 $0xE, s0;
	s0 =	smov.u32 s1  }
0x2dc: {  	v4 =	vmov v11;
	v17 =	vld.idx.msk [tilespmem:v17+s2+$0x0], $0xffff;
	v23 =	vadd.s32 s3, v0  }
0x2dd: {  	v24 =	vor.u32 s1, v0;
	s3 =	sadd.s32 $0xC, s1;
	v18 =	vld.idx.msk [tilespmem:v18+s2+$0x0], $0xffff  }
0x2de: {  	s4 =	sadd.s32 $0x8, s1;
	v25 =	vadd.s32 s3, v0;
	v26 =	vld.idx.msk [tilespmem:v14+s2+$0x0], $0xffff  }
0x2df: {  	v27 =	vadd.s32 s4, v0;
	s3 =	sadd.s32 $0x4, s1;
	v28 =	vld.idx.msk [tilespmem:v15+s2+$0x0], $0xffff  }
0x2e0: {  	v29 =	vadd.s32 s3, v0;
	s3 =	sadd.s32 $0xF, s1;
	v14 =	vadd.f32 v6, v16;
	v8 =	vadd.f32 v8, v9;
	v9 =	vld.idx.msk [tilespmem:v22+s2+$0x0], $0xffff  }
.Ltmp16:
0x2e1: {  	s4 =	sadd.s32 $0xB, s1;
	v16 =	vadd.f32 v13, v12;
	v11 =	vadd.s32 s3, v0;
	v15 =	vadd.f32 v20, v10;
	v10 =	vld.idx.msk [tilespmem:v23+s2+$0x0], $0xffff;
	(pc) =	sbr.rel @p0 .LBB2_34-.Ltmp16, $4  }
0x2e2: {  	v12 =	vadd.s32 s4, v0;
	s3 =	sadd.s32 $0x7, s1;
	v7 =	vadd.f32 v7, v14;
	v17 =	vadd.f32 v17, v8;
	v6 =	vld.idx.msk [tilespmem:v24+s2+$0x0], $0xffff  }
0x2e3: {  	s4 =	sadd.s32 $0x3, s1;
	v13 =	vadd.s32 s3, v0;
	v19 =	vadd.f32 v19, v16;
	v18 =	vadd.f32 v18, v15;
	v8 =	vld.idx.msk [tilespmem:v25+s2+$0x0], $0xffff  }
0x2e4: {  	s3 =	sadd.s32 $0x1, s1;
	v14 =	vadd.s32 s4, v0;
	v16 =	vadd.f32 v5, v7;
	v17 =	vadd.f32 v26, v17;
	v5 =	vld.idx.msk [tilespmem:v27+s2+$0x0], $0xffff  }
0x2e5: {  	s1 =	sadd.s32 $0x10, s1;
	v15 =	vadd.s32 s3, v0;
	s3 =	sadd.s32 $0x2, s0;
	v19 =	vadd.f32 v21, v19;
	v18 =	vadd.f32 v28, v18;
	v7 =	vld.idx.msk [tilespmem:v29+s2+$0x0], $0xffff  }
0x2e6: {  	_ =	sdelay $0x3  }
0x2e7: {  	v20 =	vadd.s32 s3, v0;
	s1 =	sadd.s32 $0x5, s0;
	v11 =	vld.idx.msk [tilespmem:v11+s2+$0x0], $0xffff  }
0x2e8: {  	s31 =	sadd.s32 $0x6, s0;
	v12 =	vld.idx.msk [tilespmem:v12+s2+$0x0], $0xffff;
	v21 =	vadd.s32 s1, v0  }
0x2e9: {  	v13 =	vld.idx.msk [tilespmem:v13+s2+$0x0], $0xffff;
	s3 =	sadd.s32 $0x9, s0;
	v22 =	vadd.s32 s31, v0  }
0x2ea: {  	v14 =	vld.idx.msk [tilespmem:v14+s2+$0x0], $0xffff;
	s4 =	sadd.s32 $0xA, s0;
	v23 =	vadd.s32 s3, v0  }
0x2eb: {  	v15 =	vld.idx.msk [tilespmem:v15+s2+$0x0], $0xffff;
	s5 =	sadd.s32 $0xD, s0;
	v24 =	vadd.s32 s4, v0  }
0x2ec: {  	s6 =	sadd.s32 $0xE, s0;
	v25 =	vadd.s32 s5, v0;
	v20 =	vld.idx.msk [tilespmem:v20+s2+$0x0], $0xffff  }
0x2ed: {  	v26 =	vadd.s32 s6, v0;
	v21 =	vld.idx.msk [tilespmem:v21+s2+$0x0], $0xffff  }
0x2ee: {  	v3 =	vadd.f32 v3, v16;
	v9 =	vadd.f32 v9, v17;
	v59 =	vld.idx.msk [tilespmem:v22+s2+$0x0], $0xffff  }
0x2ef: {  	v10 =	vadd.f32 v10, v18;
	v4 =	vadd.f32 v4, v19;
	v60 =	vld.idx.msk [tilespmem:v23+s2+$0x0], $0xffff  }
0x2f0: {  	v3 =	vadd.f32 v6, v3;
	v6 =	vadd.f32 v15, v9;
	v61 =	vld.idx.msk [tilespmem:v24+s2+$0x0], $0xffff  }
0x2f1: {  	s7 =	simm.s32 $0x3F0;
	v4 =	vadd.f32 v14, v4;
	v9 =	vld.idx.msk [tilespmem:v25+s2+$0x0], $0xffff;
	v10 =	vadd.f32 v20, v10  }
0x2f2: {  	v62 =	vmov s7;
	v3 =	vadd.f32 v7, v3;
	v63 =	vld.idx.msk [tilespmem:v26+s2+$0x0], $0xffff;
	v6 =	vadd.f32 v21, v6  }
0x2f3: {  	vm1 =	vlt.u32 v62, v1;
	v4 =	vadd.f32 v13, v4;
	v7 =	vadd.f32 v59, v10  }
0x2f4: {  	v3 =	vadd.f32 v5, v3;
	v10 =	vadd.s32 s7, v0;
	v5 =	vadd.f32 v60, v6  }
0x2f5: {  	v6 =	vadd.f32 v61, v7;
	v7 =	vadd.f32 v12, v4  }
0x2f6: {  	s31 =	simm.s32 $0x3F1;
	v4 =	vadd.f32 v9, v5  }
0x2f7: {  	v5 =	vadd.f32 v63, v6;
	v6 =	vadd.f32 v11, v7;
	v7 =	vmov s31  }
0x2f8: {  	vm0 =	vlt.u32 v7, v1  }
0x2f9: {  	s0 =	simm.s32 $0x3F2;
	v3 =	vadd.f32 v8, v3;
	v8 =	vadd.s32 s31, v0;
	v7 =	vld.idx.msk [tilespmem:v10+s2+$0x0], vm1;
	vm1 =	vmmov vm1  }
.LBB2_36:
0x2fa: {  	p0 =	sne.s32 s0, $0x400  }
.Ltmp17:
0x2fb: {  	_ = 	snop;
	(pc) =	sbr.rel @p0 .LBB2_36-.Ltmp17, $4  }
0x2fc: {  	_ = 	snop  }
0x2fd: {  	v9 =	vmov s0;
	s1 =	smov.u32 s0;
	s0 =	sadd.s32 $0x1, s0  }
0x2fe: {  	v10 =	vnsel vm1, $0x0, v7;
	v7 =	vld.idx.msk [tilespmem:v8+s2+$0x0], vm0;
	vm1 =	vmmov vm0;
	vm0 =	vlt.u32 v9, v1  }
0x2ff: {  	v8 =	vadd.s32 s1, v0;
	v2 =	vadd.f32 v10, v2  }
0x300: {  	_ =	sdelay $0x4  }
0x301: {  	v8 =	vld.idx.msk [tilespmem:v8+s2+$0x0], vm0;
	_ =	sdelay $0x2  }
0x302: {  	v3 =	vadd.f32 v4, v3;
	v7 =	vnsel vm1, $0x0, v7  }
0x303: {  	vm15 =	vmmov vm0;
	v4 =	vadd.f32 v6, v5;
	v2 =	vadd.f32 v7, v2  }
0x304: {  	v5 =	vnsel vm15, $0x0, v8  }
0x305: {  	v3 =	vadd.f32 v4, v3;
	v2 =	vadd.f32 v5, v2;
	_ =	sdelay $0x1  }
0x306: {  	v5 =	vadd.f32 v2, v3;
	_ =	sdelay $0x1  }
0x307: {  	(xrf2) =	vadd.scan.msk.f32 $0xffff, v5;
	_ =	sdelay $0x7  }
0x308: {  	s0 =	simm.s32 $0x0  }
0x309: {  	s6 =	simm.s32 $0xF;
	v10 =	vor.u32 s0, v0  }
0x30a: {  	s1 =	simm.s32 $0x4;
	v11 =	vadd.s32 s6, v0;
	v2, _, _ =	vpop (xrf2)  }
0x30b: {  	s7 =	simm.s32 $0x3;
	v8 =	vadd.s32 s1, v0;
	_ =	swait.ge [sflag:s28], $0x4000  }
0x30c: {  	v9 =	vadd.s32 s7, v0;
	s1 =	simm.s32 $0x7;
	[sflag:s28] =	ssyncset.done $0x0  }
0x30d: {  	s3 =	simm.s32 $0x6;
	v3 =	vadd.s32 s1, v0;
	[sflag:s28] =	ssyncadd.s32 $0xFFFFC000  }
0x30e: {  	s4 =	simm.s32 $0x2;
	v4 =	vadd.s32 s3, v0;
	v6 =	vld.idx.msk [tilespmem:v10+s2+$0x0], $0xffff  }
0x30f: {  	s5 =	simm.s32 $0x1;
	v25 =	vadd.s32 s4, v0;
	v15 =	vld.idx.msk [tilespmem:v11+s2+$0x0], $0xffff  }
0x310: {  	s6 =	simm.s32 $0x5;
	v26 =	vadd.s32 s5, v0;
	v28 =	vld.idx.msk [tilespmem:v8+s2+$0x0], $0xffff  }
0x311: {  	s7 =	simm.s32 $0xE;
	v7 =	vadd.s32 s6, v0;
	v12 =	vld.idx.msk [tilespmem:v9+s2+$0x0], $0xffff  }
0x312: {  	v19 =	vadd.s32 s7, v0;
	s1 =	simm.s32 $0x8;
	v16 =	vld.idx.msk [tilespmem:v3+s2+$0x0], $0xffff  }
0x313: {  	s3 =	simm.s32 $0x9;
	v23 =	vadd.s32 s1, v0;
	v30 =	vld.idx.msk [tilespmem:v4+s2+$0x0], $0xffff  }
0x314: {  	v24 =	vadd.s32 s3, v0;
	v27 =	vld.idx.msk [tilespmem:v25+s2+$0x0], $0xffff  }
0x315: {  	v17 =	vld.idx.msk [tilespmem:v26+s2+$0x0], $0xffff  }
0x316: {  	s4 =	simm.s32 $0xA;
	v21 =	vld.idx.msk [tilespmem:v7+s2+$0x0], $0xffff  }
0x317: {  	s5 =	simm.s32 $0xB;
	v20 =	vadd.s32 s4, v0;
	v14 =	vld.idx.msk [tilespmem:v19+s2+$0x0], $0xffff  }
0x318: {  	v22 =	vadd.s32 s5, v0;
	s6 =	simm.s32 $0xC;
	v5 =	vsub.f32 v2, v5;
	v35 =	vld.idx.msk [tilespmem:v23+s2+$0x0], $0xffff  }
0x319: {  	v18 =	vadd.s32 s6, v0;
	v38 =	vld.idx.msk [tilespmem:v24+s2+$0x0], $0xffff  }
0x31a: {  	v13 =	vadd.f32 $0.0e+00, v5;
	v5 =	vadd.f32 v16, v30  }
0x31b: {  	s7 =	simm.s32 $0xD;
	v29 =	vadd.f32 v12, v27;
	v31 =	vadd.f32 v17, v6  }
0x31c: {  	s31 =	simm.s32 $0x10;
	s1 =	simm.s32 $0x1E;
	v39 =	vld.idx.msk [tilespmem:v20+s2+$0x0], $0xffff;
	v32 =	vadd.f32 v6, v13;
	v36 =	vadd.f32 v21, v28;
	v16 =	vadd.s32 s7, v0  }
0x31d: {  	s3 =	simm.s32 $0x14;
	v41 =	vld.idx.msk [tilespmem:v22+s2+$0x0], $0xffff;
	v12 =	vor.u32 s31, v0;
	v33 =	vadd.f32 v15, v14;
	v6 =	vadd.s32 s1, v0  }
0x31e: {  	s5 =	simm.s32 $0x1F;
	v37 =	vld.idx.msk [tilespmem:v18+s2+$0x0], $0xffff;
	v17 =	vadd.s32 s3, v0;
	v43 =	vadd.f32 v38, v35;
	v40 =	vadd.f32 v29, v31  }
0x31f: {  	s4 =	simm.s32 $0x15;
	s6 =	simm.s32 $0x11;
	[tilespmem:v10+s24+$0x0] =	vst.idx.msk $0xffff, v13;
	s7 =	simm.s32 $0x12;
	v29 =	vadd.f32 v5, v36;
	v5 =	vadd.s32 s5, v0;
	v42 =	vadd.f32 v31, v13  }
0x320: {  	v21 =	vadd.s32 s4, v0;
	v15 =	vadd.s32 s6, v0;
	v10 =	vadd.s32 s7, v0;
	[tilespmem:v26+s24+$0x0] =	vst.idx.msk $0xffff, v32  }
0x321: {  	s5 =	simm.s32 $0x13;
	v45 =	vadd.f32 v39, v43;
	[tilespmem:v25+s24+$0x0] =	vst.idx.msk $0xffff, v42;
	v63 =	vadd.f32 v29, v40;
	v44 =	vld.idx.msk [tilespmem:v16+s2+$0x0], $0xffff  }
0x322: {  	s6 =	simm.s32 $0x16;
	v42 =	vadd.f32 v27, v31;
	v25 =	vadd.s32 s5, v0;
	v27 =	vadd.f32 v36, v40;
	v31 =	vld.idx.msk [tilespmem:v12+s2+$0x0], $0xffff  }
0x323: {  	s7 =	simm.s32 $0x17;
	v26 =	vadd.s32 s6, v0;
	v46 =	vadd.f32 v40, v28;
	v28 =	vld.idx.msk [tilespmem:v6+s2+$0x0], $0xffff;
	v38 =	vadd.f32 v63, v13  }
0x324: {  	s0 =	simm.s32 $0x20;
	v32 =	vadd.s32 s7, v0;
	v34 =	vadd.f32 v40, v13;
	v40 =	vadd.f32 v27, v30;
	v30 =	vmovc v13;
	v29 =	vld.idx.msk [tilespmem:v5+s2+$0x0], $0xffff  }
.LBB2_38:
0x325: {  	v47 =	vor.u32 s0, v0;
	v46 =	vadd.f32 v46, v13;
	v35 =	vadd.f32 v35, v38;
	v48 =	vmovc v7  }
0x326: {  	p0 =	slt.u32 s0, $0x3E0;
	v36 =	vld.idx.msk [tilespmem:v17+s2+$0x0], $0xffff;
	v7 =	vmovc v21;
	v49 =	vmovc v4;
	v4 =	vmov v26;
	v50 =	vmov v3;
	v3 =	vmov v32;
	s1 =	smov.u32 s0;
	s0 =	sadd.s32 $0x10, s0  }
0x327: {  	v39 =	vadd.f32 v41, v39;
	v51 =	vld.idx.msk [tilespmem:v25+s2+$0x0], $0xffff;
	[tilespmem:v23+s24+$0x0] =	vst.idx.msk $0xffff, v38;
	v23 =	vadd.f32 v43, v38  }
0x328: {  	v41 =	vadd.f32 v44, v37;
	v32 =	vld.idx.msk [tilespmem:v32+s2+$0x0], $0xffff;
	[tilespmem:v24+s24+$0x0] =	vst.idx.msk $0xffff, v35;
	v24 =	vadd.f32 v45, v38  }
0x329: {  	s3 =	sadd.s32 $0xB, s31;
	v35 =	vadd.f32 v42, v13;
	v39 =	vadd.f32 v39, v43;
	v21 =	vld.idx.msk [tilespmem:v21+s2+$0x0], $0xffff;
	[tilespmem:v20+s24+$0x0] =	vst.idx.msk $0xffff, v23  }
0x32a: {  	s4 =	sadd.s32 $0x8, s31;
	s5 =	sadd.s32 $0x9, s31;
	s6 =	sadd.s32 $0xA, s31;
	v40 =	vadd.f32 v40, v13;
	v13 =	vadd.f32 v33, v41;
	v45 =	vld.idx.msk [tilespmem:v26+s2+$0x0], $0xffff  }
0x32b: {  	v23 =	vadd.s32 s4, v0;
	v20 =	vadd.s32 s6, v0;
	v26 =	vadd.f32 v41, v39;
	v42 =	vld.idx.msk [tilespmem:v10+s2+$0x0], $0xffff;
	[tilespmem:v22+s24+$0x0] =	vst.idx.msk $0xffff, v24  }
0x32c: {  	v24 =	vadd.s32 s5, v0;
	v22 =	vadd.f32 v39, v37;
	v13 =	vadd.f32 v13, v39;
	v33 =	vld.idx.msk [tilespmem:v15+s2+$0x0], $0xffff  }
0x32d: {  	v37 =	vadd.f32 v26, v14;
	[tilespmem:v9+s24+$0x0] =	vst.idx.msk $0xffff, v35;
	v35 =	vadd.f32 v39, v38;
	v9 =	vmov v25  }
0x32e: {  	v25 =	vadd.f32 v22, v38;
	v13 =	vadd.f32 v13, v38;
	[tilespmem:v8+s24+$0x0] =	vst.idx.msk $0xffff, v34;
	v8 =	vmov v17  }
0x32f: {  	v14 =	vmov v28;
	v17 =	vadd.f32 v26, v38;
	v26 =	vadd.f32 v37, v38;
	[tilespmem:v18+s24+$0x0] =	vst.idx.msk $0xffff, v35  }
0x330: {  	v22 =	vadd.s32 s3, v0;
	v28 =	vadd.f32 v32, v45;
	v35 =	vld.idx.msk [tilespmem:v23+s2+$0x0], $0xffff;
	[tilespmem:v16+s24+$0x0] =	vst.idx.msk $0xffff, v25  }
0x331: {  	s4 =	sadd.s32 $0xD, s31;
	s3 =	sadd.s32 $0xC, s31;
	s31 =	smov.u32 s1;
	v32 =	vadd.f32 v31, v13;
	v25 =	vadd.f32 v51, v42;
	v38 =	vld.idx.msk [tilespmem:v24+s2+$0x0], $0xffff;
	[tilespmem:v19+s24+$0x0] =	vst.idx.msk $0xffff, v17  }
0x332: {  	v43 =	vadd.f32 v21, v36;
	v18 =	vadd.s32 s3, v0;
	v19 =	vadd.f32 v33, v31;
	[tilespmem:v11+s24+$0x0] =	vst.idx.msk $0xffff, v26  }
0x333: {  	v16 =	vadd.s32 s4, v0;
	v33 =	vadd.f32 v29, v14;
	v11 =	vadd.f32 v27, v30;
	[tilespmem:v48+s24+$0x0] =	vst.idx.msk $0xffff, v46  }
0x334: {  	s1 =	sadd.s32 $0xE, s31;
	s3 =	sadd.s32 $0xF, s31;
	v46 =	vadd.f32 v25, v19;
	v25 =	vadd.f32 v28, v43;
	[tilespmem:v12+s24+$0x0] =	vst.idx.msk $0xffff, v13;
	v39 =	vld.idx.msk [tilespmem:v20+s2+$0x0], $0xffff  }
0x335: {  	s5 =	sadd.s32 $0x5, s31;
	s6 =	sadd.s32 $0x6, s31;
	s4 =	sadd.s32 $0x4, s31;
	v28 =	vadd.s32 s1, v0;
	v48 =	vadd.s32 s3, v0;
	v26 =	vadd.f32 v19, v13;
	[tilespmem:v15+s24+$0x0] =	vst.idx.msk $0xffff, v32;
	v41 =	vld.idx.msk [tilespmem:v22+s2+$0x0], $0xffff  }
0x336: {  	s7 =	sadd.s32 $0x3, s31;
	v21 =	vadd.s32 s5, v0;
	v17 =	vadd.s32 s4, v0;
	s1 =	sadd.s32 $0x1, s31;
	s3 =	sadd.s32 $0x2, s31;
	v12 =	vmovc v47;
	v34 =	vadd.f32 v46, v13;
	[tilespmem:v49+s24+$0x0] =	vst.idx.msk $0xffff, v11  }
.Ltmp18:
0x337: {  	v15 =	vadd.s32 s1, v0;
	v11 =	vadd.f32 v25, v46;
	[tilespmem:v10+s24+$0x0] =	vst.idx.msk $0xffff, v26;
	v10 =	vadd.s32 s3, v0;
	v37 =	vld.idx.msk [tilespmem:v18+s2+$0x0], $0xffff;
	(pc) =	sbr.rel @p0 .LBB2_38-.Ltmp18, $4  }
0x338: {  	v42 =	vadd.f32 v42, v19;
	s1 =	sadd.s32 $0x7, s31;
	v25 =	vadd.s32 s7, v0;
	v26 =	vadd.s32 s6, v0;
	v44 =	vld.idx.msk [tilespmem:v16+s2+$0x0], $0xffff;
	[tilespmem:v50+s24+$0x0] =	vst.idx.msk $0xffff, v40  }
0x339: {  	v30 =	vmovc v13;
	v27 =	vadd.f32 v43, v46;
	v32 =	vadd.s32 s1, v0;
	v43 =	vadd.f32 v38, v35;
	v31 =	vld.idx.msk [tilespmem:v47+s2+$0x0], $0xffff  }
0x33a: {  	v19 =	vmovc v6;
	v6 =	vmov v28;
	v46 =	vadd.f32 v46, v36;
	v38 =	vadd.f32 v11, v13;
	v29 =	vld.idx.msk [tilespmem:v48+s2+$0x0], $0xffff  }
0x33b: {  	v40 =	vadd.f32 v27, v45;
	v45 =	vadd.f32 v39, v43;
	v11 =	vmovc v5;
	v5 =	vmov v48;
	v28 =	vld.idx.msk [tilespmem:v28+s2+$0x0], $0xffff  }
0x33c: {  	_ =	sdelay $0x3  }
0x33d: {  	v36 =	vld.idx.msk [tilespmem:v17+s2+$0x0], $0xffff  }
0x33e: {  	v47 =	vld.idx.msk [tilespmem:v25+s2+$0x0], $0xffff  }
0x33f: {  	v46 =	vadd.f32 v46, v13;
	v50 =	vld.idx.msk [tilespmem:v32+s2+$0x0], $0xffff  }
0x340: {  	v35 =	vadd.f32 v35, v38;
	v39 =	vadd.f32 v41, v39;
	v52 =	vld.idx.msk [tilespmem:v21+s2+$0x0], $0xffff  }
0x341: {  	[tilespmem:v23+s24+$0x0] =	vst.idx.msk $0xffff, v38;
	v49 =	vadd.f32 v43, v38;
	v42 =	vadd.f32 v42, v13;
	v54 =	vld.idx.msk [tilespmem:v10+s2+$0x0], $0xffff  }
0x342: {  	s3 =	sadd.s32 $0xA, s31;
	v55 =	vld.idx.msk [tilespmem:v15+s2+$0x0], $0xffff;
	v44 =	vadd.f32 v44, v37;
	[tilespmem:v24+s24+$0x0] =	vst.idx.msk $0xffff, v35;
	v39 =	vadd.f32 v39, v43  }
0x343: {  	s0 =	sadd.s32 $0x8, s31;
	v51 =	vadd.f32 v45, v38;
	v45 =	vadd.s32 s3, v0;
	v40 =	vadd.f32 v40, v13;
	[tilespmem:v9+s24+$0x0] =	vst.idx.msk $0xffff, v42  }
0x344: {  	v43 =	vadd.s32 s0, v0;
	[tilespmem:v20+s24+$0x0] =	vst.idx.msk $0xffff, v49;
	v53 =	vadd.f32 v33, v44;
	v44 =	vadd.f32 v44, v39  }
0x345: {  	s1 =	sadd.s32 $0x9, s31;
	v20 =	vld.idx.msk [tilespmem:v26+s2+$0x0], $0xffff;
	[tilespmem:v8+s24+$0x0] =	vst.idx.msk $0xffff, v34;
	v56 =	vadd.f32 v39, v37;
	v58 =	vadd.f32 v39, v38  }
0x346: {  	s4 =	sadd.s32 $0xB, s31;
	v24 =	vadd.s32 s1, v0;
	[tilespmem:v7+s24+$0x0] =	vst.idx.msk $0xffff, v46;
	v7 =	vadd.f32 v27, v30;
	v23 =	vadd.f32 v53, v39  }
0x347: {  	s6 =	sadd.s32 $0xD, s31;
	v34 =	vadd.s32 s4, v0;
	v62 =	vadd.f32 v47, v54;
	v63 =	vadd.f32 v55, v31  }
0x348: {  	s5 =	sadd.s32 $0xC, s31;
	v41 =	vadd.s32 s6, v0;
	[tilespmem:v22+s24+$0x0] =	vst.idx.msk $0xffff, v51;
	v57 =	vadd.f32 v44, v14;
	v8 =	vadd.f32 v56, v38  }
0x349: {  	[tilespmem:v18+s24+$0x0] =	vst.idx.msk $0xffff, v58;
	v59 =	vadd.f32 v44, v38;
	v18 =	vadd.s32 s5, v0;
	v44 =	vld.idx.msk [tilespmem:v45+s2+$0x0], $0xffff  }
0x34a: {  	v35 =	vadd.f32 v52, v36;
	[tilespmem:v4+s24+$0x0] =	vst.idx.msk $0xffff, v7;
	v61 =	vld.idx.msk [tilespmem:v43+s2+$0x0], $0xffff;
	v60 =	vadd.f32 v50, v20  }
0x34b: {  	v23 =	vadd.f32 v23, v38;
	v47 =	vadd.f32 v62, v63;
	[tilespmem:v16+s24+$0x0] =	vst.idx.msk $0xffff, v8;
	v8 =	vld.idx.msk [tilespmem:v24+s2+$0x0], $0xffff  }
0x34c: {  	[tilespmem:v3+s24+$0x0] =	vst.idx.msk $0xffff, v40;
	v9 =	vadd.f32 v57, v38;
	v49 =	vld.idx.msk [tilespmem:v34+s2+$0x0], $0xffff;
	v48 =	vadd.f32 v60, v35  }
0x34d: {  	v29 =	vadd.f32 v29, v28;
	v52 =	vld.idx.msk [tilespmem:v41+s2+$0x0], $0xffff;
	v4 =	vadd.f32 v54, v63;
	[tilespmem:v19+s24+$0x0] =	vst.idx.msk $0xffff, v59  }
0x34e: {  	v42 =	vadd.f32 v31, v23;
	[tilespmem:v11+s24+$0x0] =	vst.idx.msk $0xffff, v9;
	v50 =	vld.idx.msk [tilespmem:v18+s2+$0x0], $0xffff;
	v11 =	vadd.f32 v48, v47  }
0x34f: {  	[tilespmem:v12+s24+$0x0] =	vst.idx.msk $0xffff, v23;
	v51 =	vadd.f32 v63, v23;
	v4 =	vadd.f32 v4, v23  }
0x350: {  	[tilespmem:v15+s24+$0x0] =	vst.idx.msk $0xffff, v42;
	v8 =	vadd.f32 v8, v61;
	v7 =	vadd.f32 v11, v23  }
0x351: {  	v9 =	vadd.f32 v47, v36;
	[tilespmem:v10+s24+$0x0] =	vst.idx.msk $0xffff, v51;
	v56 =	vadd.f32 v49, v44  }
0x352: {  	[tilespmem:v25+s24+$0x0] =	vst.idx.msk $0xffff, v4;
	v55 =	vadd.f32 v44, v8;
	v3 =	vadd.f32 v61, v7  }
0x353: {  	[tilespmem:v43+s24+$0x0] =	vst.idx.msk $0xffff, v7;
	v57 =	vadd.f32 v8, v7;
	v58 =	vadd.f32 v52, v50  }
0x354: {  	v8 =	vadd.f32 v56, v8;
	[tilespmem:v24+s24+$0x0] =	vst.idx.msk $0xffff, v3;
	v3 =	vadd.f32 v55, v7  }
0x355: {  	v53 =	vadd.f32 v47, v23;
	v9 =	vadd.f32 v9, v23;
	[tilespmem:v45+s24+$0x0] =	vst.idx.msk $0xffff, v57  }
0x356: {  	v59 =	vadd.f32 v58, v8;
	[tilespmem:v34+s24+$0x0] =	vst.idx.msk $0xffff, v3;
	v3 =	vadd.f32 v8, v50  }
0x357: {  	s7 =	simm.s32 $0x3F0;
	v54 =	vadd.f32 v35, v47;
	[tilespmem:v17+s24+$0x0] =	vst.idx.msk $0xffff, v53;
	v4 =	vadd.f32 v8, v7  }
0x358: {  	v62 =	vmov s7;
	[tilespmem:v21+s24+$0x0] =	vst.idx.msk $0xffff, v9;
	v61 =	vadd.f32 v59, v28;
	v3 =	vadd.f32 v3, v7  }
0x359: {  	vm2 =	vlt.u32 v62, v1;
	[tilespmem:v18+s24+$0x0] =	vst.idx.msk $0xffff, v4;
	v4 =	vadd.f32 v59, v7  }
0x35a: {  	v63 =	vadd.s32 s7, v0;
	v60 =	vadd.f32 v54, v20;
	v13 =	vadd.f32 v61, v7;
	[tilespmem:v41+s24+$0x0] =	vst.idx.msk $0xffff, v3  }
0x35b: {  	v3 =	vadd.f32 v29, v58;
	[tilespmem:v6+s24+$0x0] =	vst.idx.msk $0xffff, v4;
	v4 =	vadd.f32 v54, v23  }
0x35c: {  	s31 =	simm.s32 $0x3F1;
	[tilespmem:v5+s24+$0x0] =	vst.idx.msk $0xffff, v13;
	v5 =	vadd.f32 v60, v23  }
0x35d: {  	v3 =	vadd.f32 v3, v8;
	[tilespmem:v26+s24+$0x0] =	vst.idx.msk $0xffff, v4;
	v4 =	vmov s31  }
0x35e: {  	[tilespmem:v32+s24+$0x0] =	vst.idx.msk $0xffff, v5;
	vm1 =	vlt.u32 v4, v1  }
0x35f: {  	v6 =	vadd.s32 s31, v0;
	v3 =	vadd.f32 v3, v7;
	v4 =	vld.idx.msk [tilespmem:v63+s2+$0x0], vm2;
	_ =	sdelay $0x1  }
0x360: {  	s0 =	simm.s32 $0x3F2;
	vm0 =	vmmov vm2;
	[tilespmem:v63+s24+$0x0] =	vst.idx.msk vm2, v3;
	vm2 =	vmmov vm1;
	v5 =	vmov v6  }
.LBB2_40:
0x361: {  	p0 =	sne.s32 s0, $0x400  }
.Ltmp19:
0x362: {  	v7 =	vmov s0;
	s1 =	smov.u32 s0;
	s0 =	sadd.s32 $0x1, s0;
	(pc) =	sbr.rel @p0 .LBB2_40-.Ltmp19, $3  }
0x363: {  	v8 =	vnsel vm0, $0x0, v4;
	v4 =	vld.idx.msk [tilespmem:v6+s2+$0x0], vm1;
	vm0 =	vmmov vm1;
	vm1 =	vlt.u32 v7, v1  }
0x364: {  	v6 =	vadd.s32 s1, v0;
	v3 =	vadd.f32 v8, v3;
	_ =	sdelay $0x1  }
0x365: {  	[tilespmem:v5+s24+$0x0] =	vst.idx.msk vm2, v3;
	v5 =	vmov v6;
	vm2 =	vmmov vm1  }
0x366: {  	_ =	sdelay $0x1  }
0x367: {  	v4 =	vnsel vm0, $0x0, v4  }
0x368: {  	v3 =	vadd.f32 v4, v3;
	_ =	sdelay $0x1  }
0x369: {  	s0 =	simm.s32 $0x0;
	s7 =	simm.s32 $0xC;
	[tilespmem:v5+s24+$0x0] =	vst.idx.msk vm2, v3  }
0x36a: {  	v3 =	vor.u32 s0, v0;
	[hbm4b:s13+s20] =	stream.strided.scatter [tilespmem:s24], [sflag:$0x3], $0x4000, s21, s20, $0x38;
	[tilespmem:$0x10000] =	vst v63  }
0x36b: {  	s1 =	simm.s32 $0x8;
	v4 =	vadd.s32 s7, v0;
	_ =	swait.ge [sflag:s25], $0x4000  }
0x36c: {  	s31 =	simm.s32 $0x4;
	v5 =	vadd.s32 s1, v0;
	[sflag:s25] =	ssyncset.done $0x0  }
0x36d: {  	s4 =	simm.s32 $0x7;
	v6 =	vadd.s32 s31, v0;
	s1 =	simm.s32 $0xF;
	[sflag:s25] =	ssyncadd.s32 $0xFFFFC000  }
0x36e: {  	v7 =	vadd.s32 s1, v0;
	[tilespmem:s0], [sflag:$0x1] =	stream.strided.gather [hbm4b:s14+s20], $0x4000, s21, s20, $0x38;
	[tilespmem:$0x10000] =	vst v63  }
0x36f: {  	s5 =	simm.s32 $0x3;
	v9 =	vadd.s32 s4, v0;
	v8 =	vld.idx.msk [tilespmem:v3+s23+$0x0], $0xffff  }
0x370: {  	s3 =	simm.s32 $0xB;
	v10 =	vadd.s32 s5, v0;
	v4 =	vld.idx.msk [tilespmem:v4+s23+$0x0], $0xffff  }
0x371: {  	s6 =	simm.s32 $0x1;
	v3 =	vadd.s32 s3, v0;
	v16 =	vld.idx.msk [tilespmem:v5+s23+$0x0], $0xffff  }
0x372: {  	v11 =	vadd.s32 s6, v0;
	s7 =	simm.s32 $0x2;
	v6 =	vld.idx.msk [tilespmem:v6+s23+$0x0], $0xffff  }
0x373: {  	s31 =	simm.s32 $0x5;
	v12 =	vadd.s32 s7, v0;
	v5 =	vld.idx.msk [tilespmem:v7+s23+$0x0], $0xffff  }
0x374: {  	s4 =	simm.s32 $0xA;
	v7 =	vadd.s32 s31, v0;
	v15 =	vld.idx.msk [tilespmem:v9+s23+$0x0], $0xffff  }
0x375: {  	v13 =	vadd.s32 s4, v0;
	s1 =	simm.s32 $0x6;
	v9 =	vld.idx.msk [tilespmem:v10+s23+$0x0], $0xffff  }
0x376: {  	s3 =	simm.s32 $0x9;
	v20 =	vld.idx.msk [tilespmem:v3+s23+$0x0], $0xffff;
	v3 =	vadd.s32 s1, v0  }
0x377: {  	s5 =	simm.s32 $0xD;
	v11 =	vld.idx.msk [tilespmem:v11+s23+$0x0], $0xffff;
	v10 =	vadd.s32 s3, v0  }
0x378: {  	s6 =	simm.s32 $0xE;
	v14 =	vld.idx.msk [tilespmem:v12+s23+$0x0], $0xffff;
	v12 =	vadd.s32 s5, v0  }
0x379: {  	s0 =	simm.s32 $0x10;
	v17 =	vld.idx.msk [tilespmem:v7+s23+$0x0], $0xffff;
	v7 =	vadd.s32 s6, v0  }
0x37a: {  	s7 =	simm.s32 $0x1C;
	v18 =	vor.u32 s0, v0;
	v24 =	vld.idx.msk [tilespmem:v13+s23+$0x0], $0xffff  }
0x37b: {  	v21 =	vadd.s32 s7, v0;
	s3 =	simm.s32 $0x18;
	v19 =	vld.idx.msk [tilespmem:v3+s23+$0x0], $0xffff  }
0x37c: {  	s31 =	simm.s32 $0x14;
	v23 =	vadd.s32 s3, v0;
	v22 =	vld.idx.msk [tilespmem:v10+s23+$0x0], $0xffff;
	v3 =	vimm.f32 $0.0e+00  }
0x37d: {  	s4 =	simm.s32 $0x1F;
	v25 =	vadd.s32 s31, v0;
	v10 =	vld.idx.msk [tilespmem:v12+s23+$0x0], $0xffff;
	v8 =	vadd.f32 v8, v3;
	v26 =	vadd.f32 v11, v3  }
0x37e: {  	s5 =	simm.s32 $0x1B;
	v12 =	vadd.s32 s4, v0;
	v27 =	vadd.f32 v14, v3;
	v28 =	vadd.f32 v9, v3;
	v11 =	vld.idx.msk [tilespmem:v7+s23+$0x0], $0xffff  }
0x37f: {  	v13 =	vadd.s32 s5, v0;
	s6 =	simm.s32 $0x17;
	v7 =	vld.idx.msk [tilespmem:v18+s23+$0x0], $0xffff;
	v8 =	vadd.f32 v6, v8;
	v18 =	vadd.f32 v17, v26  }
0x380: {  	s7 =	simm.s32 $0x13;
	v14 =	vadd.s32 s6, v0;
	v9 =	vld.idx.msk [tilespmem:v21+s23+$0x0], $0xffff;
	v21 =	vadd.f32 v15, v28;
	v19 =	vadd.f32 v19, v27  }
0x381: {  	s31 =	simm.s32 $0x11;
	v15 =	vadd.s32 s7, v0;
	v6 =	vld.idx.msk [tilespmem:v23+s23+$0x0], $0xffff;
	v17 =	vadd.f32 v16, v8;
	v18 =	vadd.f32 v22, v18  }
0x382: {  	s3 =	simm.s32 $0x12;
	s1 =	simm.s32 $0x20;
	v16 =	vadd.s32 s31, v0;
	v8 =	vld.idx.msk [tilespmem:v25+s23+$0x0], $0xffff;
	v20 =	vadd.f32 v20, v21;
	v19 =	vadd.f32 v24, v19  }
.LBB2_42:
0x383: {  	p0 =	slt.u32 s1, $0x3E0;
	v21 =	vadd.s32 s3, v0;
	s3 =	sadd.s32 $0x5, s0;
	v12 =	vld.idx.msk [tilespmem:v12+s23+$0x0], $0xffff;
	v17 =	vadd.f32 v4, v17;
	v10 =	vadd.f32 v10, v18  }
0x384: {  	v18 =	vadd.s32 s3, v0;
	s3 =	sadd.s32 $0x6, s0;
	v22 =	vld.idx.msk [tilespmem:v13+s23+$0x0], $0xffff;
	v11 =	vadd.f32 v11, v19;
	v13 =	vadd.f32 v5, v20  }
0x385: {  	v19 =	vadd.s32 s3, v0;
	v20 =	vld.idx.msk [tilespmem:v14+s23+$0x0], $0xffff;
	s3 =	sadd.s32 $0x9, s0  }
0x386: {  	v4 =	vmov v9;
	v14 =	vld.idx.msk [tilespmem:v15+s23+$0x0], $0xffff;
	v15 =	vadd.s32 s3, v0;
	s3 =	sadd.s32 $0xA, s0  }
0x387: {  	v9 =	vld.idx.msk [tilespmem:v16+s23+$0x0], $0xffff;
	v16 =	vadd.s32 s3, v0;
	s3 =	sadd.s32 $0xD, s0  }
0x388: {  	v21 =	vld.idx.msk [tilespmem:v21+s23+$0x0], $0xffff;
	v23 =	vadd.s32 s3, v0;
	s3 =	sadd.s32 $0xE, s0;
	s0 =	smov.u32 s1  }
0x389: {  	v5 =	vmov v12;
	v18 =	vld.idx.msk [tilespmem:v18+s23+$0x0], $0xffff;
	v24 =	vadd.s32 s3, v0  }
0x38a: {  	v25 =	vor.u32 s1, v0;
	s3 =	sadd.s32 $0xC, s1;
	v19 =	vld.idx.msk [tilespmem:v19+s23+$0x0], $0xffff  }
0x38b: {  	s4 =	sadd.s32 $0x8, s1;
	v26 =	vadd.s32 s3, v0;
	v27 =	vld.idx.msk [tilespmem:v15+s23+$0x0], $0xffff  }
0x38c: {  	v28 =	vadd.s32 s4, v0;
	s3 =	sadd.s32 $0x4, s1;
	v29 =	vld.idx.msk [tilespmem:v16+s23+$0x0], $0xffff  }
0x38d: {  	v30 =	vadd.s32 s3, v0;
	s3 =	sadd.s32 $0xF, s1;
	v15 =	vadd.f32 v7, v17;
	v9 =	vadd.f32 v9, v10;
	v10 =	vld.idx.msk [tilespmem:v23+s23+$0x0], $0xffff  }
.Ltmp20:
0x38e: {  	s4 =	sadd.s32 $0xB, s1;
	v17 =	vadd.f32 v14, v13;
	v12 =	vadd.s32 s3, v0;
	v16 =	vadd.f32 v21, v11;
	v11 =	vld.idx.msk [tilespmem:v24+s23+$0x0], $0xffff;
	(pc) =	sbr.rel @p0 .LBB2_42-.Ltmp20, $4  }
0x38f: {  	v13 =	vadd.s32 s4, v0;
	s3 =	sadd.s32 $0x7, s1;
	v8 =	vadd.f32 v8, v15;
	v18 =	vadd.f32 v18, v9;
	v7 =	vld.idx.msk [tilespmem:v25+s23+$0x0], $0xffff  }
0x390: {  	s4 =	sadd.s32 $0x3, s1;
	v14 =	vadd.s32 s3, v0;
	v20 =	vadd.f32 v20, v17;
	v19 =	vadd.f32 v19, v16;
	v9 =	vld.idx.msk [tilespmem:v26+s23+$0x0], $0xffff  }
0x391: {  	s3 =	sadd.s32 $0x1, s1;
	v15 =	vadd.s32 s4, v0;
	v17 =	vadd.f32 v6, v8;
	v18 =	vadd.f32 v27, v18;
	v6 =	vld.idx.msk [tilespmem:v28+s23+$0x0], $0xffff  }
0x392: {  	s1 =	sadd.s32 $0x10, s1;
	v16 =	vadd.s32 s3, v0;
	s3 =	sadd.s32 $0x2, s0;
	v20 =	vadd.f32 v22, v20;
	v19 =	vadd.f32 v29, v19;
	v8 =	vld.idx.msk [tilespmem:v30+s23+$0x0], $0xffff  }
0x393: {  	_ =	sdelay $0x3  }
0x394: {  	v21 =	vadd.s32 s3, v0;
	s1 =	sadd.s32 $0x5, s0;
	v12 =	vld.idx.msk [tilespmem:v12+s23+$0x0], $0xffff  }
0x395: {  	s31 =	sadd.s32 $0x6, s0;
	v13 =	vld.idx.msk [tilespmem:v13+s23+$0x0], $0xffff;
	v22 =	vadd.s32 s1, v0  }
0x396: {  	v14 =	vld.idx.msk [tilespmem:v14+s23+$0x0], $0xffff;
	s3 =	sadd.s32 $0x9, s0;
	v23 =	vadd.s32 s31, v0  }
0x397: {  	v15 =	vld.idx.msk [tilespmem:v15+s23+$0x0], $0xffff;
	s4 =	sadd.s32 $0xA, s0;
	v24 =	vadd.s32 s3, v0  }
0x398: {  	v16 =	vld.idx.msk [tilespmem:v16+s23+$0x0], $0xffff;
	s5 =	sadd.s32 $0xD, s0;
	v25 =	vadd.s32 s4, v0  }
0x399: {  	s6 =	sadd.s32 $0xE, s0;
	v26 =	vadd.s32 s5, v0;
	v21 =	vld.idx.msk [tilespmem:v21+s23+$0x0], $0xffff  }
0x39a: {  	v27 =	vadd.s32 s6, v0;
	v22 =	vld.idx.msk [tilespmem:v22+s23+$0x0], $0xffff  }
0x39b: {  	v4 =	vadd.f32 v4, v17;
	v10 =	vadd.f32 v10, v18;
	v59 =	vld.idx.msk [tilespmem:v23+s23+$0x0], $0xffff  }
0x39c: {  	v11 =	vadd.f32 v11, v19;
	v5 =	vadd.f32 v5, v20;
	v60 =	vld.idx.msk [tilespmem:v24+s23+$0x0], $0xffff  }
0x39d: {  	v4 =	vadd.f32 v7, v4;
	v7 =	vadd.f32 v16, v10;
	v61 =	vld.idx.msk [tilespmem:v25+s23+$0x0], $0xffff  }
0x39e: {  	s7 =	simm.s32 $0x3F0;
	v5 =	vadd.f32 v15, v5;
	v10 =	vld.idx.msk [tilespmem:v26+s23+$0x0], $0xffff;
	v11 =	vadd.f32 v21, v11  }
0x39f: {  	v62 =	vmov s7;
	v4 =	vadd.f32 v8, v4;
	v63 =	vld.idx.msk [tilespmem:v27+s23+$0x0], $0xffff;
	v7 =	vadd.f32 v22, v7  }
0x3a0: {  	vm1 =	vlt.u32 v62, v1;
	v5 =	vadd.f32 v14, v5;
	v8 =	vadd.f32 v59, v11  }
0x3a1: {  	v4 =	vadd.f32 v6, v4;
	v11 =	vadd.s32 s7, v0;
	v6 =	vadd.f32 v60, v7  }
0x3a2: {  	v7 =	vadd.f32 v61, v8;
	v8 =	vadd.f32 v13, v5  }
0x3a3: {  	s31 =	simm.s32 $0x3F1;
	v5 =	vadd.f32 v10, v6  }
0x3a4: {  	v6 =	vadd.f32 v63, v7;
	v7 =	vadd.f32 v12, v8;
	v8 =	vmov s31  }
0x3a5: {  	vm0 =	vlt.u32 v8, v1  }
0x3a6: {  	s0 =	simm.s32 $0x3F2;
	v4 =	vadd.f32 v9, v4;
	v9 =	vadd.s32 s31, v0;
	v8 =	vld.idx.msk [tilespmem:v11+s23+$0x0], vm1;
	vm1 =	vmmov vm1  }
.LBB2_44:
0x3a7: {  	p0 =	sne.s32 s0, $0x400  }
.Ltmp21:
0x3a8: {  	_ = 	snop;
	(pc) =	sbr.rel @p0 .LBB2_44-.Ltmp21, $4  }
0x3a9: {  	_ = 	snop  }
0x3aa: {  	v10 =	vmov s0;
	s1 =	smov.u32 s0;
	s0 =	sadd.s32 $0x1, s0  }
0x3ab: {  	v11 =	vnsel vm1, $0x0, v8;
	v8 =	vld.idx.msk [tilespmem:v9+s23+$0x0], vm0;
	vm1 =	vmmov vm0;
	vm0 =	vlt.u32 v10, v1  }
0x3ac: {  	v9 =	vadd.s32 s1, v0;
	v3 =	vadd.f32 v11, v3  }
0x3ad: {  	_ =	sdelay $0x4  }
0x3ae: {  	v9 =	vld.idx.msk [tilespmem:v9+s23+$0x0], vm0;
	_ =	sdelay $0x2  }
0x3af: {  	v4 =	vadd.f32 v5, v4;
	v8 =	vnsel vm1, $0x0, v8  }
0x3b0: {  	vm15 =	vmmov vm0;
	v5 =	vadd.f32 v7, v6;
	v3 =	vadd.f32 v8, v3  }
0x3b1: {  	(v2sf) =	vpush v2, $0xF;
	v6 =	vnsel vm15, $0x0, v9  }
0x3b2: {  	v2 =	vadd.f32 v6, v3;
	v3 =	vadd.f32 v5, v4;
	_ =	sdelay $0x1  }
0x3b3: {  	v4 =	vadd.f32 v2, v3;
	_ =	sdelay $0x1  }
0x3b4: {  	(xrf2) =	vadd.scan.msk.f32 $0xffff, v4;
	_ =	sdelay $0x7  }
0x3b5: {  	s0 =	simm.s32 $0x0  }
0x3b6: {  	s6 =	simm.s32 $0xF;
	v9 =	vor.u32 s0, v0  }
0x3b7: {  	s3 =	simm.s32 $0x4;
	v10 =	vadd.s32 s6, v0;
	s1 =	spop (v2sf);
	v5, _, _ =	vpop (xrf2)  }
0x3b8: {  	s7 =	simm.s32 $0x3;
	v7 =	vadd.s32 s3, v0;
	_ =	swait.ge [sflag:s29], $0x4000  }
0x3b9: {  	s3 =	simm.s32 $0x7;
	v8 =	vadd.s32 s7, v0;
	[sflag:s29] =	ssyncset.done $0x0  }
0x3ba: {  	s4 =	simm.s32 $0x6;
	v2 =	vadd.s32 s3, v0;
	[sflag:s29] =	ssyncadd.s32 $0xFFFFC000  }
0x3bb: {  	s5 =	simm.s32 $0x2;
	v3 =	vadd.s32 s4, v0;
	v11 =	vld.idx.msk [tilespmem:v9+s23+$0x0], $0xffff  }
0x3bc: {  	s6 =	simm.s32 $0x1;
	v24 =	vadd.s32 s5, v0;
	v14 =	vld.idx.msk [tilespmem:v10+s23+$0x0], $0xffff  }
0x3bd: {  	v25 =	vadd.s32 s6, v0;
	s7 =	simm.s32 $0x5;
	v27 =	vld.idx.msk [tilespmem:v7+s23+$0x0], $0xffff  }
0x3be: {  	v6 =	vadd.s32 s7, v0;
	s4 =	simm.s32 $0xE;
	v15 =	vld.idx.msk [tilespmem:v8+s23+$0x0], $0xffff  }
0x3bf: {  	v18 =	vadd.s32 s4, v0;
	v16 =	vld.idx.msk [tilespmem:v2+s23+$0x0], $0xffff  }
0x3c0: {  	s5 =	simm.s32 $0x8;
	v29 =	vld.idx.msk [tilespmem:v3+s23+$0x0], $0xffff  }
0x3c1: {  	s6 =	simm.s32 $0x9;
	v22 =	vadd.s32 s5, v0;
	v26 =	vld.idx.msk [tilespmem:v24+s23+$0x0], $0xffff  }
0x3c2: {  	v23 =	vadd.s32 s6, v0;
	v17 =	vld.idx.msk [tilespmem:v25+s23+$0x0], $0xffff  }
0x3c3: {  	s4 =	simm.s32 $0xA;
	v20 =	vld.idx.msk [tilespmem:v6+s23+$0x0], $0xffff  }
0x3c4: {  	s5 =	simm.s32 $0xB;
	v19 =	vadd.s32 s4, v0;
	s7 =	sadd.f32 $0.0e+00, s1;
	v4 =	vsub.f32 v5, v4;
	v13 =	vld.idx.msk [tilespmem:v18+s23+$0x0], $0xffff  }
0x3c5: {  	v21 =	vadd.s32 s5, v0  }
0x3c6: {  	s6 =	simm.s32 $0xC;
	v12 =	vadd.f32 s7, v4;
	v34 =	vld.idx.msk [tilespmem:v22+s23+$0x0], $0xffff;
	v4 =	vadd.f32 v16, v29  }
0x3c7: {  	s7 =	simm.s32 $0xD;
	v35 =	vld.idx.msk [tilespmem:v23+s23+$0x0], $0xffff;
	v5 =	vadd.f32 v15, v26;
	v28 =	vadd.f32 v17, v11;
	v17 =	vadd.s32 s6, v0  }
0x3c8: {  	s31 =	simm.s32 $0x10;
	s5 =	simm.s32 $0x14;
	v30 =	vadd.f32 v11, v12;
	v31 =	vadd.f32 v20, v27;
	v15 =	vadd.s32 s7, v0  }
0x3c9: {  	s3 =	simm.s32 $0x1F;
	s4 =	simm.s32 $0x15;
	v38 =	vld.idx.msk [tilespmem:v19+s23+$0x0], $0xffff;
	v11 =	vor.u32 s31, v0;
	v32 =	vadd.f32 v14, v13;
	v16 =	vadd.s32 s5, v0  }
0x3ca: {  	s1 =	simm.s32 $0x1E;
	v40 =	vld.idx.msk [tilespmem:v21+s23+$0x0], $0xffff;
	v20 =	vadd.s32 s4, v0;
	v39 =	vadd.f32 v4, v31;
	v4 =	vadd.s32 s3, v0  }
0x3cb: {  	[tilespmem:v9+s26+$0x0] =	vst.idx.msk $0xffff, v12;
	s6 =	simm.s32 $0x11;
	s7 =	simm.s32 $0x12;
	v37 =	vadd.f32 v5, v28;
	v5 =	vadd.s32 s1, v0;
	v41 =	vadd.f32 v28, v12  }
0x3cc: {  	v42 =	vadd.f32 v35, v34;
	v14 =	vadd.s32 s6, v0;
	v9 =	vadd.s32 s7, v0;
	[tilespmem:v25+s26+$0x0] =	vst.idx.msk $0xffff, v30;
	v36 =	vld.idx.msk [tilespmem:v17+s23+$0x0], $0xffff  }
0x3cd: {  	s5 =	simm.s32 $0x13;
	v33 =	vadd.f32 v37, v12;
	[tilespmem:v24+s26+$0x0] =	vst.idx.msk $0xffff, v41;
	v39 =	vadd.f32 v39, v37;
	v43 =	vld.idx.msk [tilespmem:v15+s23+$0x0], $0xffff  }
0x3ce: {  	s6 =	simm.s32 $0x16;
	v41 =	vadd.f32 v26, v28;
	v24 =	vadd.s32 s5, v0;
	v26 =	vadd.f32 v31, v37;
	v30 =	vld.idx.msk [tilespmem:v11+s23+$0x0], $0xffff  }
0x3cf: {  	s7 =	simm.s32 $0x17;
	v25 =	vadd.s32 s6, v0;
	v45 =	vadd.f32 v37, v27;
	v37 =	vadd.f32 v39, v12;
	v28 =	vld.idx.msk [tilespmem:v4+s23+$0x0], $0xffff  }
0x3d0: {  	s0 =	simm.s32 $0x20;
	v44 =	vadd.f32 v38, v42;
	v31 =	vadd.s32 s7, v0;
	v39 =	vadd.f32 v26, v29;
	v29 =	vmovc v12;
	v27 =	vld.idx.msk [tilespmem:v5+s23+$0x0], $0xffff  }
.LBB2_46:
0x3d1: {  	v46 =	vor.u32 s0, v0;
	v45 =	vadd.f32 v45, v12;
	v34 =	vadd.f32 v34, v37;
	v47 =	vmovc v6  }
0x3d2: {  	p0 =	slt.u32 s0, $0x3E0;
	v35 =	vld.idx.msk [tilespmem:v16+s23+$0x0], $0xffff;
	v6 =	vmovc v20;
	v48 =	vmovc v3;
	v3 =	vmov v25;
	v49 =	vmov v2;
	v2 =	vmov v31;
	s1 =	smov.u32 s0;
	s0 =	sadd.s32 $0x10, s0  }
0x3d3: {  	v38 =	vadd.f32 v40, v38;
	v50 =	vld.idx.msk [tilespmem:v24+s23+$0x0], $0xffff;
	[tilespmem:v22+s26+$0x0] =	vst.idx.msk $0xffff, v37;
	v22 =	vadd.f32 v42, v37  }
0x3d4: {  	v40 =	vadd.f32 v43, v36;
	v31 =	vld.idx.msk [tilespmem:v31+s23+$0x0], $0xffff;
	[tilespmem:v23+s26+$0x0] =	vst.idx.msk $0xffff, v34;
	v23 =	vadd.f32 v44, v37  }
0x3d5: {  	s3 =	sadd.s32 $0xB, s31;
	v34 =	vadd.f32 v41, v12;
	v38 =	vadd.f32 v38, v42;
	v20 =	vld.idx.msk [tilespmem:v20+s23+$0x0], $0xffff;
	[tilespmem:v19+s26+$0x0] =	vst.idx.msk $0xffff, v22  }
0x3d6: {  	s4 =	sadd.s32 $0x8, s31;
	s5 =	sadd.s32 $0x9, s31;
	s6 =	sadd.s32 $0xA, s31;
	v39 =	vadd.f32 v39, v12;
	v12 =	vadd.f32 v32, v40;
	v44 =	vld.idx.msk [tilespmem:v25+s23+$0x0], $0xffff  }
0x3d7: {  	v22 =	vadd.s32 s4, v0;
	v19 =	vadd.s32 s6, v0;
	v25 =	vadd.f32 v40, v38;
	v41 =	vld.idx.msk [tilespmem:v9+s23+$0x0], $0xffff;
	[tilespmem:v21+s26+$0x0] =	vst.idx.msk $0xffff, v23  }
0x3d8: {  	v23 =	vadd.s32 s5, v0;
	v21 =	vadd.f32 v38, v36;
	v12 =	vadd.f32 v12, v38;
	v32 =	vld.idx.msk [tilespmem:v14+s23+$0x0], $0xffff  }
0x3d9: {  	v36 =	vadd.f32 v25, v13;
	[tilespmem:v8+s26+$0x0] =	vst.idx.msk $0xffff, v34;
	v34 =	vadd.f32 v38, v37;
	v8 =	vmov v24  }
0x3da: {  	v24 =	vadd.f32 v21, v37;
	v12 =	vadd.f32 v12, v37;
	[tilespmem:v7+s26+$0x0] =	vst.idx.msk $0xffff, v33;
	v7 =	vmov v16  }
0x3db: {  	v13 =	vmov v27;
	v16 =	vadd.f32 v25, v37;
	v25 =	vadd.f32 v36, v37;
	[tilespmem:v17+s26+$0x0] =	vst.idx.msk $0xffff, v34  }
0x3dc: {  	v21 =	vadd.s32 s3, v0;
	v27 =	vadd.f32 v31, v44;
	v34 =	vld.idx.msk [tilespmem:v22+s23+$0x0], $0xffff;
	[tilespmem:v15+s26+$0x0] =	vst.idx.msk $0xffff, v24  }
0x3dd: {  	s4 =	sadd.s32 $0xD, s31;
	s3 =	sadd.s32 $0xC, s31;
	s31 =	smov.u32 s1;
	v31 =	vadd.f32 v30, v12;
	v24 =	vadd.f32 v50, v41;
	v37 =	vld.idx.msk [tilespmem:v23+s23+$0x0], $0xffff;
	[tilespmem:v18+s26+$0x0] =	vst.idx.msk $0xffff, v16  }
0x3de: {  	v42 =	vadd.f32 v20, v35;
	v17 =	vadd.s32 s3, v0;
	v18 =	vadd.f32 v32, v30;
	[tilespmem:v10+s26+$0x0] =	vst.idx.msk $0xffff, v25  }
0x3df: {  	v15 =	vadd.s32 s4, v0;
	v32 =	vadd.f32 v28, v13;
	v10 =	vadd.f32 v26, v29;
	[tilespmem:v47+s26+$0x0] =	vst.idx.msk $0xffff, v45  }
0x3e0: {  	s1 =	sadd.s32 $0xE, s31;
	s3 =	sadd.s32 $0xF, s31;
	v45 =	vadd.f32 v24, v18;
	v24 =	vadd.f32 v27, v42;
	[tilespmem:v11+s26+$0x0] =	vst.idx.msk $0xffff, v12;
	v38 =	vld.idx.msk [tilespmem:v19+s23+$0x0], $0xffff  }
0x3e1: {  	s5 =	sadd.s32 $0x5, s31;
	s6 =	sadd.s32 $0x6, s31;
	s4 =	sadd.s32 $0x4, s31;
	v27 =	vadd.s32 s1, v0;
	v47 =	vadd.s32 s3, v0;
	v25 =	vadd.f32 v18, v12;
	[tilespmem:v14+s26+$0x0] =	vst.idx.msk $0xffff, v31;
	v40 =	vld.idx.msk [tilespmem:v21+s23+$0x0], $0xffff  }
0x3e2: {  	s7 =	sadd.s32 $0x3, s31;
	v20 =	vadd.s32 s5, v0;
	v16 =	vadd.s32 s4, v0;
	s1 =	sadd.s32 $0x1, s31;
	s3 =	sadd.s32 $0x2, s31;
	v11 =	vmovc v46;
	v33 =	vadd.f32 v45, v12;
	[tilespmem:v48+s26+$0x0] =	vst.idx.msk $0xffff, v10  }
.Ltmp22:
0x3e3: {  	v14 =	vadd.s32 s1, v0;
	v10 =	vadd.f32 v24, v45;
	[tilespmem:v9+s26+$0x0] =	vst.idx.msk $0xffff, v25;
	v9 =	vadd.s32 s3, v0;
	v36 =	vld.idx.msk [tilespmem:v17+s23+$0x0], $0xffff;
	(pc) =	sbr.rel @p0 .LBB2_46-.Ltmp22, $4  }
0x3e4: {  	v41 =	vadd.f32 v41, v18;
	s1 =	sadd.s32 $0x7, s31;
	v24 =	vadd.s32 s7, v0;
	v25 =	vadd.s32 s6, v0;
	v43 =	vld.idx.msk [tilespmem:v15+s23+$0x0], $0xffff;
	[tilespmem:v49+s26+$0x0] =	vst.idx.msk $0xffff, v39  }
0x3e5: {  	v29 =	vmovc v12;
	v26 =	vadd.f32 v42, v45;
	v31 =	vadd.s32 s1, v0;
	v42 =	vadd.f32 v37, v34;
	v30 =	vld.idx.msk [tilespmem:v46+s23+$0x0], $0xffff  }
0x3e6: {  	v18 =	vmovc v5;
	v5 =	vmov v27;
	v45 =	vadd.f32 v45, v35;
	v37 =	vadd.f32 v10, v12;
	v28 =	vld.idx.msk [tilespmem:v47+s23+$0x0], $0xffff  }
0x3e7: {  	v39 =	vadd.f32 v26, v44;
	v44 =	vadd.f32 v38, v42;
	v10 =	vmovc v4;
	v4 =	vmov v47;
	v27 =	vld.idx.msk [tilespmem:v27+s23+$0x0], $0xffff  }
0x3e8: {  	_ =	sdelay $0x3  }
0x3e9: {  	v35 =	vld.idx.msk [tilespmem:v16+s23+$0x0], $0xffff  }
0x3ea: {  	v46 =	vld.idx.msk [tilespmem:v24+s23+$0x0], $0xffff  }
0x3eb: {  	v45 =	vadd.f32 v45, v12;
	v50 =	vld.idx.msk [tilespmem:v31+s23+$0x0], $0xffff  }
0x3ec: {  	v34 =	vadd.f32 v34, v37;
	v38 =	vadd.f32 v40, v38;
	v52 =	vld.idx.msk [tilespmem:v20+s23+$0x0], $0xffff  }
0x3ed: {  	[tilespmem:v22+s26+$0x0] =	vst.idx.msk $0xffff, v37;
	v49 =	vadd.f32 v42, v37;
	v41 =	vadd.f32 v41, v12;
	v54 =	vld.idx.msk [tilespmem:v9+s23+$0x0], $0xffff  }
0x3ee: {  	s3 =	sadd.s32 $0xA, s31;
	v55 =	vld.idx.msk [tilespmem:v14+s23+$0x0], $0xffff;
	v43 =	vadd.f32 v43, v36;
	[tilespmem:v23+s26+$0x0] =	vst.idx.msk $0xffff, v34;
	v38 =	vadd.f32 v38, v42  }
0x3ef: {  	s0 =	sadd.s32 $0x8, s31;
	v51 =	vadd.f32 v44, v37;
	v44 =	vadd.s32 s3, v0;
	[tilespmem:v8+s26+$0x0] =	vst.idx.msk $0xffff, v41;
	v41 =	vadd.f32 v39, v12  }
0x3f0: {  	v42 =	vadd.s32 s0, v0;
	[tilespmem:v19+s26+$0x0] =	vst.idx.msk $0xffff, v49;
	v53 =	vadd.f32 v32, v43;
	v43 =	vadd.f32 v43, v38  }
0x3f1: {  	s1 =	sadd.s32 $0x9, s31;
	v19 =	vld.idx.msk [tilespmem:v25+s23+$0x0], $0xffff;
	[tilespmem:v7+s26+$0x0] =	vst.idx.msk $0xffff, v33;
	v56 =	vadd.f32 v38, v36;
	v58 =	vadd.f32 v38, v37  }
0x3f2: {  	s4 =	sadd.s32 $0xB, s31;
	v23 =	vadd.s32 s1, v0;
	[tilespmem:v6+s26+$0x0] =	vst.idx.msk $0xffff, v45;
	v6 =	vadd.f32 v26, v29;
	v22 =	vadd.f32 v53, v38  }
0x3f3: {  	s6 =	sadd.s32 $0xD, s31;
	v33 =	vadd.s32 s4, v0;
	v62 =	vadd.f32 v46, v54;
	v63 =	vadd.f32 v55, v30  }
0x3f4: {  	s5 =	sadd.s32 $0xC, s31;
	v40 =	vadd.s32 s6, v0;
	[tilespmem:v21+s26+$0x0] =	vst.idx.msk $0xffff, v51;
	v34 =	vadd.f32 v52, v35;
	v57 =	vadd.f32 v43, v13  }
0x3f5: {  	v7 =	vadd.f32 v56, v37;
	[tilespmem:v17+s26+$0x0] =	vst.idx.msk $0xffff, v58;
	v17 =	vadd.s32 s5, v0;
	v46 =	vld.idx.msk [tilespmem:v44+s23+$0x0], $0xffff  }
0x3f6: {  	v59 =	vadd.f32 v43, v37;
	[tilespmem:v3+s26+$0x0] =	vst.idx.msk $0xffff, v6;
	v61 =	vld.idx.msk [tilespmem:v42+s23+$0x0], $0xffff;
	v60 =	vadd.f32 v50, v19  }
0x3f7: {  	v22 =	vadd.f32 v22, v37;
	v47 =	vadd.f32 v62, v63;
	[tilespmem:v15+s26+$0x0] =	vst.idx.msk $0xffff, v7;
	v7 =	vld.idx.msk [tilespmem:v23+s23+$0x0], $0xffff  }
0x3f8: {  	[tilespmem:v2+s26+$0x0] =	vst.idx.msk $0xffff, v41;
	v8 =	vadd.f32 v57, v37;
	v49 =	vld.idx.msk [tilespmem:v33+s23+$0x0], $0xffff;
	v48 =	vadd.f32 v60, v34  }
0x3f9: {  	v28 =	vadd.f32 v28, v27;
	v52 =	vld.idx.msk [tilespmem:v40+s23+$0x0], $0xffff;
	v3 =	vadd.f32 v54, v63;
	[tilespmem:v18+s26+$0x0] =	vst.idx.msk $0xffff, v59  }
0x3fa: {  	v43 =	vadd.f32 v30, v22;
	[tilespmem:v10+s26+$0x0] =	vst.idx.msk $0xffff, v8;
	v50 =	vld.idx.msk [tilespmem:v17+s23+$0x0], $0xffff;
	v10 =	vadd.f32 v48, v47  }
0x3fb: {  	[tilespmem:v11+s26+$0x0] =	vst.idx.msk $0xffff, v22;
	v51 =	vadd.f32 v63, v22;
	v3 =	vadd.f32 v3, v22  }
0x3fc: {  	[tilespmem:v14+s26+$0x0] =	vst.idx.msk $0xffff, v43;
	v7 =	vadd.f32 v7, v61;
	v6 =	vadd.f32 v10, v22  }
0x3fd: {  	v8 =	vadd.f32 v47, v35;
	[tilespmem:v9+s26+$0x0] =	vst.idx.msk $0xffff, v51;
	v56 =	vadd.f32 v49, v46  }
0x3fe: {  	[tilespmem:v24+s26+$0x0] =	vst.idx.msk $0xffff, v3;
	v55 =	vadd.f32 v46, v7;
	v2 =	vadd.f32 v61, v6  }
0x3ff: {  	[tilespmem:v42+s26+$0x0] =	vst.idx.msk $0xffff, v6;
	v57 =	vadd.f32 v7, v6;
	v58 =	vadd.f32 v52, v50  }
0x400: {  	v7 =	vadd.f32 v56, v7;
	[tilespmem:v23+s26+$0x0] =	vst.idx.msk $0xffff, v2;
	v2 =	vadd.f32 v55, v6  }
0x401: {  	v53 =	vadd.f32 v47, v22;
	v8 =	vadd.f32 v8, v22;
	[tilespmem:v44+s26+$0x0] =	vst.idx.msk $0xffff, v57  }
0x402: {  	v59 =	vadd.f32 v58, v7;
	[tilespmem:v33+s26+$0x0] =	vst.idx.msk $0xffff, v2;
	v2 =	vadd.f32 v7, v50  }
0x403: {  	s7 =	simm.s32 $0x3F0;
	v54 =	vadd.f32 v34, v47;
	[tilespmem:v16+s26+$0x0] =	vst.idx.msk $0xffff, v53;
	v3 =	vadd.f32 v7, v6  }
0x404: {  	v62 =	vmov s7;
	[tilespmem:v20+s26+$0x0] =	vst.idx.msk $0xffff, v8;
	v61 =	vadd.f32 v59, v27;
	v2 =	vadd.f32 v2, v6  }
0x405: {  	vm2 =	vlt.u32 v62, v1;
	[tilespmem:v17+s26+$0x0] =	vst.idx.msk $0xffff, v3;
	v3 =	vadd.f32 v59, v6  }
0x406: {  	v63 =	vadd.s32 s7, v0;
	v60 =	vadd.f32 v54, v19;
	v12 =	vadd.f32 v61, v6;
	[tilespmem:v40+s26+$0x0] =	vst.idx.msk $0xffff, v2  }
0x407: {  	v2 =	vadd.f32 v28, v58;
	[tilespmem:v5+s26+$0x0] =	vst.idx.msk $0xffff, v3;
	v3 =	vadd.f32 v54, v22  }
0x408: {  	s31 =	simm.s32 $0x3F1;
	[tilespmem:v4+s26+$0x0] =	vst.idx.msk $0xffff, v12;
	v4 =	vadd.f32 v60, v22  }
0x409: {  	v2 =	vadd.f32 v2, v7;
	[tilespmem:v25+s26+$0x0] =	vst.idx.msk $0xffff, v3;
	v3 =	vmov s31  }
0x40a: {  	[tilespmem:v31+s26+$0x0] =	vst.idx.msk $0xffff, v4;
	vm1 =	vlt.u32 v3, v1  }
0x40b: {  	v5 =	vadd.s32 s31, v0;
	v2 =	vadd.f32 v2, v6;
	v3 =	vld.idx.msk [tilespmem:v63+s23+$0x0], vm2;
	_ =	sdelay $0x1  }
0x40c: {  	s0 =	simm.s32 $0x3F2;
	vm0 =	vmmov vm2;
	[tilespmem:v63+s26+$0x0] =	vst.idx.msk vm2, v2;
	vm2 =	vmmov vm1;
	v4 =	vmov v5  }
.LBB2_48:
0x40d: {  	p0 =	sne.s32 s0, $0x400  }
.Ltmp23:
0x40e: {  	v6 =	vmov s0;
	s1 =	smov.u32 s0;
	s0 =	sadd.s32 $0x1, s0;
	(pc) =	sbr.rel @p0 .LBB2_48-.Ltmp23, $3  }
0x40f: {  	v7 =	vnsel vm0, $0x0, v3;
	v3 =	vld.idx.msk [tilespmem:v5+s23+$0x0], vm1;
	vm0 =	vmmov vm1;
	vm1 =	vlt.u32 v6, v1  }
0x410: {  	v5 =	vadd.s32 s1, v0;
	v2 =	vadd.f32 v7, v2;
	_ =	sdelay $0x1  }
0x411: {  	[tilespmem:v4+s26+$0x0] =	vst.idx.msk vm2, v2;
	v4 =	vmov v5;
	vm2 =	vmmov vm1  }
0x412: {  	_ =	sdelay $0x1  }
0x413: {  	v3 =	vnsel vm0, $0x0, v3  }
0x414: {  	v2 =	vadd.f32 v3, v2;
	_ =	sdelay $0x1  }
0x415: {  	s0 =	simm.s32 $0x0;
	s7 =	simm.s32 $0xC;
	[tilespmem:v4+s26+$0x0] =	vst.idx.msk vm2, v2  }
0x416: {  	v2 =	vor.u32 s0, v0;
	[hbm4b:s15+s20] =	stream.strided.scatter [tilespmem:s26], [sflag:$0x4], $0x4000, s21, s20, $0x38;
	[tilespmem:$0x10000] =	vst v63  }
0x417: {  	s1 =	simm.s32 $0x8;
	v3 =	vadd.s32 s7, v0;
	_ =	swait.ge [sflag:s22], $0x4000  }
0x418: {  	s31 =	simm.s32 $0x4;
	v4 =	vadd.s32 s1, v0;
	[sflag:s22] =	ssyncset.done $0x0  }
0x419: {  	s4 =	simm.s32 $0x7;
	v5 =	vadd.s32 s31, v0;
	s1 =	simm.s32 $0xF;
	[sflag:s22] =	ssyncadd.s32 $0xFFFFC000  }
0x41a: {  	v6 =	vadd.s32 s1, v0;
	[tilespmem:s23], [sflag:$0x2] =	stream.strided.gather [hbm4b:s16+s20], $0x4000, s21, s20, $0x38;
	[tilespmem:$0x10000] =	vst v63  }
0x41b: {  	s5 =	simm.s32 $0x3;
	v8 =	vadd.s32 s4, v0;
	v7 =	vld.idx.msk [tilespmem:v2+s2+$0x0], $0xffff  }
0x41c: {  	s3 =	simm.s32 $0xB;
	v9 =	vadd.s32 s5, v0;
	v3 =	vld.idx.msk [tilespmem:v3+s2+$0x0], $0xffff  }
0x41d: {  	s6 =	simm.s32 $0x1;
	v2 =	vadd.s32 s3, v0;
	v15 =	vld.idx.msk [tilespmem:v4+s2+$0x0], $0xffff  }
0x41e: {  	v10 =	vadd.s32 s6, v0;
	s7 =	simm.s32 $0x2;
	v5 =	vld.idx.msk [tilespmem:v5+s2+$0x0], $0xffff  }
0x41f: {  	s31 =	simm.s32 $0x5;
	v11 =	vadd.s32 s7, v0;
	v4 =	vld.idx.msk [tilespmem:v6+s2+$0x0], $0xffff  }
0x420: {  	s4 =	simm.s32 $0xA;
	v6 =	vadd.s32 s31, v0;
	v14 =	vld.idx.msk [tilespmem:v8+s2+$0x0], $0xffff  }
0x421: {  	v12 =	vadd.s32 s4, v0;
	s1 =	simm.s32 $0x6;
	v8 =	vld.idx.msk [tilespmem:v9+s2+$0x0], $0xffff  }
0x422: {  	s3 =	simm.s32 $0x9;
	v19 =	vld.idx.msk [tilespmem:v2+s2+$0x0], $0xffff;
	v2 =	vadd.s32 s1, v0  }
0x423: {  	s5 =	simm.s32 $0xD;
	v10 =	vld.idx.msk [tilespmem:v10+s2+$0x0], $0xffff;
	v9 =	vadd.s32 s3, v0  }
0x424: {  	s6 =	simm.s32 $0xE;
	v13 =	vld.idx.msk [tilespmem:v11+s2+$0x0], $0xffff;
	v11 =	vadd.s32 s5, v0  }
0x425: {  	s0 =	simm.s32 $0x10;
	v16 =	vld.idx.msk [tilespmem:v6+s2+$0x0], $0xffff;
	v6 =	vadd.s32 s6, v0  }
0x426: {  	s7 =	simm.s32 $0x1C;
	v17 =	vor.u32 s0, v0;
	v23 =	vld.idx.msk [tilespmem:v12+s2+$0x0], $0xffff  }
0x427: {  	v20 =	vadd.s32 s7, v0;
	s3 =	simm.s32 $0x18;
	v18 =	vld.idx.msk [tilespmem:v2+s2+$0x0], $0xffff  }
0x428: {  	s31 =	simm.s32 $0x14;
	v22 =	vadd.s32 s3, v0;
	v21 =	vld.idx.msk [tilespmem:v9+s2+$0x0], $0xffff;
	v2 =	vimm.f32 $0.0e+00  }
0x429: {  	s4 =	simm.s32 $0x1F;
	v24 =	vadd.s32 s31, v0;
	v9 =	vld.idx.msk [tilespmem:v11+s2+$0x0], $0xffff;
	v7 =	vadd.f32 v7, v2;
	v25 =	vadd.f32 v10, v2  }
0x42a: {  	s5 =	simm.s32 $0x1B;
	v11 =	vadd.s32 s4, v0;
	v26 =	vadd.f32 v13, v2;
	v27 =	vadd.f32 v8, v2;
	v10 =	vld.idx.msk [tilespmem:v6+s2+$0x0], $0xffff  }
0x42b: {  	v12 =	vadd.s32 s5, v0;
	s6 =	simm.s32 $0x17;
	v6 =	vld.idx.msk [tilespmem:v17+s2+$0x0], $0xffff;
	v7 =	vadd.f32 v5, v7;
	v17 =	vadd.f32 v16, v25  }
0x42c: {  	s7 =	simm.s32 $0x13;
	v13 =	vadd.s32 s6, v0;
	v8 =	vld.idx.msk [tilespmem:v20+s2+$0x0], $0xffff;
	v20 =	vadd.f32 v14, v27;
	v18 =	vadd.f32 v18, v26  }
0x42d: {  	s31 =	simm.s32 $0x11;
	v14 =	vadd.s32 s7, v0;
	v5 =	vld.idx.msk [tilespmem:v22+s2+$0x0], $0xffff;
	v16 =	vadd.f32 v15, v7;
	v17 =	vadd.f32 v21, v17  }
0x42e: {  	s3 =	simm.s32 $0x12;
	s1 =	simm.s32 $0x20;
	v15 =	vadd.s32 s31, v0;
	v7 =	vld.idx.msk [tilespmem:v24+s2+$0x0], $0xffff;
	v19 =	vadd.f32 v19, v20;
	v18 =	vadd.f32 v23, v18  }
.LBB2_50:
0x42f: {  	p0 =	slt.u32 s1, $0x3E0;
	v20 =	vadd.s32 s3, v0;
	s3 =	sadd.s32 $0x5, s0;
	v11 =	vld.idx.msk [tilespmem:v11+s2+$0x0], $0xffff;
	v16 =	vadd.f32 v3, v16;
	v9 =	vadd.f32 v9, v17  }
0x430: {  	v17 =	vadd.s32 s3, v0;
	s3 =	sadd.s32 $0x6, s0;
	v21 =	vld.idx.msk [tilespmem:v12+s2+$0x0], $0xffff;
	v10 =	vadd.f32 v10, v18;
	v12 =	vadd.f32 v4, v19  }
0x431: {  	v18 =	vadd.s32 s3, v0;
	v19 =	vld.idx.msk [tilespmem:v13+s2+$0x0], $0xffff;
	s3 =	sadd.s32 $0x9, s0  }
0x432: {  	v3 =	vmov v8;
	v13 =	vld.idx.msk [tilespmem:v14+s2+$0x0], $0xffff;
	v14 =	vadd.s32 s3, v0;
	s3 =	sadd.s32 $0xA, s0  }
0x433: {  	v8 =	vld.idx.msk [tilespmem:v15+s2+$0x0], $0xffff;
	v15 =	vadd.s32 s3, v0;
	s3 =	sadd.s32 $0xD, s0  }
0x434: {  	v20 =	vld.idx.msk [tilespmem:v20+s2+$0x0], $0xffff;
	v22 =	vadd.s32 s3, v0;
	s3 =	sadd.s32 $0xE, s0;
	s0 =	smov.u32 s1  }
0x435: {  	v4 =	vmov v11;
	v17 =	vld.idx.msk [tilespmem:v17+s2+$0x0], $0xffff;
	v23 =	vadd.s32 s3, v0  }
0x436: {  	v24 =	vor.u32 s1, v0;
	s3 =	sadd.s32 $0xC, s1;
	v18 =	vld.idx.msk [tilespmem:v18+s2+$0x0], $0xffff  }
0x437: {  	s4 =	sadd.s32 $0x8, s1;
	v25 =	vadd.s32 s3, v0;
	v26 =	vld.idx.msk [tilespmem:v14+s2+$0x0], $0xffff  }
0x438: {  	v27 =	vadd.s32 s4, v0;
	s3 =	sadd.s32 $0x4, s1;
	v28 =	vld.idx.msk [tilespmem:v15+s2+$0x0], $0xffff  }
0x439: {  	v29 =	vadd.s32 s3, v0;
	s3 =	sadd.s32 $0xF, s1;
	v14 =	vadd.f32 v6, v16;
	v8 =	vadd.f32 v8, v9;
	v9 =	vld.idx.msk [tilespmem:v22+s2+$0x0], $0xffff  }
.Ltmp24:
0x43a: {  	s4 =	sadd.s32 $0xB, s1;
	v16 =	vadd.f32 v13, v12;
	v11 =	vadd.s32 s3, v0;
	v15 =	vadd.f32 v20, v10;
	v10 =	vld.idx.msk [tilespmem:v23+s2+$0x0], $0xffff;
	(pc) =	sbr.rel @p0 .LBB2_50-.Ltmp24, $4  }
0x43b: {  	v12 =	vadd.s32 s4, v0;
	s3 =	sadd.s32 $0x7, s1;
	v7 =	vadd.f32 v7, v14;
	v17 =	vadd.f32 v17, v8;
	v6 =	vld.idx.msk [tilespmem:v24+s2+$0x0], $0xffff  }
0x43c: {  	s4 =	sadd.s32 $0x3, s1;
	v13 =	vadd.s32 s3, v0;
	v19 =	vadd.f32 v19, v16;
	v18 =	vadd.f32 v18, v15;
	v8 =	vld.idx.msk [tilespmem:v25+s2+$0x0], $0xffff  }
0x43d: {  	s3 =	sadd.s32 $0x1, s1;
	v14 =	vadd.s32 s4, v0;
	v16 =	vadd.f32 v5, v7;
	v17 =	vadd.f32 v26, v17;
	v5 =	vld.idx.msk [tilespmem:v27+s2+$0x0], $0xffff  }
0x43e: {  	s1 =	sadd.s32 $0x10, s1;
	v15 =	vadd.s32 s3, v0;
	s3 =	sadd.s32 $0x2, s0;
	v19 =	vadd.f32 v21, v19;
	v18 =	vadd.f32 v28, v18;
	v7 =	vld.idx.msk [tilespmem:v29+s2+$0x0], $0xffff  }
0x43f: {  	_ =	sdelay $0x3  }
0x440: {  	v20 =	vadd.s32 s3, v0;
	s1 =	sadd.s32 $0x5, s0;
	v11 =	vld.idx.msk [tilespmem:v11+s2+$0x0], $0xffff  }
0x441: {  	s31 =	sadd.s32 $0x6, s0;
	v12 =	vld.idx.msk [tilespmem:v12+s2+$0x0], $0xffff;
	v21 =	vadd.s32 s1, v0  }
0x442: {  	v13 =	vld.idx.msk [tilespmem:v13+s2+$0x0], $0xffff;
	s3 =	sadd.s32 $0x9, s0;
	v22 =	vadd.s32 s31, v0  }
0x443: {  	v14 =	vld.idx.msk [tilespmem:v14+s2+$0x0], $0xffff;
	s4 =	sadd.s32 $0xA, s0;
	v23 =	vadd.s32 s3, v0  }
0x444: {  	v15 =	vld.idx.msk [tilespmem:v15+s2+$0x0], $0xffff;
	s5 =	sadd.s32 $0xD, s0;
	v24 =	vadd.s32 s4, v0  }
0x445: {  	s6 =	sadd.s32 $0xE, s0;
	v25 =	vadd.s32 s5, v0;
	v20 =	vld.idx.msk [tilespmem:v20+s2+$0x0], $0xffff  }
0x446: {  	v26 =	vadd.s32 s6, v0;
	v21 =	vld.idx.msk [tilespmem:v21+s2+$0x0], $0xffff  }
0x447: {  	v3 =	vadd.f32 v3, v16;
	v9 =	vadd.f32 v9, v17;
	v59 =	vld.idx.msk [tilespmem:v22+s2+$0x0], $0xffff  }
0x448: {  	v10 =	vadd.f32 v10, v18;
	v4 =	vadd.f32 v4, v19;
	v60 =	vld.idx.msk [tilespmem:v23+s2+$0x0], $0xffff  }
0x449: {  	v3 =	vadd.f32 v6, v3;
	v6 =	vadd.f32 v15, v9;
	v61 =	vld.idx.msk [tilespmem:v24+s2+$0x0], $0xffff  }
0x44a: {  	s7 =	simm.s32 $0x3F0;
	v4 =	vadd.f32 v14, v4;
	v9 =	vld.idx.msk [tilespmem:v25+s2+$0x0], $0xffff;
	v10 =	vadd.f32 v20, v10  }
0x44b: {  	v62 =	vmov s7;
	v3 =	vadd.f32 v7, v3;
	v63 =	vld.idx.msk [tilespmem:v26+s2+$0x0], $0xffff;
	v6 =	vadd.f32 v21, v6  }
0x44c: {  	vm1 =	vlt.u32 v62, v1;
	v4 =	vadd.f32 v13, v4;
	v7 =	vadd.f32 v59, v10  }
0x44d: {  	v3 =	vadd.f32 v5, v3;
	v10 =	vadd.s32 s7, v0;
	v5 =	vadd.f32 v60, v6  }
0x44e: {  	v6 =	vadd.f32 v61, v7;
	v7 =	vadd.f32 v12, v4  }
0x44f: {  	s31 =	simm.s32 $0x3F1;
	v4 =	vadd.f32 v9, v5  }
0x450: {  	v5 =	vadd.f32 v63, v6;
	v6 =	vadd.f32 v11, v7;
	v7 =	vmov s31  }
0x451: {  	vm0 =	vlt.u32 v7, v1  }
0x452: {  	s0 =	simm.s32 $0x3F2;
	v3 =	vadd.f32 v8, v3;
	v8 =	vadd.s32 s31, v0;
	v7 =	vld.idx.msk [tilespmem:v10+s2+$0x0], vm1;
	vm1 =	vmmov vm1  }
.LBB2_52:
0x453: {  	p0 =	sne.s32 s0, $0x400  }
.Ltmp25:
0x454: {  	_ = 	snop;
	(pc) =	sbr.rel @p0 .LBB2_52-.Ltmp25, $4  }
0x455: {  	_ = 	snop  }
0x456: {  	v9 =	vmov s0;
	s1 =	smov.u32 s0;
	s0 =	sadd.s32 $0x1, s0  }
0x457: {  	v10 =	vnsel vm1, $0x0, v7;
	v7 =	vld.idx.msk [tilespmem:v8+s2+$0x0], vm0;
	vm1 =	vmmov vm0;
	vm0 =	vlt.u32 v9, v1  }
0x458: {  	v8 =	vadd.s32 s1, v0;
	v2 =	vadd.f32 v10, v2  }
0x459: {  	_ =	sdelay $0x4  }
0x45a: {  	v8 =	vld.idx.msk [tilespmem:v8+s2+$0x0], vm0;
	_ =	sdelay $0x2  }
0x45b: {  	v3 =	vadd.f32 v4, v3;
	v7 =	vnsel vm1, $0x0, v7  }
0x45c: {  	vm15 =	vmmov vm0;
	v4 =	vadd.f32 v6, v5;
	v2 =	vadd.f32 v7, v2  }
0x45d: {  	v5 =	vnsel vm15, $0x0, v8  }
0x45e: {  	v3 =	vadd.f32 v4, v3;
	v2 =	vadd.f32 v5, v2;
	_ =	sdelay $0x1  }
0x45f: {  	v5 =	vadd.f32 v2, v3;
	_ =	sdelay $0x1  }
0x460: {  	(xrf2) =	vadd.scan.msk.f32 $0xffff, v5;
	_ =	sdelay $0x7  }
0x461: {  	s0 =	simm.s32 $0x0  }
0x462: {  	s6 =	simm.s32 $0xF;
	v10 =	vor.u32 s0, v0  }
0x463: {  	s1 =	simm.s32 $0x4;
	v11 =	vadd.s32 s6, v0;
	v2, _, _ =	vpop (xrf2)  }
0x464: {  	s7 =	simm.s32 $0x3;
	v8 =	vadd.s32 s1, v0;
	_ =	swait.ge [sflag:s28], $0x4000  }
0x465: {  	v9 =	vadd.s32 s7, v0;
	s1 =	simm.s32 $0x7;
	[sflag:s28] =	ssyncset.done $0x0  }
0x466: {  	s3 =	simm.s32 $0x6;
	v3 =	vadd.s32 s1, v0;
	[sflag:s28] =	ssyncadd.s32 $0xFFFFC000  }
0x467: {  	s4 =	simm.s32 $0x2;
	v4 =	vadd.s32 s3, v0;
	v6 =	vld.idx.msk [tilespmem:v10+s2+$0x0], $0xffff  }
0x468: {  	s5 =	simm.s32 $0x1;
	v25 =	vadd.s32 s4, v0;
	v15 =	vld.idx.msk [tilespmem:v11+s2+$0x0], $0xffff  }
0x469: {  	s6 =	simm.s32 $0x5;
	v26 =	vadd.s32 s5, v0;
	v28 =	vld.idx.msk [tilespmem:v8+s2+$0x0], $0xffff  }
0x46a: {  	s7 =	simm.s32 $0xE;
	v7 =	vadd.s32 s6, v0;
	v12 =	vld.idx.msk [tilespmem:v9+s2+$0x0], $0xffff  }
0x46b: {  	v19 =	vadd.s32 s7, v0;
	s1 =	simm.s32 $0x8;
	v16 =	vld.idx.msk [tilespmem:v3+s2+$0x0], $0xffff  }
0x46c: {  	s3 =	simm.s32 $0x9;
	v23 =	vadd.s32 s1, v0;
	v30 =	vld.idx.msk [tilespmem:v4+s2+$0x0], $0xffff  }
0x46d: {  	v24 =	vadd.s32 s3, v0;
	v27 =	vld.idx.msk [tilespmem:v25+s2+$0x0], $0xffff  }
0x46e: {  	v17 =	vld.idx.msk [tilespmem:v26+s2+$0x0], $0xffff  }
0x46f: {  	s4 =	simm.s32 $0xA;
	v21 =	vld.idx.msk [tilespmem:v7+s2+$0x0], $0xffff  }
0x470: {  	s5 =	simm.s32 $0xB;
	v20 =	vadd.s32 s4, v0;
	v14 =	vld.idx.msk [tilespmem:v19+s2+$0x0], $0xffff  }
0x471: {  	v22 =	vadd.s32 s5, v0;
	s6 =	simm.s32 $0xC;
	v5 =	vsub.f32 v2, v5;
	v35 =	vld.idx.msk [tilespmem:v23+s2+$0x0], $0xffff  }
0x472: {  	v18 =	vadd.s32 s6, v0;
	v38 =	vld.idx.msk [tilespmem:v24+s2+$0x0], $0xffff  }
0x473: {  	v13 =	vadd.f32 $0.0e+00, v5;
	v5 =	vadd.f32 v16, v30  }
0x474: {  	s7 =	simm.s32 $0xD;
	v29 =	vadd.f32 v12, v27;
	v31 =	vadd.f32 v17, v6  }
0x475: {  	s31 =	simm.s32 $0x10;
	s1 =	simm.s32 $0x1E;
	v39 =	vld.idx.msk [tilespmem:v20+s2+$0x0], $0xffff;
	v32 =	vadd.f32 v6, v13;
	v36 =	vadd.f32 v21, v28;
	v16 =	vadd.s32 s7, v0  }
0x476: {  	s3 =	simm.s32 $0x14;
	v41 =	vld.idx.msk [tilespmem:v22+s2+$0x0], $0xffff;
	v12 =	vor.u32 s31, v0;
	v33 =	vadd.f32 v15, v14;
	v6 =	vadd.s32 s1, v0  }
0x477: {  	s5 =	simm.s32 $0x1F;
	v37 =	vld.idx.msk [tilespmem:v18+s2+$0x0], $0xffff;
	v17 =	vadd.s32 s3, v0;
	v43 =	vadd.f32 v38, v35;
	v40 =	vadd.f32 v29, v31  }
0x478: {  	s4 =	simm.s32 $0x15;
	s6 =	simm.s32 $0x11;
	[tilespmem:v10+s24+$0x0] =	vst.idx.msk $0xffff, v13;
	s7 =	simm.s32 $0x12;
	v29 =	vadd.f32 v5, v36;
	v5 =	vadd.s32 s5, v0;
	v42 =	vadd.f32 v31, v13  }
0x479: {  	v21 =	vadd.s32 s4, v0;
	v15 =	vadd.s32 s6, v0;
	v10 =	vadd.s32 s7, v0;
	[tilespmem:v26+s24+$0x0] =	vst.idx.msk $0xffff, v32  }
0x47a: {  	s5 =	simm.s32 $0x13;
	v45 =	vadd.f32 v39, v43;
	[tilespmem:v25+s24+$0x0] =	vst.idx.msk $0xffff, v42;
	v63 =	vadd.f32 v29, v40;
	v44 =	vld.idx.msk [tilespmem:v16+s2+$0x0], $0xffff  }
0x47b: {  	s6 =	simm.s32 $0x16;
	v42 =	vadd.f32 v27, v31;
	v25 =	vadd.s32 s5, v0;
	v27 =	vadd.f32 v36, v40;
	v31 =	vld.idx.msk [tilespmem:v12+s2+$0x0], $0xffff  }
0x47c: {  	s7 =	simm.s32 $0x17;
	v26 =	vadd.s32 s6, v0;
	v46 =	vadd.f32 v40, v28;
	v28 =	vld.idx.msk [tilespmem:v6+s2+$0x0], $0xffff;
	v38 =	vadd.f32 v63, v13  }
0x47d: {  	s0 =	simm.s32 $0x20;
	v32 =	vadd.s32 s7, v0;
	v34 =	vadd.f32 v40, v13;
	v40 =	vadd.f32 v27, v30;
	v30 =	vmovc v13;
	v29 =	vld.idx.msk [tilespmem:v5+s2+$0x0], $0xffff  }
.LBB2_54:
0x47e: {  	v47 =	vor.u32 s0, v0;
	v46 =	vadd.f32 v46, v13;
	v35 =	vadd.f32 v35, v38;
	v48 =	vmovc v7  }
0x47f: {  	p0 =	slt.u32 s0, $0x3E0;
	v36 =	vld.idx.msk [tilespmem:v17+s2+$0x0], $0xffff;
	v7 =	vmovc v21;
	v49 =	vmovc v4;
	v4 =	vmov v26;
	v50 =	vmov v3;
	v3 =	vmov v32;
	s1 =	smov.u32 s0;
	s0 =	sadd.s32 $0x10, s0  }
0x480: {  	v39 =	vadd.f32 v41, v39;
	v51 =	vld.idx.msk [tilespmem:v25+s2+$0x0], $0xffff;
	[tilespmem:v23+s24+$0x0] =	vst.idx.msk $0xffff, v38;
	v23 =	vadd.f32 v43, v38  }
0x481: {  	v41 =	vadd.f32 v44, v37;
	v32 =	vld.idx.msk [tilespmem:v32+s2+$0x0], $0xffff;
	[tilespmem:v24+s24+$0x0] =	vst.idx.msk $0xffff, v35;
	v24 =	vadd.f32 v45, v38  }
0x482: {  	s3 =	sadd.s32 $0xB, s31;
	v35 =	vadd.f32 v42, v13;
	v39 =	vadd.f32 v39, v43;
	v21 =	vld.idx.msk [tilespmem:v21+s2+$0x0], $0xffff;
	[tilespmem:v20+s24+$0x0] =	vst.idx.msk $0xffff, v23  }
0x483: {  	s4 =	sadd.s32 $0x8, s31;
	s5 =	sadd.s32 $0x9, s31;
	s6 =	sadd.s32 $0xA, s31;
	v40 =	vadd.f32 v40, v13;
	v13 =	vadd.f32 v33, v41;
	v45 =	vld.idx.msk [tilespmem:v26+s2+$0x0], $0xffff  }
0x484: {  	v23 =	vadd.s32 s4, v0;
	v20 =	vadd.s32 s6, v0;
	v26 =	vadd.f32 v41, v39;
	v42 =	vld.idx.msk [tilespmem:v10+s2+$0x0], $0xffff;
	[tilespmem:v22+s24+$0x0] =	vst.idx.msk $0xffff, v24  }
0x485: {  	v24 =	vadd.s32 s5, v0;
	v22 =	vadd.f32 v39, v37;
	v13 =	vadd.f32 v13, v39;
	v33 =	vld.idx.msk [tilespmem:v15+s2+$0x0], $0xffff  }
0x486: {  	v37 =	vadd.f32 v26, v14;
	[tilespmem:v9+s24+$0x0] =	vst.idx.msk $0xffff, v35;
	v35 =	vadd.f32 v39, v38;
	v9 =	vmov v25  }
0x487: {  	v25 =	vadd.f32 v22, v38;
	v13 =	vadd.f32 v13, v38;
	[tilespmem:v8+s24+$0x0] =	vst.idx.msk $0xffff, v34;
	v8 =	vmov v17  }
0x488: {  	v14 =	vmov v28;
	v17 =	vadd.f32 v26, v38;
	v26 =	vadd.f32 v37, v38;
	[tilespmem:v18+s24+$0x0] =	vst.idx.msk $0xffff, v35  }
0x489: {  	v22 =	vadd.s32 s3, v0;
	v28 =	vadd.f32 v32, v45;
	v35 =	vld.idx.msk [tilespmem:v23+s2+$0x0], $0xffff;
	[tilespmem:v16+s24+$0x0] =	vst.idx.msk $0xffff, v25  }
0x48a: {  	s4 =	sadd.s32 $0xD, s31;
	s3 =	sadd.s32 $0xC, s31;
	s31 =	smov.u32 s1;
	v32 =	vadd.f32 v31, v13;
	v25 =	vadd.f32 v51, v42;
	v38 =	vld.idx.msk [tilespmem:v24+s2+$0x0], $0xffff;
	[tilespmem:v19+s24+$0x0] =	vst.idx.msk $0xffff, v17  }
0x48b: {  	v43 =	vadd.f32 v21, v36;
	v18 =	vadd.s32 s3, v0;
	v19 =	vadd.f32 v33, v31;
	[tilespmem:v11+s24+$0x0] =	vst.idx.msk $0xffff, v26  }
0x48c: {  	v16 =	vadd.s32 s4, v0;
	v33 =	vadd.f32 v29, v14;
	v11 =	vadd.f32 v27, v30;
	[tilespmem:v48+s24+$0x0] =	vst.idx.msk $0xffff, v46  }
0x48d: {  	s1 =	sadd.s32 $0xE, s31;
	s3 =	sadd.s32 $0xF, s31;
	v46 =	vadd.f32 v25, v19;
	v25 =	vadd.f32 v28, v43;
	[tilespmem:v12+s24+$0x0] =	vst.idx.msk $0xffff, v13;
	v39 =	vld.idx.msk [tilespmem:v20+s2+$0x0], $0xffff  }
0x48e: {  	s5 =	sadd.s32 $0x5, s31;
	s6 =	sadd.s32 $0x6, s31;
	s4 =	sadd.s32 $0x4, s31;
	v28 =	vadd.s32 s1, v0;
	v48 =	vadd.s32 s3, v0;
	v26 =	vadd.f32 v19, v13;
	[tilespmem:v15+s24+$0x0] =	vst.idx.msk $0xffff, v32;
	v41 =	vld.idx.msk [tilespmem:v22+s2+$0x0], $0xffff  }
0x48f: {  	s7 =	sadd.s32 $0x3, s31;
	v21 =	vadd.s32 s5, v0;
	v17 =	vadd.s32 s4, v0;
	s1 =	sadd.s32 $0x1, s31;
	s3 =	sadd.s32 $0x2, s31;
	v12 =	vmovc v47;
	v34 =	vadd.f32 v46, v13;
	[tilespmem:v49+s24+$0x0] =	vst.idx.msk $0xffff, v11  }
.Ltmp26:
0x490: {  	v15 =	vadd.s32 s1, v0;
	v11 =	vadd.f32 v25, v46;
	[tilespmem:v10+s24+$0x0] =	vst.idx.msk $0xffff, v26;
	v10 =	vadd.s32 s3, v0;
	v37 =	vld.idx.msk [tilespmem:v18+s2+$0x0], $0xffff;
	(pc) =	sbr.rel @p0 .LBB2_54-.Ltmp26, $4  }
0x491: {  	v42 =	vadd.f32 v42, v19;
	s1 =	sadd.s32 $0x7, s31;
	v25 =	vadd.s32 s7, v0;
	v26 =	vadd.s32 s6, v0;
	v44 =	vld.idx.msk [tilespmem:v16+s2+$0x0], $0xffff;
	[tilespmem:v50+s24+$0x0] =	vst.idx.msk $0xffff, v40  }
0x492: {  	v30 =	vmovc v13;
	v27 =	vadd.f32 v43, v46;
	v32 =	vadd.s32 s1, v0;
	v43 =	vadd.f32 v38, v35;
	v31 =	vld.idx.msk [tilespmem:v47+s2+$0x0], $0xffff  }
0x493: {  	v19 =	vmovc v6;
	v6 =	vmov v28;
	v46 =	vadd.f32 v46, v36;
	v38 =	vadd.f32 v11, v13;
	v29 =	vld.idx.msk [tilespmem:v48+s2+$0x0], $0xffff  }
0x494: {  	v40 =	vadd.f32 v27, v45;
	v45 =	vadd.f32 v39, v43;
	v11 =	vmovc v5;
	v5 =	vmov v48;
	v28 =	vld.idx.msk [tilespmem:v28+s2+$0x0], $0xffff  }
0x495: {  	_ =	sdelay $0x3  }
0x496: {  	v36 =	vld.idx.msk [tilespmem:v17+s2+$0x0], $0xffff  }
0x497: {  	v47 =	vld.idx.msk [tilespmem:v25+s2+$0x0], $0xffff  }
0x498: {  	v46 =	vadd.f32 v46, v13;
	v50 =	vld.idx.msk [tilespmem:v32+s2+$0x0], $0xffff  }
0x499: {  	v35 =	vadd.f32 v35, v38;
	v39 =	vadd.f32 v41, v39;
	v52 =	vld.idx.msk [tilespmem:v21+s2+$0x0], $0xffff  }
0x49a: {  	[tilespmem:v23+s24+$0x0] =	vst.idx.msk $0xffff, v38;
	v49 =	vadd.f32 v43, v38;
	v42 =	vadd.f32 v42, v13;
	v54 =	vld.idx.msk [tilespmem:v10+s2+$0x0], $0xffff  }
0x49b: {  	s3 =	sadd.s32 $0xA, s31;
	v55 =	vld.idx.msk [tilespmem:v15+s2+$0x0], $0xffff;
	v44 =	vadd.f32 v44, v37;
	[tilespmem:v24+s24+$0x0] =	vst.idx.msk $0xffff, v35;
	v39 =	vadd.f32 v39, v43  }
0x49c: {  	s0 =	sadd.s32 $0x8, s31;
	v51 =	vadd.f32 v45, v38;
	v45 =	vadd.s32 s3, v0;
	v40 =	vadd.f32 v40, v13;
	[tilespmem:v9+s24+$0x0] =	vst.idx.msk $0xffff, v42  }
0x49d: {  	v43 =	vadd.s32 s0, v0;
	[tilespmem:v20+s24+$0x0] =	vst.idx.msk $0xffff, v49;
	v53 =	vadd.f32 v33, v44;
	v44 =	vadd.f32 v44, v39  }
0x49e: {  	s1 =	sadd.s32 $0x9, s31;
	v20 =	vld.idx.msk [tilespmem:v26+s2+$0x0], $0xffff;
	[tilespmem:v8+s24+$0x0] =	vst.idx.msk $0xffff, v34;
	v56 =	vadd.f32 v39, v37;
	v58 =	vadd.f32 v39, v38  }
0x49f: {  	s4 =	sadd.s32 $0xB, s31;
	v24 =	vadd.s32 s1, v0;
	[tilespmem:v7+s24+$0x0] =	vst.idx.msk $0xffff, v46;
	v7 =	vadd.f32 v27, v30;
	v23 =	vadd.f32 v53, v39  }
0x4a0: {  	s6 =	sadd.s32 $0xD, s31;
	v34 =	vadd.s32 s4, v0;
	v62 =	vadd.f32 v47, v54;
	v63 =	vadd.f32 v55, v31  }
0x4a1: {  	s5 =	sadd.s32 $0xC, s31;
	v41 =	vadd.s32 s6, v0;
	[tilespmem:v22+s24+$0x0] =	vst.idx.msk $0xffff, v51;
	v57 =	vadd.f32 v44, v14;
	v8 =	vadd.f32 v56, v38  }
0x4a2: {  	[tilespmem:v18+s24+$0x0] =	vst.idx.msk $0xffff, v58;
	v59 =	vadd.f32 v44, v38;
	v18 =	vadd.s32 s5, v0;
	v44 =	vld.idx.msk [tilespmem:v45+s2+$0x0], $0xffff  }
0x4a3: {  	v35 =	vadd.f32 v52, v36;
	[tilespmem:v4+s24+$0x0] =	vst.idx.msk $0xffff, v7;
	v61 =	vld.idx.msk [tilespmem:v43+s2+$0x0], $0xffff;
	v60 =	vadd.f32 v50, v20  }
0x4a4: {  	v23 =	vadd.f32 v23, v38;
	v47 =	vadd.f32 v62, v63;
	[tilespmem:v16+s24+$0x0] =	vst.idx.msk $0xffff, v8;
	v8 =	vld.idx.msk [tilespmem:v24+s2+$0x0], $0xffff  }
0x4a5: {  	[tilespmem:v3+s24+$0x0] =	vst.idx.msk $0xffff, v40;
	v9 =	vadd.f32 v57, v38;
	v49 =	vld.idx.msk [tilespmem:v34+s2+$0x0], $0xffff;
	v48 =	vadd.f32 v60, v35  }
0x4a6: {  	v29 =	vadd.f32 v29, v28;
	v52 =	vld.idx.msk [tilespmem:v41+s2+$0x0], $0xffff;
	v4 =	vadd.f32 v54, v63;
	[tilespmem:v19+s24+$0x0] =	vst.idx.msk $0xffff, v59  }
0x4a7: {  	v42 =	vadd.f32 v31, v23;
	[tilespmem:v11+s24+$0x0] =	vst.idx.msk $0xffff, v9;
	v50 =	vld.idx.msk [tilespmem:v18+s2+$0x0], $0xffff;
	v11 =	vadd.f32 v48, v47  }
0x4a8: {  	[tilespmem:v12+s24+$0x0] =	vst.idx.msk $0xffff, v23;
	v51 =	vadd.f32 v63, v23;
	v4 =	vadd.f32 v4, v23  }
0x4a9: {  	[tilespmem:v15+s24+$0x0] =	vst.idx.msk $0xffff, v42;
	v8 =	vadd.f32 v8, v61;
	v7 =	vadd.f32 v11, v23  }
0x4aa: {  	v9 =	vadd.f32 v47, v36;
	[tilespmem:v10+s24+$0x0] =	vst.idx.msk $0xffff, v51;
	v56 =	vadd.f32 v49, v44  }
0x4ab: {  	[tilespmem:v25+s24+$0x0] =	vst.idx.msk $0xffff, v4;
	v55 =	vadd.f32 v44, v8;
	v3 =	vadd.f32 v61, v7  }
0x4ac: {  	[tilespmem:v43+s24+$0x0] =	vst.idx.msk $0xffff, v7;
	v57 =	vadd.f32 v8, v7;
	v58 =	vadd.f32 v52, v50  }
0x4ad: {  	v8 =	vadd.f32 v56, v8;
	[tilespmem:v24+s24+$0x0] =	vst.idx.msk $0xffff, v3;
	v3 =	vadd.f32 v55, v7  }
0x4ae: {  	v53 =	vadd.f32 v47, v23;
	v9 =	vadd.f32 v9, v23;
	[tilespmem:v45+s24+$0x0] =	vst.idx.msk $0xffff, v57  }
0x4af: {  	v59 =	vadd.f32 v58, v8;
	[tilespmem:v34+s24+$0x0] =	vst.idx.msk $0xffff, v3;
	v3 =	vadd.f32 v8, v50  }
0x4b0: {  	s7 =	simm.s32 $0x3F0;
	v54 =	vadd.f32 v35, v47;
	[tilespmem:v17+s24+$0x0] =	vst.idx.msk $0xffff, v53;
	v4 =	vadd.f32 v8, v7  }
0x4b1: {  	v62 =	vmov s7;
	[tilespmem:v21+s24+$0x0] =	vst.idx.msk $0xffff, v9;
	v61 =	vadd.f32 v59, v28;
	v3 =	vadd.f32 v3, v7  }
0x4b2: {  	vm2 =	vlt.u32 v62, v1;
	[tilespmem:v18+s24+$0x0] =	vst.idx.msk $0xffff, v4;
	v4 =	vadd.f32 v59, v7  }
0x4b3: {  	v63 =	vadd.s32 s7, v0;
	v60 =	vadd.f32 v54, v20;
	v13 =	vadd.f32 v61, v7;
	[tilespmem:v41+s24+$0x0] =	vst.idx.msk $0xffff, v3  }
0x4b4: {  	v3 =	vadd.f32 v29, v58;
	[tilespmem:v6+s24+$0x0] =	vst.idx.msk $0xffff, v4;
	v4 =	vadd.f32 v54, v23  }
0x4b5: {  	s31 =	simm.s32 $0x3F1;
	[tilespmem:v5+s24+$0x0] =	vst.idx.msk $0xffff, v13;
	v5 =	vadd.f32 v60, v23  }
0x4b6: {  	v3 =	vadd.f32 v3, v8;
	[tilespmem:v26+s24+$0x0] =	vst.idx.msk $0xffff, v4;
	v4 =	vmov s31  }
0x4b7: {  	[tilespmem:v32+s24+$0x0] =	vst.idx.msk $0xffff, v5;
	vm1 =	vlt.u32 v4, v1  }
0x4b8: {  	v6 =	vadd.s32 s31, v0;
	v3 =	vadd.f32 v3, v7;
	v4 =	vld.idx.msk [tilespmem:v63+s2+$0x0], vm2;
	_ =	sdelay $0x1  }
0x4b9: {  	s0 =	simm.s32 $0x3F2;
	vm0 =	vmmov vm2;
	[tilespmem:v63+s24+$0x0] =	vst.idx.msk vm2, v3;
	vm2 =	vmmov vm1;
	v5 =	vmov v6  }
.LBB2_56:
0x4ba: {  	p0 =	sne.s32 s0, $0x400  }
.Ltmp27:
0x4bb: {  	v7 =	vmov s0;
	s1 =	smov.u32 s0;
	s0 =	sadd.s32 $0x1, s0;
	(pc) =	sbr.rel @p0 .LBB2_56-.Ltmp27, $3  }
0x4bc: {  	v8 =	vnsel vm0, $0x0, v4;
	v4 =	vld.idx.msk [tilespmem:v6+s2+$0x0], vm1;
	vm0 =	vmmov vm1;
	vm1 =	vlt.u32 v7, v1  }
0x4bd: {  	v6 =	vadd.s32 s1, v0;
	v3 =	vadd.f32 v8, v3;
	_ =	sdelay $0x1  }
0x4be: {  	[tilespmem:v5+s24+$0x0] =	vst.idx.msk vm2, v3;
	v5 =	vmov v6;
	vm2 =	vmmov vm1  }
0x4bf: {  	_ =	sdelay $0x1  }
0x4c0: {  	v4 =	vnsel vm0, $0x0, v4  }
0x4c1: {  	v3 =	vadd.f32 v4, v3  }
0x4c2: {  	s0 =	simm.s32 $0x0  }
0x4c3: {  	s7 =	simm.s32 $0xC;
	s1 =	simm.s32 $0x8;
	[tilespmem:v5+s24+$0x0] =	vst.idx.msk vm2, v3;
	v3 =	vor.u32 s0, v0  }
0x4c4: {  	v4 =	vadd.s32 s7, v0;
	[hbm4b:s17+s20] =	stream.strided.scatter [tilespmem:s24], [sflag:$0x3], $0x4000, s21, s20, $0x38;
	[tilespmem:$0x10000] =	vst v63  }
0x4c5: {  	s31 =	simm.s32 $0x4;
	v5 =	vadd.s32 s1, v0;
	_ =	swait.ge [sflag:s25], $0x4000  }
0x4c6: {  	s4 =	simm.s32 $0x7;
	v6 =	vadd.s32 s31, v0;
	[sflag:s25] =	ssyncset.done $0x0  }
0x4c7: {  	v9 =	vadd.s32 s4, v0;
	s1 =	simm.s32 $0xF;
	[sflag:s25] =	ssyncadd.s32 $0xFFFFC000  }
0x4c8: {  	s5 =	simm.s32 $0x3;
	v7 =	vadd.s32 s1, v0;
	v8 =	vld.idx.msk [tilespmem:v3+s23+$0x0], $0xffff  }
0x4c9: {  	s3 =	simm.s32 $0xB;
	v10 =	vadd.s32 s5, v0;
	v4 =	vld.idx.msk [tilespmem:v4+s23+$0x0], $0xffff  }
0x4ca: {  	s6 =	simm.s32 $0x1;
	v3 =	vadd.s32 s3, v0;
	v16 =	vld.idx.msk [tilespmem:v5+s23+$0x0], $0xffff  }
0x4cb: {  	v11 =	vadd.s32 s6, v0;
	s7 =	simm.s32 $0x2;
	v6 =	vld.idx.msk [tilespmem:v6+s23+$0x0], $0xffff  }
0x4cc: {  	s31 =	simm.s32 $0x5;
	v12 =	vadd.s32 s7, v0;
	v15 =	vld.idx.msk [tilespmem:v9+s23+$0x0], $0xffff  }
0x4cd: {  	s4 =	simm.s32 $0xA;
	v5 =	vld.idx.msk [tilespmem:v7+s23+$0x0], $0xffff;
	v7 =	vadd.s32 s31, v0  }
0x4ce: {  	v13 =	vadd.s32 s4, v0;
	s1 =	simm.s32 $0x6;
	v9 =	vld.idx.msk [tilespmem:v10+s23+$0x0], $0xffff  }
0x4cf: {  	s3 =	simm.s32 $0x9;
	v20 =	vld.idx.msk [tilespmem:v3+s23+$0x0], $0xffff;
	v3 =	vadd.s32 s1, v0  }
0x4d0: {  	s5 =	simm.s32 $0xD;
	v11 =	vld.idx.msk [tilespmem:v11+s23+$0x0], $0xffff;
	v10 =	vadd.s32 s3, v0  }
0x4d1: {  	s6 =	simm.s32 $0xE;
	v14 =	vld.idx.msk [tilespmem:v12+s23+$0x0], $0xffff;
	v12 =	vadd.s32 s5, v0  }
0x4d2: {  	s0 =	simm.s32 $0x10;
	v17 =	vld.idx.msk [tilespmem:v7+s23+$0x0], $0xffff;
	v7 =	vadd.s32 s6, v0  }
0x4d3: {  	s7 =	simm.s32 $0x1C;
	v18 =	vor.u32 s0, v0;
	v24 =	vld.idx.msk [tilespmem:v13+s23+$0x0], $0xffff  }
0x4d4: {  	v21 =	vadd.s32 s7, v0;
	s3 =	simm.s32 $0x18;
	v19 =	vld.idx.msk [tilespmem:v3+s23+$0x0], $0xffff  }
0x4d5: {  	s31 =	simm.s32 $0x14;
	v23 =	vadd.s32 s3, v0;
	v22 =	vld.idx.msk [tilespmem:v10+s23+$0x0], $0xffff;
	v3 =	vimm.f32 $0.0e+00  }
0x4d6: {  	s4 =	simm.s32 $0x1F;
	v25 =	vadd.s32 s31, v0;
	v10 =	vld.idx.msk [tilespmem:v12+s23+$0x0], $0xffff;
	v8 =	vadd.f32 v8, v3;
	v26 =	vadd.f32 v11, v3  }
0x4d7: {  	s5 =	simm.s32 $0x1B;
	v12 =	vadd.s32 s4, v0;
	v27 =	vadd.f32 v14, v3;
	v28 =	vadd.f32 v9, v3;
	v11 =	vld.idx.msk [tilespmem:v7+s23+$0x0], $0xffff  }
0x4d8: {  	v13 =	vadd.s32 s5, v0;
	s6 =	simm.s32 $0x17;
	v7 =	vld.idx.msk [tilespmem:v18+s23+$0x0], $0xffff;
	v8 =	vadd.f32 v6, v8;
	v18 =	vadd.f32 v17, v26  }
0x4d9: {  	s7 =	simm.s32 $0x13;
	v14 =	vadd.s32 s6, v0;
	v9 =	vld.idx.msk [tilespmem:v21+s23+$0x0], $0xffff;
	v21 =	vadd.f32 v15, v28;
	v19 =	vadd.f32 v19, v27  }
0x4da: {  	s31 =	simm.s32 $0x11;
	v15 =	vadd.s32 s7, v0;
	v6 =	vld.idx.msk [tilespmem:v23+s23+$0x0], $0xffff;
	v17 =	vadd.f32 v16, v8;
	v18 =	vadd.f32 v22, v18  }
0x4db: {  	s3 =	simm.s32 $0x12;
	s1 =	simm.s32 $0x20;
	v16 =	vadd.s32 s31, v0;
	v8 =	vld.idx.msk [tilespmem:v25+s23+$0x0], $0xffff;
	v20 =	vadd.f32 v20, v21;
	v19 =	vadd.f32 v24, v19  }
.LBB2_58:
0x4dc: {  	p0 =	slt.u32 s1, $0x3E0;
	v21 =	vadd.s32 s3, v0;
	s3 =	sadd.s32 $0x5, s0;
	v12 =	vld.idx.msk [tilespmem:v12+s23+$0x0], $0xffff;
	v17 =	vadd.f32 v4, v17;
	v10 =	vadd.f32 v10, v18  }
0x4dd: {  	v18 =	vadd.s32 s3, v0;
	s3 =	sadd.s32 $0x6, s0;
	v22 =	vld.idx.msk [tilespmem:v13+s23+$0x0], $0xffff;
	v11 =	vadd.f32 v11, v19;
	v13 =	vadd.f32 v5, v20  }
0x4de: {  	v19 =	vadd.s32 s3, v0;
	v20 =	vld.idx.msk [tilespmem:v14+s23+$0x0], $0xffff;
	s3 =	sadd.s32 $0x9, s0  }
0x4df: {  	v4 =	vmov v9;
	v14 =	vld.idx.msk [tilespmem:v15+s23+$0x0], $0xffff;
	v15 =	vadd.s32 s3, v0;
	s3 =	sadd.s32 $0xA, s0  }
0x4e0: {  	v9 =	vld.idx.msk [tilespmem:v16+s23+$0x0], $0xffff;
	v16 =	vadd.s32 s3, v0;
	s3 =	sadd.s32 $0xD, s0  }
0x4e1: {  	v21 =	vld.idx.msk [tilespmem:v21+s23+$0x0], $0xffff;
	v23 =	vadd.s32 s3, v0;
	s3 =	sadd.s32 $0xE, s0;
	s0 =	smov.u32 s1  }
0x4e2: {  	v5 =	vmov v12;
	v18 =	vld.idx.msk [tilespmem:v18+s23+$0x0], $0xffff;
	v24 =	vadd.s32 s3, v0  }
0x4e3: {  	v25 =	vor.u32 s1, v0;
	s3 =	sadd.s32 $0xC, s1;
	v19 =	vld.idx.msk [tilespmem:v19+s23+$0x0], $0xffff  }
0x4e4: {  	s4 =	sadd.s32 $0x8, s1;
	v26 =	vadd.s32 s3, v0;
	v27 =	vld.idx.msk [tilespmem:v15+s23+$0x0], $0xffff  }
0x4e5: {  	v28 =	vadd.s32 s4, v0;
	s3 =	sadd.s32 $0x4, s1;
	v29 =	vld.idx.msk [tilespmem:v16+s23+$0x0], $0xffff  }
0x4e6: {  	v30 =	vadd.s32 s3, v0;
	s3 =	sadd.s32 $0xF, s1;
	v15 =	vadd.f32 v7, v17;
	v9 =	vadd.f32 v9, v10;
	v10 =	vld.idx.msk [tilespmem:v23+s23+$0x0], $0xffff  }
.Ltmp28:
0x4e7: {  	s4 =	sadd.s32 $0xB, s1;
	v17 =	vadd.f32 v14, v13;
	v12 =	vadd.s32 s3, v0;
	v16 =	vadd.f32 v21, v11;
	v11 =	vld.idx.msk [tilespmem:v24+s23+$0x0], $0xffff;
	(pc) =	sbr.rel @p0 .LBB2_58-.Ltmp28, $4  }
0x4e8: {  	v13 =	vadd.s32 s4, v0;
	s3 =	sadd.s32 $0x7, s1;
	v8 =	vadd.f32 v8, v15;
	v18 =	vadd.f32 v18, v9;
	v7 =	vld.idx.msk [tilespmem:v25+s23+$0x0], $0xffff  }
0x4e9: {  	s4 =	sadd.s32 $0x3, s1;
	v14 =	vadd.s32 s3, v0;
	v20 =	vadd.f32 v20, v17;
	v19 =	vadd.f32 v19, v16;
	v9 =	vld.idx.msk [tilespmem:v26+s23+$0x0], $0xffff  }
0x4ea: {  	s3 =	sadd.s32 $0x1, s1;
	v15 =	vadd.s32 s4, v0;
	v17 =	vadd.f32 v6, v8;
	v18 =	vadd.f32 v27, v18;
	v6 =	vld.idx.msk [tilespmem:v28+s23+$0x0], $0xffff  }
0x4eb: {  	s1 =	sadd.s32 $0x10, s1;
	v16 =	vadd.s32 s3, v0;
	s3 =	sadd.s32 $0x2, s0;
	v20 =	vadd.f32 v22, v20;
	v19 =	vadd.f32 v29, v19;
	v8 =	vld.idx.msk [tilespmem:v30+s23+$0x0], $0xffff  }
0x4ec: {  	_ =	sdelay $0x3  }
0x4ed: {  	v21 =	vadd.s32 s3, v0;
	s1 =	sadd.s32 $0x5, s0;
	v12 =	vld.idx.msk [tilespmem:v12+s23+$0x0], $0xffff  }
0x4ee: {  	s31 =	sadd.s32 $0x6, s0;
	v13 =	vld.idx.msk [tilespmem:v13+s23+$0x0], $0xffff;
	v22 =	vadd.s32 s1, v0  }
0x4ef: {  	v14 =	vld.idx.msk [tilespmem:v14+s23+$0x0], $0xffff;
	s3 =	sadd.s32 $0x9, s0;
	v23 =	vadd.s32 s31, v0  }
0x4f0: {  	v15 =	vld.idx.msk [tilespmem:v15+s23+$0x0], $0xffff;
	s4 =	sadd.s32 $0xA, s0;
	v24 =	vadd.s32 s3, v0  }
0x4f1: {  	v16 =	vld.idx.msk [tilespmem:v16+s23+$0x0], $0xffff;
	s5 =	sadd.s32 $0xD, s0;
	v25 =	vadd.s32 s4, v0  }
0x4f2: {  	s6 =	sadd.s32 $0xE, s0;
	v26 =	vadd.s32 s5, v0;
	v21 =	vld.idx.msk [tilespmem:v21+s23+$0x0], $0xffff  }
0x4f3: {  	v27 =	vadd.s32 s6, v0;
	v22 =	vld.idx.msk [tilespmem:v22+s23+$0x0], $0xffff  }
0x4f4: {  	v4 =	vadd.f32 v4, v17;
	v10 =	vadd.f32 v10, v18;
	v59 =	vld.idx.msk [tilespmem:v23+s23+$0x0], $0xffff  }
0x4f5: {  	v11 =	vadd.f32 v11, v19;
	v5 =	vadd.f32 v5, v20;
	v60 =	vld.idx.msk [tilespmem:v24+s23+$0x0], $0xffff  }
0x4f6: {  	v4 =	vadd.f32 v7, v4;
	v7 =	vadd.f32 v16, v10;
	v61 =	vld.idx.msk [tilespmem:v25+s23+$0x0], $0xffff  }
0x4f7: {  	s7 =	simm.s32 $0x3F0;
	v5 =	vadd.f32 v15, v5;
	v10 =	vld.idx.msk [tilespmem:v26+s23+$0x0], $0xffff;
	v11 =	vadd.f32 v21, v11  }
0x4f8: {  	v62 =	vmov s7;
	v4 =	vadd.f32 v8, v4;
	v63 =	vld.idx.msk [tilespmem:v27+s23+$0x0], $0xffff;
	v7 =	vadd.f32 v22, v7  }
0x4f9: {  	vm1 =	vlt.u32 v62, v1;
	v5 =	vadd.f32 v14, v5;
	v8 =	vadd.f32 v59, v11  }
0x4fa: {  	v4 =	vadd.f32 v6, v4;
	v11 =	vadd.s32 s7, v0;
	v6 =	vadd.f32 v60, v7  }
0x4fb: {  	v7 =	vadd.f32 v61, v8;
	v8 =	vadd.f32 v13, v5  }
0x4fc: {  	s31 =	simm.s32 $0x3F1;
	v5 =	vadd.f32 v10, v6  }
0x4fd: {  	v6 =	vadd.f32 v63, v7;
	v7 =	vadd.f32 v12, v8;
	v8 =	vmov s31  }
0x4fe: {  	vm0 =	vlt.u32 v8, v1  }
0x4ff: {  	s0 =	simm.s32 $0x3F2;
	v4 =	vadd.f32 v9, v4;
	v9 =	vadd.s32 s31, v0;
	v8 =	vld.idx.msk [tilespmem:v11+s23+$0x0], vm1;
	vm1 =	vmmov vm1  }
.LBB2_60:
0x500: {  	p0 =	sne.s32 s0, $0x400  }
.Ltmp29:
0x501: {  	_ = 	snop;
	(pc) =	sbr.rel @p0 .LBB2_60-.Ltmp29, $4  }
0x502: {  	_ = 	snop  }
0x503: {  	v10 =	vmov s0;
	s1 =	smov.u32 s0;
	s0 =	sadd.s32 $0x1, s0  }
0x504: {  	v11 =	vnsel vm1, $0x0, v8;
	v8 =	vld.idx.msk [tilespmem:v9+s23+$0x0], vm0;
	vm1 =	vmmov vm0;
	vm0 =	vlt.u32 v10, v1  }
0x505: {  	v9 =	vadd.s32 s1, v0;
	v3 =	vadd.f32 v11, v3  }
0x506: {  	_ =	sdelay $0x4  }
0x507: {  	v9 =	vld.idx.msk [tilespmem:v9+s23+$0x0], vm0;
	_ =	sdelay $0x2  }
0x508: {  	v4 =	vadd.f32 v5, v4;
	v8 =	vnsel vm1, $0x0, v8  }
0x509: {  	vm15 =	vmmov vm0;
	v5 =	vadd.f32 v7, v6;
	v3 =	vadd.f32 v8, v3  }
0x50a: {  	(v2sf) =	vpush v2, $0xF;
	v6 =	vnsel vm15, $0x0, v9  }
0x50b: {  	v2 =	vadd.f32 v6, v3;
	v3 =	vadd.f32 v5, v4;
	_ =	sdelay $0x1  }
0x50c: {  	v4 =	vadd.f32 v2, v3;
	_ =	sdelay $0x1  }
0x50d: {  	(xrf2) =	vadd.scan.msk.f32 $0xffff, v4;
	_ =	sdelay $0x7  }
0x50e: {  	s0 =	simm.s32 $0x0  }
0x50f: {  	s6 =	simm.s32 $0xF;
	v9 =	vor.u32 s0, v0  }
0x510: {  	s3 =	simm.s32 $0x4;
	v10 =	vadd.s32 s6, v0;
	s1 =	spop (v2sf);
	v5, _, _ =	vpop (xrf2)  }
0x511: {  	s7 =	simm.s32 $0x3;
	v7 =	vadd.s32 s3, v0;
	_ =	swait.ge [sflag:s29], $0x4000  }
0x512: {  	s3 =	simm.s32 $0x7;
	v8 =	vadd.s32 s7, v0;
	[sflag:s29] =	ssyncset.done $0x0  }
0x513: {  	s4 =	simm.s32 $0x6;
	v2 =	vadd.s32 s3, v0;
	[sflag:s29] =	ssyncadd.s32 $0xFFFFC000  }
0x514: {  	s5 =	simm.s32 $0x2;
	v3 =	vadd.s32 s4, v0;
	v11 =	vld.idx.msk [tilespmem:v9+s23+$0x0], $0xffff  }
0x515: {  	s6 =	simm.s32 $0x1;
	v24 =	vadd.s32 s5, v0;
	v14 =	vld.idx.msk [tilespmem:v10+s23+$0x0], $0xffff  }
0x516: {  	v25 =	vadd.s32 s6, v0;
	s7 =	simm.s32 $0x5;
	v27 =	vld.idx.msk [tilespmem:v7+s23+$0x0], $0xffff  }
0x517: {  	v6 =	vadd.s32 s7, v0;
	s4 =	simm.s32 $0xE;
	v15 =	vld.idx.msk [tilespmem:v8+s23+$0x0], $0xffff  }
0x518: {  	v18 =	vadd.s32 s4, v0;
	v16 =	vld.idx.msk [tilespmem:v2+s23+$0x0], $0xffff  }
0x519: {  	s5 =	simm.s32 $0x8;
	v29 =	vld.idx.msk [tilespmem:v3+s23+$0x0], $0xffff  }
0x51a: {  	s6 =	simm.s32 $0x9;
	v22 =	vadd.s32 s5, v0;
	v26 =	vld.idx.msk [tilespmem:v24+s23+$0x0], $0xffff  }
0x51b: {  	v23 =	vadd.s32 s6, v0;
	v17 =	vld.idx.msk [tilespmem:v25+s23+$0x0], $0xffff  }
0x51c: {  	s4 =	simm.s32 $0xA;
	v20 =	vld.idx.msk [tilespmem:v6+s23+$0x0], $0xffff  }
0x51d: {  	s5 =	simm.s32 $0xB;
	v19 =	vadd.s32 s4, v0;
	s7 =	sadd.f32 $0.0e+00, s1;
	v4 =	vsub.f32 v5, v4;
	v13 =	vld.idx.msk [tilespmem:v18+s23+$0x0], $0xffff  }
0x51e: {  	v21 =	vadd.s32 s5, v0  }
0x51f: {  	s6 =	simm.s32 $0xC;
	v12 =	vadd.f32 s7, v4;
	v34 =	vld.idx.msk [tilespmem:v22+s23+$0x0], $0xffff;
	v4 =	vadd.f32 v16, v29  }
0x520: {  	s7 =	simm.s32 $0xD;
	v35 =	vld.idx.msk [tilespmem:v23+s23+$0x0], $0xffff;
	v5 =	vadd.f32 v15, v26;
	v28 =	vadd.f32 v17, v11;
	v17 =	vadd.s32 s6, v0  }
0x521: {  	s31 =	simm.s32 $0x10;
	s5 =	simm.s32 $0x14;
	v30 =	vadd.f32 v11, v12;
	v31 =	vadd.f32 v20, v27;
	v15 =	vadd.s32 s7, v0  }
0x522: {  	s3 =	simm.s32 $0x1F;
	s4 =	simm.s32 $0x15;
	v38 =	vld.idx.msk [tilespmem:v19+s23+$0x0], $0xffff;
	v11 =	vor.u32 s31, v0;
	v32 =	vadd.f32 v14, v13;
	v16 =	vadd.s32 s5, v0  }
0x523: {  	s1 =	simm.s32 $0x1E;
	v40 =	vld.idx.msk [tilespmem:v21+s23+$0x0], $0xffff;
	v20 =	vadd.s32 s4, v0;
	v39 =	vadd.f32 v4, v31;
	v4 =	vadd.s32 s3, v0  }
0x524: {  	[tilespmem:v9+s26+$0x0] =	vst.idx.msk $0xffff, v12;
	s6 =	simm.s32 $0x11;
	s7 =	simm.s32 $0x12;
	v37 =	vadd.f32 v5, v28;
	v5 =	vadd.s32 s1, v0;
	v41 =	vadd.f32 v28, v12  }
0x525: {  	v42 =	vadd.f32 v35, v34;
	v14 =	vadd.s32 s6, v0;
	v9 =	vadd.s32 s7, v0;
	[tilespmem:v25+s26+$0x0] =	vst.idx.msk $0xffff, v30;
	v36 =	vld.idx.msk [tilespmem:v17+s23+$0x0], $0xffff  }
0x526: {  	s5 =	simm.s32 $0x13;
	v33 =	vadd.f32 v37, v12;
	[tilespmem:v24+s26+$0x0] =	vst.idx.msk $0xffff, v41;
	v39 =	vadd.f32 v39, v37;
	v43 =	vld.idx.msk [tilespmem:v15+s23+$0x0], $0xffff  }
0x527: {  	s6 =	simm.s32 $0x16;
	v41 =	vadd.f32 v26, v28;
	v24 =	vadd.s32 s5, v0;
	v26 =	vadd.f32 v31, v37;
	v30 =	vld.idx.msk [tilespmem:v11+s23+$0x0], $0xffff  }
0x528: {  	s7 =	simm.s32 $0x17;
	v25 =	vadd.s32 s6, v0;
	v45 =	vadd.f32 v37, v27;
	v37 =	vadd.f32 v39, v12;
	v28 =	vld.idx.msk [tilespmem:v4+s23+$0x0], $0xffff  }
0x529: {  	s0 =	simm.s32 $0x20;
	v44 =	vadd.f32 v38, v42;
	v31 =	vadd.s32 s7, v0;
	v39 =	vadd.f32 v26, v29;
	v29 =	vmovc v12;
	v27 =	vld.idx.msk [tilespmem:v5+s23+$0x0], $0xffff  }
.LBB2_62:
0x52a: {  	v46 =	vor.u32 s0, v0;
	v45 =	vadd.f32 v45, v12;
	v34 =	vadd.f32 v34, v37;
	v47 =	vmovc v6  }
0x52b: {  	p0 =	slt.u32 s0, $0x3E0;
	v35 =	vld.idx.msk [tilespmem:v16+s23+$0x0], $0xffff;
	v6 =	vmovc v20;
	v48 =	vmovc v3;
	v3 =	vmov v25;
	v49 =	vmov v2;
	v2 =	vmov v31;
	s1 =	smov.u32 s0;
	s0 =	sadd.s32 $0x10, s0  }
0x52c: {  	v38 =	vadd.f32 v40, v38;
	v50 =	vld.idx.msk [tilespmem:v24+s23+$0x0], $0xffff;
	[tilespmem:v22+s26+$0x0] =	vst.idx.msk $0xffff, v37;
	v22 =	vadd.f32 v42, v37  }
0x52d: {  	v40 =	vadd.f32 v43, v36;
	v31 =	vld.idx.msk [tilespmem:v31+s23+$0x0], $0xffff;
	[tilespmem:v23+s26+$0x0] =	vst.idx.msk $0xffff, v34;
	v23 =	vadd.f32 v44, v37  }
0x52e: {  	s3 =	sadd.s32 $0xB, s31;
	v34 =	vadd.f32 v41, v12;
	v38 =	vadd.f32 v38, v42;
	v20 =	vld.idx.msk [tilespmem:v20+s23+$0x0], $0xffff;
	[tilespmem:v19+s26+$0x0] =	vst.idx.msk $0xffff, v22  }
0x52f: {  	s4 =	sadd.s32 $0x8, s31;
	s5 =	sadd.s32 $0x9, s31;
	s6 =	sadd.s32 $0xA, s31;
	v39 =	vadd.f32 v39, v12;
	v12 =	vadd.f32 v32, v40;
	v44 =	vld.idx.msk [tilespmem:v25+s23+$0x0], $0xffff  }
0x530: {  	v22 =	vadd.s32 s4, v0;
	v19 =	vadd.s32 s6, v0;
	v25 =	vadd.f32 v40, v38;
	v41 =	vld.idx.msk [tilespmem:v9+s23+$0x0], $0xffff;
	[tilespmem:v21+s26+$0x0] =	vst.idx.msk $0xffff, v23  }
0x531: {  	v23 =	vadd.s32 s5, v0;
	v21 =	vadd.f32 v38, v36;
	v12 =	vadd.f32 v12, v38;
	v32 =	vld.idx.msk [tilespmem:v14+s23+$0x0], $0xffff  }
0x532: {  	v36 =	vadd.f32 v25, v13;
	[tilespmem:v8+s26+$0x0] =	vst.idx.msk $0xffff, v34;
	v34 =	vadd.f32 v38, v37;
	v8 =	vmov v24  }
0x533: {  	v24 =	vadd.f32 v21, v37;
	v12 =	vadd.f32 v12, v37;
	[tilespmem:v7+s26+$0x0] =	vst.idx.msk $0xffff, v33;
	v7 =	vmov v16  }
0x534: {  	v13 =	vmov v27;
	v16 =	vadd.f32 v25, v37;
	v25 =	vadd.f32 v36, v37;
	[tilespmem:v17+s26+$0x0] =	vst.idx.msk $0xffff, v34  }
0x535: {  	v21 =	vadd.s32 s3, v0;
	v27 =	vadd.f32 v31, v44;
	v34 =	vld.idx.msk [tilespmem:v22+s23+$0x0], $0xffff;
	[tilespmem:v15+s26+$0x0] =	vst.idx.msk $0xffff, v24  }
0x536: {  	s4 =	sadd.s32 $0xD, s31;
	s3 =	sadd.s32 $0xC, s31;
	s31 =	smov.u32 s1;
	v31 =	vadd.f32 v30, v12;
	v24 =	vadd.f32 v50, v41;
	v37 =	vld.idx.msk [tilespmem:v23+s23+$0x0], $0xffff;
	[tilespmem:v18+s26+$0x0] =	vst.idx.msk $0xffff, v16  }
0x537: {  	v42 =	vadd.f32 v20, v35;
	v17 =	vadd.s32 s3, v0;
	v18 =	vadd.f32 v32, v30;
	[tilespmem:v10+s26+$0x0] =	vst.idx.msk $0xffff, v25  }
0x538: {  	v15 =	vadd.s32 s4, v0;
	v32 =	vadd.f32 v28, v13;
	v10 =	vadd.f32 v26, v29;
	[tilespmem:v47+s26+$0x0] =	vst.idx.msk $0xffff, v45  }
0x539: {  	s1 =	sadd.s32 $0xE, s31;
	s3 =	sadd.s32 $0xF, s31;
	v45 =	vadd.f32 v24, v18;
	v24 =	vadd.f32 v27, v42;
	[tilespmem:v11+s26+$0x0] =	vst.idx.msk $0xffff, v12;
	v38 =	vld.idx.msk [tilespmem:v19+s23+$0x0], $0xffff  }
0x53a: {  	s5 =	sadd.s32 $0x5, s31;
	s6 =	sadd.s32 $0x6, s31;
	s4 =	sadd.s32 $0x4, s31;
	v27 =	vadd.s32 s1, v0;
	v47 =	vadd.s32 s3, v0;
	v25 =	vadd.f32 v18, v12;
	[tilespmem:v14+s26+$0x0] =	vst.idx.msk $0xffff, v31;
	v40 =	vld.idx.msk [tilespmem:v21+s23+$0x0], $0xffff  }
0x53b: {  	s7 =	sadd.s32 $0x3, s31;
	v20 =	vadd.s32 s5, v0;
	v16 =	vadd.s32 s4, v0;
	s1 =	sadd.s32 $0x1, s31;
	s3 =	sadd.s32 $0x2, s31;
	v11 =	vmovc v46;
	v33 =	vadd.f32 v45, v12;
	[tilespmem:v48+s26+$0x0] =	vst.idx.msk $0xffff, v10  }
.Ltmp30:
0x53c: {  	v14 =	vadd.s32 s1, v0;
	v10 =	vadd.f32 v24, v45;
	[tilespmem:v9+s26+$0x0] =	vst.idx.msk $0xffff, v25;
	v9 =	vadd.s32 s3, v0;
	v36 =	vld.idx.msk [tilespmem:v17+s23+$0x0], $0xffff;
	(pc) =	sbr.rel @p0 .LBB2_62-.Ltmp30, $4  }
0x53d: {  	v41 =	vadd.f32 v41, v18;
	s1 =	sadd.s32 $0x7, s31;
	v24 =	vadd.s32 s7, v0;
	v25 =	vadd.s32 s6, v0;
	v43 =	vld.idx.msk [tilespmem:v15+s23+$0x0], $0xffff;
	[tilespmem:v49+s26+$0x0] =	vst.idx.msk $0xffff, v39  }
0x53e: {  	v29 =	vmovc v12;
	v26 =	vadd.f32 v42, v45;
	v31 =	vadd.s32 s1, v0;
	v42 =	vadd.f32 v37, v34;
	v30 =	vld.idx.msk [tilespmem:v46+s23+$0x0], $0xffff  }
0x53f: {  	v18 =	vmovc v5;
	v5 =	vmov v27;
	v45 =	vadd.f32 v45, v35;
	v37 =	vadd.f32 v10, v12;
	v28 =	vld.idx.msk [tilespmem:v47+s23+$0x0], $0xffff  }
0x540: {  	v39 =	vadd.f32 v26, v44;
	v44 =	vadd.f32 v38, v42;
	v10 =	vmovc v4;
	v4 =	vmov v47;
	v27 =	vld.idx.msk [tilespmem:v27+s23+$0x0], $0xffff  }
0x541: {  	_ =	sdelay $0x3  }
0x542: {  	v35 =	vld.idx.msk [tilespmem:v16+s23+$0x0], $0xffff  }
0x543: {  	v46 =	vld.idx.msk [tilespmem:v24+s23+$0x0], $0xffff  }
0x544: {  	v45 =	vadd.f32 v45, v12;
	v50 =	vld.idx.msk [tilespmem:v31+s23+$0x0], $0xffff  }
0x545: {  	v34 =	vadd.f32 v34, v37;
	v38 =	vadd.f32 v40, v38;
	v52 =	vld.idx.msk [tilespmem:v20+s23+$0x0], $0xffff  }
0x546: {  	[tilespmem:v22+s26+$0x0] =	vst.idx.msk $0xffff, v37;
	v49 =	vadd.f32 v42, v37;
	v41 =	vadd.f32 v41, v12;
	v54 =	vld.idx.msk [tilespmem:v9+s23+$0x0], $0xffff  }
0x547: {  	s3 =	sadd.s32 $0xA, s31;
	v55 =	vld.idx.msk [tilespmem:v14+s23+$0x0], $0xffff;
	v43 =	vadd.f32 v43, v36;
	[tilespmem:v23+s26+$0x0] =	vst.idx.msk $0xffff, v34;
	v38 =	vadd.f32 v38, v42  }
0x548: {  	s0 =	sadd.s32 $0x8, s31;
	v51 =	vadd.f32 v44, v37;
	v44 =	vadd.s32 s3, v0;
	[tilespmem:v8+s26+$0x0] =	vst.idx.msk $0xffff, v41;
	v41 =	vadd.f32 v39, v12  }
0x549: {  	v42 =	vadd.s32 s0, v0;
	[tilespmem:v19+s26+$0x0] =	vst.idx.msk $0xffff, v49;
	v53 =	vadd.f32 v32, v43;
	v43 =	vadd.f32 v43, v38  }
0x54a: {  	s1 =	sadd.s32 $0x9, s31;
	v19 =	vld.idx.msk [tilespmem:v25+s23+$0x0], $0xffff;
	[tilespmem:v7+s26+$0x0] =	vst.idx.msk $0xffff, v33;
	v56 =	vadd.f32 v38, v36;
	v58 =	vadd.f32 v38, v37  }
0x54b: {  	s4 =	sadd.s32 $0xB, s31;
	v23 =	vadd.s32 s1, v0;
	[tilespmem:v6+s26+$0x0] =	vst.idx.msk $0xffff, v45;
	v6 =	vadd.f32 v26, v29;
	v22 =	vadd.f32 v53, v38  }
0x54c: {  	s6 =	sadd.s32 $0xD, s31;
	v33 =	vadd.s32 s4, v0;
	v62 =	vadd.f32 v46, v54;
	v63 =	vadd.f32 v55, v30  }
0x54d: {  	s5 =	sadd.s32 $0xC, s31;
	v40 =	vadd.s32 s6, v0;
	[tilespmem:v21+s26+$0x0] =	vst.idx.msk $0xffff, v51;
	v34 =	vadd.f32 v52, v35;
	v57 =	vadd.f32 v43, v13  }
0x54e: {  	v7 =	vadd.f32 v56, v37;
	[tilespmem:v17+s26+$0x0] =	vst.idx.msk $0xffff, v58;
	v17 =	vadd.s32 s5, v0;
	v46 =	vld.idx.msk [tilespmem:v44+s23+$0x0], $0xffff  }
0x54f: {  	v59 =	vadd.f32 v43, v37;
	[tilespmem:v3+s26+$0x0] =	vst.idx.msk $0xffff, v6;
	v61 =	vld.idx.msk [tilespmem:v42+s23+$0x0], $0xffff;
	v60 =	vadd.f32 v50, v19  }
0x550: {  	v22 =	vadd.f32 v22, v37;
	v47 =	vadd.f32 v62, v63;
	[tilespmem:v15+s26+$0x0] =	vst.idx.msk $0xffff, v7;
	v7 =	vld.idx.msk [tilespmem:v23+s23+$0x0], $0xffff  }
0x551: {  	[tilespmem:v2+s26+$0x0] =	vst.idx.msk $0xffff, v41;
	v8 =	vadd.f32 v57, v37;
	v49 =	vld.idx.msk [tilespmem:v33+s23+$0x0], $0xffff;
	v48 =	vadd.f32 v60, v34  }
0x552: {  	v28 =	vadd.f32 v28, v27;
	v52 =	vld.idx.msk [tilespmem:v40+s23+$0x0], $0xffff;
	v3 =	vadd.f32 v54, v63;
	[tilespmem:v18+s26+$0x0] =	vst.idx.msk $0xffff, v59  }
0x553: {  	v43 =	vadd.f32 v30, v22;
	[tilespmem:v10+s26+$0x0] =	vst.idx.msk $0xffff, v8;
	v50 =	vld.idx.msk [tilespmem:v17+s23+$0x0], $0xffff;
	v10 =	vadd.f32 v48, v47  }
0x554: {  	[tilespmem:v11+s26+$0x0] =	vst.idx.msk $0xffff, v22;
	v51 =	vadd.f32 v63, v22;
	v3 =	vadd.f32 v3, v22  }
0x555: {  	[tilespmem:v14+s26+$0x0] =	vst.idx.msk $0xffff, v43;
	v7 =	vadd.f32 v7, v61;
	v6 =	vadd.f32 v10, v22  }
0x556: {  	v8 =	vadd.f32 v47, v35;
	[tilespmem:v9+s26+$0x0] =	vst.idx.msk $0xffff, v51;
	v56 =	vadd.f32 v49, v46  }
0x557: {  	[tilespmem:v24+s26+$0x0] =	vst.idx.msk $0xffff, v3;
	v55 =	vadd.f32 v46, v7;
	v2 =	vadd.f32 v61, v6  }
0x558: {  	[tilespmem:v42+s26+$0x0] =	vst.idx.msk $0xffff, v6;
	v57 =	vadd.f32 v7, v6;
	v58 =	vadd.f32 v52, v50  }
0x559: {  	v7 =	vadd.f32 v56, v7;
	[tilespmem:v23+s26+$0x0] =	vst.idx.msk $0xffff, v2;
	v2 =	vadd.f32 v55, v6  }
0x55a: {  	v53 =	vadd.f32 v47, v22;
	v8 =	vadd.f32 v8, v22;
	[tilespmem:v44+s26+$0x0] =	vst.idx.msk $0xffff, v57  }
0x55b: {  	v59 =	vadd.f32 v58, v7;
	[tilespmem:v33+s26+$0x0] =	vst.idx.msk $0xffff, v2;
	v2 =	vadd.f32 v7, v50  }
0x55c: {  	s7 =	simm.s32 $0x3F0;
	v54 =	vadd.f32 v34, v47;
	[tilespmem:v16+s26+$0x0] =	vst.idx.msk $0xffff, v53;
	v3 =	vadd.f32 v7, v6  }
0x55d: {  	v62 =	vmov s7;
	[tilespmem:v20+s26+$0x0] =	vst.idx.msk $0xffff, v8;
	v61 =	vadd.f32 v59, v27;
	v2 =	vadd.f32 v2, v6  }
0x55e: {  	vm2 =	vlt.u32 v62, v1;
	[tilespmem:v17+s26+$0x0] =	vst.idx.msk $0xffff, v3;
	v3 =	vadd.f32 v59, v6  }
0x55f: {  	v63 =	vadd.s32 s7, v0;
	v60 =	vadd.f32 v54, v19;
	v12 =	vadd.f32 v61, v6;
	[tilespmem:v40+s26+$0x0] =	vst.idx.msk $0xffff, v2  }
0x560: {  	v2 =	vadd.f32 v28, v58;
	[tilespmem:v5+s26+$0x0] =	vst.idx.msk $0xffff, v3;
	v3 =	vadd.f32 v54, v22  }
0x561: {  	s31 =	simm.s32 $0x3F1;
	[tilespmem:v4+s26+$0x0] =	vst.idx.msk $0xffff, v12;
	v4 =	vadd.f32 v60, v22  }
0x562: {  	v2 =	vadd.f32 v2, v7;
	[tilespmem:v25+s26+$0x0] =	vst.idx.msk $0xffff, v3;
	v3 =	vmov s31  }
0x563: {  	[tilespmem:v31+s26+$0x0] =	vst.idx.msk $0xffff, v4;
	vm1 =	vlt.u32 v3, v1  }
0x564: {  	v5 =	vadd.s32 s31, v0;
	v2 =	vadd.f32 v2, v6;
	v3 =	vld.idx.msk [tilespmem:v63+s23+$0x0], vm2;
	_ =	sdelay $0x1  }
0x565: {  	s0 =	simm.s32 $0x3F2;
	vm0 =	vmmov vm2;
	[tilespmem:v63+s26+$0x0] =	vst.idx.msk vm2, v2;
	vm2 =	vmmov vm1;
	v4 =	vmov v5  }
.LBB2_64:
0x566: {  	p0 =	sne.s32 s0, $0x400  }
.Ltmp31:
0x567: {  	v6 =	vmov s0;
	s1 =	smov.u32 s0;
	s0 =	sadd.s32 $0x1, s0;
	(pc) =	sbr.rel @p0 .LBB2_64-.Ltmp31, $3  }
0x568: {  	v7 =	vnsel vm0, $0x0, v3;
	v3 =	vld.idx.msk [tilespmem:v5+s23+$0x0], vm1;
	vm0 =	vmmov vm1;
	vm1 =	vlt.u32 v6, v1  }
0x569: {  	v5 =	vadd.s32 s1, v0;
	v2 =	vadd.f32 v7, v2;
	_ =	sdelay $0x1  }
0x56a: {  	[tilespmem:v4+s26+$0x0] =	vst.idx.msk vm2, v2;
	v4 =	vmov v5;
	vm2 =	vmmov vm1  }
0x56b: {  	_ =	sdelay $0x1  }
0x56c: {  	v3 =	vnsel vm0, $0x0, v3  }
0x56d: {  	v2 =	vadd.f32 v3, v2;
	_ =	sdelay $0x1  }
0x56e: {  	s30 =	sadd.s32 $0x1, s30;
	[tilespmem:v4+s26+$0x0] =	vst.idx.msk vm2, v2  }
0x56f: {  	[hbm4b:s18+s20] =	stream.strided.scatter [tilespmem:s26], [sflag:$0x4], $0x4000, s21, s20, $0x38;
	[tilespmem:$0x10000] =	vst v63  }
0x570: {  	p0 =	sne.s32 s30, s19;
	_ =	swait.ge [sflag:s28], $0x4000  }
.Ltmp32:
0x571: {  	[sflag:s28] =	ssyncset.done $0x0;
	(pc) =	sbr.rel @p0 .LBB2_1-.Ltmp32, $4  }
0x572: {  	[sflag:s28] =	ssyncadd.s32 $0xFFFFC000  }
0x573: {  	_ =	swait.ge [sflag:s29], $0x4000  }
0x574: {  	[sflag:s29] =	ssyncset.done $0x0  }
0x575: {  	[sflag:s29] =	ssyncadd.s32 $0xFFFFC000  }
0x576: {  	_ =	sfence.sel $0x180000  }
0x577: {  	[bflag:$0x0] =	sbarrier.arrive $0xFFFF  }
0x578: {  	_ =	strace $0x90000047  }
0x579: {  	s0 =	stileid.u32;
	[bflag:$0x2] =	sbarrier.arrive $0xFFFF  }
0x57a: {  	p0 =	sne.s32 s0, $0x0;
	s0 =	rddreg [dreg:$0x2]  }
0x57b: {  	s0 =	sadd.s32 @!p0 $0x100000, s0  }
0x57c: {  	[sflag:s0] =	ssyncadd.tile.s32 @!p0 $0x1;
	_ =	shalt  }
.Lfunc_end2:
_tile_overlayer_lowered:
.L_overlay_start_2:
0x57d: {  	(tag) =	ssettag $0x2  }
0x57e: {  	s0 =	rddreg [dreg:$0x0];
	s2 =	stileid.u32  }
0x57f: {  	s1 =	rddreg [dreg:$0x1];
	p0 =	sne.s32 s2, $0x0  }
0x580: {  	s3 =	rddreg [dreg:$0x2];
	[bflag:$0x3] =	sbarrier.arrive $0xFFFF;
	s2 =	simm.s32 @!p0 $0x1C05  }
0x581: {  	[timem:s3], [sflag:s2] =	dma.local @!p0 [hbm:s0], s1  }
0x582: {  	s0 =	simm.s32 @!p0 $0x5  }
0x583: {  	_ =	swait.ge @!p0 [sflag:s0], s1  }
0x584: {  	s1 =	ssub.s32 @!p0 $0x0, s1;
	[sflag:s0] =	ssyncset.done @!p0 $0x0  }
0x585: {  	[sflag:s0] =	ssyncadd.s32 @!p0 s1  }
0x586: {  	[bflag:$0x3] =	sbarrier.arrive $0xFFFF  }
0x587: {  	_ =	shalt  }

</sc_bundles>
